<compile_context>
chip_gen: v7x
topology: tpu7x:2x2x1
jax: 0.10.2.dev20260603
libtpu: 0.0.44.dev20260713+nightly
codegen_flags: <defaults>
</compile_context>

<pallas_src>
import functools

import jax
import jax.numpy as jnp
from jax import lax
from jax.experimental import pallas as pl
from jax.experimental.pallas import tpu as pltpu
from jax.experimental.pallas import tpu_sc as plsc

N_NODES = 100000
N_PAD = 100096
SLICE = N_PAD // 16
N_EDGES = 3200000
LANES = 128
K_ROWS = 16
BLK = K_ROWS * LANES
MAIN_BLOCKS = 48
RING_ITERS = MAIN_BLOCKS // 4
TAIL_BASE = MAIN_BLOCKS * BLK * 32
TAIL_BLOCKS = (N_EDGES - TAIL_BASE) // 1024


def _gather_groups(p_v, ei_v, vals_v, ngroups):
    def _grp(g, carry):
        for u in range(4):
            sl = pl.ds((g * 4 + u) * 16, 16)
            si = ei_v[0, sl]
            di = ei_v[1, sl]
            vals_v[sl] = plsc.load_gather(p_v, [di]) - plsc.load_gather(p_v, [si])
        return carry
    lax.fori_loop(0, ngroups // 4, _grp, 0)


def _lap_body(p_hbm, ei_hbm, out_hbm,
              p_v, ei_a, vals_a, ei_b, vals_b, ei_c, vals_c, ei_d, vals_d,
              acc_sh,
              ssem_a, ssem_b, ssem_c, ssem_d,
              dsem_a, dsem_b, dsem_c, dsem_d):
    c = lax.axis_index("c")
    s = lax.axis_index("s")
    wid = c * 16 + s

    pltpu.sync_copy(p_hbm, p_v)

    def _zero(i, carry):
        vals_a[pl.ds(i * 16, 16)] = jnp.zeros((16,), jnp.float32)
        return carry
    lax.fori_loop(0, BLK // 16, _zero, 0)
    for t in range(3):
        pltpu.sync_copy(vals_a, acc_sh.at[pl.ds(s * SLICE + t * BLK, BLK)])
    pltpu.sync_copy(vals_a.at[pl.ds(0, SLICE - 3 * BLK)],
                    acc_sh.at[pl.ds(s * SLICE + 3 * BLK, SLICE - 3 * BLK)])
    plsc.subcore_barrier()

    base_edge = wid * (MAIN_BLOCKS * BLK)

    def _fire_dma(e0, ei_v, dsem):
        pltpu.async_copy(ei_hbm.at[pl.ds(0, 2), pl.ds(e0, BLK)], ei_v, dsem)

    def _wait_dma(ei_v, dsem):
        pltpu.make_async_copy(
            ei_hbm.at[pl.ds(0, 2), pl.ds(0, BLK)], ei_v, dsem).wait()

    def _drain(ei_v, vals_v, ssem):
        for j in range(K_ROWS):
            rs = pl.ds(j * LANES, LANES)
            pltpu.make_async_copy(
                vals_v.at[rs], acc_sh.at[ei_v.at[1, rs]], ssem).wait()

    def _fire_scat(ei_v, vals_v, ssem):
        for j in range(K_ROWS):
            rs = pl.ds(j * LANES, LANES)
            pltpu.async_copy(vals_v.at[rs], acc_sh.at[ei_v.at[1, rs]], ssem,
                             add=True)

    bufs = ((ei_a, vals_a, ssem_a, dsem_a),
            (ei_b, vals_b, ssem_b, dsem_b),
            (ei_c, vals_c, ssem_c, dsem_c),
            (ei_d, vals_d, ssem_d, dsem_d))

    _fire_dma(base_edge, ei_a, dsem_a)
    _fire_dma(base_edge + BLK, ei_b, dsem_b)

    def _ring(i, carry):
        b0 = 4 * i
        for k in range(4):
            ei_x, vals_x, ssem_x, dsem_x = bufs[k]
            ei_p, vals_p, ssem_p, dsem_p = bufs[(k + 2) % 4]
            _wait_dma(ei_x, dsem_x)
            if k < 2:
                @pl.when(i > 0)
                def _dr():
                    _drain(ei_p, vals_p, ssem_p)
            else:
                _drain(ei_p, vals_p, ssem_p)
            _fire_dma(base_edge + (b0 + k + 2) * BLK, ei_p, dsem_p)
            _gather_groups(p_v, ei_x, vals_x, BLK // 16)
            _fire_scat(ei_x, vals_x, ssem_x)
        return carry
    lax.fori_loop(0, RING_ITERS, _ring, 0)

    _wait_dma(ei_a, dsem_a)
    _wait_dma(ei_b, dsem_b)
    _drain(ei_c, vals_c, ssem_c)
    _drain(ei_d, vals_d, ssem_d)

    def _tail_block(g):
        e0 = TAIL_BASE + g * 1024
        pltpu.sync_copy(ei_hbm.at[pl.ds(0, 2), pl.ds(e0, 1024)],
                        ei_a.at[:, pl.ds(0, 1024)])
        _gather_groups(p_v, ei_a, vals_a, 1024 // 16)
        for j in range(8):
            rs = pl.ds(j * LANES, LANES)
            pltpu.sync_copy(vals_a.at[rs], acc_sh.at[ei_a.at[1, rs]], add=True)

    _tail_block(wid)

    @pl.when(wid < TAIL_BLOCKS - 32)
    def _tail2():
        _tail_block(32 + wid)

    plsc.subcore_barrier()

    rem = SLICE - 3 * BLK
    for t in range(3):
        pltpu.sync_copy(acc_sh.at[pl.ds(s * SLICE + t * BLK, BLK)], vals_a)
        pltpu.sync_copy(vals_a,
                        out_hbm.at[pl.ds(c * N_PAD + s * SLICE + t * BLK, BLK)])
    pltpu.sync_copy(acc_sh.at[pl.ds(s * SLICE + 3 * BLK, rem)],
                    vals_a.at[pl.ds(0, rem)])
    pltpu.sync_copy(vals_a.at[pl.ds(0, rem)],
                    out_hbm.at[pl.ds(c * N_PAD + s * SLICE + 3 * BLK, rem)])


_lap_kernel = functools.partial(
    pl.kernel,
    out_type=jax.ShapeDtypeStruct((2 * N_PAD,), jnp.float32),
    mesh=plsc.VectorSubcoreMesh(core_axis_name="c", subcore_axis_name="s"),
    scratch_types=[
        pltpu.VMEM((N_NODES,), jnp.float32),
        pltpu.VMEM((2, BLK), jnp.int32),
        pltpu.VMEM((BLK,), jnp.float32),
        pltpu.VMEM((2, BLK), jnp.int32),
        pltpu.VMEM((BLK,), jnp.float32),
        pltpu.VMEM((2, BLK), jnp.int32),
        pltpu.VMEM((BLK,), jnp.float32),
        pltpu.VMEM((2, BLK), jnp.int32),
        pltpu.VMEM((BLK,), jnp.float32),
        pltpu.VMEM_SHARED((N_PAD,), jnp.float32),
        pltpu.SemaphoreType.DMA,
        pltpu.SemaphoreType.DMA,
        pltpu.SemaphoreType.DMA,
        pltpu.SemaphoreType.DMA,
        pltpu.SemaphoreType.DMA,
        pltpu.SemaphoreType.DMA,
        pltpu.SemaphoreType.DMA,
        pltpu.SemaphoreType.DMA,
    ],
    compiler_params=pltpu.CompilerParams(needs_layout_passes=False),
)(_lap_body)


FIN_BLOCK = 5888
FIN_GRID = N_PAD // FIN_BLOCK


N_REM = N_NODES - (FIN_GRID - 1) * FIN_BLOCK


def _vol_body(feats_ref, o_ref):
    o_ref[:, :] = feats_ref[:, 7:8]


def _finish_body(lap_ref, vol_ref, o_ref, acc_ref):
    b = pl.program_id(0)
    lap = lap_ref[0:1, :] + lap_ref[1:2, :]
    lapsq = lap * lap
    vol = vol_ref[:, :]
    s1 = jnp.dot(lapsq, vol, preferred_element_type=jnp.float32)
    corr = jnp.sum(vol[N_REM:, :], keepdims=True)
    s2 = jnp.sum(vol, keepdims=True) - jnp.where(b == FIN_GRID - 1, corr, 0.0)

    @pl.when(b == 0)
    def _init():
        acc_ref[:, :] = jnp.zeros((2, 1), jnp.float32)

    acc_ref[:, :] += jnp.concatenate([s1, s2], axis=0)

    @pl.when(b == pl.num_programs(0) - 1)
    def _done():
        o_ref[:, :] = acc_ref[0:1, :] / (acc_ref[1:2, :] + 1e-6 * N_NODES)


def kernel(pred, edge_index, feats):
    p = pred.reshape(N_NODES).astype(jnp.float32)
    ei = edge_index.astype(jnp.int32)

    volc = pl.pallas_call(
        _vol_body,
        grid=(FIN_GRID,),
        in_specs=[pl.BlockSpec((FIN_BLOCK, 16), lambda b: (b, 0))],
        out_specs=pl.BlockSpec((FIN_BLOCK, 1), lambda b: (b, 0)),
        out_shape=jax.ShapeDtypeStruct((N_PAD, 1), jnp.float32),
    )(feats)

    lap_pair = _lap_kernel(p, ei).reshape(2, N_PAD)

    out = pl.pallas_call(
        _finish_body,
        grid=(FIN_GRID,),
        in_specs=[
            pl.BlockSpec((2, FIN_BLOCK), lambda b: (0, b)),
            pl.BlockSpec((FIN_BLOCK, 1), lambda b: (b, 0)),
        ],
        out_specs=pl.BlockSpec((1, 1), lambda b: (0, 0)),
        out_shape=jax.ShapeDtypeStruct((1, 1), jnp.float32),
        scratch_shapes=[pltpu.VMEM((2, 1), jnp.float32)],
    )(lap_pair, volc)
    return out[0, 0]

# --- scband reference (transcript-rebuilt; emitter-appended) ---
"""Pipeline reference for scband-conservation-loss-14061722927403 (READ-ONLY COPY).

The authoritative reference and input builder live on the scoring server;
editing this copy changes nothing except your own understanding.
"""

import jax, jax.numpy as jnp
import numpy as np

N_NODES = 100000
N_EDGES = 3200000
N_FEATS = 16

def setup_inputs(seed: int = 0) -> dict:
    key = jax.random.key(seed)
    k1, k2, k3 = jax.random.split(key, 3)
    pred = jax.random.normal(k1, (N_NODES, 1), dtype=jnp.float32)
    edge_index = jax.random.randint(k2, (2, N_EDGES), 0, N_NODES, dtype=jnp.int64)
    feats = jax.random.uniform(k3, (N_NODES, N_FEATS), dtype=jnp.float32)
    return {"pred": pred, "edge_index": edge_index, "feats": feats}

def _graph_laplacian(p, edge_index, num_nodes):
    # Unnormalized graph Laplacian applied to p: L p = D p - A p
    src = edge_index[0]
    dst = edge_index[1]
    agg = jax.ops.segment_sum(p[src], dst, num_segments=num_nodes)
    deg = jax.ops.segment_sum(jnp.ones_like(src, dtype=p.dtype), dst, num_segments=num_nodes)
    return deg * p - agg

def reference(pred, edge_index, feats):
    p = pred
    if p.ndim == 2:
        p = jnp.squeeze(p, axis=-1)
    num_nodes = p.shape[0]
    laplacian = _graph_laplacian(p, edge_index, num_nodes)
    # use_weighted_loss=True and feats.shape[1] > 7 -> volume weighting
    volumes = feats[:, 7]
    volumes = volumes / (jnp.mean(volumes) + 1e-06)
    residual = laplacian ** 2 * volumes
    loss_mass = jnp.mean(residual)
    return loss_mass

if __name__ == "__main__":
    import jax
    _d = setup_inputs()
    print(jax.jit(kernel)(*tuple(_d.values())))

</pallas_src>

<mosaic_0001>
#map = affine_map<(d0, d1) -> (0)>
#map1 = affine_map<(d0, d1) -> (0, 0)>
module attributes {stable_mosaic.version = 14 : i64} {
  func.func @_lap_body(%arg0: i32, %arg1: i32, %arg2: memref<100000xf32, #tpu.memory_space<hbm>>, %arg3: memref<2x3200000xi32, #tpu.memory_space<hbm>>, %arg4: memref<200192xf32, #tpu.memory_space<hbm>>, %arg5: memref<100000xf32, #tpu.memory_space<vmem>>, %arg6: memref<2x2048xi32, #tpu.memory_space<vmem>>, %arg7: memref<2048xf32, #tpu.memory_space<vmem>>, %arg8: memref<2x2048xi32, #tpu.memory_space<vmem>>, %arg9: memref<2048xf32, #tpu.memory_space<vmem>>, %arg10: memref<2x2048xi32, #tpu.memory_space<vmem>>, %arg11: memref<2048xf32, #tpu.memory_space<vmem>>, %arg12: memref<2x2048xi32, #tpu.memory_space<vmem>>, %arg13: memref<2048xf32, #tpu.memory_space<vmem>>, %arg14: memref<100096xf32, #tpu.memory_space<vmem_shared>>, %arg15: memref<!tpu.dma_semaphore, #tpu.memory_space<semaphore_mem>>, %arg16: memref<!tpu.dma_semaphore, #tpu.memory_space<semaphore_mem>>, %arg17: memref<!tpu.dma_semaphore, #tpu.memory_space<semaphore_mem>>, %arg18: memref<!tpu.dma_semaphore, #tpu.memory_space<semaphore_mem>>, %arg19: memref<!tpu.dma_semaphore, #tpu.memory_space<semaphore_mem>>, %arg20: memref<!tpu.dma_semaphore, #tpu.memory_space<semaphore_mem>>, %arg21: memref<!tpu.dma_semaphore, #tpu.memory_space<semaphore_mem>>, %arg22: memref<!tpu.dma_semaphore, #tpu.memory_space<semaphore_mem>>) attributes {dimension_semantics = [#tpu.dimension_semantics<core_parallel>, #tpu.dimension_semantics<subcore_parallel>], iteration_bounds = array<i64: 2, 16>, scalar_prefetch = 0 : i64, scratch_operands = 18 : i64, tpu.core_type = #tpu.core_type<sc_vector_subcore>, window_params = [{transform_indices = #map}, {transform_indices = #map1}, {transform_indices = #map}]} {
    %mul3A = arith.constant 16 : i32
    %mul3A_0 = arith.muli %arg0, %mul3A : i32
    %add3A = arith.addi %mul3A_0, %arg1 : i32
    "tpu.region"() ({
      %run_scoped3A_370 = tpu.sem_alloc : memref<!tpu.dma_semaphore, #tpu.memory_space<semaphore_mem>>
      tpu.enqueue_dma source(%arg2 : memref<100000xf32, #tpu.memory_space<hbm>>) target(%arg5 : memref<100000xf32, #tpu.memory_space<vmem>>) target_semaphore(%run_scoped3A_370 : memref<!tpu.dma_semaphore, #tpu.memory_space<semaphore_mem>>)
      tpu.wait_dma2 semaphore(%run_scoped3A_370 : memref<!tpu.dma_semaphore, #tpu.memory_space<semaphore_mem>>) src(%arg2 : memref<100000xf32, #tpu.memory_space<hbm>>) dst(%arg5 : memref<100000xf32, #tpu.memory_space<vmem>>)
      tpu.yield
    }) : () -> ()
    %scan3A = arith.constant 0 : i32
    %scan3A_1 = arith.constant 0 : i32
    %scan3A_2 = arith.constant 128 : i32
    %scan3A_3 = arith.addi %scan3A_1, %scan3A_2 : i32
    %scan3A_4 = arith.constant 1 : i32
    scf.for %scan3A_370 = %scan3A_1 to %scan3A_3 step %scan3A_4  : i32 {
      %broadcast_in_dim3A = arith.constant 0.000000e+00 : f32
      %broadcast_in_dim3A_371 = vector.broadcast %broadcast_in_dim3A : f32 to vector<16xf32>
      %mul3A_372 = arith.constant 16 : i32
      %mul3A_373 = arith.muli %scan3A_370, %mul3A_372 : i32
      %swap3A = arith.index_cast %mul3A_373 : i32 to index
      %swap3A_374 = tpu.vector_load %arg7[%swap3A] {strides = array<i32>} : memref<2048xf32, #tpu.memory_space<vmem>>, vector<16xf32>,
      tpu.vector_store %arg7[%swap3A], %broadcast_in_dim3A_371 {strides = array<i32>} : memref<2048xf32, #tpu.memory_space<vmem>>, vector<16xf32>,
    }
    %scan3A_5 = arith.constant 128 : i32
    %mul3A_6 = arith.constant 6256 : i32
    %mul3A_7 = arith.muli %arg1, %mul3A_6 : i32
    %add3A_8 = arith.constant 0 : i32
    %add3A_9 = arith.addi %mul3A_7, %add3A_8 : i32
    "tpu.region"() ({
      %run_scoped3A_370 = tpu.sem_alloc : memref<!tpu.dma_semaphore, #tpu.memory_space<semaphore_mem>>
      %dma_start3A_371 = tpu.memref_slice %arg14[%add3A_9] : memref<100096xf32, #tpu.memory_space<vmem_shared>> -> memref<2048xf32, #tpu.memory_space<vmem_shared>>
      %dma_start3A_372 = tpu.memref_slice %arg14[%add3A_9] : memref<100096xf32, #tpu.memory_space<vmem_shared>> -> memref<2048xf32, #tpu.memory_space<vmem_shared>>
      tpu.enqueue_dma source(%arg7 : memref<2048xf32, #tpu.memory_space<vmem>>) target(%dma_start3A_372 : memref<2048xf32, #tpu.memory_space<vmem_shared>>) target_semaphore(%run_scoped3A_370 : memref<!tpu.dma_semaphore, #tpu.memory_space<semaphore_mem>>)
      %dma_wait3A_373 = tpu.memref_slice %arg14[%add3A_9] : memref<100096xf32, #tpu.memory_space<vmem_shared>> -> memref<2048xf32, #tpu.memory_space<vmem_shared>>
      %dma_wait3A_374 = tpu.memref_slice %arg14[%add3A_9] : memref<100096xf32, #tpu.memory_space<vmem_shared>> -> memref<2048xf32, #tpu.memory_space<vmem_shared>>
      tpu.wait_dma2 semaphore(%run_scoped3A_370 : memref<!tpu.dma_semaphore, #tpu.memory_space<semaphore_mem>>) src(%arg7 : memref<2048xf32, #tpu.memory_space<vmem>>) dst(%dma_wait3A_374 : memref<2048xf32, #tpu.memory_space<vmem_shared>>)
      tpu.yield
    }) : () -> ()
    %mul3A_10 = arith.constant 6256 : i32
    %mul3A_11 = arith.muli %arg1, %mul3A_10 : i32
    %add3A_12 = arith.constant 2048 : i32
    %add3A_13 = arith.addi %mul3A_11, %add3A_12 : i32
    "tpu.region"() ({
      %run_scoped3A_370 = tpu.sem_alloc : memref<!tpu.dma_semaphore, #tpu.memory_space<semaphore_mem>>
      %dma_start3A_371 = tpu.memref_slice %arg14[%add3A_13] : memref<100096xf32, #tpu.memory_space<vmem_shared>> -> memref<2048xf32, #tpu.memory_space<vmem_shared>>
      %dma_start3A_372 = tpu.memref_slice %arg14[%add3A_13] : memref<100096xf32, #tpu.memory_space<vmem_shared>> -> memref<2048xf32, #tpu.memory_space<vmem_shared>>
      tpu.enqueue_dma source(%arg7 : memref<2048xf32, #tpu.memory_space<vmem>>) target(%dma_start3A_372 : memref<2048xf32, #tpu.memory_space<vmem_shared>>) target_semaphore(%run_scoped3A_370 : memref<!tpu.dma_semaphore, #tpu.memory_space<semaphore_mem>>)
      %dma_wait3A_373 = tpu.memref_slice %arg14[%add3A_13] : memref<100096xf32, #tpu.memory_space<vmem_shared>> -> memref<2048xf32, #tpu.memory_space<vmem_shared>>
      %dma_wait3A_374 = tpu.memref_slice %arg14[%add3A_13] : memref<100096xf32, #tpu.memory_space<vmem_shared>> -> memref<2048xf32, #tpu.memory_space<vmem_shared>>
      tpu.wait_dma2 semaphore(%run_scoped3A_370 : memref<!tpu.dma_semaphore, #tpu.memory_space<semaphore_mem>>) src(%arg7 : memref<2048xf32, #tpu.memory_space<vmem>>) dst(%dma_wait3A_374 : memref<2048xf32, #tpu.memory_space<vmem_shared>>)
      tpu.yield
    }) : () -> ()
    %mul3A_14 = arith.constant 6256 : i32
    %mul3A_15 = arith.muli %arg1, %mul3A_14 : i32
    %add3A_16 = arith.constant 4096 : i32
    %add3A_17 = arith.addi %mul3A_15, %add3A_16 : i32
    "tpu.region"() ({
      %run_scoped3A_370 = tpu.sem_alloc : memref<!tpu.dma_semaphore, #tpu.memory_space<semaphore_mem>>
      %dma_start3A_371 = tpu.memref_slice %arg14[%add3A_17] : memref<100096xf32, #tpu.memory_space<vmem_shared>> -> memref<2048xf32, #tpu.memory_space<vmem_shared>>
      %dma_start3A_372 = tpu.memref_slice %arg14[%add3A_17] : memref<100096xf32, #tpu.memory_space<vmem_shared>> -> memref<2048xf32, #tpu.memory_space<vmem_shared>>
      tpu.enqueue_dma source(%arg7 : memref<2048xf32, #tpu.memory_space<vmem>>) target(%dma_start3A_372 : memref<2048xf32, #tpu.memory_space<vmem_shared>>) target_semaphore(%run_scoped3A_370 : memref<!tpu.dma_semaphore, #tpu.memory_space<semaphore_mem>>)
      %dma_wait3A_373 = tpu.memref_slice %arg14[%add3A_17] : memref<100096xf32, #tpu.memory_space<vmem_shared>> -> memref<2048xf32, #tpu.memory_space<vmem_shared>>
      %dma_wait3A_374 = tpu.memref_slice %arg14[%add3A_17] : memref<100096xf32, #tpu.memory_space<vmem_shared>> -> memref<2048xf32, #tpu.memory_space<vmem_shared>>
      tpu.wait_dma2 semaphore(%run_scoped3A_370 : memref<!tpu.dma_semaphore, #tpu.memory_space<semaphore_mem>>) src(%arg7 : memref<2048xf32, #tpu.memory_space<vmem>>) dst(%dma_wait3A_374 : memref<2048xf32, #tpu.memory_space<vmem_shared>>)
      tpu.yield
    }) : () -> ()
    %mul3A_18 = arith.constant 6256 : i32
    %mul3A_19 = arith.muli %arg1, %mul3A_18 : i32
    %add3A_20 = arith.constant 6144 : i32
    %add3A_21 = arith.addi %mul3A_19, %add3A_20 : i32
    "tpu.region"() ({
      %run_scoped3A_370 = tpu.sem_alloc : memref<!tpu.dma_semaphore, #tpu.memory_space<semaphore_mem>>
      %dma_start3A_371 = arith.constant 0 : i32
      %dma_start3A_372 = tpu.memref_slice %arg7[%dma_start3A_371] : memref<2048xf32, #tpu.memory_space<vmem>> -> memref<112xf32, #tpu.memory_space<vmem>>
      %dma_start3A_373 = tpu.memref_slice %arg14[%add3A_21] : memref<100096xf32, #tpu.memory_space<vmem_shared>> -> memref<112xf32, #tpu.memory_space<vmem_shared>>
      %dma_start3A_374 = tpu.memref_slice %arg14[%add3A_21] : memref<100096xf32, #tpu.memory_space<vmem_shared>> -> memref<112xf32, #tpu.memory_space<vmem_shared>>
      %dma_start3A_375 = arith.constant 0 : i32
      %dma_start3A_376 = tpu.memref_slice %arg7[%dma_start3A_375] : memref<2048xf32, #tpu.memory_space<vmem>> -> memref<112xf32, #tpu.memory_space<vmem>>
      tpu.enqueue_dma source(%dma_start3A_376 : memref<112xf32, #tpu.memory_space<vmem>>) target(%dma_start3A_374 : memref<112xf32, #tpu.memory_space<vmem_shared>>) target_semaphore(%run_scoped3A_370 : memref<!tpu.dma_semaphore, #tpu.memory_space<semaphore_mem>>)
      %dma_wait3A_377 = arith.constant 0 : i32
      %dma_wait3A_378 = tpu.memref_slice %arg7[%dma_wait3A_377] : memref<2048xf32, #tpu.memory_space<vmem>> -> memref<112xf32, #tpu.memory_space<vmem>>
      %dma_wait3A_379 = tpu.memref_slice %arg14[%add3A_21] : memref<100096xf32, #tpu.memory_space<vmem_shared>> -> memref<112xf32, #tpu.memory_space<vmem_shared>>
      %dma_wait3A_380 = tpu.memref_slice %arg14[%add3A_21] : memref<100096xf32, #tpu.memory_space<vmem_shared>> -> memref<112xf32, #tpu.memory_space<vmem_shared>>
      %dma_wait3A_381 = arith.constant 0 : i32
      %dma_wait3A_382 = tpu.memref_slice %arg7[%dma_wait3A_381] : memref<2048xf32, #tpu.memory_space<vmem>> -> memref<112xf32, #tpu.memory_space<vmem>>
      tpu.wait_dma2 semaphore(%run_scoped3A_370 : memref<!tpu.dma_semaphore, #tpu.memory_space<semaphore_mem>>) src(%dma_wait3A_382 : memref<112xf32, #tpu.memory_space<vmem>>) dst(%dma_wait3A_380 : memref<112xf32, #tpu.memory_space<vmem_shared>>)
      tpu.yield
    }) : () -> ()
    %barrier3A = arith.constant 0 : index
    tpu.barrier barrier_id(%barrier3A)
    %mul3A_22 = arith.constant 98304 : i32
    %mul3A_23 = arith.muli %add3A, %mul3A_22 : i32
    %dma_start3A = arith.constant 0 : i32
    %dma_start3A_24 = tpu.memref_slice %arg3[%dma_start3A, %mul3A_23] : memref<2x3200000xi32, #tpu.memory_space<hbm>> -> memref<2x2048xi32, #tpu.memory_space<hbm>>
    %dma_start3A_25 = arith.constant 0 : i32
    %dma_start3A_26 = tpu.memref_slice %arg3[%dma_start3A_25, %mul3A_23] : memref<2x3200000xi32, #tpu.memory_space<hbm>> -> memref<2x2048xi32, #tpu.memory_space<hbm>>
    tpu.enqueue_dma source(%dma_start3A_26 : memref<2x2048xi32, #tpu.memory_space<hbm>>) target(%arg6 : memref<2x2048xi32, #tpu.memory_space<vmem>>) target_semaphore(%arg19 : memref<!tpu.dma_semaphore, #tpu.memory_space<semaphore_mem>>)
    %add3A_27 = arith.constant 2048 : i32
    %add3A_28 = arith.addi %mul3A_23, %add3A_27 : i32
    %dma_start3A_29 = arith.constant 0 : i32
    %dma_start3A_30 = tpu.memref_slice %arg3[%dma_start3A_29, %add3A_28] : memref<2x3200000xi32, #tpu.memory_space<hbm>> -> memref<2x2048xi32, #tpu.memory_space<hbm>>
    %dma_start3A_31 = arith.constant 0 : i32
    %dma_start3A_32 = tpu.memref_slice %arg3[%dma_start3A_31, %add3A_28] : memref<2x3200000xi32, #tpu.memory_space<hbm>> -> memref<2x2048xi32, #tpu.memory_space<hbm>>
    tpu.enqueue_dma source(%dma_start3A_32 : memref<2x2048xi32, #tpu.memory_space<hbm>>) target(%arg8 : memref<2x2048xi32, #tpu.memory_space<vmem>>) target_semaphore(%arg20 : memref<!tpu.dma_semaphore, #tpu.memory_space<semaphore_mem>>)
    %scan3A_33 = arith.constant 0 : i32
    %scan3A_34 = arith.constant 0 : i32
    %scan3A_35 = arith.constant 12 : i32
    %scan3A_36 = arith.addi %scan3A_34, %scan3A_35 : i32
    %scan3A_37 = arith.constant 1 : i32
    scf.for %scan3A_370 = %scan3A_34 to %scan3A_36 step %scan3A_37  : i32 {
      %mul3A_371 = arith.constant 4 : i32
      %mul3A_372 = arith.muli %mul3A_371, %scan3A_370 : i32
      %dma_wait3A_373 = arith.constant 0 : i32
      %dma_wait3A_374 = arith.constant 0 : i32
      %dma_wait3A_375 = tpu.memref_slice %arg3[%dma_wait3A_373, %dma_wait3A_374] : memref<2x3200000xi32, #tpu.memory_space<hbm>> -> memref<2x2048xi32, #tpu.memory_space<hbm>>
      %dma_wait3A_376 = arith.constant 0 : i32
      %dma_wait3A_377 = arith.constant 0 : i32
      %dma_wait3A_378 = tpu.memref_slice %arg3[%dma_wait3A_376, %dma_wait3A_377] : memref<2x3200000xi32, #tpu.memory_space<hbm>> -> memref<2x2048xi32, #tpu.memory_space<hbm>>
      tpu.wait_dma2 semaphore(%arg19 : memref<!tpu.dma_semaphore, #tpu.memory_space<semaphore_mem>>) src(%dma_wait3A_378 : memref<2x2048xi32, #tpu.memory_space<hbm>>) dst(%arg6 : memref<2x2048xi32, #tpu.memory_space<vmem>>)
      %gt3A = arith.constant 0 : i32
      %gt3A_379 = arith.cmpi sgt, %scan3A_370, %gt3A : i32
      %convert_element_type3A_380 = arith.extui %gt3A_379 : i1 to i32
      %cond3A_381 = arith.constant 0 : i32
      %cond3A_382 = arith.cmpi ne, %convert_element_type3A_380, %cond3A_381 : i32
      scf.if %cond3A_382 {
        %dma_wait3A_1242 = arith.constant 1 : i32
        %dma_wait3A_1243 = arith.constant 0 : i32
        %dma_wait3A_1244 = tpu.memref_slice %arg11[%dma_wait3A_1243] : memref<2048xf32, #tpu.memory_space<vmem>> -> memref<128xf32, #tpu.memory_space<vmem>>
        %dma_wait3A_1245 = arith.constant 0 : i32
        %dma_wait3A_1246 = tpu.memref_slice %arg10[%dma_wait3A_1242, %dma_wait3A_1245] : memref<2x2048xi32, #tpu.memory_space<vmem>> -> memref<1x128xi32, #tpu.memory_space<vmem>>
        %dma_wait3A_1247 = tpu.memref_squeeze %dma_wait3A_1246 : memref<1x128xi32, #tpu.memory_space<vmem>> -> memref<128xi32, #tpu.memory_space<vmem>>
        %dma_wait3A_1248 = arith.constant 0 : i32
        %dma_wait3A_1249 = tpu.memref_slice %arg14[%dma_wait3A_1248] : memref<100096xf32, #tpu.memory_space<vmem_shared>> -> memref<100096xf32, #tpu.memory_space<vmem_shared>>
        tpu.wait_indirect_dma semaphore(%arg17 : memref<!tpu.dma_semaphore, #tpu.memory_space<semaphore_mem>>) src(%dma_wait3A_1244 : memref<128xf32, #tpu.memory_space<vmem>>) dst(%dma_wait3A_1249 : memref<100096xf32, #tpu.memory_space<vmem_shared>>)
        %dma_wait3A_1250 = arith.constant 1 : i32
        %dma_wait3A_1251 = arith.constant 128 : i32
        %dma_wait3A_1252 = tpu.memref_slice %arg11[%dma_wait3A_1251] : memref<2048xf32, #tpu.memory_space<vmem>> -> memref<128xf32, #tpu.memory_space<vmem>>
        %dma_wait3A_1253 = arith.constant 128 : i32
        %dma_wait3A_1254 = tpu.memref_slice %arg10[%dma_wait3A_1250, %dma_wait3A_1253] : memref<2x2048xi32, #tpu.memory_space<vmem>> -> memref<1x128xi32, #tpu.memory_space<vmem>>
        %dma_wait3A_1255 = tpu.memref_squeeze %dma_wait3A_1254 : memref<1x128xi32, #tpu.memory_space<vmem>> -> memref<128xi32, #tpu.memory_space<vmem>>
        %dma_wait3A_1256 = arith.constant 0 : i32
        %dma_wait3A_1257 = tpu.memref_slice %arg14[%dma_wait3A_1256] : memref<100096xf32, #tpu.memory_space<vmem_shared>> -> memref<100096xf32, #tpu.memory_space<vmem_shared>>
        tpu.wait_indirect_dma semaphore(%arg17 : memref<!tpu.dma_semaphore, #tpu.memory_space<semaphore_mem>>) src(%dma_wait3A_1252 : memref<128xf32, #tpu.memory_space<vmem>>) dst(%dma_wait3A_1257 : memref<100096xf32, #tpu.memory_space<vmem_shared>>)
        %dma_wait3A_1258 = arith.constant 1 : i32
        %dma_wait3A_1259 = arith.constant 256 : i32
        %dma_wait3A_1260 = tpu.memref_slice %arg11[%dma_wait3A_1259] : memref<2048xf32, #tpu.memory_space<vmem>> -> memref<128xf32, #tpu.memory_space<vmem>>
        %dma_wait3A_1261 = arith.constant 256 : i32
        %dma_wait3A_1262 = tpu.memref_slice %arg10[%dma_wait3A_1258, %dma_wait3A_1261] : memref<2x2048xi32, #tpu.memory_space<vmem>> -> memref<1x128xi32, #tpu.memory_space<vmem>>
        %dma_wait3A_1263 = tpu.memref_squeeze %dma_wait3A_1262 : memref<1x128xi32, #tpu.memory_space<vmem>> -> memref<128xi32, #tpu.memory_space<vmem>>
        %dma_wait3A_1264 = arith.constant 0 : i32
        %dma_wait3A_1265 = tpu.memref_slice %arg14[%dma_wait3A_1264] : memref<100096xf32, #tpu.memory_space<vmem_shared>> -> memref<100096xf32, #tpu.memory_space<vmem_shared>>
        tpu.wait_indirect_dma semaphore(%arg17 : memref<!tpu.dma_semaphore, #tpu.memory_space<semaphore_mem>>) src(%dma_wait3A_1260 : memref<128xf32, #tpu.memory_space<vmem>>) dst(%dma_wait3A_1265 : memref<100096xf32, #tpu.memory_space<vmem_shared>>)
        %dma_wait3A_1266 = arith.constant 1 : i32
        %dma_wait3A_1267 = arith.constant 384 : i32
        %dma_wait3A_1268 = tpu.memref_slice %arg11[%dma_wait3A_1267] : memref<2048xf32, #tpu.memory_space<vmem>> -> memref<128xf32, #tpu.memory_space<vmem>>
        %dma_wait3A_1269 = arith.constant 384 : i32
        %dma_wait3A_1270 = tpu.memref_slice %arg10[%dma_wait3A_1266, %dma_wait3A_1269] : memref<2x2048xi32, #tpu.memory_space<vmem>> -> memref<1x128xi32, #tpu.memory_space<vmem>>
        %dma_wait3A_1271 = tpu.memref_squeeze %dma_wait3A_1270 : memref<1x128xi32, #tpu.memory_space<vmem>> -> memref<128xi32, #tpu.memory_space<vmem>>
        %dma_wait3A_1272 = arith.constant 0 : i32
        %dma_wait3A_1273 = tpu.memref_slice %arg14[%dma_wait3A_1272] : memref<100096xf32, #tpu.memory_space<vmem_shared>> -> memref<100096xf32, #tpu.memory_space<vmem_shared>>
        tpu.wait_indirect_dma semaphore(%arg17 : memref<!tpu.dma_semaphore, #tpu.memory_space<semaphore_mem>>) src(%dma_wait3A_1268 : memref<128xf32, #tpu.memory_space<vmem>>) dst(%dma_wait3A_1273 : memref<100096xf32, #tpu.memory_space<vmem_shared>>)
        %dma_wait3A_1274 = arith.constant 1 : i32
        %dma_wait3A_1275 = arith.constant 512 : i32
        %dma_wait3A_1276 = tpu.memref_slice %arg11[%dma_wait3A_1275] : memref<2048xf32, #tpu.memory_space<vmem>> -> memref<128xf32, #tpu.memory_space<vmem>>
        %dma_wait3A_1277 = arith.constant 512 : i32
        %dma_wait3A_1278 = tpu.memref_slice %arg10[%dma_wait3A_1274, %dma_wait3A_1277] : memref<2x2048xi32, #tpu.memory_space<vmem>> -> memref<1x128xi32, #tpu.memory_space<vmem>>
        %dma_wait3A_1279 = tpu.memref_squeeze %dma_wait3A_1278 : memref<1x128xi32, #tpu.memory_space<vmem>> -> memref<128xi32, #tpu.memory_space<vmem>>
        %dma_wait3A_1280 = arith.constant 0 : i32
        %dma_wait3A_1281 = tpu.memref_slice %arg14[%dma_wait3A_1280] : memref<100096xf32, #tpu.memory_space<vmem_shared>> -> memref<100096xf32, #tpu.memory_space<vmem_shared>>
        tpu.wait_indirect_dma semaphore(%arg17 : memref<!tpu.dma_semaphore, #tpu.memory_space<semaphore_mem>>) src(%dma_wait3A_1276 : memref<128xf32, #tpu.memory_space<vmem>>) dst(%dma_wait3A_1281 : memref<100096xf32, #tpu.memory_space<vmem_shared>>)
        %dma_wait3A_1282 = arith.constant 1 : i32
        %dma_wait3A_1283 = arith.constant 640 : i32
        %dma_wait3A_1284 = tpu.memref_slice %arg11[%dma_wait3A_1283] : memref<2048xf32, #tpu.memory_space<vmem>> -> memref<128xf32, #tpu.memory_space<vmem>>
        %dma_wait3A_1285 = arith.constant 640 : i32
        %dma_wait3A_1286 = tpu.memref_slice %arg10[%dma_wait3A_1282, %dma_wait3A_1285] : memref<2x2048xi32, #tpu.memory_space<vmem>> -> memref<1x128xi32, #tpu.memory_space<vmem>>
        %dma_wait3A_1287 = tpu.memref_squeeze %dma_wait3A_1286 : memref<1x128xi32, #tpu.memory_space<vmem>> -> memref<128xi32, #tpu.memory_space<vmem>>
        %dma_wait3A_1288 = arith.constant 0 : i32
        %dma_wait3A_1289 = tpu.memref_slice %arg14[%dma_wait3A_1288] : memref<100096xf32, #tpu.memory_space<vmem_shared>> -> memref<100096xf32, #tpu.memory_space<vmem_shared>>
        tpu.wait_indirect_dma semaphore(%arg17 : memref<!tpu.dma_semaphore, #tpu.memory_space<semaphore_mem>>) src(%dma_wait3A_1284 : memref<128xf32, #tpu.memory_space<vmem>>) dst(%dma_wait3A_1289 : memref<100096xf32, #tpu.memory_space<vmem_shared>>)
        %dma_wait3A_1290 = arith.constant 1 : i32
        %dma_wait3A_1291 = arith.constant 768 : i32
        %dma_wait3A_1292 = tpu.memref_slice %arg11[%dma_wait3A_1291] : memref<2048xf32, #tpu.memory_space<vmem>> -> memref<128xf32, #tpu.memory_space<vmem>>
        %dma_wait3A_1293 = arith.constant 768 : i32
        %dma_wait3A_1294 = tpu.memref_slice %arg10[%dma_wait3A_1290, %dma_wait3A_1293] : memref<2x2048xi32, #tpu.memory_space<vmem>> -> memref<1x128xi32, #tpu.memory_space<vmem>>
        %dma_wait3A_1295 = tpu.memref_squeeze %dma_wait3A_1294 : memref<1x128xi32, #tpu.memory_space<vmem>> -> memref<128xi32, #tpu.memory_space<vmem>>
        %dma_wait3A_1296 = arith.constant 0 : i32
        %dma_wait3A_1297 = tpu.memref_slice %arg14[%dma_wait3A_1296] : memref<100096xf32, #tpu.memory_space<vmem_shared>> -> memref<100096xf32, #tpu.memory_space<vmem_shared>>
        tpu.wait_indirect_dma semaphore(%arg17 : memref<!tpu.dma_semaphore, #tpu.memory_space<semaphore_mem>>) src(%dma_wait3A_1292 : memref<128xf32, #tpu.memory_space<vmem>>) dst(%dma_wait3A_1297 : memref<100096xf32, #tpu.memory_space<vmem_shared>>)
        %dma_wait3A_1298 = arith.constant 1 : i32
        %dma_wait3A_1299 = arith.constant 896 : i32
        %dma_wait3A_1300 = tpu.memref_slice %arg11[%dma_wait3A_1299] : memref<2048xf32, #tpu.memory_space<vmem>> -> memref<128xf32, #tpu.memory_space<vmem>>
        %dma_wait3A_1301 = arith.constant 896 : i32
        %dma_wait3A_1302 = tpu.memref_slice %arg10[%dma_wait3A_1298, %dma_wait3A_1301] : memref<2x2048xi32, #tpu.memory_space<vmem>> -> memref<1x128xi32, #tpu.memory_space<vmem>>
        %dma_wait3A_1303 = tpu.memref_squeeze %dma_wait3A_1302 : memref<1x128xi32, #tpu.memory_space<vmem>> -> memref<128xi32, #tpu.memory_space<vmem>>
        %dma_wait3A_1304 = arith.constant 0 : i32
        %dma_wait3A_1305 = tpu.memref_slice %arg14[%dma_wait3A_1304] : memref<100096xf32, #tpu.memory_space<vmem_shared>> -> memref<100096xf32, #tpu.memory_space<vmem_shared>>
        tpu.wait_indirect_dma semaphore(%arg17 : memref<!tpu.dma_semaphore, #tpu.memory_space<semaphore_mem>>) src(%dma_wait3A_1300 : memref<128xf32, #tpu.memory_space<vmem>>) dst(%dma_wait3A_1305 : memref<100096xf32, #tpu.memory_space<vmem_shared>>)
        %dma_wait3A_1306 = arith.constant 1 : i32
        %dma_wait3A_1307 = arith.constant 1024 : i32
        %dma_wait3A_1308 = tpu.memref_slice %arg11[%dma_wait3A_1307] : memref<2048xf32, #tpu.memory_space<vmem>> -> memref<128xf32, #tpu.memory_space<vmem>>
        %dma_wait3A_1309 = arith.constant 1024 : i32
        %dma_wait3A_1310 = tpu.memref_slice %arg10[%dma_wait3A_1306, %dma_wait3A_1309] : memref<2x2048xi32, #tpu.memory_space<vmem>> -> memref<1x128xi32, #tpu.memory_space<vmem>>
        %dma_wait3A_1311 = tpu.memref_squeeze %dma_wait3A_1310 : memref<1x128xi32, #tpu.memory_space<vmem>> -> memref<128xi32, #tpu.memory_space<vmem>>
        %dma_wait3A_1312 = arith.constant 0 : i32
        %dma_wait3A_1313 = tpu.memref_slice %arg14[%dma_wait3A_1312] : memref<100096xf32, #tpu.memory_space<vmem_shared>> -> memref<100096xf32, #tpu.memory_space<vmem_shared>>
        tpu.wait_indirect_dma semaphore(%arg17 : memref<!tpu.dma_semaphore, #tpu.memory_space<semaphore_mem>>) src(%dma_wait3A_1308 : memref<128xf32, #tpu.memory_space<vmem>>) dst(%dma_wait3A_1313 : memref<100096xf32, #tpu.memory_space<vmem_shared>>)
        %dma_wait3A_1314 = arith.constant 1 : i32
        %dma_wait3A_1315 = arith.constant 1152 : i32
        %dma_wait3A_1316 = tpu.memref_slice %arg11[%dma_wait3A_1315] : memref<2048xf32, #tpu.memory_space<vmem>> -> memref<128xf32, #tpu.memory_space<vmem>>
        %dma_wait3A_1317 = arith.constant 1152 : i32
        %dma_wait3A_1318 = tpu.memref_slice %arg10[%dma_wait3A_1314, %dma_wait3A_1317] : memref<2x2048xi32, #tpu.memory_space<vmem>> -> memref<1x128xi32, #tpu.memory_space<vmem>>
        %dma_wait3A_1319 = tpu.memref_squeeze %dma_wait3A_1318 : memref<1x128xi32, #tpu.memory_space<vmem>> -> memref<128xi32, #tpu.memory_space<vmem>>
        %dma_wait3A_1320 = arith.constant 0 : i32
        %dma_wait3A_1321 = tpu.memref_slice %arg14[%dma_wait3A_1320] : memref<100096xf32, #tpu.memory_space<vmem_shared>> -> memref<100096xf32, #tpu.memory_space<vmem_shared>>
        tpu.wait_indirect_dma semaphore(%arg17 : memref<!tpu.dma_semaphore, #tpu.memory_space<semaphore_mem>>) src(%dma_wait3A_1316 : memref<128xf32, #tpu.memory_space<vmem>>) dst(%dma_wait3A_1321 : memref<100096xf32, #tpu.memory_space<vmem_shared>>)
        %dma_wait3A_1322 = arith.constant 1 : i32
        %dma_wait3A_1323 = arith.constant 1280 : i32
        %dma_wait3A_1324 = tpu.memref_slice %arg11[%dma_wait3A_1323] : memref<2048xf32, #tpu.memory_space<vmem>> -> memref<128xf32, #tpu.memory_space<vmem>>
        %dma_wait3A_1325 = arith.constant 1280 : i32
        %dma_wait3A_1326 = tpu.memref_slice %arg10[%dma_wait3A_1322, %dma_wait3A_1325] : memref<2x2048xi32, #tpu.memory_space<vmem>> -> memref<1x128xi32, #tpu.memory_space<vmem>>
        %dma_wait3A_1327 = tpu.memref_squeeze %dma_wait3A_1326 : memref<1x128xi32, #tpu.memory_space<vmem>> -> memref<128xi32, #tpu.memory_space<vmem>>
        %dma_wait3A_1328 = arith.constant 0 : i32
        %dma_wait3A_1329 = tpu.memref_slice %arg14[%dma_wait3A_1328] : memref<100096xf32, #tpu.memory_space<vmem_shared>> -> memref<100096xf32, #tpu.memory_space<vmem_shared>>
        tpu.wait_indirect_dma semaphore(%arg17 : memref<!tpu.dma_semaphore, #tpu.memory_space<semaphore_mem>>) src(%dma_wait3A_1324 : memref<128xf32, #tpu.memory_space<vmem>>) dst(%dma_wait3A_1329 : memref<100096xf32, #tpu.memory_space<vmem_shared>>)
        %dma_wait3A_1330 = arith.constant 1 : i32
        %dma_wait3A_1331 = arith.constant 1408 : i32
        %dma_wait3A_1332 = tpu.memref_slice %arg11[%dma_wait3A_1331] : memref<2048xf32, #tpu.memory_space<vmem>> -> memref<128xf32, #tpu.memory_space<vmem>>
        %dma_wait3A_1333 = arith.constant 1408 : i32
        %dma_wait3A_1334 = tpu.memref_slice %arg10[%dma_wait3A_1330, %dma_wait3A_1333] : memref<2x2048xi32, #tpu.memory_space<vmem>> -> memref<1x128xi32, #tpu.memory_space<vmem>>
        %dma_wait3A_1335 = tpu.memref_squeeze %dma_wait3A_1334 : memref<1x128xi32, #tpu.memory_space<vmem>> -> memref<128xi32, #tpu.memory_space<vmem>>
        %dma_wait3A_1336 = arith.constant 0 : i32
        %dma_wait3A_1337 = tpu.memref_slice %arg14[%dma_wait3A_1336] : memref<100096xf32, #tpu.memory_space<vmem_shared>> -> memref<100096xf32, #tpu.memory_space<vmem_shared>>
        tpu.wait_indirect_dma semaphore(%arg17 : memref<!tpu.dma_semaphore, #tpu.memory_space<semaphore_mem>>) src(%dma_wait3A_1332 : memref<128xf32, #tpu.memory_space<vmem>>) dst(%dma_wait3A_1337 : memref<100096xf32, #tpu.memory_space<vmem_shared>>)
        %dma_wait3A_1338 = arith.constant 1 : i32
        %dma_wait3A_1339 = arith.constant 1536 : i32
        %dma_wait3A_1340 = tpu.memref_slice %arg11[%dma_wait3A_1339] : memref<2048xf32, #tpu.memory_space<vmem>> -> memref<128xf32, #tpu.memory_space<vmem>>
        %dma_wait3A_1341 = arith.constant 1536 : i32
        %dma_wait3A_1342 = tpu.memref_slice %arg10[%dma_wait3A_1338, %dma_wait3A_1341] : memref<2x2048xi32, #tpu.memory_space<vmem>> -> memref<1x128xi32, #tpu.memory_space<vmem>>
        %dma_wait3A_1343 = tpu.memref_squeeze %dma_wait3A_1342 : memref<1x128xi32, #tpu.memory_space<vmem>> -> memref<128xi32, #tpu.memory_space<vmem>>
        %dma_wait3A_1344 = arith.constant 0 : i32
        %dma_wait3A_1345 = tpu.memref_slice %arg14[%dma_wait3A_1344] : memref<100096xf32, #tpu.memory_space<vmem_shared>> -> memref<100096xf32, #tpu.memory_space<vmem_shared>>
        tpu.wait_indirect_dma semaphore(%arg17 : memref<!tpu.dma_semaphore, #tpu.memory_space<semaphore_mem>>) src(%dma_wait3A_1340 : memref<128xf32, #tpu.memory_space<vmem>>) dst(%dma_wait3A_1345 : memref<100096xf32, #tpu.memory_space<vmem_shared>>)
        %dma_wait3A_1346 = arith.constant 1 : i32
        %dma_wait3A_1347 = arith.constant 1664 : i32
        %dma_wait3A_1348 = tpu.memref_slice %arg11[%dma_wait3A_1347] : memref<2048xf32, #tpu.memory_space<vmem>> -> memref<128xf32, #tpu.memory_space<vmem>>
        %dma_wait3A_1349 = arith.constant 1664 : i32
        %dma_wait3A_1350 = tpu.memref_slice %arg10[%dma_wait3A_1346, %dma_wait3A_1349] : memref<2x2048xi32, #tpu.memory_space<vmem>> -> memref<1x128xi32, #tpu.memory_space<vmem>>
        %dma_wait3A_1351 = tpu.memref_squeeze %dma_wait3A_1350 : memref<1x128xi32, #tpu.memory_space<vmem>> -> memref<128xi32, #tpu.memory_space<vmem>>
        %dma_wait3A_1352 = arith.constant 0 : i32
        %dma_wait3A_1353 = tpu.memref_slice %arg14[%dma_wait3A_1352] : memref<100096xf32, #tpu.memory_space<vmem_shared>> -> memref<100096xf32, #tpu.memory_space<vmem_shared>>
        tpu.wait_indirect_dma semaphore(%arg17 : memref<!tpu.dma_semaphore, #tpu.memory_space<semaphore_mem>>) src(%dma_wait3A_1348 : memref<128xf32, #tpu.memory_space<vmem>>) dst(%dma_wait3A_1353 : memref<100096xf32, #tpu.memory_space<vmem_shared>>)
        %dma_wait3A_1354 = arith.constant 1 : i32
        %dma_wait3A_1355 = arith.constant 1792 : i32
        %dma_wait3A_1356 = tpu.memref_slice %arg11[%dma_wait3A_1355] : memref<2048xf32, #tpu.memory_space<vmem>> -> memref<128xf32, #tpu.memory_space<vmem>>
        %dma_wait3A_1357 = arith.constant 1792 : i32
        %dma_wait3A_1358 = tpu.memref_slice %arg10[%dma_wait3A_1354, %dma_wait3A_1357] : memref<2x2048xi32, #tpu.memory_space<vmem>> -> memref<1x128xi32, #tpu.memory_space<vmem>>
        %dma_wait3A_1359 = tpu.memref_squeeze %dma_wait3A_1358 : memref<1x128xi32, #tpu.memory_space<vmem>> -> memref<128xi32, #tpu.memory_space<vmem>>
        %dma_wait3A_1360 = arith.constant 0 : i32
        %dma_wait3A_1361 = tpu.memref_slice %arg14[%dma_wait3A_1360] : memref<100096xf32, #tpu.memory_space<vmem_shared>> -> memref<100096xf32, #tpu.memory_space<vmem_shared>>
        tpu.wait_indirect_dma semaphore(%arg17 : memref<!tpu.dma_semaphore, #tpu.memory_space<semaphore_mem>>) src(%dma_wait3A_1356 : memref<128xf32, #tpu.memory_space<vmem>>) dst(%dma_wait3A_1361 : memref<100096xf32, #tpu.memory_space<vmem_shared>>)
        %dma_wait3A_1362 = arith.constant 1 : i32
        %dma_wait3A_1363 = arith.constant 1920 : i32
        %dma_wait3A_1364 = tpu.memref_slice %arg11[%dma_wait3A_1363] : memref<2048xf32, #tpu.memory_space<vmem>> -> memref<128xf32, #tpu.memory_space<vmem>>
        %dma_wait3A_1365 = arith.constant 1920 : i32
        %dma_wait3A_1366 = tpu.memref_slice %arg10[%dma_wait3A_1362, %dma_wait3A_1365] : memref<2x2048xi32, #tpu.memory_space<vmem>> -> memref<1x128xi32, #tpu.memory_space<vmem>>
        %dma_wait3A_1367 = tpu.memref_squeeze %dma_wait3A_1366 : memref<1x128xi32, #tpu.memory_space<vmem>> -> memref<128xi32, #tpu.memory_space<vmem>>
        %dma_wait3A_1368 = arith.constant 0 : i32
        %dma_wait3A_1369 = tpu.memref_slice %arg14[%dma_wait3A_1368] : memref<100096xf32, #tpu.memory_space<vmem_shared>> -> memref<100096xf32, #tpu.memory_space<vmem_shared>>
        tpu.wait_indirect_dma semaphore(%arg17 : memref<!tpu.dma_semaphore, #tpu.memory_space<semaphore_mem>>) src(%dma_wait3A_1364 : memref<128xf32, #tpu.memory_space<vmem>>) dst(%dma_wait3A_1369 : memref<100096xf32, #tpu.memory_space<vmem_shared>>)
      } else {
      }
      %add3A_383 = arith.constant 0 : i32
      %add3A_384 = arith.addi %mul3A_372, %add3A_383 : i32
      %add3A_385 = arith.constant 2 : i32
      %add3A_386 = arith.addi %add3A_384, %add3A_385 : i32
      %mul3A_387 = arith.constant 2048 : i32
      %mul3A_388 = arith.muli %add3A_386, %mul3A_387 : i32
      %add3A_389 = arith.addi %mul3A_23, %mul3A_388 : i32
      %dma_start3A_390 = arith.constant 0 : i32
      %dma_start3A_391 = tpu.memref_slice %arg3[%dma_start3A_390, %add3A_389] : memref<2x3200000xi32, #tpu.memory_space<hbm>> -> memref<2x2048xi32, #tpu.memory_space<hbm>>
      %dma_start3A_392 = arith.constant 0 : i32
      %dma_start3A_393 = tpu.memref_slice %arg3[%dma_start3A_392, %add3A_389] : memref<2x3200000xi32, #tpu.memory_space<hbm>> -> memref<2x2048xi32, #tpu.memory_space<hbm>>
      tpu.enqueue_dma source(%dma_start3A_393 : memref<2x2048xi32, #tpu.memory_space<hbm>>) target(%arg10 : memref<2x2048xi32, #tpu.memory_space<vmem>>) target_semaphore(%arg21 : memref<!tpu.dma_semaphore, #tpu.memory_space<semaphore_mem>>)
      %scan3A_394 = arith.constant 0 : i32
      %scan3A_395 = arith.constant 0 : i32
      %scan3A_396 = arith.constant 32 : i32
      %scan3A_397 = arith.addi %scan3A_395, %scan3A_396 : i32
      %scan3A_398 = arith.constant 1 : i32
      scf.for %scan3A_1242 = %scan3A_395 to %scan3A_397 step %scan3A_398  : i32 {
        %mul3A_1243 = arith.constant 4 : i32
        %mul3A_1244 = arith.muli %scan3A_1242, %mul3A_1243 : i32
        %add3A_1245 = arith.constant 0 : i32
        %add3A_1246 = arith.addi %mul3A_1244, %add3A_1245 : i32
        %mul3A_1247 = arith.constant 16 : i32
        %mul3A_1248 = arith.muli %add3A_1246, %mul3A_1247 : i32
        %get3A = arith.constant 0 : i32
        %get3A_1249 = arith.index_cast %get3A : i32 to index
        %get3A_1250 = arith.index_cast %mul3A_1248 : i32 to index
        %get3A_1251 = tpu.vector_load %arg6[%get3A_1249, %get3A_1250] {strides = array<i32>} : memref<2x2048xi32, #tpu.memory_space<vmem>>, vector<16xi32>,
        %get3A_1252 = arith.constant 1 : i32
        %get3A_1253 = arith.index_cast %get3A_1252 : i32 to index
        %get3A_1254 = arith.index_cast %mul3A_1248 : i32 to index
        %get3A_1255 = tpu.vector_load %arg6[%get3A_1253, %get3A_1254] {strides = array<i32>} : memref<2x2048xi32, #tpu.memory_space<vmem>>, vector<16xi32>,
        %gather3A = tpu.vector_load_idx %arg5[%get3A_1255] : memref<100000xf32, #tpu.memory_space<vmem>>[vector<16xi32>], vector<16xf32>,
        %gather3A_1256 = tpu.vector_load_idx %arg5[%get3A_1251] : memref<100000xf32, #tpu.memory_space<vmem>>[vector<16xi32>], vector<16xf32>,
        %sub3A = arith.subf %gather3A, %gather3A_1256 : vector<16xf32>
        %swap3A = arith.index_cast %mul3A_1248 : i32 to index
        %swap3A_1257 = tpu.vector_load %arg7[%swap3A] {strides = array<i32>} : memref<2048xf32, #tpu.memory_space<vmem>>, vector<16xf32>,
        tpu.vector_store %arg7[%swap3A], %sub3A {strides = array<i32>} : memref<2048xf32, #tpu.memory_space<vmem>>, vector<16xf32>,
        %mul3A_1258 = arith.constant 4 : i32
        %mul3A_1259 = arith.muli %scan3A_1242, %mul3A_1258 : i32
        %add3A_1260 = arith.constant 1 : i32
        %add3A_1261 = arith.addi %mul3A_1259, %add3A_1260 : i32
        %mul3A_1262 = arith.constant 16 : i32
        %mul3A_1263 = arith.muli %add3A_1261, %mul3A_1262 : i32
        %get3A_1264 = arith.constant 0 : i32
        %get3A_1265 = arith.index_cast %get3A_1264 : i32 to index
        %get3A_1266 = arith.index_cast %mul3A_1263 : i32 to index
        %get3A_1267 = tpu.vector_load %arg6[%get3A_1265, %get3A_1266] {strides = array<i32>} : memref<2x2048xi32, #tpu.memory_space<vmem>>, vector<16xi32>,
        %get3A_1268 = arith.constant 1 : i32
        %get3A_1269 = arith.index_cast %get3A_1268 : i32 to index
        %get3A_1270 = arith.index_cast %mul3A_1263 : i32 to index
        %get3A_1271 = tpu.vector_load %arg6[%get3A_1269, %get3A_1270] {strides = array<i32>} : memref<2x2048xi32, #tpu.memory_space<vmem>>, vector<16xi32>,
        %gather3A_1272 = tpu.vector_load_idx %arg5[%get3A_1271] : memref<100000xf32, #tpu.memory_space<vmem>>[vector<16xi32>], vector<16xf32>,
        %gather3A_1273 = tpu.vector_load_idx %arg5[%get3A_1267] : memref<100000xf32, #tpu.memory_space<vmem>>[vector<16xi32>], vector<16xf32>,
        %sub3A_1274 = arith.subf %gather3A_1272, %gather3A_1273 : vector<16xf32>
        %swap3A_1275 = arith.index_cast %mul3A_1263 : i32 to index
        %swap3A_1276 = tpu.vector_load %arg7[%swap3A_1275] {strides = array<i32>} : memref<2048xf32, #tpu.memory_space<vmem>>, vector<16xf32>,
        tpu.vector_store %arg7[%swap3A_1275], %sub3A_1274 {strides = array<i32>} : memref<2048xf32, #tpu.memory_space<vmem>>, vector<16xf32>,
        %mul3A_1277 = arith.constant 4 : i32
        %mul3A_1278 = arith.muli %scan3A_1242, %mul3A_1277 : i32
        %add3A_1279 = arith.constant 2 : i32
        %add3A_1280 = arith.addi %mul3A_1278, %add3A_1279 : i32
        %mul3A_1281 = arith.constant 16 : i32
        %mul3A_1282 = arith.muli %add3A_1280, %mul3A_1281 : i32
        %get3A_1283 = arith.constant 0 : i32
        %get3A_1284 = arith.index_cast %get3A_1283 : i32 to index
        %get3A_1285 = arith.index_cast %mul3A_1282 : i32 to index
        %get3A_1286 = tpu.vector_load %arg6[%get3A_1284, %get3A_1285] {strides = array<i32>} : memref<2x2048xi32, #tpu.memory_space<vmem>>, vector<16xi32>,
        %get3A_1287 = arith.constant 1 : i32
        %get3A_1288 = arith.index_cast %get3A_1287 : i32 to index
        %get3A_1289 = arith.index_cast %mul3A_1282 : i32 to index
        %get3A_1290 = tpu.vector_load %arg6[%get3A_1288, %get3A_1289] {strides = array<i32>} : memref<2x2048xi32, #tpu.memory_space<vmem>>, vector<16xi32>,
        %gather3A_1291 = tpu.vector_load_idx %arg5[%get3A_1290] : memref<100000xf32, #tpu.memory_space<vmem>>[vector<16xi32>], vector<16xf32>,
        %gather3A_1292 = tpu.vector_load_idx %arg5[%get3A_1286] : memref<100000xf32, #tpu.memory_space<vmem>>[vector<16xi32>], vector<16xf32>,
        %sub3A_1293 = arith.subf %gather3A_1291, %gather3A_1292 : vector<16xf32>
        %swap3A_1294 = arith.index_cast %mul3A_1282 : i32 to index
        %swap3A_1295 = tpu.vector_load %arg7[%swap3A_1294] {strides = array<i32>} : memref<2048xf32, #tpu.memory_space<vmem>>, vector<16xf32>,
        tpu.vector_store %arg7[%swap3A_1294], %sub3A_1293 {strides = array<i32>} : memref<2048xf32, #tpu.memory_space<vmem>>, vector<16xf32>,
        %mul3A_1296 = arith.constant 4 : i32
        %mul3A_1297 = arith.muli %scan3A_1242, %mul3A_1296 : i32
        %add3A_1298 = arith.constant 3 : i32
        %add3A_1299 = arith.addi %mul3A_1297, %add3A_1298 : i32
        %mul3A_1300 = arith.constant 16 : i32
        %mul3A_1301 = arith.muli %add3A_1299, %mul3A_1300 : i32
        %get3A_1302 = arith.constant 0 : i32
        %get3A_1303 = arith.index_cast %get3A_1302 : i32 to index
        %get3A_1304 = arith.index_cast %mul3A_1301 : i32 to index
        %get3A_1305 = tpu.vector_load %arg6[%get3A_1303, %get3A_1304] {strides = array<i32>} : memref<2x2048xi32, #tpu.memory_space<vmem>>, vector<16xi32>,
        %get3A_1306 = arith.constant 1 : i32
        %get3A_1307 = arith.index_cast %get3A_1306 : i32 to index
        %get3A_1308 = arith.index_cast %mul3A_1301 : i32 to index
        %get3A_1309 = tpu.vector_load %arg6[%get3A_1307, %get3A_1308] {strides = array<i32>} : memref<2x2048xi32, #tpu.memory_space<vmem>>, vector<16xi32>,
        %gather3A_1310 = tpu.vector_load_idx %arg5[%get3A_1309] : memref<100000xf32, #tpu.memory_space<vmem>>[vector<16xi32>], vector<16xf32>,
        %gather3A_1311 = tpu.vector_load_idx %arg5[%get3A_1305] : memref<100000xf32, #tpu.memory_space<vmem>>[vector<16xi32>], vector<16xf32>,
        %sub3A_1312 = arith.subf %gather3A_1310, %gather3A_1311 : vector<16xf32>
        %swap3A_1313 = arith.index_cast %mul3A_1301 : i32 to index
        %swap3A_1314 = tpu.vector_load %arg7[%swap3A_1313] {strides = array<i32>} : memref<2048xf32, #tpu.memory_space<vmem>>, vector<16xf32>,
        tpu.vector_store %arg7[%swap3A_1313], %sub3A_1312 {strides = array<i32>} : memref<2048xf32, #tpu.memory_space<vmem>>, vector<16xf32>,
      }
      %scan3A_399 = arith.constant 32 : i32
      %dma_start3A_400 = arith.constant 1 : i32
      %dma_start3A_401 = arith.constant 0 : i32
      %dma_start3A_402 = tpu.memref_slice %arg7[%dma_start3A_401] : memref<2048xf32, #tpu.memory_space<vmem>> -> memref<128xf32, #tpu.memory_space<vmem>>
      %dma_start3A_403 = arith.constant 0 : i32
      %dma_start3A_404 = tpu.memref_slice %arg6[%dma_start3A_400, %dma_start3A_403] : memref<2x2048xi32, #tpu.memory_space<vmem>> -> memref<1x128xi32, #tpu.memory_space<vmem>>
      %dma_start3A_405 = tpu.memref_squeeze %dma_start3A_404 : memref<1x128xi32, #tpu.memory_space<vmem>> -> memref<128xi32, #tpu.memory_space<vmem>>
      %dma_start3A_406 = arith.constant 0 : i32
      %dma_start3A_407 = tpu.memref_slice %arg14[%dma_start3A_406] : memref<100096xf32, #tpu.memory_space<vmem_shared>> -> memref<100096xf32, #tpu.memory_space<vmem_shared>>
      tpu.enqueue_indirect_dma source(%dma_start3A_402 : memref<128xf32, #tpu.memory_space<vmem>>) target(%dma_start3A_407 : memref<100096xf32, #tpu.memory_space<vmem_shared>>) offsets(%dma_start3A_405 : memref<128xi32, #tpu.memory_space<vmem>>) semaphore(%arg15 : memref<!tpu.dma_semaphore, #tpu.memory_space<semaphore_mem>>) {add = true}
      %dma_start3A_408 = arith.constant 1 : i32
      %dma_start3A_409 = arith.constant 128 : i32
      %dma_start3A_410 = tpu.memref_slice %arg7[%dma_start3A_409] : memref<2048xf32, #tpu.memory_space<vmem>> -> memref<128xf32, #tpu.memory_space<vmem>>
      %dma_start3A_411 = arith.constant 128 : i32
      %dma_start3A_412 = tpu.memref_slice %arg6[%dma_start3A_408, %dma_start3A_411] : memref<2x2048xi32, #tpu.memory_space<vmem>> -> memref<1x128xi32, #tpu.memory_space<vmem>>
      %dma_start3A_413 = tpu.memref_squeeze %dma_start3A_412 : memref<1x128xi32, #tpu.memory_space<vmem>> -> memref<128xi32, #tpu.memory_space<vmem>>
      %dma_start3A_414 = arith.constant 0 : i32
      %dma_start3A_415 = tpu.memref_slice %arg14[%dma_start3A_414] : memref<100096xf32, #tpu.memory_space<vmem_shared>> -> memref<100096xf32, #tpu.memory_space<vmem_shared>>
      tpu.enqueue_indirect_dma source(%dma_start3A_410 : memref<128xf32, #tpu.memory_space<vmem>>) target(%dma_start3A_415 : memref<100096xf32, #tpu.memory_space<vmem_shared>>) offsets(%dma_start3A_413 : memref<128xi32, #tpu.memory_space<vmem>>) semaphore(%arg15 : memref<!tpu.dma_semaphore, #tpu.memory_space<semaphore_mem>>) {add = true}
      %dma_start3A_416 = arith.constant 1 : i32
      %dma_start3A_417 = arith.constant 256 : i32
      %dma_start3A_418 = tpu.memref_slice %arg7[%dma_start3A_417] : memref<2048xf32, #tpu.memory_space<vmem>> -> memref<128xf32, #tpu.memory_space<vmem>>
      %dma_start3A_419 = arith.constant 256 : i32
      %dma_start3A_420 = tpu.memref_slice %arg6[%dma_start3A_416, %dma_start3A_419] : memref<2x2048xi32, #tpu.memory_space<vmem>> -> memref<1x128xi32, #tpu.memory_space<vmem>>
      %dma_start3A_421 = tpu.memref_squeeze %dma_start3A_420 : memref<1x128xi32, #tpu.memory_space<vmem>> -> memref<128xi32, #tpu.memory_space<vmem>>
      %dma_start3A_422 = arith.constant 0 : i32
      %dma_start3A_423 = tpu.memref_slice %arg14[%dma_start3A_422] : memref<100096xf32, #tpu.memory_space<vmem_shared>> -> memref<100096xf32, #tpu.memory_space<vmem_shared>>
      tpu.enqueue_indirect_dma source(%dma_start3A_418 : memref<128xf32, #tpu.memory_space<vmem>>) target(%dma_start3A_423 : memref<100096xf32, #tpu.memory_space<vmem_shared>>) offsets(%dma_start3A_421 : memref<128xi32, #tpu.memory_space<vmem>>) semaphore(%arg15 : memref<!tpu.dma_semaphore, #tpu.memory_space<semaphore_mem>>) {add = true}
      %dma_start3A_424 = arith.constant 1 : i32
      %dma_start3A_425 = arith.constant 384 : i32
      %dma_start3A_426 = tpu.memref_slice %arg7[%dma_start3A_425] : memref<2048xf32, #tpu.memory_space<vmem>> -> memref<128xf32, #tpu.memory_space<vmem>>
      %dma_start3A_427 = arith.constant 384 : i32
      %dma_start3A_428 = tpu.memref_slice %arg6[%dma_start3A_424, %dma_start3A_427] : memref<2x2048xi32, #tpu.memory_space<vmem>> -> memref<1x128xi32, #tpu.memory_space<vmem>>
      %dma_start3A_429 = tpu.memref_squeeze %dma_start3A_428 : memref<1x128xi32, #tpu.memory_space<vmem>> -> memref<128xi32, #tpu.memory_space<vmem>>
      %dma_start3A_430 = arith.constant 0 : i32
      %dma_start3A_431 = tpu.memref_slice %arg14[%dma_start3A_430] : memref<100096xf32, #tpu.memory_space<vmem_shared>> -> memref<100096xf32, #tpu.memory_space<vmem_shared>>
      tpu.enqueue_indirect_dma source(%dma_start3A_426 : memref<128xf32, #tpu.memory_space<vmem>>) target(%dma_start3A_431 : memref<100096xf32, #tpu.memory_space<vmem_shared>>) offsets(%dma_start3A_429 : memref<128xi32, #tpu.memory_space<vmem>>) semaphore(%arg15 : memref<!tpu.dma_semaphore, #tpu.memory_space<semaphore_mem>>) {add = true}
      %dma_start3A_432 = arith.constant 1 : i32
      %dma_start3A_433 = arith.constant 512 : i32
      %dma_start3A_434 = tpu.memref_slice %arg7[%dma_start3A_433] : memref<2048xf32, #tpu.memory_space<vmem>> -> memref<128xf32, #tpu.memory_space<vmem>>
      %dma_start3A_435 = arith.constant 512 : i32
      %dma_start3A_436 = tpu.memref_slice %arg6[%dma_start3A_432, %dma_start3A_435] : memref<2x2048xi32, #tpu.memory_space<vmem>> -> memref<1x128xi32, #tpu.memory_space<vmem>>
      %dma_start3A_437 = tpu.memref_squeeze %dma_start3A_436 : memref<1x128xi32, #tpu.memory_space<vmem>> -> memref<128xi32, #tpu.memory_space<vmem>>
      %dma_start3A_438 = arith.constant 0 : i32
      %dma_start3A_439 = tpu.memref_slice %arg14[%dma_start3A_438] : memref<100096xf32, #tpu.memory_space<vmem_shared>> -> memref<100096xf32, #tpu.memory_space<vmem_shared>>
      tpu.enqueue_indirect_dma source(%dma_start3A_434 : memref<128xf32, #tpu.memory_space<vmem>>) target(%dma_start3A_439 : memref<100096xf32, #tpu.memory_space<vmem_shared>>) offsets(%dma_start3A_437 : memref<128xi32, #tpu.memory_space<vmem>>) semaphore(%arg15 : memref<!tpu.dma_semaphore, #tpu.memory_space<semaphore_mem>>) {add = true}
      %dma_start3A_440 = arith.constant 1 : i32
      %dma_start3A_441 = arith.constant 640 : i32
      %dma_start3A_442 = tpu.memref_slice %arg7[%dma_start3A_441] : memref<2048xf32, #tpu.memory_space<vmem>> -> memref<128xf32, #tpu.memory_space<vmem>>
      %dma_start3A_443 = arith.constant 640 : i32
      %dma_start3A_444 = tpu.memref_slice %arg6[%dma_start3A_440, %dma_start3A_443] : memref<2x2048xi32, #tpu.memory_space<vmem>> -> memref<1x128xi32, #tpu.memory_space<vmem>>
      %dma_start3A_445 = tpu.memref_squeeze %dma_start3A_444 : memref<1x128xi32, #tpu.memory_space<vmem>> -> memref<128xi32, #tpu.memory_space<vmem>>
      %dma_start3A_446 = arith.constant 0 : i32
      %dma_start3A_447 = tpu.memref_slice %arg14[%dma_start3A_446] : memref<100096xf32, #tpu.memory_space<vmem_shared>> -> memref<100096xf32, #tpu.memory_space<vmem_shared>>
      tpu.enqueue_indirect_dma source(%dma_start3A_442 : memref<128xf32, #tpu.memory_space<vmem>>) target(%dma_start3A_447 : memref<100096xf32, #tpu.memory_space<vmem_shared>>) offsets(%dma_start3A_445 : memref<128xi32, #tpu.memory_space<vmem>>) semaphore(%arg15 : memref<!tpu.dma_semaphore, #tpu.memory_space<semaphore_mem>>) {add = true}
      %dma_start3A_448 = arith.constant 1 : i32
      %dma_start3A_449 = arith.constant 768 : i32
      %dma_start3A_450 = tpu.memref_slice %arg7[%dma_start3A_449] : memref<2048xf32, #tpu.memory_space<vmem>> -> memref<128xf32, #tpu.memory_space<vmem>>
      %dma_start3A_451 = arith.constant 768 : i32
      %dma_start3A_452 = tpu.memref_slice %arg6[%dma_start3A_448, %dma_start3A_451] : memref<2x2048xi32, #tpu.memory_space<vmem>> -> memref<1x128xi32, #tpu.memory_space<vmem>>
      %dma_start3A_453 = tpu.memref_squeeze %dma_start3A_452 : memref<1x128xi32, #tpu.memory_space<vmem>> -> memref<128xi32, #tpu.memory_space<vmem>>
      %dma_start3A_454 = arith.constant 0 : i32
      %dma_start3A_455 = tpu.memref_slice %arg14[%dma_start3A_454] : memref<100096xf32, #tpu.memory_space<vmem_shared>> -> memref<100096xf32, #tpu.memory_space<vmem_shared>>
      tpu.enqueue_indirect_dma source(%dma_start3A_450 : memref<128xf32, #tpu.memory_space<vmem>>) target(%dma_start3A_455 : memref<100096xf32, #tpu.memory_space<vmem_shared>>) offsets(%dma_start3A_453 : memref<128xi32, #tpu.memory_space<vmem>>) semaphore(%arg15 : memref<!tpu.dma_semaphore, #tpu.memory_space<semaphore_mem>>) {add = true}
      %dma_start3A_456 = arith.constant 1 : i32
      %dma_start3A_457 = arith.constant 896 : i32
      %dma_start3A_458 = tpu.memref_slice %arg7[%dma_start3A_457] : memref<2048xf32, #tpu.memory_space<vmem>> -> memref<128xf32, #tpu.memory_space<vmem>>
      %dma_start3A_459 = arith.constant 896 : i32
      %dma_start3A_460 = tpu.memref_slice %arg6[%dma_start3A_456, %dma_start3A_459] : memref<2x2048xi32, #tpu.memory_space<vmem>> -> memref<1x128xi32, #tpu.memory_space<vmem>>
      %dma_start3A_461 = tpu.memref_squeeze %dma_start3A_460 : memref<1x128xi32, #tpu.memory_space<vmem>> -> memref<128xi32, #tpu.memory_space<vmem>>
      %dma_start3A_462 = arith.constant 0 : i32
      %dma_start3A_463 = tpu.memref_slice %arg14[%dma_start3A_462] : memref<100096xf32, #tpu.memory_space<vmem_shared>> -> memref<100096xf32, #tpu.memory_space<vmem_shared>>
      tpu.enqueue_indirect_dma source(%dma_start3A_458 : memref<128xf32, #tpu.memory_space<vmem>>) target(%dma_start3A_463 : memref<100096xf32, #tpu.memory_space<vmem_shared>>) offsets(%dma_start3A_461 : memref<128xi32, #tpu.memory_space<vmem>>) semaphore(%arg15 : memref<!tpu.dma_semaphore, #tpu.memory_space<semaphore_mem>>) {add = true}
      %dma_start3A_464 = arith.constant 1 : i32
      %dma_start3A_465 = arith.constant 1024 : i32
      %dma_start3A_466 = tpu.memref_slice %arg7[%dma_start3A_465] : memref<2048xf32, #tpu.memory_space<vmem>> -> memref<128xf32, #tpu.memory_space<vmem>>
      %dma_start3A_467 = arith.constant 1024 : i32
      %dma_start3A_468 = tpu.memref_slice %arg6[%dma_start3A_464, %dma_start3A_467] : memref<2x2048xi32, #tpu.memory_space<vmem>> -> memref<1x128xi32, #tpu.memory_space<vmem>>
      %dma_start3A_469 = tpu.memref_squeeze %dma_start3A_468 : memref<1x128xi32, #tpu.memory_space<vmem>> -> memref<128xi32, #tpu.memory_space<vmem>>
      %dma_start3A_470 = arith.constant 0 : i32
      %dma_start3A_471 = tpu.memref_slice %arg14[%dma_start3A_470] : memref<100096xf32, #tpu.memory_space<vmem_shared>> -> memref<100096xf32, #tpu.memory_space<vmem_shared>>
      tpu.enqueue_indirect_dma source(%dma_start3A_466 : memref<128xf32, #tpu.memory_space<vmem>>) target(%dma_start3A_471 : memref<100096xf32, #tpu.memory_space<vmem_shared>>) offsets(%dma_start3A_469 : memref<128xi32, #tpu.memory_space<vmem>>) semaphore(%arg15 : memref<!tpu.dma_semaphore, #tpu.memory_space<semaphore_mem>>) {add = true}
      %dma_start3A_472 = arith.constant 1 : i32
      %dma_start3A_473 = arith.constant 1152 : i32
      %dma_start3A_474 = tpu.memref_slice %arg7[%dma_start3A_473] : memref<2048xf32, #tpu.memory_space<vmem>> -> memref<128xf32, #tpu.memory_space<vmem>>
      %dma_start3A_475 = arith.constant 1152 : i32
      %dma_start3A_476 = tpu.memref_slice %arg6[%dma_start3A_472, %dma_start3A_475] : memref<2x2048xi32, #tpu.memory_space<vmem>> -> memref<1x128xi32, #tpu.memory_space<vmem>>
      %dma_start3A_477 = tpu.memref_squeeze %dma_start3A_476 : memref<1x128xi32, #tpu.memory_space<vmem>> -> memref<128xi32, #tpu.memory_space<vmem>>
      %dma_start3A_478 = arith.constant 0 : i32
      %dma_start3A_479 = tpu.memref_slice %arg14[%dma_start3A_478] : memref<100096xf32, #tpu.memory_space<vmem_shared>> -> memref<100096xf32, #tpu.memory_space<vmem_shared>>
      tpu.enqueue_indirect_dma source(%dma_start3A_474 : memref<128xf32, #tpu.memory_space<vmem>>) target(%dma_start3A_479 : memref<100096xf32, #tpu.memory_space<vmem_shared>>) offsets(%dma_start3A_477 : memref<128xi32, #tpu.memory_space<vmem>>) semaphore(%arg15 : memref<!tpu.dma_semaphore, #tpu.memory_space<semaphore_mem>>) {add = true}
      %dma_start3A_480 = arith.constant 1 : i32
      %dma_start3A_481 = arith.constant 1280 : i32
      %dma_start3A_482 = tpu.memref_slice %arg7[%dma_start3A_481] : memref<2048xf32, #tpu.memory_space<vmem>> -> memref<128xf32, #tpu.memory_space<vmem>>
      %dma_start3A_483 = arith.constant 1280 : i32
      %dma_start3A_484 = tpu.memref_slice %arg6[%dma_start3A_480, %dma_start3A_483] : memref<2x2048xi32, #tpu.memory_space<vmem>> -> memref<1x128xi32, #tpu.memory_space<vmem>>
      %dma_start3A_485 = tpu.memref_squeeze %dma_start3A_484 : memref<1x128xi32, #tpu.memory_space<vmem>> -> memref<128xi32, #tpu.memory_space<vmem>>
      %dma_start3A_486 = arith.constant 0 : i32
      %dma_start3A_487 = tpu.memref_slice %arg14[%dma_start3A_486] : memref<100096xf32, #tpu.memory_space<vmem_shared>> -> memref<100096xf32, #tpu.memory_space<vmem_shared>>
      tpu.enqueue_indirect_dma source(%dma_start3A_482 : memref<128xf32, #tpu.memory_space<vmem>>) target(%dma_start3A_487 : memref<100096xf32, #tpu.memory_space<vmem_shared>>) offsets(%dma_start3A_485 : memref<128xi32, #tpu.memory_space<vmem>>) semaphore(%arg15 : memref<!tpu.dma_semaphore, #tpu.memory_space<semaphore_mem>>) {add = true}
      %dma_start3A_488 = arith.constant 1 : i32
      %dma_start3A_489 = arith.constant 1408 : i32
      %dma_start3A_490 = tpu.memref_slice %arg7[%dma_start3A_489] : memref<2048xf32, #tpu.memory_space<vmem>> -> memref<128xf32, #tpu.memory_space<vmem>>
      %dma_start3A_491 = arith.constant 1408 : i32
      %dma_start3A_492 = tpu.memref_slice %arg6[%dma_start3A_488, %dma_start3A_491] : memref<2x2048xi32, #tpu.memory_space<vmem>> -> memref<1x128xi32, #tpu.memory_space<vmem>>
      %dma_start3A_493 = tpu.memref_squeeze %dma_start3A_492 : memref<1x128xi32, #tpu.memory_space<vmem>> -> memref<128xi32, #tpu.memory_space<vmem>>
      %dma_start3A_494 = arith.constant 0 : i32
      %dma_start3A_495 = tpu.memref_slice %arg14[%dma_start3A_494] : memref<100096xf32, #tpu.memory_space<vmem_shared>> -> memref<100096xf32, #tpu.memory_space<vmem_shared>>
      tpu.enqueue_indirect_dma source(%dma_start3A_490 : memref<128xf32, #tpu.memory_space<vmem>>) target(%dma_start3A_495 : memref<100096xf32, #tpu.memory_space<vmem_shared>>) offsets(%dma_start3A_493 : memref<128xi32, #tpu.memory_space<vmem>>) semaphore(%arg15 : memref<!tpu.dma_semaphore, #tpu.memory_space<semaphore_mem>>) {add = true}
      %dma_start3A_496 = arith.constant 1 : i32
      %dma_start3A_497 = arith.constant 1536 : i32
      %dma_start3A_498 = tpu.memref_slice %arg7[%dma_start3A_497] : memref<2048xf32, #tpu.memory_space<vmem>> -> memref<128xf32, #tpu.memory_space<vmem>>
      %dma_start3A_499 = arith.constant 1536 : i32
      %dma_start3A_500 = tpu.memref_slice %arg6[%dma_start3A_496, %dma_start3A_499] : memref<2x2048xi32, #tpu.memory_space<vmem>> -> memref<1x128xi32, #tpu.memory_space<vmem>>
      %dma_start3A_501 = tpu.memref_squeeze %dma_start3A_500 : memref<1x128xi32, #tpu.memory_space<vmem>> -> memref<128xi32, #tpu.memory_space<vmem>>
      %dma_start3A_502 = arith.constant 0 : i32
      %dma_start3A_503 = tpu.memref_slice %arg14[%dma_start3A_502] : memref<100096xf32, #tpu.memory_space<vmem_shared>> -> memref<100096xf32, #tpu.memory_space<vmem_shared>>
      tpu.enqueue_indirect_dma source(%dma_start3A_498 : memref<128xf32, #tpu.memory_space<vmem>>) target(%dma_start3A_503 : memref<100096xf32, #tpu.memory_space<vmem_shared>>) offsets(%dma_start3A_501 : memref<128xi32, #tpu.memory_space<vmem>>) semaphore(%arg15 : memref<!tpu.dma_semaphore, #tpu.memory_space<semaphore_mem>>) {add = true}
      %dma_start3A_504 = arith.constant 1 : i32
      %dma_start3A_505 = arith.constant 1664 : i32
      %dma_start3A_506 = tpu.memref_slice %arg7[%dma_start3A_505] : memref<2048xf32, #tpu.memory_space<vmem>> -> memref<128xf32, #tpu.memory_space<vmem>>
      %dma_start3A_507 = arith.constant 1664 : i32
      %dma_start3A_508 = tpu.memref_slice %arg6[%dma_start3A_504, %dma_start3A_507] : memref<2x2048xi32, #tpu.memory_space<vmem>> -> memref<1x128xi32, #tpu.memory_space<vmem>>
      %dma_start3A_509 = tpu.memref_squeeze %dma_start3A_508 : memref<1x128xi32, #tpu.memory_space<vmem>> -> memref<128xi32, #tpu.memory_space<vmem>>
      %dma_start3A_510 = arith.constant 0 : i32
      %dma_start3A_511 = tpu.memref_slice %arg14[%dma_start3A_510] : memref<100096xf32, #tpu.memory_space<vmem_shared>> -> memref<100096xf32, #tpu.memory_space<vmem_shared>>
      tpu.enqueue_indirect_dma source(%dma_start3A_506 : memref<128xf32, #tpu.memory_space<vmem>>) target(%dma_start3A_511 : memref<100096xf32, #tpu.memory_space<vmem_shared>>) offsets(%dma_start3A_509 : memref<128xi32, #tpu.memory_space<vmem>>) semaphore(%arg15 : memref<!tpu.dma_semaphore, #tpu.memory_space<semaphore_mem>>) {add = true}
      %dma_start3A_512 = arith.constant 1 : i32
      %dma_start3A_513 = arith.constant 1792 : i32
      %dma_start3A_514 = tpu.memref_slice %arg7[%dma_start3A_513] : memref<2048xf32, #tpu.memory_space<vmem>> -> memref<128xf32, #tpu.memory_space<vmem>>
      %dma_start3A_515 = arith.constant 1792 : i32
      %dma_start3A_516 = tpu.memref_slice %arg6[%dma_start3A_512, %dma_start3A_515] : memref<2x2048xi32, #tpu.memory_space<vmem>> -> memref<1x128xi32, #tpu.memory_space<vmem>>
      %dma_start3A_517 = tpu.memref_squeeze %dma_start3A_516 : memref<1x128xi32, #tpu.memory_space<vmem>> -> memref<128xi32, #tpu.memory_space<vmem>>
      %dma_start3A_518 = arith.constant 0 : i32
      %dma_start3A_519 = tpu.memref_slice %arg14[%dma_start3A_518] : memref<100096xf32, #tpu.memory_space<vmem_shared>> -> memref<100096xf32, #tpu.memory_space<vmem_shared>>
      tpu.enqueue_indirect_dma source(%dma_start3A_514 : memref<128xf32, #tpu.memory_space<vmem>>) target(%dma_start3A_519 : memref<100096xf32, #tpu.memory_space<vmem_shared>>) offsets(%dma_start3A_517 : memref<128xi32, #tpu.memory_space<vmem>>) semaphore(%arg15 : memref<!tpu.dma_semaphore, #tpu.memory_space<semaphore_mem>>) {add = true}
      %dma_start3A_520 = arith.constant 1 : i32
      %dma_start3A_521 = arith.constant 1920 : i32
      %dma_start3A_522 = tpu.memref_slice %arg7[%dma_start3A_521] : memref<2048xf32, #tpu.memory_space<vmem>> -> memref<128xf32, #tpu.memory_space<vmem>>
      %dma_start3A_523 = arith.constant 1920 : i32
      %dma_start3A_524 = tpu.memref_slice %arg6[%dma_start3A_520, %dma_start3A_523] : memref<2x2048xi32, #tpu.memory_space<vmem>> -> memref<1x128xi32, #tpu.memory_space<vmem>>
      %dma_start3A_525 = tpu.memref_squeeze %dma_start3A_524 : memref<1x128xi32, #tpu.memory_space<vmem>> -> memref<128xi32, #tpu.memory_space<vmem>>
      %dma_start3A_526 = arith.constant 0 : i32
      %dma_start3A_527 = tpu.memref_slice %arg14[%dma_start3A_526] : memref<100096xf32, #tpu.memory_space<vmem_shared>> -> memref<100096xf32, #tpu.memory_space<vmem_shared>>
      tpu.enqueue_indirect_dma source(%dma_start3A_522 : memref<128xf32, #tpu.memory_space<vmem>>) target(%dma_start3A_527 : memref<100096xf32, #tpu.memory_space<vmem_shared>>) offsets(%dma_start3A_525 : memref<128xi32, #tpu.memory_space<vmem>>) semaphore(%arg15 : memref<!tpu.dma_semaphore, #tpu.memory_space<semaphore_mem>>) {add = true}
      %dma_wait3A_528 = arith.constant 0 : i32
      %dma_wait3A_529 = arith.constant 0 : i32
      %dma_wait3A_530 = tpu.memref_slice %arg3[%dma_wait3A_528, %dma_wait3A_529] : memref<2x3200000xi32, #tpu.memory_space<hbm>> -> memref<2x2048xi32, #tpu.memory_space<hbm>>
      %dma_wait3A_531 = arith.constant 0 : i32
      %dma_wait3A_532 = arith.constant 0 : i32
      %dma_wait3A_533 = tpu.memref_slice %arg3[%dma_wait3A_531, %dma_wait3A_532] : memref<2x3200000xi32, #tpu.memory_space<hbm>> -> memref<2x2048xi32, #tpu.memory_space<hbm>>
      tpu.wait_dma2 semaphore(%arg20 : memref<!tpu.dma_semaphore, #tpu.memory_space<semaphore_mem>>) src(%dma_wait3A_533 : memref<2x2048xi32, #tpu.memory_space<hbm>>) dst(%arg8 : memref<2x2048xi32, #tpu.memory_space<vmem>>)
      %gt3A_534 = arith.constant 0 : i32
      %gt3A_535 = arith.cmpi sgt, %scan3A_370, %gt3A_534 : i32
      %convert_element_type3A_536 = arith.extui %gt3A_535 : i1 to i32
      %cond3A_537 = arith.constant 0 : i32
      %cond3A_538 = arith.cmpi ne, %convert_element_type3A_536, %cond3A_537 : i32
      scf.if %cond3A_538 {
        %dma_wait3A_1242 = arith.constant 1 : i32
        %dma_wait3A_1243 = arith.constant 0 : i32
        %dma_wait3A_1244 = tpu.memref_slice %arg13[%dma_wait3A_1243] : memref<2048xf32, #tpu.memory_space<vmem>> -> memref<128xf32, #tpu.memory_space<vmem>>
        %dma_wait3A_1245 = arith.constant 0 : i32
        %dma_wait3A_1246 = tpu.memref_slice %arg12[%dma_wait3A_1242, %dma_wait3A_1245] : memref<2x2048xi32, #tpu.memory_space<vmem>> -> memref<1x128xi32, #tpu.memory_space<vmem>>
        %dma_wait3A_1247 = tpu.memref_squeeze %dma_wait3A_1246 : memref<1x128xi32, #tpu.memory_space<vmem>> -> memref<128xi32, #tpu.memory_space<vmem>>
        %dma_wait3A_1248 = arith.constant 0 : i32
        %dma_wait3A_1249 = tpu.memref_slice %arg14[%dma_wait3A_1248] : memref<100096xf32, #tpu.memory_space<vmem_shared>> -> memref<100096xf32, #tpu.memory_space<vmem_shared>>
        tpu.wait_indirect_dma semaphore(%arg18 : memref<!tpu.dma_semaphore, #tpu.memory_space<semaphore_mem>>) src(%dma_wait3A_1244 : memref<128xf32, #tpu.memory_space<vmem>>) dst(%dma_wait3A_1249 : memref<100096xf32, #tpu.memory_space<vmem_shared>>)
        %dma_wait3A_1250 = arith.constant 1 : i32
        %dma_wait3A_1251 = arith.constant 128 : i32
        %dma_wait3A_1252 = tpu.memref_slice %arg13[%dma_wait3A_1251] : memref<2048xf32, #tpu.memory_space<vmem>> -> memref<128xf32, #tpu.memory_space<vmem>>
        %dma_wait3A_1253 = arith.constant 128 : i32
        %dma_wait3A_1254 = tpu.memref_slice %arg12[%dma_wait3A_1250, %dma_wait3A_1253] : memref<2x2048xi32, #tpu.memory_space<vmem>> -> memref<1x128xi32, #tpu.memory_space<vmem>>
        %dma_wait3A_1255 = tpu.memref_squeeze %dma_wait3A_1254 : memref<1x128xi32, #tpu.memory_space<vmem>> -> memref<128xi32, #tpu.memory_space<vmem>>
        %dma_wait3A_1256 = arith.constant 0 : i32
        %dma_wait3A_1257 = tpu.memref_slice %arg14[%dma_wait3A_1256] : memref<100096xf32, #tpu.memory_space<vmem_shared>> -> memref<100096xf32, #tpu.memory_space<vmem_shared>>
        tpu.wait_indirect_dma semaphore(%arg18 : memref<!tpu.dma_semaphore, #tpu.memory_space<semaphore_mem>>) src(%dma_wait3A_1252 : memref<128xf32, #tpu.memory_space<vmem>>) dst(%dma_wait3A_1257 : memref<100096xf32, #tpu.memory_space<vmem_shared>>)
        %dma_wait3A_1258 = arith.constant 1 : i32
        %dma_wait3A_1259 = arith.constant 256 : i32
        %dma_wait3A_1260 = tpu.memref_slice %arg13[%dma_wait3A_1259] : memref<2048xf32, #tpu.memory_space<vmem>> -> memref<128xf32, #tpu.memory_space<vmem>>
        %dma_wait3A_1261 = arith.constant 256 : i32
        %dma_wait3A_1262 = tpu.memref_slice %arg12[%dma_wait3A_1258, %dma_wait3A_1261] : memref<2x2048xi32, #tpu.memory_space<vmem>> -> memref<1x128xi32, #tpu.memory_space<vmem>>
        %dma_wait3A_1263 = tpu.memref_squeeze %dma_wait3A_1262 : memref<1x128xi32, #tpu.memory_space<vmem>> -> memref<128xi32, #tpu.memory_space<vmem>>
        %dma_wait3A_1264 = arith.constant 0 : i32
        %dma_wait3A_1265 = tpu.memref_slice %arg14[%dma_wait3A_1264] : memref<100096xf32, #tpu.memory_space<vmem_shared>> -> memref<100096xf32, #tpu.memory_space<vmem_shared>>
        tpu.wait_indirect_dma semaphore(%arg18 : memref<!tpu.dma_semaphore, #tpu.memory_space<semaphore_mem>>) src(%dma_wait3A_1260 : memref<128xf32, #tpu.memory_space<vmem>>) dst(%dma_wait3A_1265 : memref<100096xf32, #tpu.memory_space<vmem_shared>>)
        %dma_wait3A_1266 = arith.constant 1 : i32
        %dma_wait3A_1267 = arith.constant 384 : i32
        %dma_wait3A_1268 = tpu.memref_slice %arg13[%dma_wait3A_1267] : memref<2048xf32, #tpu.memory_space<vmem>> -> memref<128xf32, #tpu.memory_space<vmem>>
        %dma_wait3A_1269 = arith.constant 384 : i32
        %dma_wait3A_1270 = tpu.memref_slice %arg12[%dma_wait3A_1266, %dma_wait3A_1269] : memref<2x2048xi32, #tpu.memory_space<vmem>> -> memref<1x128xi32, #tpu.memory_space<vmem>>
        %dma_wait3A_1271 = tpu.memref_squeeze %dma_wait3A_1270 : memref<1x128xi32, #tpu.memory_space<vmem>> -> memref<128xi32, #tpu.memory_space<vmem>>
        %dma_wait3A_1272 = arith.constant 0 : i32
        %dma_wait3A_1273 = tpu.memref_slice %arg14[%dma_wait3A_1272] : memref<100096xf32, #tpu.memory_space<vmem_shared>> -> memref<100096xf32, #tpu.memory_space<vmem_shared>>
        tpu.wait_indirect_dma semaphore(%arg18 : memref<!tpu.dma_semaphore, #tpu.memory_space<semaphore_mem>>) src(%dma_wait3A_1268 : memref<128xf32, #tpu.memory_space<vmem>>) dst(%dma_wait3A_1273 : memref<100096xf32, #tpu.memory_space<vmem_shared>>)
        %dma_wait3A_1274 = arith.constant 1 : i32
        %dma_wait3A_1275 = arith.constant 512 : i32
        %dma_wait3A_1276 = tpu.memref_slice %arg13[%dma_wait3A_1275] : memref<2048xf32, #tpu.memory_space<vmem>> -> memref<128xf32, #tpu.memory_space<vmem>>
        %dma_wait3A_1277 = arith.constant 512 : i32
        %dma_wait3A_1278 = tpu.memref_slice %arg12[%dma_wait3A_1274, %dma_wait3A_1277] : memref<2x2048xi32, #tpu.memory_space<vmem>> -> memref<1x128xi32, #tpu.memory_space<vmem>>
        %dma_wait3A_1279 = tpu.memref_squeeze %dma_wait3A_1278 : memref<1x128xi32, #tpu.memory_space<vmem>> -> memref<128xi32, #tpu.memory_space<vmem>>
        %dma_wait3A_1280 = arith.constant 0 : i32
        %dma_wait3A_1281 = tpu.memref_slice %arg14[%dma_wait3A_1280] : memref<100096xf32, #tpu.memory_space<vmem_shared>> -> memref<100096xf32, #tpu.memory_space<vmem_shared>>
        tpu.wait_indirect_dma semaphore(%arg18 : memref<!tpu.dma_semaphore, #tpu.memory_space<semaphore_mem>>) src(%dma_wait3A_1276 : memref<128xf32, #tpu.memory_space<vmem>>) dst(%dma_wait3A_1281 : memref<100096xf32, #tpu.memory_space<vmem_shared>>)
        %dma_wait3A_1282 = arith.constant 1 : i32
        %dma_wait3A_1283 = arith.constant 640 : i32
        %dma_wait3A_1284 = tpu.memref_slice %arg13[%dma_wait3A_1283] : memref<2048xf32, #tpu.memory_space<vmem>> -> memref<128xf32, #tpu.memory_space<vmem>>
        %dma_wait3A_1285 = arith.constant 640 : i32
        %dma_wait3A_1286 = tpu.memref_slice %arg12[%dma_wait3A_1282, %dma_wait3A_1285] : memref<2x2048xi32, #tpu.memory_space<vmem>> -> memref<1x128xi32, #tpu.memory_space<vmem>>
        %dma_wait3A_1287 = tpu.memref_squeeze %dma_wait3A_1286 : memref<1x128xi32, #tpu.memory_space<vmem>> -> memref<128xi32, #tpu.memory_space<vmem>>
        %dma_wait3A_1288 = arith.constant 0 : i32
        %dma_wait3A_1289 = tpu.memref_slice %arg14[%dma_wait3A_1288] : memref<100096xf32, #tpu.memory_space<vmem_shared>> -> memref<100096xf32, #tpu.memory_space<vmem_shared>>
        tpu.wait_indirect_dma semaphore(%arg18 : memref<!tpu.dma_semaphore, #tpu.memory_space<semaphore_mem>>) src(%dma_wait3A_1284 : memref<128xf32, #tpu.memory_space<vmem>>) dst(%dma_wait3A_1289 : memref<100096xf32, #tpu.memory_space<vmem_shared>>)
        %dma_wait3A_1290 = arith.constant 1 : i32
        %dma_wait3A_1291 = arith.constant 768 : i32
        %dma_wait3A_1292 = tpu.memref_slice %arg13[%dma_wait3A_1291] : memref<2048xf32, #tpu.memory_space<vmem>> -> memref<128xf32, #tpu.memory_space<vmem>>
        %dma_wait3A_1293 = arith.constant 768 : i32
        %dma_wait3A_1294 = tpu.memref_slice %arg12[%dma_wait3A_1290, %dma_wait3A_1293] : memref<2x2048xi32, #tpu.memory_space<vmem>> -> memref<1x128xi32, #tpu.memory_space<vmem>>
        %dma_wait3A_1295 = tpu.memref_squeeze %dma_wait3A_1294 : memref<1x128xi32, #tpu.memory_space<vmem>> -> memref<128xi32, #tpu.memory_space<vmem>>
        %dma_wait3A_1296 = arith.constant 0 : i32
        %dma_wait3A_1297 = tpu.memref_slice %arg14[%dma_wait3A_1296] : memref<100096xf32, #tpu.memory_space<vmem_shared>> -> memref<100096xf32, #tpu.memory_space<vmem_shared>>
        tpu.wait_indirect_dma semaphore(%arg18 : memref<!tpu.dma_semaphore, #tpu.memory_space<semaphore_mem>>) src(%dma_wait3A_1292 : memref<128xf32, #tpu.memory_space<vmem>>) dst(%dma_wait3A_1297 : memref<100096xf32, #tpu.memory_space<vmem_shared>>)
        %dma_wait3A_1298 = arith.constant 1 : i32
        %dma_wait3A_1299 = arith.constant 896 : i32
        %dma_wait3A_1300 = tpu.memref_slice %arg13[%dma_wait3A_1299] : memref<2048xf32, #tpu.memory_space<vmem>> -> memref<128xf32, #tpu.memory_space<vmem>>
        %dma_wait3A_1301 = arith.constant 896 : i32
        %dma_wait3A_1302 = tpu.memref_slice %arg12[%dma_wait3A_1298, %dma_wait3A_1301] : memref<2x2048xi32, #tpu.memory_space<vmem>> -> memref<1x128xi32, #tpu.memory_space<vmem>>
        %dma_wait3A_1303 = tpu.memref_squeeze %dma_wait3A_1302 : memref<1x128xi32, #tpu.memory_space<vmem>> -> memref<128xi32, #tpu.memory_space<vmem>>
        %dma_wait3A_1304 = arith.constant 0 : i32
        %dma_wait3A_1305 = tpu.memref_slice %arg14[%dma_wait3A_1304] : memref<100096xf32, #tpu.memory_space<vmem_shared>> -> memref<100096xf32, #tpu.memory_space<vmem_shared>>
        tpu.wait_indirect_dma semaphore(%arg18 : memref<!tpu.dma_semaphore, #tpu.memory_space<semaphore_mem>>) src(%dma_wait3A_1300 : memref<128xf32, #tpu.memory_space<vmem>>) dst(%dma_wait3A_1305 : memref<100096xf32, #tpu.memory_space<vmem_shared>>)
        %dma_wait3A_1306 = arith.constant 1 : i32
        %dma_wait3A_1307 = arith.constant 1024 : i32
        %dma_wait3A_1308 = tpu.memref_slice %arg13[%dma_wait3A_1307] : memref<2048xf32, #tpu.memory_space<vmem>> -> memref<128xf32, #tpu.memory_space<vmem>>
        %dma_wait3A_1309 = arith.constant 1024 : i32
        %dma_wait3A_1310 = tpu.memref_slice %arg12[%dma_wait3A_1306, %dma_wait3A_1309] : memref<2x2048xi32, #tpu.memory_space<vmem>> -> memref<1x128xi32, #tpu.memory_space<vmem>>
        %dma_wait3A_1311 = tpu.memref_squeeze %dma_wait3A_1310 : memref<1x128xi32, #tpu.memory_space<vmem>> -> memref<128xi32, #tpu.memory_space<vmem>>
        %dma_wait3A_1312 = arith.constant 0 : i32
        %dma_wait3A_1313 = tpu.memref_slice %arg14[%dma_wait3A_1312] : memref<100096xf32, #tpu.memory_space<vmem_shared>> -> memref<100096xf32, #tpu.memory_space<vmem_shared>>
        tpu.wait_indirect_dma semaphore(%arg18 : memref<!tpu.dma_semaphore, #tpu.memory_space<semaphore_mem>>) src(%dma_wait3A_1308 : memref<128xf32, #tpu.memory_space<vmem>>) dst(%dma_wait3A_1313 : memref<100096xf32, #tpu.memory_space<vmem_shared>>)
        %dma_wait3A_1314 = arith.constant 1 : i32
        %dma_wait3A_1315 = arith.constant 1152 : i32
        %dma_wait3A_1316 = tpu.memref_slice %arg13[%dma_wait3A_1315] : memref<2048xf32, #tpu.memory_space<vmem>> -> memref<128xf32, #tpu.memory_space<vmem>>
        %dma_wait3A_1317 = arith.constant 1152 : i32
        %dma_wait3A_1318 = tpu.memref_slice %arg12[%dma_wait3A_1314, %dma_wait3A_1317] : memref<2x2048xi32, #tpu.memory_space<vmem>> -> memref<1x128xi32, #tpu.memory_space<vmem>>
        %dma_wait3A_1319 = tpu.memref_squeeze %dma_wait3A_1318 : memref<1x128xi32, #tpu.memory_space<vmem>> -> memref<128xi32, #tpu.memory_space<vmem>>
        %dma_wait3A_1320 = arith.constant 0 : i32
        %dma_wait3A_1321 = tpu.memref_slice %arg14[%dma_wait3A_1320] : memref<100096xf32, #tpu.memory_space<vmem_shared>> -> memref<100096xf32, #tpu.memory_space<vmem_shared>>
        tpu.wait_indirect_dma semaphore(%arg18 : memref<!tpu.dma_semaphore, #tpu.memory_space<semaphore_mem>>) src(%dma_wait3A_1316 : memref<128xf32, #tpu.memory_space<vmem>>) dst(%dma_wait3A_1321 : memref<100096xf32, #tpu.memory_space<vmem_shared>>)
        %dma_wait3A_1322 = arith.constant 1 : i32
        %dma_wait3A_1323 = arith.constant 1280 : i32
        %dma_wait3A_1324 = tpu.memref_slice %arg13[%dma_wait3A_1323] : memref<2048xf32, #tpu.memory_space<vmem>> -> memref<128xf32, #tpu.memory_space<vmem>>
        %dma_wait3A_1325 = arith.constant 1280 : i32
        %dma_wait3A_1326 = tpu.memref_slice %arg12[%dma_wait3A_1322, %dma_wait3A_1325] : memref<2x2048xi32, #tpu.memory_space<vmem>> -> memref<1x128xi32, #tpu.memory_space<vmem>>
        %dma_wait3A_1327 = tpu.memref_squeeze %dma_wait3A_1326 : memref<1x128xi32, #tpu.memory_space<vmem>> -> memref<128xi32, #tpu.memory_space<vmem>>
        %dma_wait3A_1328 = arith.constant 0 : i32
        %dma_wait3A_1329 = tpu.memref_slice %arg14[%dma_wait3A_1328] : memref<100096xf32, #tpu.memory_space<vmem_shared>> -> memref<100096xf32, #tpu.memory_space<vmem_shared>>
        tpu.wait_indirect_dma semaphore(%arg18 : memref<!tpu.dma_semaphore, #tpu.memory_space<semaphore_mem>>) src(%dma_wait3A_1324 : memref<128xf32, #tpu.memory_space<vmem>>) dst(%dma_wait3A_1329 : memref<100096xf32, #tpu.memory_space<vmem_shared>>)
        %dma_wait3A_1330 = arith.constant 1 : i32
        %dma_wait3A_1331 = arith.constant 1408 : i32
        %dma_wait3A_1332 = tpu.memref_slice %arg13[%dma_wait3A_1331] : memref<2048xf32, #tpu.memory_space<vmem>> -> memref<128xf32, #tpu.memory_space<vmem>>
        %dma_wait3A_1333 = arith.constant 1408 : i32
        %dma_wait3A_1334 = tpu.memref_slice %arg12[%dma_wait3A_1330, %dma_wait3A_1333] : memref<2x2048xi32, #tpu.memory_space<vmem>> -> memref<1x128xi32, #tpu.memory_space<vmem>>
        %dma_wait3A_1335 = tpu.memref_squeeze %dma_wait3A_1334 : memref<1x128xi32, #tpu.memory_space<vmem>> -> memref<128xi32, #tpu.memory_space<vmem>>
        %dma_wait3A_1336 = arith.constant 0 : i32
        %dma_wait3A_1337 = tpu.memref_slice %arg14[%dma_wait3A_1336] : memref<100096xf32, #tpu.memory_space<vmem_shared>> -> memref<100096xf32, #tpu.memory_space<vmem_shared>>
        tpu.wait_indirect_dma semaphore(%arg18 : memref<!tpu.dma_semaphore, #tpu.memory_space<semaphore_mem>>) src(%dma_wait3A_1332 : memref<128xf32, #tpu.memory_space<vmem>>) dst(%dma_wait3A_1337 : memref<100096xf32, #tpu.memory_space<vmem_shared>>)
        %dma_wait3A_1338 = arith.constant 1 : i32
        %dma_wait3A_1339 = arith.constant 1536 : i32
        %dma_wait3A_1340 = tpu.memref_slice %arg13[%dma_wait3A_1339] : memref<2048xf32, #tpu.memory_space<vmem>> -> memref<128xf32, #tpu.memory_space<vmem>>
        %dma_wait3A_1341 = arith.constant 1536 : i32
        %dma_wait3A_1342 = tpu.memref_slice %arg12[%dma_wait3A_1338, %dma_wait3A_1341] : memref<2x2048xi32, #tpu.memory_space<vmem>> -> memref<1x128xi32, #tpu.memory_space<vmem>>
        %dma_wait3A_1343 = tpu.memref_squeeze %dma_wait3A_1342 : memref<1x128xi32, #tpu.memory_space<vmem>> -> memref<128xi32, #tpu.memory_space<vmem>>
        %dma_wait3A_1344 = arith.constant 0 : i32
        %dma_wait3A_1345 = tpu.memref_slice %arg14[%dma_wait3A_1344] : memref<100096xf32, #tpu.memory_space<vmem_shared>> -> memref<100096xf32, #tpu.memory_space<vmem_shared>>
        tpu.wait_indirect_dma semaphore(%arg18 : memref<!tpu.dma_semaphore, #tpu.memory_space<semaphore_mem>>) src(%dma_wait3A_1340 : memref<128xf32, #tpu.memory_space<vmem>>) dst(%dma_wait3A_1345 : memref<100096xf32, #tpu.memory_space<vmem_shared>>)
        %dma_wait3A_1346 = arith.constant 1 : i32
        %dma_wait3A_1347 = arith.constant 1664 : i32
        %dma_wait3A_1348 = tpu.memref_slice %arg13[%dma_wait3A_1347] : memref<2048xf32, #tpu.memory_space<vmem>> -> memref<128xf32, #tpu.memory_space<vmem>>
        %dma_wait3A_1349 = arith.constant 1664 : i32
        %dma_wait3A_1350 = tpu.memref_slice %arg12[%dma_wait3A_1346, %dma_wait3A_1349] : memref<2x2048xi32, #tpu.memory_space<vmem>> -> memref<1x128xi32, #tpu.memory_space<vmem>>
        %dma_wait3A_1351 = tpu.memref_squeeze %dma_wait3A_1350 : memref<1x128xi32, #tpu.memory_space<vmem>> -> memref<128xi32, #tpu.memory_space<vmem>>
        %dma_wait3A_1352 = arith.constant 0 : i32
        %dma_wait3A_1353 = tpu.memref_slice %arg14[%dma_wait3A_1352] : memref<100096xf32, #tpu.memory_space<vmem_shared>> -> memref<100096xf32, #tpu.memory_space<vmem_shared>>
        tpu.wait_indirect_dma semaphore(%arg18 : memref<!tpu.dma_semaphore, #tpu.memory_space<semaphore_mem>>) src(%dma_wait3A_1348 : memref<128xf32, #tpu.memory_space<vmem>>) dst(%dma_wait3A_1353 : memref<100096xf32, #tpu.memory_space<vmem_shared>>)
        %dma_wait3A_1354 = arith.constant 1 : i32
        %dma_wait3A_1355 = arith.constant 1792 : i32
        %dma_wait3A_1356 = tpu.memref_slice %arg13[%dma_wait3A_1355] : memref<2048xf32, #tpu.memory_space<vmem>> -> memref<128xf32, #tpu.memory_space<vmem>>
        %dma_wait3A_1357 = arith.constant 1792 : i32
        %dma_wait3A_1358 = tpu.memref_slice %arg12[%dma_wait3A_1354, %dma_wait3A_1357] : memref<2x2048xi32, #tpu.memory_space<vmem>> -> memref<1x128xi32, #tpu.memory_space<vmem>>
        %dma_wait3A_1359 = tpu.memref_squeeze %dma_wait3A_1358 : memref<1x128xi32, #tpu.memory_space<vmem>> -> memref<128xi32, #tpu.memory_space<vmem>>
        %dma_wait3A_1360 = arith.constant 0 : i32
        %dma_wait3A_1361 = tpu.memref_slice %arg14[%dma_wait3A_1360] : memref<100096xf32, #tpu.memory_space<vmem_shared>> -> memref<100096xf32, #tpu.memory_space<vmem_shared>>
        tpu.wait_indirect_dma semaphore(%arg18 : memref<!tpu.dma_semaphore, #tpu.memory_space<semaphore_mem>>) src(%dma_wait3A_1356 : memref<128xf32, #tpu.memory_space<vmem>>) dst(%dma_wait3A_1361 : memref<100096xf32, #tpu.memory_space<vmem_shared>>)
        %dma_wait3A_1362 = arith.constant 1 : i32
        %dma_wait3A_1363 = arith.constant 1920 : i32
        %dma_wait3A_1364 = tpu.memref_slice %arg13[%dma_wait3A_1363] : memref<2048xf32, #tpu.memory_space<vmem>> -> memref<128xf32, #tpu.memory_space<vmem>>
        %dma_wait3A_1365 = arith.constant 1920 : i32
        %dma_wait3A_1366 = tpu.memref_slice %arg12[%dma_wait3A_1362, %dma_wait3A_1365] : memref<2x2048xi32, #tpu.memory_space<vmem>> -> memref<1x128xi32, #tpu.memory_space<vmem>>
        %dma_wait3A_1367 = tpu.memref_squeeze %dma_wait3A_1366 : memref<1x128xi32, #tpu.memory_space<vmem>> -> memref<128xi32, #tpu.memory_space<vmem>>
        %dma_wait3A_1368 = arith.constant 0 : i32
        %dma_wait3A_1369 = tpu.memref_slice %arg14[%dma_wait3A_1368] : memref<100096xf32, #tpu.memory_space<vmem_shared>> -> memref<100096xf32, #tpu.memory_space<vmem_shared>>
        tpu.wait_indirect_dma semaphore(%arg18 : memref<!tpu.dma_semaphore, #tpu.memory_space<semaphore_mem>>) src(%dma_wait3A_1364 : memref<128xf32, #tpu.memory_space<vmem>>) dst(%dma_wait3A_1369 : memref<100096xf32, #tpu.memory_space<vmem_shared>>)
      } else {
      }
      %add3A_539 = arith.constant 1 : i32
      %add3A_540 = arith.addi %mul3A_372, %add3A_539 : i32
      %add3A_541 = arith.constant 2 : i32
      %add3A_542 = arith.addi %add3A_540, %add3A_541 : i32
      %mul3A_543 = arith.constant 2048 : i32
      %mul3A_544 = arith.muli %add3A_542, %mul3A_543 : i32
      %add3A_545 = arith.addi %mul3A_23, %mul3A_544 : i32
      %dma_start3A_546 = arith.constant 0 : i32
      %dma_start3A_547 = tpu.memref_slice %arg3[%dma_start3A_546, %add3A_545] : memref<2x3200000xi32, #tpu.memory_space<hbm>> -> memref<2x2048xi32, #tpu.memory_space<hbm>>
      %dma_start3A_548 = arith.constant 0 : i32
      %dma_start3A_549 = tpu.memref_slice %arg3[%dma_start3A_548, %add3A_545] : memref<2x3200000xi32, #tpu.memory_space<hbm>> -> memref<2x2048xi32, #tpu.memory_space<hbm>>
      tpu.enqueue_dma source(%dma_start3A_549 : memref<2x2048xi32, #tpu.memory_space<hbm>>) target(%arg12 : memref<2x2048xi32, #tpu.memory_space<vmem>>) target_semaphore(%arg22 : memref<!tpu.dma_semaphore, #tpu.memory_space<semaphore_mem>>)
      %scan3A_550 = arith.constant 0 : i32
      %scan3A_551 = arith.constant 0 : i32
      %scan3A_552 = arith.constant 32 : i32
      %scan3A_553 = arith.addi %scan3A_551, %scan3A_552 : i32
      %scan3A_554 = arith.constant 1 : i32
      scf.for %scan3A_1242 = %scan3A_551 to %scan3A_553 step %scan3A_554  : i32 {
        %mul3A_1243 = arith.constant 4 : i32
        %mul3A_1244 = arith.muli %scan3A_1242, %mul3A_1243 : i32
        %add3A_1245 = arith.constant 0 : i32
        %add3A_1246 = arith.addi %mul3A_1244, %add3A_1245 : i32
        %mul3A_1247 = arith.constant 16 : i32
        %mul3A_1248 = arith.muli %add3A_1246, %mul3A_1247 : i32
        %get3A = arith.constant 0 : i32
        %get3A_1249 = arith.index_cast %get3A : i32 to index
        %get3A_1250 = arith.index_cast %mul3A_1248 : i32 to index
        %get3A_1251 = tpu.vector_load %arg8[%get3A_1249, %get3A_1250] {strides = array<i32>} : memref<2x2048xi32, #tpu.memory_space<vmem>>, vector<16xi32>,
        %get3A_1252 = arith.constant 1 : i32
        %get3A_1253 = arith.index_cast %get3A_1252 : i32 to index
        %get3A_1254 = arith.index_cast %mul3A_1248 : i32 to index
        %get3A_1255 = tpu.vector_load %arg8[%get3A_1253, %get3A_1254] {strides = array<i32>} : memref<2x2048xi32, #tpu.memory_space<vmem>>, vector<16xi32>,
        %gather3A = tpu.vector_load_idx %arg5[%get3A_1255] : memref<100000xf32, #tpu.memory_space<vmem>>[vector<16xi32>], vector<16xf32>,
        %gather3A_1256 = tpu.vector_load_idx %arg5[%get3A_1251] : memref<100000xf32, #tpu.memory_space<vmem>>[vector<16xi32>], vector<16xf32>,
        %sub3A = arith.subf %gather3A, %gather3A_1256 : vector<16xf32>
        %swap3A = arith.index_cast %mul3A_1248 : i32 to index
        %swap3A_1257 = tpu.vector_load %arg9[%swap3A] {strides = array<i32>} : memref<2048xf32, #tpu.memory_space<vmem>>, vector<16xf32>,
        tpu.vector_store %arg9[%swap3A], %sub3A {strides = array<i32>} : memref<2048xf32, #tpu.memory_space<vmem>>, vector<16xf32>,
        %mul3A_1258 = arith.constant 4 : i32
        %mul3A_1259 = arith.muli %scan3A_1242, %mul3A_1258 : i32
        %add3A_1260 = arith.constant 1 : i32
        %add3A_1261 = arith.addi %mul3A_1259, %add3A_1260 : i32
        %mul3A_1262 = arith.constant 16 : i32
        %mul3A_1263 = arith.muli %add3A_1261, %mul3A_1262 : i32
        %get3A_1264 = arith.constant 0 : i32
        %get3A_1265 = arith.index_cast %get3A_1264 : i32 to index
        %get3A_1266 = arith.index_cast %mul3A_1263 : i32 to index
        %get3A_1267 = tpu.vector_load %arg8[%get3A_1265, %get3A_1266] {strides = array<i32>} : memref<2x2048xi32, #tpu.memory_space<vmem>>, vector<16xi32>,
        %get3A_1268 = arith.constant 1 : i32
        %get3A_1269 = arith.index_cast %get3A_1268 : i32 to index
        %get3A_1270 = arith.index_cast %mul3A_1263 : i32 to index
        %get3A_1271 = tpu.vector_load %arg8[%get3A_1269, %get3A_1270] {strides = array<i32>} : memref<2x2048xi32, #tpu.memory_space<vmem>>, vector<16xi32>,
        %gather3A_1272 = tpu.vector_load_idx %arg5[%get3A_1271] : memref<100000xf32, #tpu.memory_space<vmem>>[vector<16xi32>], vector<16xf32>,
        %gather3A_1273 = tpu.vector_load_idx %arg5[%get3A_1267] : memref<100000xf32, #tpu.memory_space<vmem>>[vector<16xi32>], vector<16xf32>,
        %sub3A_1274 = arith.subf %gather3A_1272, %gather3A_1273 : vector<16xf32>
        %swap3A_1275 = arith.index_cast %mul3A_1263 : i32 to index
        %swap3A_1276 = tpu.vector_load %arg9[%swap3A_1275] {strides = array<i32>} : memref<2048xf32, #tpu.memory_space<vmem>>, vector<16xf32>,
        tpu.vector_store %arg9[%swap3A_1275], %sub3A_1274 {strides = array<i32>} : memref<2048xf32, #tpu.memory_space<vmem>>, vector<16xf32>,
        %mul3A_1277 = arith.constant 4 : i32
        %mul3A_1278 = arith.muli %scan3A_1242, %mul3A_1277 : i32
        %add3A_1279 = arith.constant 2 : i32
        %add3A_1280 = arith.addi %mul3A_1278, %add3A_1279 : i32
        %mul3A_1281 = arith.constant 16 : i32
        %mul3A_1282 = arith.muli %add3A_1280, %mul3A_1281 : i32
        %get3A_1283 = arith.constant 0 : i32
        %get3A_1284 = arith.index_cast %get3A_1283 : i32 to index
        %get3A_1285 = arith.index_cast %mul3A_1282 : i32 to index
        %get3A_1286 = tpu.vector_load %arg8[%get3A_1284, %get3A_1285] {strides = array<i32>} : memref<2x2048xi32, #tpu.memory_space<vmem>>, vector<16xi32>,
        %get3A_1287 = arith.constant 1 : i32
        %get3A_1288 = arith.index_cast %get3A_1287 : i32 to index
        %get3A_1289 = arith.index_cast %mul3A_1282 : i32 to index
        %get3A_1290 = tpu.vector_load %arg8[%get3A_1288, %get3A_1289] {strides = array<i32>} : memref<2x2048xi32, #tpu.memory_space<vmem>>, vector<16xi32>,
        %gather3A_1291 = tpu.vector_load_idx %arg5[%get3A_1290] : memref<100000xf32, #tpu.memory_space<vmem>>[vector<16xi32>], vector<16xf32>,
        %gather3A_1292 = tpu.vector_load_idx %arg5[%get3A_1286] : memref<100000xf32, #tpu.memory_space<vmem>>[vector<16xi32>], vector<16xf32>,
        %sub3A_1293 = arith.subf %gather3A_1291, %gather3A_1292 : vector<16xf32>
        %swap3A_1294 = arith.index_cast %mul3A_1282 : i32 to index
        %swap3A_1295 = tpu.vector_load %arg9[%swap3A_1294] {strides = array<i32>} : memref<2048xf32, #tpu.memory_space<vmem>>, vector<16xf32>,
        tpu.vector_store %arg9[%swap3A_1294], %sub3A_1293 {strides = array<i32>} : memref<2048xf32, #tpu.memory_space<vmem>>, vector<16xf32>,
        %mul3A_1296 = arith.constant 4 : i32
        %mul3A_1297 = arith.muli %scan3A_1242, %mul3A_1296 : i32
        %add3A_1298 = arith.constant 3 : i32
        %add3A_1299 = arith.addi %mul3A_1297, %add3A_1298 : i32
        %mul3A_1300 = arith.constant 16 : i32
        %mul3A_1301 = arith.muli %add3A_1299, %mul3A_1300 : i32
        %get3A_1302 = arith.constant 0 : i32
        %get3A_1303 = arith.index_cast %get3A_1302 : i32 to index
        %get3A_1304 = arith.index_cast %mul3A_1301 : i32 to index
        %get3A_1305 = tpu.vector_load %arg8[%get3A_1303, %get3A_1304] {strides = array<i32>} : memref<2x2048xi32, #tpu.memory_space<vmem>>, vector<16xi32>,
        %get3A_1306 = arith.constant 1 : i32
        %get3A_1307 = arith.index_cast %get3A_1306 : i32 to index
        %get3A_1308 = arith.index_cast %mul3A_1301 : i32 to index
        %get3A_1309 = tpu.vector_load %arg8[%get3A_1307, %get3A_1308] {strides = array<i32>} : memref<2x2048xi32, #tpu.memory_space<vmem>>, vector<16xi32>,
        %gather3A_1310 = tpu.vector_load_idx %arg5[%get3A_1309] : memref<100000xf32, #tpu.memory_space<vmem>>[vector<16xi32>], vector<16xf32>,
        %gather3A_1311 = tpu.vector_load_idx %arg5[%get3A_1305] : memref<100000xf32, #tpu.memory_space<vmem>>[vector<16xi32>], vector<16xf32>,
        %sub3A_1312 = arith.subf %gather3A_1310, %gather3A_1311 : vector<16xf32>
        %swap3A_1313 = arith.index_cast %mul3A_1301 : i32 to index
        %swap3A_1314 = tpu.vector_load %arg9[%swap3A_1313] {strides = array<i32>} : memref<2048xf32, #tpu.memory_space<vmem>>, vector<16xf32>,
        tpu.vector_store %arg9[%swap3A_1313], %sub3A_1312 {strides = array<i32>} : memref<2048xf32, #tpu.memory_space<vmem>>, vector<16xf32>,
      }
      %scan3A_555 = arith.constant 32 : i32
      %dma_start3A_556 = arith.constant 1 : i32
      %dma_start3A_557 = arith.constant 0 : i32
      %dma_start3A_558 = tpu.memref_slice %arg9[%dma_start3A_557] : memref<2048xf32, #tpu.memory_space<vmem>> -> memref<128xf32, #tpu.memory_space<vmem>>
      %dma_start3A_559 = arith.constant 0 : i32
      %dma_start3A_560 = tpu.memref_slice %arg8[%dma_start3A_556, %dma_start3A_559] : memref<2x2048xi32, #tpu.memory_space<vmem>> -> memref<1x128xi32, #tpu.memory_space<vmem>>
      %dma_start3A_561 = tpu.memref_squeeze %dma_start3A_560 : memref<1x128xi32, #tpu.memory_space<vmem>> -> memref<128xi32, #tpu.memory_space<vmem>>
      %dma_start3A_562 = arith.constant 0 : i32
      %dma_start3A_563 = tpu.memref_slice %arg14[%dma_start3A_562] : memref<100096xf32, #tpu.memory_space<vmem_shared>> -> memref<100096xf32, #tpu.memory_space<vmem_shared>>
      tpu.enqueue_indirect_dma source(%dma_start3A_558 : memref<128xf32, #tpu.memory_space<vmem>>) target(%dma_start3A_563 : memref<100096xf32, #tpu.memory_space<vmem_shared>>) offsets(%dma_start3A_561 : memref<128xi32, #tpu.memory_space<vmem>>) semaphore(%arg16 : memref<!tpu.dma_semaphore, #tpu.memory_space<semaphore_mem>>) {add = true}
      %dma_start3A_564 = arith.constant 1 : i32
      %dma_start3A_565 = arith.constant 128 : i32
      %dma_start3A_566 = tpu.memref_slice %arg9[%dma_start3A_565] : memref<2048xf32, #tpu.memory_space<vmem>> -> memref<128xf32, #tpu.memory_space<vmem>>
      %dma_start3A_567 = arith.constant 128 : i32
      %dma_start3A_568 = tpu.memref_slice %arg8[%dma_start3A_564, %dma_start3A_567] : memref<2x2048xi32, #tpu.memory_space<vmem>> -> memref<1x128xi32, #tpu.memory_space<vmem>>
      %dma_start3A_569 = tpu.memref_squeeze %dma_start3A_568 : memref<1x128xi32, #tpu.memory_space<vmem>> -> memref<128xi32, #tpu.memory_space<vmem>>
      %dma_start3A_570 = arith.constant 0 : i32
      %dma_start3A_571 = tpu.memref_slice %arg14[%dma_start3A_570] : memref<100096xf32, #tpu.memory_space<vmem_shared>> -> memref<100096xf32, #tpu.memory_space<vmem_shared>>
      tpu.enqueue_indirect_dma source(%dma_start3A_566 : memref<128xf32, #tpu.memory_space<vmem>>) target(%dma_start3A_571 : memref<100096xf32, #tpu.memory_space<vmem_shared>>) offsets(%dma_start3A_569 : memref<128xi32, #tpu.memory_space<vmem>>) semaphore(%arg16 : memref<!tpu.dma_semaphore, #tpu.memory_space<semaphore_mem>>) {add = true}
      %dma_start3A_572 = arith.constant 1 : i32
      %dma_start3A_573 = arith.constant 256 : i32
      %dma_start3A_574 = tpu.memref_slice %arg9[%dma_start3A_573] : memref<2048xf32, #tpu.memory_space<vmem>> -> memref<128xf32, #tpu.memory_space<vmem>>
      %dma_start3A_575 = arith.constant 256 : i32
      %dma_start3A_576 = tpu.memref_slice %arg8[%dma_start3A_572, %dma_start3A_575] : memref<2x2048xi32, #tpu.memory_space<vmem>> -> memref<1x128xi32, #tpu.memory_space<vmem>>
      %dma_start3A_577 = tpu.memref_squeeze %dma_start3A_576 : memref<1x128xi32, #tpu.memory_space<vmem>> -> memref<128xi32, #tpu.memory_space<vmem>>
      %dma_start3A_578 = arith.constant 0 : i32
      %dma_start3A_579 = tpu.memref_slice %arg14[%dma_start3A_578] : memref<100096xf32, #tpu.memory_space<vmem_shared>> -> memref<100096xf32, #tpu.memory_space<vmem_shared>>
      tpu.enqueue_indirect_dma source(%dma_start3A_574 : memref<128xf32, #tpu.memory_space<vmem>>) target(%dma_start3A_579 : memref<100096xf32, #tpu.memory_space<vmem_shared>>) offsets(%dma_start3A_577 : memref<128xi32, #tpu.memory_space<vmem>>) semaphore(%arg16 : memref<!tpu.dma_semaphore, #tpu.memory_space<semaphore_mem>>) {add = true}
      %dma_start3A_580 = arith.constant 1 : i32
      %dma_start3A_581 = arith.constant 384 : i32
      %dma_start3A_582 = tpu.memref_slice %arg9[%dma_start3A_581] : memref<2048xf32, #tpu.memory_space<vmem>> -> memref<128xf32, #tpu.memory_space<vmem>>
      %dma_start3A_583 = arith.constant 384 : i32
      %dma_start3A_584 = tpu.memref_slice %arg8[%dma_start3A_580, %dma_start3A_583] : memref<2x2048xi32, #tpu.memory_space<vmem>> -> memref<1x128xi32, #tpu.memory_space<vmem>>
      %dma_start3A_585 = tpu.memref_squeeze %dma_start3A_584 : memref<1x128xi32, #tpu.memory_space<vmem>> -> memref<128xi32, #tpu.memory_space<vmem>>
      %dma_start3A_586 = arith.constant 0 : i32
      %dma_start3A_587 = tpu.memref_slice %arg14[%dma_start3A_586] : memref<100096xf32, #tpu.memory_space<vmem_shared>> -> memref<100096xf32, #tpu.memory_space<vmem_shared>>
      tpu.enqueue_indirect_dma source(%dma_start3A_582 : memref<128xf32, #tpu.memory_space<vmem>>) target(%dma_start3A_587 : memref<100096xf32, #tpu.memory_space<vmem_shared>>) offsets(%dma_start3A_585 : memref<128xi32, #tpu.memory_space<vmem>>) semaphore(%arg16 : memref<!tpu.dma_semaphore, #tpu.memory_space<semaphore_mem>>) {add = true}
      %dma_start3A_588 = arith.constant 1 : i32
      %dma_start3A_589 = arith.constant 512 : i32
      %dma_start3A_590 = tpu.memref_slice %arg9[%dma_start3A_589] : memref<2048xf32, #tpu.memory_space<vmem>> -> memref<128xf32, #tpu.memory_space<vmem>>
      %dma_start3A_591 = arith.constant 512 : i32
      %dma_start3A_592 = tpu.memref_slice %arg8[%dma_start3A_588, %dma_start3A_591] : memref<2x2048xi32, #tpu.memory_space<vmem>> -> memref<1x128xi32, #tpu.memory_space<vmem>>
      %dma_start3A_593 = tpu.memref_squeeze %dma_start3A_592 : memref<1x128xi32, #tpu.memory_space<vmem>> -> memref<128xi32, #tpu.memory_space<vmem>>
      %dma_start3A_594 = arith.constant 0 : i32
      %dma_start3A_595 = tpu.memref_slice %arg14[%dma_start3A_594] : memref<100096xf32, #tpu.memory_space<vmem_shared>> -> memref<100096xf32, #tpu.memory_space<vmem_shared>>
      tpu.enqueue_indirect_dma source(%dma_start3A_590 : memref<128xf32, #tpu.memory_space<vmem>>) target(%dma_start3A_595 : memref<100096xf32, #tpu.memory_space<vmem_shared>>) offsets(%dma_start3A_593 : memref<128xi32, #tpu.memory_space<vmem>>) semaphore(%arg16 : memref<!tpu.dma_semaphore, #tpu.memory_space<semaphore_mem>>) {add = true}
      %dma_start3A_596 = arith.constant 1 : i32
      %dma_start3A_597 = arith.constant 640 : i32
      %dma_start3A_598 = tpu.memref_slice %arg9[%dma_start3A_597] : memref<2048xf32, #tpu.memory_space<vmem>> -> memref<128xf32, #tpu.memory_space<vmem>>
      %dma_start3A_599 = arith.constant 640 : i32
      %dma_start3A_600 = tpu.memref_slice %arg8[%dma_start3A_596, %dma_start3A_599] : memref<2x2048xi32, #tpu.memory_space<vmem>> -> memref<1x128xi32, #tpu.memory_space<vmem>>
      %dma_start3A_601 = tpu.memref_squeeze %dma_start3A_600 : memref<1x128xi32, #tpu.memory_space<vmem>> -> memref<128xi32, #tpu.memory_space<vmem>>
      %dma_start3A_602 = arith.constant 0 : i32
      %dma_start3A_603 = tpu.memref_slice %arg14[%dma_start3A_602] : memref<100096xf32, #tpu.memory_space<vmem_shared>> -> memref<100096xf32, #tpu.memory_space<vmem_shared>>
      tpu.enqueue_indirect_dma source(%dma_start3A_598 : memref<128xf32, #tpu.memory_space<vmem>>) target(%dma_start3A_603 : memref<100096xf32, #tpu.memory_space<vmem_shared>>) offsets(%dma_start3A_601 : memref<128xi32, #tpu.memory_space<vmem>>) semaphore(%arg16 : memref<!tpu.dma_semaphore, #tpu.memory_space<semaphore_mem>>) {add = true}
      %dma_start3A_604 = arith.constant 1 : i32
      %dma_start3A_605 = arith.constant 768 : i32
      %dma_start3A_606 = tpu.memref_slice %arg9[%dma_start3A_605] : memref<2048xf32, #tpu.memory_space<vmem>> -> memref<128xf32, #tpu.memory_space<vmem>>
      %dma_start3A_607 = arith.constant 768 : i32
      %dma_start3A_608 = tpu.memref_slice %arg8[%dma_start3A_604, %dma_start3A_607] : memref<2x2048xi32, #tpu.memory_space<vmem>> -> memref<1x128xi32, #tpu.memory_space<vmem>>
      %dma_start3A_609 = tpu.memref_squeeze %dma_start3A_608 : memref<1x128xi32, #tpu.memory_space<vmem>> -> memref<128xi32, #tpu.memory_space<vmem>>
      %dma_start3A_610 = arith.constant 0 : i32
      %dma_start3A_611 = tpu.memref_slice %arg14[%dma_start3A_610] : memref<100096xf32, #tpu.memory_space<vmem_shared>> -> memref<100096xf32, #tpu.memory_space<vmem_shared>>
      tpu.enqueue_indirect_dma source(%dma_start3A_606 : memref<128xf32, #tpu.memory_space<vmem>>) target(%dma_start3A_611 : memref<100096xf32, #tpu.memory_space<vmem_shared>>) offsets(%dma_start3A_609 : memref<128xi32, #tpu.memory_space<vmem>>) semaphore(%arg16 : memref<!tpu.dma_semaphore, #tpu.memory_space<semaphore_mem>>) {add = true}
      %dma_start3A_612 = arith.constant 1 : i32
      %dma_start3A_613 = arith.constant 896 : i32
      %dma_start3A_614 = tpu.memref_slice %arg9[%dma_start3A_613] : memref<2048xf32, #tpu.memory_space<vmem>> -> memref<128xf32, #tpu.memory_space<vmem>>
      %dma_start3A_615 = arith.constant 896 : i32
      %dma_start3A_616 = tpu.memref_slice %arg8[%dma_start3A_612, %dma_start3A_615] : memref<2x2048xi32, #tpu.memory_space<vmem>> -> memref<1x128xi32, #tpu.memory_space<vmem>>
      %dma_start3A_617 = tpu.memref_squeeze %dma_start3A_616 : memref<1x128xi32, #tpu.memory_space<vmem>> -> memref<128xi32, #tpu.memory_space<vmem>>
      %dma_start3A_618 = arith.constant 0 : i32
      %dma_start3A_619 = tpu.memref_slice %arg14[%dma_start3A_618] : memref<100096xf32, #tpu.memory_space<vmem_shared>> -> memref<100096xf32, #tpu.memory_space<vmem_shared>>
      tpu.enqueue_indirect_dma source(%dma_start3A_614 : memref<128xf32, #tpu.memory_space<vmem>>) target(%dma_start3A_619 : memref<100096xf32, #tpu.memory_space<vmem_shared>>) offsets(%dma_start3A_617 : memref<128xi32, #tpu.memory_space<vmem>>) semaphore(%arg16 : memref<!tpu.dma_semaphore, #tpu.memory_space<semaphore_mem>>) {add = true}
      %dma_start3A_620 = arith.constant 1 : i32
      %dma_start3A_621 = arith.constant 1024 : i32
      %dma_start3A_622 = tpu.memref_slice %arg9[%dma_start3A_621] : memref<2048xf32, #tpu.memory_space<vmem>> -> memref<128xf32, #tpu.memory_space<vmem>>
      %dma_start3A_623 = arith.constant 1024 : i32
      %dma_start3A_624 = tpu.memref_slice %arg8[%dma_start3A_620, %dma_start3A_623] : memref<2x2048xi32, #tpu.memory_space<vmem>> -> memref<1x128xi32, #tpu.memory_space<vmem>>
      %dma_start3A_625 = tpu.memref_squeeze %dma_start3A_624 : memref<1x128xi32, #tpu.memory_space<vmem>> -> memref<128xi32, #tpu.memory_space<vmem>>
      %dma_start3A_626 = arith.constant 0 : i32
      %dma_start3A_627 = tpu.memref_slice %arg14[%dma_start3A_626] : memref<100096xf32, #tpu.memory_space<vmem_shared>> -> memref<100096xf32, #tpu.memory_space<vmem_shared>>
      tpu.enqueue_indirect_dma source(%dma_start3A_622 : memref<128xf32, #tpu.memory_space<vmem>>) target(%dma_start3A_627 : memref<100096xf32, #tpu.memory_space<vmem_shared>>) offsets(%dma_start3A_625 : memref<128xi32, #tpu.memory_space<vmem>>) semaphore(%arg16 : memref<!tpu.dma_semaphore, #tpu.memory_space<semaphore_mem>>) {add = true}
      %dma_start3A_628 = arith.constant 1 : i32
      %dma_start3A_629 = arith.constant 1152 : i32
      %dma_start3A_630 = tpu.memref_slice %arg9[%dma_start3A_629] : memref<2048xf32, #tpu.memory_space<vmem>> -> memref<128xf32, #tpu.memory_space<vmem>>
      %dma_start3A_631 = arith.constant 1152 : i32
      %dma_start3A_632 = tpu.memref_slice %arg8[%dma_start3A_628, %dma_start3A_631] : memref<2x2048xi32, #tpu.memory_space<vmem>> -> memref<1x128xi32, #tpu.memory_space<vmem>>
      %dma_start3A_633 = tpu.memref_squeeze %dma_start3A_632 : memref<1x128xi32, #tpu.memory_space<vmem>> -> memref<128xi32, #tpu.memory_space<vmem>>
      %dma_start3A_634 = arith.constant 0 : i32
      %dma_start3A_635 = tpu.memref_slice %arg14[%dma_start3A_634] : memref<100096xf32, #tpu.memory_space<vmem_shared>> -> memref<100096xf32, #tpu.memory_space<vmem_shared>>
      tpu.enqueue_indirect_dma source(%dma_start3A_630 : memref<128xf32, #tpu.memory_space<vmem>>) target(%dma_start3A_635 : memref<100096xf32, #tpu.memory_space<vmem_shared>>) offsets(%dma_start3A_633 : memref<128xi32, #tpu.memory_space<vmem>>) semaphore(%arg16 : memref<!tpu.dma_semaphore, #tpu.memory_space<semaphore_mem>>) {add = true}
      %dma_start3A_636 = arith.constant 1 : i32
      %dma_start3A_637 = arith.constant 1280 : i32
      %dma_start3A_638 = tpu.memref_slice %arg9[%dma_start3A_637] : memref<2048xf32, #tpu.memory_space<vmem>> -> memref<128xf32, #tpu.memory_space<vmem>>
      %dma_start3A_639 = arith.constant 1280 : i32
      %dma_start3A_640 = tpu.memref_slice %arg8[%dma_start3A_636, %dma_start3A_639] : memref<2x2048xi32, #tpu.memory_space<vmem>> -> memref<1x128xi32, #tpu.memory_space<vmem>>
      %dma_start3A_641 = tpu.memref_squeeze %dma_start3A_640 : memref<1x128xi32, #tpu.memory_space<vmem>> -> memref<128xi32, #tpu.memory_space<vmem>>
      %dma_start3A_642 = arith.constant 0 : i32
      %dma_start3A_643 = tpu.memref_slice %arg14[%dma_start3A_642] : memref<100096xf32, #tpu.memory_space<vmem_shared>> -> memref<100096xf32, #tpu.memory_space<vmem_shared>>
      tpu.enqueue_indirect_dma source(%dma_start3A_638 : memref<128xf32, #tpu.memory_space<vmem>>) target(%dma_start3A_643 : memref<100096xf32, #tpu.memory_space<vmem_shared>>) offsets(%dma_start3A_641 : memref<128xi32, #tpu.memory_space<vmem>>) semaphore(%arg16 : memref<!tpu.dma_semaphore, #tpu.memory_space<semaphore_mem>>) {add = true}
      %dma_start3A_644 = arith.constant 1 : i32
      %dma_start3A_645 = arith.constant 1408 : i32
      %dma_start3A_646 = tpu.memref_slice %arg9[%dma_start3A_645] : memref<2048xf32, #tpu.memory_space<vmem>> -> memref<128xf32, #tpu.memory_space<vmem>>
      %dma_start3A_647 = arith.constant 1408 : i32
      %dma_start3A_648 = tpu.memref_slice %arg8[%dma_start3A_644, %dma_start3A_647] : memref<2x2048xi32, #tpu.memory_space<vmem>> -> memref<1x128xi32, #tpu.memory_space<vmem>>
      %dma_start3A_649 = tpu.memref_squeeze %dma_start3A_648 : memref<1x128xi32, #tpu.memory_space<vmem>> -> memref<128xi32, #tpu.memory_space<vmem>>
      %dma_start3A_650 = arith.constant 0 : i32
      %dma_start3A_651 = tpu.memref_slice %arg14[%dma_start3A_650] : memref<100096xf32, #tpu.memory_space<vmem_shared>> -> memref<100096xf32, #tpu.memory_space<vmem_shared>>
      tpu.enqueue_indirect_dma source(%dma_start3A_646 : memref<128xf32, #tpu.memory_space<vmem>>) target(%dma_start3A_651 : memref<100096xf32, #tpu.memory_space<vmem_shared>>) offsets(%dma_start3A_649 : memref<128xi32, #tpu.memory_space<vmem>>) semaphore(%arg16 : memref<!tpu.dma_semaphore, #tpu.memory_space<semaphore_mem>>) {add = true}
      %dma_start3A_652 = arith.constant 1 : i32
      %dma_start3A_653 = arith.constant 1536 : i32
      %dma_start3A_654 = tpu.memref_slice %arg9[%dma_start3A_653] : memref<2048xf32, #tpu.memory_space<vmem>> -> memref<128xf32, #tpu.memory_space<vmem>>
      %dma_start3A_655 = arith.constant 1536 : i32
      %dma_start3A_656 = tpu.memref_slice %arg8[%dma_start3A_652, %dma_start3A_655] : memref<2x2048xi32, #tpu.memory_space<vmem>> -> memref<1x128xi32, #tpu.memory_space<vmem>>
      %dma_start3A_657 = tpu.memref_squeeze %dma_start3A_656 : memref<1x128xi32, #tpu.memory_space<vmem>> -> memref<128xi32, #tpu.memory_space<vmem>>
      %dma_start3A_658 = arith.constant 0 : i32
      %dma_start3A_659 = tpu.memref_slice %arg14[%dma_start3A_658] : memref<100096xf32, #tpu.memory_space<vmem_shared>> -> memref<100096xf32, #tpu.memory_space<vmem_shared>>
      tpu.enqueue_indirect_dma source(%dma_start3A_654 : memref<128xf32, #tpu.memory_space<vmem>>) target(%dma_start3A_659 : memref<100096xf32, #tpu.memory_space<vmem_shared>>) offsets(%dma_start3A_657 : memref<128xi32, #tpu.memory_space<vmem>>) semaphore(%arg16 : memref<!tpu.dma_semaphore, #tpu.memory_space<semaphore_mem>>) {add = true}
      %dma_start3A_660 = arith.constant 1 : i32
      %dma_start3A_661 = arith.constant 1664 : i32
      %dma_start3A_662 = tpu.memref_slice %arg9[%dma_start3A_661] : memref<2048xf32, #tpu.memory_space<vmem>> -> memref<128xf32, #tpu.memory_space<vmem>>
      %dma_start3A_663 = arith.constant 1664 : i32
      %dma_start3A_664 = tpu.memref_slice %arg8[%dma_start3A_660, %dma_start3A_663] : memref<2x2048xi32, #tpu.memory_space<vmem>> -> memref<1x128xi32, #tpu.memory_space<vmem>>
      %dma_start3A_665 = tpu.memref_squeeze %dma_start3A_664 : memref<1x128xi32, #tpu.memory_space<vmem>> -> memref<128xi32, #tpu.memory_space<vmem>>
      %dma_start3A_666 = arith.constant 0 : i32
      %dma_start3A_667 = tpu.memref_slice %arg14[%dma_start3A_666] : memref<100096xf32, #tpu.memory_space<vmem_shared>> -> memref<100096xf32, #tpu.memory_space<vmem_shared>>
      tpu.enqueue_indirect_dma source(%dma_start3A_662 : memref<128xf32, #tpu.memory_space<vmem>>) target(%dma_start3A_667 : memref<100096xf32, #tpu.memory_space<vmem_shared>>) offsets(%dma_start3A_665 : memref<128xi32, #tpu.memory_space<vmem>>) semaphore(%arg16 : memref<!tpu.dma_semaphore, #tpu.memory_space<semaphore_mem>>) {add = true}
      %dma_start3A_668 = arith.constant 1 : i32
      %dma_start3A_669 = arith.constant 1792 : i32
      %dma_start3A_670 = tpu.memref_slice %arg9[%dma_start3A_669] : memref<2048xf32, #tpu.memory_space<vmem>> -> memref<128xf32, #tpu.memory_space<vmem>>
      %dma_start3A_671 = arith.constant 1792 : i32
      %dma_start3A_672 = tpu.memref_slice %arg8[%dma_start3A_668, %dma_start3A_671] : memref<2x2048xi32, #tpu.memory_space<vmem>> -> memref<1x128xi32, #tpu.memory_space<vmem>>
      %dma_start3A_673 = tpu.memref_squeeze %dma_start3A_672 : memref<1x128xi32, #tpu.memory_space<vmem>> -> memref<128xi32, #tpu.memory_space<vmem>>
      %dma_start3A_674 = arith.constant 0 : i32
      %dma_start3A_675 = tpu.memref_slice %arg14[%dma_start3A_674] : memref<100096xf32, #tpu.memory_space<vmem_shared>> -> memref<100096xf32, #tpu.memory_space<vmem_shared>>
      tpu.enqueue_indirect_dma source(%dma_start3A_670 : memref<128xf32, #tpu.memory_space<vmem>>) target(%dma_start3A_675 : memref<100096xf32, #tpu.memory_space<vmem_shared>>) offsets(%dma_start3A_673 : memref<128xi32, #tpu.memory_space<vmem>>) semaphore(%arg16 : memref<!tpu.dma_semaphore, #tpu.memory_space<semaphore_mem>>) {add = true}
      %dma_start3A_676 = arith.constant 1 : i32
      %dma_start3A_677 = arith.constant 1920 : i32
      %dma_start3A_678 = tpu.memref_slice %arg9[%dma_start3A_677] : memref<2048xf32, #tpu.memory_space<vmem>> -> memref<128xf32, #tpu.memory_space<vmem>>
      %dma_start3A_679 = arith.constant 1920 : i32
      %dma_start3A_680 = tpu.memref_slice %arg8[%dma_start3A_676, %dma_start3A_679] : memref<2x2048xi32, #tpu.memory_space<vmem>> -> memref<1x128xi32, #tpu.memory_space<vmem>>
      %dma_start3A_681 = tpu.memref_squeeze %dma_start3A_680 : memref<1x128xi32, #tpu.memory_space<vmem>> -> memref<128xi32, #tpu.memory_space<vmem>>
      %dma_start3A_682 = arith.constant 0 : i32
      %dma_start3A_683 = tpu.memref_slice %arg14[%dma_start3A_682] : memref<100096xf32, #tpu.memory_space<vmem_shared>> -> memref<100096xf32, #tpu.memory_space<vmem_shared>>
      tpu.enqueue_indirect_dma source(%dma_start3A_678 : memref<128xf32, #tpu.memory_space<vmem>>) target(%dma_start3A_683 : memref<100096xf32, #tpu.memory_space<vmem_shared>>) offsets(%dma_start3A_681 : memref<128xi32, #tpu.memory_space<vmem>>) semaphore(%arg16 : memref<!tpu.dma_semaphore, #tpu.memory_space<semaphore_mem>>) {add = true}
      %dma_wait3A_684 = arith.constant 0 : i32
      %dma_wait3A_685 = arith.constant 0 : i32
      %dma_wait3A_686 = tpu.memref_slice %arg3[%dma_wait3A_684, %dma_wait3A_685] : memref<2x3200000xi32, #tpu.memory_space<hbm>> -> memref<2x2048xi32, #tpu.memory_space<hbm>>
      %dma_wait3A_687 = arith.constant 0 : i32
      %dma_wait3A_688 = arith.constant 0 : i32
      %dma_wait3A_689 = tpu.memref_slice %arg3[%dma_wait3A_687, %dma_wait3A_688] : memref<2x3200000xi32, #tpu.memory_space<hbm>> -> memref<2x2048xi32, #tpu.memory_space<hbm>>
      tpu.wait_dma2 semaphore(%arg21 : memref<!tpu.dma_semaphore, #tpu.memory_space<semaphore_mem>>) src(%dma_wait3A_689 : memref<2x2048xi32, #tpu.memory_space<hbm>>) dst(%arg10 : memref<2x2048xi32, #tpu.memory_space<vmem>>)
      %dma_wait3A_690 = arith.constant 1 : i32
      %dma_wait3A_691 = arith.constant 0 : i32
      %dma_wait3A_692 = tpu.memref_slice %arg7[%dma_wait3A_691] : memref<2048xf32, #tpu.memory_space<vmem>> -> memref<128xf32, #tpu.memory_space<vmem>>
      %dma_wait3A_693 = arith.constant 0 : i32
      %dma_wait3A_694 = tpu.memref_slice %arg6[%dma_wait3A_690, %dma_wait3A_693] : memref<2x2048xi32, #tpu.memory_space<vmem>> -> memref<1x128xi32, #tpu.memory_space<vmem>>
      %dma_wait3A_695 = tpu.memref_squeeze %dma_wait3A_694 : memref<1x128xi32, #tpu.memory_space<vmem>> -> memref<128xi32, #tpu.memory_space<vmem>>
      %dma_wait3A_696 = arith.constant 0 : i32
      %dma_wait3A_697 = tpu.memref_slice %arg14[%dma_wait3A_696] : memref<100096xf32, #tpu.memory_space<vmem_shared>> -> memref<100096xf32, #tpu.memory_space<vmem_shared>>
      tpu.wait_indirect_dma semaphore(%arg15 : memref<!tpu.dma_semaphore, #tpu.memory_space<semaphore_mem>>) src(%dma_wait3A_692 : memref<128xf32, #tpu.memory_space<vmem>>) dst(%dma_wait3A_697 : memref<100096xf32, #tpu.memory_space<vmem_shared>>)
      %dma_wait3A_698 = arith.constant 1 : i32
      %dma_wait3A_699 = arith.constant 128 : i32
      %dma_wait3A_700 = tpu.memref_slice %arg7[%dma_wait3A_699] : memref<2048xf32, #tpu.memory_space<vmem>> -> memref<128xf32, #tpu.memory_space<vmem>>
      %dma_wait3A_701 = arith.constant 128 : i32
      %dma_wait3A_702 = tpu.memref_slice %arg6[%dma_wait3A_698, %dma_wait3A_701] : memref<2x2048xi32, #tpu.memory_space<vmem>> -> memref<1x128xi32, #tpu.memory_space<vmem>>
      %dma_wait3A_703 = tpu.memref_squeeze %dma_wait3A_702 : memref<1x128xi32, #tpu.memory_space<vmem>> -> memref<128xi32, #tpu.memory_space<vmem>>
      %dma_wait3A_704 = arith.constant 0 : i32
      %dma_wait3A_705 = tpu.memref_slice %arg14[%dma_wait3A_704] : memref<100096xf32, #tpu.memory_space<vmem_shared>> -> memref<100096xf32, #tpu.memory_space<vmem_shared>>
      tpu.wait_indirect_dma semaphore(%arg15 : memref<!tpu.dma_semaphore, #tpu.memory_space<semaphore_mem>>) src(%dma_wait3A_700 : memref<128xf32, #tpu.memory_space<vmem>>) dst(%dma_wait3A_705 : memref<100096xf32, #tpu.memory_space<vmem_shared>>)
      %dma_wait3A_706 = arith.constant 1 : i32
      %dma_wait3A_707 = arith.constant 256 : i32
      %dma_wait3A_708 = tpu.memref_slice %arg7[%dma_wait3A_707] : memref<2048xf32, #tpu.memory_space<vmem>> -> memref<128xf32, #tpu.memory_space<vmem>>
      %dma_wait3A_709 = arith.constant 256 : i32
      %dma_wait3A_710 = tpu.memref_slice %arg6[%dma_wait3A_706, %dma_wait3A_709] : memref<2x2048xi32, #tpu.memory_space<vmem>> -> memref<1x128xi32, #tpu.memory_space<vmem>>
      %dma_wait3A_711 = tpu.memref_squeeze %dma_wait3A_710 : memref<1x128xi32, #tpu.memory_space<vmem>> -> memref<128xi32, #tpu.memory_space<vmem>>
      %dma_wait3A_712 = arith.constant 0 : i32
      %dma_wait3A_713 = tpu.memref_slice %arg14[%dma_wait3A_712] : memref<100096xf32, #tpu.memory_space<vmem_shared>> -> memref<100096xf32, #tpu.memory_space<vmem_shared>>
      tpu.wait_indirect_dma semaphore(%arg15 : memref<!tpu.dma_semaphore, #tpu.memory_space<semaphore_mem>>) src(%dma_wait3A_708 : memref<128xf32, #tpu.memory_space<vmem>>) dst(%dma_wait3A_713 : memref<100096xf32, #tpu.memory_space<vmem_shared>>)
      %dma_wait3A_714 = arith.constant 1 : i32
      %dma_wait3A_715 = arith.constant 384 : i32
      %dma_wait3A_716 = tpu.memref_slice %arg7[%dma_wait3A_715] : memref<2048xf32, #tpu.memory_space<vmem>> -> memref<128xf32, #tpu.memory_space<vmem>>
      %dma_wait3A_717 = arith.constant 384 : i32
      %dma_wait3A_718 = tpu.memref_slice %arg6[%dma_wait3A_714, %dma_wait3A_717] : memref<2x2048xi32, #tpu.memory_space<vmem>> -> memref<1x128xi32, #tpu.memory_space<vmem>>
      %dma_wait3A_719 = tpu.memref_squeeze %dma_wait3A_718 : memref<1x128xi32, #tpu.memory_space<vmem>> -> memref<128xi32, #tpu.memory_space<vmem>>
      %dma_wait3A_720 = arith.constant 0 : i32
      %dma_wait3A_721 = tpu.memref_slice %arg14[%dma_wait3A_720] : memref<100096xf32, #tpu.memory_space<vmem_shared>> -> memref<100096xf32, #tpu.memory_space<vmem_shared>>
      tpu.wait_indirect_dma semaphore(%arg15 : memref<!tpu.dma_semaphore, #tpu.memory_space<semaphore_mem>>) src(%dma_wait3A_716 : memref<128xf32, #tpu.memory_space<vmem>>) dst(%dma_wait3A_721 : memref<100096xf32, #tpu.memory_space<vmem_shared>>)
      %dma_wait3A_722 = arith.constant 1 : i32
      %dma_wait3A_723 = arith.constant 512 : i32
      %dma_wait3A_724 = tpu.memref_slice %arg7[%dma_wait3A_723] : memref<2048xf32, #tpu.memory_space<vmem>> -> memref<128xf32, #tpu.memory_space<vmem>>
      %dma_wait3A_725 = arith.constant 512 : i32
      %dma_wait3A_726 = tpu.memref_slice %arg6[%dma_wait3A_722, %dma_wait3A_725] : memref<2x2048xi32, #tpu.memory_space<vmem>> -> memref<1x128xi32, #tpu.memory_space<vmem>>
      %dma_wait3A_727 = tpu.memref_squeeze %dma_wait3A_726 : memref<1x128xi32, #tpu.memory_space<vmem>> -> memref<128xi32, #tpu.memory_space<vmem>>
      %dma_wait3A_728 = arith.constant 0 : i32
      %dma_wait3A_729 = tpu.memref_slice %arg14[%dma_wait3A_728] : memref<100096xf32, #tpu.memory_space<vmem_shared>> -> memref<100096xf32, #tpu.memory_space<vmem_shared>>
      tpu.wait_indirect_dma semaphore(%arg15 : memref<!tpu.dma_semaphore, #tpu.memory_space<semaphore_mem>>) src(%dma_wait3A_724 : memref<128xf32, #tpu.memory_space<vmem>>) dst(%dma_wait3A_729 : memref<100096xf32, #tpu.memory_space<vmem_shared>>)
      %dma_wait3A_730 = arith.constant 1 : i32
      %dma_wait3A_731 = arith.constant 640 : i32
      %dma_wait3A_732 = tpu.memref_slice %arg7[%dma_wait3A_731] : memref<2048xf32, #tpu.memory_space<vmem>> -> memref<128xf32, #tpu.memory_space<vmem>>
      %dma_wait3A_733 = arith.constant 640 : i32
      %dma_wait3A_734 = tpu.memref_slice %arg6[%dma_wait3A_730, %dma_wait3A_733] : memref<2x2048xi32, #tpu.memory_space<vmem>> -> memref<1x128xi32, #tpu.memory_space<vmem>>
      %dma_wait3A_735 = tpu.memref_squeeze %dma_wait3A_734 : memref<1x128xi32, #tpu.memory_space<vmem>> -> memref<128xi32, #tpu.memory_space<vmem>>
      %dma_wait3A_736 = arith.constant 0 : i32
      %dma_wait3A_737 = tpu.memref_slice %arg14[%dma_wait3A_736] : memref<100096xf32, #tpu.memory_space<vmem_shared>> -> memref<100096xf32, #tpu.memory_space<vmem_shared>>
      tpu.wait_indirect_dma semaphore(%arg15 : memref<!tpu.dma_semaphore, #tpu.memory_space<semaphore_mem>>) src(%dma_wait3A_732 : memref<128xf32, #tpu.memory_space<vmem>>) dst(%dma_wait3A_737 : memref<100096xf32, #tpu.memory_space<vmem_shared>>)
      %dma_wait3A_738 = arith.constant 1 : i32
      %dma_wait3A_739 = arith.constant 768 : i32
      %dma_wait3A_740 = tpu.memref_slice %arg7[%dma_wait3A_739] : memref<2048xf32, #tpu.memory_space<vmem>> -> memref<128xf32, #tpu.memory_space<vmem>>
      %dma_wait3A_741 = arith.constant 768 : i32
      %dma_wait3A_742 = tpu.memref_slice %arg6[%dma_wait3A_738, %dma_wait3A_741] : memref<2x2048xi32, #tpu.memory_space<vmem>> -> memref<1x128xi32, #tpu.memory_space<vmem>>
      %dma_wait3A_743 = tpu.memref_squeeze %dma_wait3A_742 : memref<1x128xi32, #tpu.memory_space<vmem>> -> memref<128xi32, #tpu.memory_space<vmem>>
      %dma_wait3A_744 = arith.constant 0 : i32
      %dma_wait3A_745 = tpu.memref_slice %arg14[%dma_wait3A_744] : memref<100096xf32, #tpu.memory_space<vmem_shared>> -> memref<100096xf32, #tpu.memory_space<vmem_shared>>
      tpu.wait_indirect_dma semaphore(%arg15 : memref<!tpu.dma_semaphore, #tpu.memory_space<semaphore_mem>>) src(%dma_wait3A_740 : memref<128xf32, #tpu.memory_space<vmem>>) dst(%dma_wait3A_745 : memref<100096xf32, #tpu.memory_space<vmem_shared>>)
      %dma_wait3A_746 = arith.constant 1 : i32
      %dma_wait3A_747 = arith.constant 896 : i32
      %dma_wait3A_748 = tpu.memref_slice %arg7[%dma_wait3A_747] : memref<2048xf32, #tpu.memory_space<vmem>> -> memref<128xf32, #tpu.memory_space<vmem>>
      %dma_wait3A_749 = arith.constant 896 : i32
      %dma_wait3A_750 = tpu.memref_slice %arg6[%dma_wait3A_746, %dma_wait3A_749] : memref<2x2048xi32, #tpu.memory_space<vmem>> -> memref<1x128xi32, #tpu.memory_space<vmem>>
      %dma_wait3A_751 = tpu.memref_squeeze %dma_wait3A_750 : memref<1x128xi32, #tpu.memory_space<vmem>> -> memref<128xi32, #tpu.memory_space<vmem>>
      %dma_wait3A_752 = arith.constant 0 : i32
      %dma_wait3A_753 = tpu.memref_slice %arg14[%dma_wait3A_752] : memref<100096xf32, #tpu.memory_space<vmem_shared>> -> memref<100096xf32, #tpu.memory_space<vmem_shared>>
      tpu.wait_indirect_dma semaphore(%arg15 : memref<!tpu.dma_semaphore, #tpu.memory_space<semaphore_mem>>) src(%dma_wait3A_748 : memref<128xf32, #tpu.memory_space<vmem>>) dst(%dma_wait3A_753 : memref<100096xf32, #tpu.memory_space<vmem_shared>>)
      %dma_wait3A_754 = arith.constant 1 : i32
      %dma_wait3A_755 = arith.constant 1024 : i32
      %dma_wait3A_756 = tpu.memref_slice %arg7[%dma_wait3A_755] : memref<2048xf32, #tpu.memory_space<vmem>> -> memref<128xf32, #tpu.memory_space<vmem>>
      %dma_wait3A_757 = arith.constant 1024 : i32
      %dma_wait3A_758 = tpu.memref_slice %arg6[%dma_wait3A_754, %dma_wait3A_757] : memref<2x2048xi32, #tpu.memory_space<vmem>> -> memref<1x128xi32, #tpu.memory_space<vmem>>
      %dma_wait3A_759 = tpu.memref_squeeze %dma_wait3A_758 : memref<1x128xi32, #tpu.memory_space<vmem>> -> memref<128xi32, #tpu.memory_space<vmem>>
      %dma_wait3A_760 = arith.constant 0 : i32
      %dma_wait3A_761 = tpu.memref_slice %arg14[%dma_wait3A_760] : memref<100096xf32, #tpu.memory_space<vmem_shared>> -> memref<100096xf32, #tpu.memory_space<vmem_shared>>
      tpu.wait_indirect_dma semaphore(%arg15 : memref<!tpu.dma_semaphore, #tpu.memory_space<semaphore_mem>>) src(%dma_wait3A_756 : memref<128xf32, #tpu.memory_space<vmem>>) dst(%dma_wait3A_761 : memref<100096xf32, #tpu.memory_space<vmem_shared>>)
      %dma_wait3A_762 = arith.constant 1 : i32
      %dma_wait3A_763 = arith.constant 1152 : i32
      %dma_wait3A_764 = tpu.memref_slice %arg7[%dma_wait3A_763] : memref<2048xf32, #tpu.memory_space<vmem>> -> memref<128xf32, #tpu.memory_space<vmem>>
      %dma_wait3A_765 = arith.constant 1152 : i32
      %dma_wait3A_766 = tpu.memref_slice %arg6[%dma_wait3A_762, %dma_wait3A_765] : memref<2x2048xi32, #tpu.memory_space<vmem>> -> memref<1x128xi32, #tpu.memory_space<vmem>>
      %dma_wait3A_767 = tpu.memref_squeeze %dma_wait3A_766 : memref<1x128xi32, #tpu.memory_space<vmem>> -> memref<128xi32, #tpu.memory_space<vmem>>
      %dma_wait3A_768 = arith.constant 0 : i32
      %dma_wait3A_769 = tpu.memref_slice %arg14[%dma_wait3A_768] : memref<100096xf32, #tpu.memory_space<vmem_shared>> -> memref<100096xf32, #tpu.memory_space<vmem_shared>>
      tpu.wait_indirect_dma semaphore(%arg15 : memref<!tpu.dma_semaphore, #tpu.memory_space<semaphore_mem>>) src(%dma_wait3A_764 : memref<128xf32, #tpu.memory_space<vmem>>) dst(%dma_wait3A_769 : memref<100096xf32, #tpu.memory_space<vmem_shared>>)
      %dma_wait3A_770 = arith.constant 1 : i32
      %dma_wait3A_771 = arith.constant 1280 : i32
      %dma_wait3A_772 = tpu.memref_slice %arg7[%dma_wait3A_771] : memref<2048xf32, #tpu.memory_space<vmem>> -> memref<128xf32, #tpu.memory_space<vmem>>
      %dma_wait3A_773 = arith.constant 1280 : i32
      %dma_wait3A_774 = tpu.memref_slice %arg6[%dma_wait3A_770, %dma_wait3A_773] : memref<2x2048xi32, #tpu.memory_space<vmem>> -> memref<1x128xi32, #tpu.memory_space<vmem>>
      %dma_wait3A_775 = tpu.memref_squeeze %dma_wait3A_774 : memref<1x128xi32, #tpu.memory_space<vmem>> -> memref<128xi32, #tpu.memory_space<vmem>>
      %dma_wait3A_776 = arith.constant 0 : i32
      %dma_wait3A_777 = tpu.memref_slice %arg14[%dma_wait3A_776] : memref<100096xf32, #tpu.memory_space<vmem_shared>> -> memref<100096xf32, #tpu.memory_space<vmem_shared>>
      tpu.wait_indirect_dma semaphore(%arg15 : memref<!tpu.dma_semaphore, #tpu.memory_space<semaphore_mem>>) src(%dma_wait3A_772 : memref<128xf32, #tpu.memory_space<vmem>>) dst(%dma_wait3A_777 : memref<100096xf32, #tpu.memory_space<vmem_shared>>)
      %dma_wait3A_778 = arith.constant 1 : i32
      %dma_wait3A_779 = arith.constant 1408 : i32
      %dma_wait3A_780 = tpu.memref_slice %arg7[%dma_wait3A_779] : memref<2048xf32, #tpu.memory_space<vmem>> -> memref<128xf32, #tpu.memory_space<vmem>>
      %dma_wait3A_781 = arith.constant 1408 : i32
      %dma_wait3A_782 = tpu.memref_slice %arg6[%dma_wait3A_778, %dma_wait3A_781] : memref<2x2048xi32, #tpu.memory_space<vmem>> -> memref<1x128xi32, #tpu.memory_space<vmem>>
      %dma_wait3A_783 = tpu.memref_squeeze %dma_wait3A_782 : memref<1x128xi32, #tpu.memory_space<vmem>> -> memref<128xi32, #tpu.memory_space<vmem>>
      %dma_wait3A_784 = arith.constant 0 : i32
      %dma_wait3A_785 = tpu.memref_slice %arg14[%dma_wait3A_784] : memref<100096xf32, #tpu.memory_space<vmem_shared>> -> memref<100096xf32, #tpu.memory_space<vmem_shared>>
      tpu.wait_indirect_dma semaphore(%arg15 : memref<!tpu.dma_semaphore, #tpu.memory_space<semaphore_mem>>) src(%dma_wait3A_780 : memref<128xf32, #tpu.memory_space<vmem>>) dst(%dma_wait3A_785 : memref<100096xf32, #tpu.memory_space<vmem_shared>>)
      %dma_wait3A_786 = arith.constant 1 : i32
      %dma_wait3A_787 = arith.constant 1536 : i32
      %dma_wait3A_788 = tpu.memref_slice %arg7[%dma_wait3A_787] : memref<2048xf32, #tpu.memory_space<vmem>> -> memref<128xf32, #tpu.memory_space<vmem>>
      %dma_wait3A_789 = arith.constant 1536 : i32
      %dma_wait3A_790 = tpu.memref_slice %arg6[%dma_wait3A_786, %dma_wait3A_789] : memref<2x2048xi32, #tpu.memory_space<vmem>> -> memref<1x128xi32, #tpu.memory_space<vmem>>
      %dma_wait3A_791 = tpu.memref_squeeze %dma_wait3A_790 : memref<1x128xi32, #tpu.memory_space<vmem>> -> memref<128xi32, #tpu.memory_space<vmem>>
      %dma_wait3A_792 = arith.constant 0 : i32
      %dma_wait3A_793 = tpu.memref_slice %arg14[%dma_wait3A_792] : memref<100096xf32, #tpu.memory_space<vmem_shared>> -> memref<100096xf32, #tpu.memory_space<vmem_shared>>
      tpu.wait_indirect_dma semaphore(%arg15 : memref<!tpu.dma_semaphore, #tpu.memory_space<semaphore_mem>>) src(%dma_wait3A_788 : memref<128xf32, #tpu.memory_space<vmem>>) dst(%dma_wait3A_793 : memref<100096xf32, #tpu.memory_space<vmem_shared>>)
      %dma_wait3A_794 = arith.constant 1 : i32
      %dma_wait3A_795 = arith.constant 1664 : i32
      %dma_wait3A_796 = tpu.memref_slice %arg7[%dma_wait3A_795] : memref<2048xf32, #tpu.memory_space<vmem>> -> memref<128xf32, #tpu.memory_space<vmem>>
      %dma_wait3A_797 = arith.constant 1664 : i32
      %dma_wait3A_798 = tpu.memref_slice %arg6[%dma_wait3A_794, %dma_wait3A_797] : memref<2x2048xi32, #tpu.memory_space<vmem>> -> memref<1x128xi32, #tpu.memory_space<vmem>>
      %dma_wait3A_799 = tpu.memref_squeeze %dma_wait3A_798 : memref<1x128xi32, #tpu.memory_space<vmem>> -> memref<128xi32, #tpu.memory_space<vmem>>
      %dma_wait3A_800 = arith.constant 0 : i32
      %dma_wait3A_801 = tpu.memref_slice %arg14[%dma_wait3A_800] : memref<100096xf32, #tpu.memory_space<vmem_shared>> -> memref<100096xf32, #tpu.memory_space<vmem_shared>>
      tpu.wait_indirect_dma semaphore(%arg15 : memref<!tpu.dma_semaphore, #tpu.memory_space<semaphore_mem>>) src(%dma_wait3A_796 : memref<128xf32, #tpu.memory_space<vmem>>) dst(%dma_wait3A_801 : memref<100096xf32, #tpu.memory_space<vmem_shared>>)
      %dma_wait3A_802 = arith.constant 1 : i32
      %dma_wait3A_803 = arith.constant 1792 : i32
      %dma_wait3A_804 = tpu.memref_slice %arg7[%dma_wait3A_803] : memref<2048xf32, #tpu.memory_space<vmem>> -> memref<128xf32, #tpu.memory_space<vmem>>
      %dma_wait3A_805 = arith.constant 1792 : i32
      %dma_wait3A_806 = tpu.memref_slice %arg6[%dma_wait3A_802, %dma_wait3A_805] : memref<2x2048xi32, #tpu.memory_space<vmem>> -> memref<1x128xi32, #tpu.memory_space<vmem>>
      %dma_wait3A_807 = tpu.memref_squeeze %dma_wait3A_806 : memref<1x128xi32, #tpu.memory_space<vmem>> -> memref<128xi32, #tpu.memory_space<vmem>>
      %dma_wait3A_808 = arith.constant 0 : i32
      %dma_wait3A_809 = tpu.memref_slice %arg14[%dma_wait3A_808] : memref<100096xf32, #tpu.memory_space<vmem_shared>> -> memref<100096xf32, #tpu.memory_space<vmem_shared>>
      tpu.wait_indirect_dma semaphore(%arg15 : memref<!tpu.dma_semaphore, #tpu.memory_space<semaphore_mem>>) src(%dma_wait3A_804 : memref<128xf32, #tpu.memory_space<vmem>>) dst(%dma_wait3A_809 : memref<100096xf32, #tpu.memory_space<vmem_shared>>)
      %dma_wait3A_810 = arith.constant 1 : i32
      %dma_wait3A_811 = arith.constant 1920 : i32
      %dma_wait3A_812 = tpu.memref_slice %arg7[%dma_wait3A_811] : memref<2048xf32, #tpu.memory_space<vmem>> -> memref<128xf32, #tpu.memory_space<vmem>>
      %dma_wait3A_813 = arith.constant 1920 : i32
      %dma_wait3A_814 = tpu.memref_slice %arg6[%dma_wait3A_810, %dma_wait3A_813] : memref<2x2048xi32, #tpu.memory_space<vmem>> -> memref<1x128xi32, #tpu.memory_space<vmem>>
      %dma_wait3A_815 = tpu.memref_squeeze %dma_wait3A_814 : memref<1x128xi32, #tpu.memory_space<vmem>> -> memref<128xi32, #tpu.memory_space<vmem>>
      %dma_wait3A_816 = arith.constant 0 : i32
      %dma_wait3A_817 = tpu.memref_slice %arg14[%dma_wait3A_816] : memref<100096xf32, #tpu.memory_space<vmem_shared>> -> memref<100096xf32, #tpu.memory_space<vmem_shared>>
      tpu.wait_indirect_dma semaphore(%arg15 : memref<!tpu.dma_semaphore, #tpu.memory_space<semaphore_mem>>) src(%dma_wait3A_812 : memref<128xf32, #tpu.memory_space<vmem>>) dst(%dma_wait3A_817 : memref<100096xf32, #tpu.memory_space<vmem_shared>>)
      %add3A_818 = arith.constant 2 : i32
      %add3A_819 = arith.addi %mul3A_372, %add3A_818 : i32
      %add3A_820 = arith.constant 2 : i32
      %add3A_821 = arith.addi %add3A_819, %add3A_820 : i32
      %mul3A_822 = arith.constant 2048 : i32
      %mul3A_823 = arith.muli %add3A_821, %mul3A_822 : i32
      %add3A_824 = arith.addi %mul3A_23, %mul3A_823 : i32
      %dma_start3A_825 = arith.constant 0 : i32
      %dma_start3A_826 = tpu.memref_slice %arg3[%dma_start3A_825, %add3A_824] : memref<2x3200000xi32, #tpu.memory_space<hbm>> -> memref<2x2048xi32, #tpu.memory_space<hbm>>
      %dma_start3A_827 = arith.constant 0 : i32
      %dma_start3A_828 = tpu.memref_slice %arg3[%dma_start3A_827, %add3A_824] : memref<2x3200000xi32, #tpu.memory_space<hbm>> -> memref<2x2048xi32, #tpu.memory_space<hbm>>
      tpu.enqueue_dma source(%dma_start3A_828 : memref<2x2048xi32, #tpu.memory_space<hbm>>) target(%arg6 : memref<2x2048xi32, #tpu.memory_space<vmem>>) target_semaphore(%arg19 : memref<!tpu.dma_semaphore, #tpu.memory_space<semaphore_mem>>)
      %scan3A_829 = arith.constant 0 : i32
      %scan3A_830 = arith.constant 0 : i32
      %scan3A_831 = arith.constant 32 : i32
      %scan3A_832 = arith.addi %scan3A_830, %scan3A_831 : i32
      %scan3A_833 = arith.constant 1 : i32
      scf.for %scan3A_1242 = %scan3A_830 to %scan3A_832 step %scan3A_833  : i32 {
        %mul3A_1243 = arith.constant 4 : i32
        %mul3A_1244 = arith.muli %scan3A_1242, %mul3A_1243 : i32
        %add3A_1245 = arith.constant 0 : i32
        %add3A_1246 = arith.addi %mul3A_1244, %add3A_1245 : i32
        %mul3A_1247 = arith.constant 16 : i32
        %mul3A_1248 = arith.muli %add3A_1246, %mul3A_1247 : i32
        %get3A = arith.constant 0 : i32
        %get3A_1249 = arith.index_cast %get3A : i32 to index
        %get3A_1250 = arith.index_cast %mul3A_1248 : i32 to index
        %get3A_1251 = tpu.vector_load %arg10[%get3A_1249, %get3A_1250] {strides = array<i32>} : memref<2x2048xi32, #tpu.memory_space<vmem>>, vector<16xi32>,
        %get3A_1252 = arith.constant 1 : i32
        %get3A_1253 = arith.index_cast %get3A_1252 : i32 to index
        %get3A_1254 = arith.index_cast %mul3A_1248 : i32 to index
        %get3A_1255 = tpu.vector_load %arg10[%get3A_1253, %get3A_1254] {strides = array<i32>} : memref<2x2048xi32, #tpu.memory_space<vmem>>, vector<16xi32>,
        %gather3A = tpu.vector_load_idx %arg5[%get3A_1255] : memref<100000xf32, #tpu.memory_space<vmem>>[vector<16xi32>], vector<16xf32>,
        %gather3A_1256 = tpu.vector_load_idx %arg5[%get3A_1251] : memref<100000xf32, #tpu.memory_space<vmem>>[vector<16xi32>], vector<16xf32>,
        %sub3A = arith.subf %gather3A, %gather3A_1256 : vector<16xf32>
        %swap3A = arith.index_cast %mul3A_1248 : i32 to index
        %swap3A_1257 = tpu.vector_load %arg11[%swap3A] {strides = array<i32>} : memref<2048xf32, #tpu.memory_space<vmem>>, vector<16xf32>,
        tpu.vector_store %arg11[%swap3A], %sub3A {strides = array<i32>} : memref<2048xf32, #tpu.memory_space<vmem>>, vector<16xf32>,
        %mul3A_1258 = arith.constant 4 : i32
        %mul3A_1259 = arith.muli %scan3A_1242, %mul3A_1258 : i32
        %add3A_1260 = arith.constant 1 : i32
        %add3A_1261 = arith.addi %mul3A_1259, %add3A_1260 : i32
        %mul3A_1262 = arith.constant 16 : i32
        %mul3A_1263 = arith.muli %add3A_1261, %mul3A_1262 : i32
        %get3A_1264 = arith.constant 0 : i32
        %get3A_1265 = arith.index_cast %get3A_1264 : i32 to index
        %get3A_1266 = arith.index_cast %mul3A_1263 : i32 to index
        %get3A_1267 = tpu.vector_load %arg10[%get3A_1265, %get3A_1266] {strides = array<i32>} : memref<2x2048xi32, #tpu.memory_space<vmem>>, vector<16xi32>,
        %get3A_1268 = arith.constant 1 : i32
        %get3A_1269 = arith.index_cast %get3A_1268 : i32 to index
        %get3A_1270 = arith.index_cast %mul3A_1263 : i32 to index
        %get3A_1271 = tpu.vector_load %arg10[%get3A_1269, %get3A_1270] {strides = array<i32>} : memref<2x2048xi32, #tpu.memory_space<vmem>>, vector<16xi32>,
        %gather3A_1272 = tpu.vector_load_idx %arg5[%get3A_1271] : memref<100000xf32, #tpu.memory_space<vmem>>[vector<16xi32>], vector<16xf32>,
        %gather3A_1273 = tpu.vector_load_idx %arg5[%get3A_1267] : memref<100000xf32, #tpu.memory_space<vmem>>[vector<16xi32>], vector<16xf32>,
        %sub3A_1274 = arith.subf %gather3A_1272, %gather3A_1273 : vector<16xf32>
        %swap3A_1275 = arith.index_cast %mul3A_1263 : i32 to index
        %swap3A_1276 = tpu.vector_load %arg11[%swap3A_1275] {strides = array<i32>} : memref<2048xf32, #tpu.memory_space<vmem>>, vector<16xf32>,
        tpu.vector_store %arg11[%swap3A_1275], %sub3A_1274 {strides = array<i32>} : memref<2048xf32, #tpu.memory_space<vmem>>, vector<16xf32>,
        %mul3A_1277 = arith.constant 4 : i32
        %mul3A_1278 = arith.muli %scan3A_1242, %mul3A_1277 : i32
        %add3A_1279 = arith.constant 2 : i32
        %add3A_1280 = arith.addi %mul3A_1278, %add3A_1279 : i32
        %mul3A_1281 = arith.constant 16 : i32
        %mul3A_1282 = arith.muli %add3A_1280, %mul3A_1281 : i32
        %get3A_1283 = arith.constant 0 : i32
        %get3A_1284 = arith.index_cast %get3A_1283 : i32 to index
        %get3A_1285 = arith.index_cast %mul3A_1282 : i32 to index
        %get3A_1286 = tpu.vector_load %arg10[%get3A_1284, %get3A_1285] {strides = array<i32>} : memref<2x2048xi32, #tpu.memory_space<vmem>>, vector<16xi32>,
        %get3A_1287 = arith.constant 1 : i32
        %get3A_1288 = arith.index_cast %get3A_1287 : i32 to index
        %get3A_1289 = arith.index_cast %mul3A_1282 : i32 to index
        %get3A_1290 = tpu.vector_load %arg10[%get3A_1288, %get3A_1289] {strides = array<i32>} : memref<2x2048xi32, #tpu.memory_space<vmem>>, vector<16xi32>,
        %gather3A_1291 = tpu.vector_load_idx %arg5[%get3A_1290] : memref<100000xf32, #tpu.memory_space<vmem>>[vector<16xi32>], vector<16xf32>,
        %gather3A_1292 = tpu.vector_load_idx %arg5[%get3A_1286] : memref<100000xf32, #tpu.memory_space<vmem>>[vector<16xi32>], vector<16xf32>,
        %sub3A_1293 = arith.subf %gather3A_1291, %gather3A_1292 : vector<16xf32>
        %swap3A_1294 = arith.index_cast %mul3A_1282 : i32 to index
        %swap3A_1295 = tpu.vector_load %arg11[%swap3A_1294] {strides = array<i32>} : memref<2048xf32, #tpu.memory_space<vmem>>, vector<16xf32>,
        tpu.vector_store %arg11[%swap3A_1294], %sub3A_1293 {strides = array<i32>} : memref<2048xf32, #tpu.memory_space<vmem>>, vector<16xf32>,
        %mul3A_1296 = arith.constant 4 : i32
        %mul3A_1297 = arith.muli %scan3A_1242, %mul3A_1296 : i32
        %add3A_1298 = arith.constant 3 : i32
        %add3A_1299 = arith.addi %mul3A_1297, %add3A_1298 : i32
        %mul3A_1300 = arith.constant 16 : i32
        %mul3A_1301 = arith.muli %add3A_1299, %mul3A_1300 : i32
        %get3A_1302 = arith.constant 0 : i32
        %get3A_1303 = arith.index_cast %get3A_1302 : i32 to index
        %get3A_1304 = arith.index_cast %mul3A_1301 : i32 to index
        %get3A_1305 = tpu.vector_load %arg10[%get3A_1303, %get3A_1304] {strides = array<i32>} : memref<2x2048xi32, #tpu.memory_space<vmem>>, vector<16xi32>,
        %get3A_1306 = arith.constant 1 : i32
        %get3A_1307 = arith.index_cast %get3A_1306 : i32 to index
        %get3A_1308 = arith.index_cast %mul3A_1301 : i32 to index
        %get3A_1309 = tpu.vector_load %arg10[%get3A_1307, %get3A_1308] {strides = array<i32>} : memref<2x2048xi32, #tpu.memory_space<vmem>>, vector<16xi32>,
        %gather3A_1310 = tpu.vector_load_idx %arg5[%get3A_1309] : memref<100000xf32, #tpu.memory_space<vmem>>[vector<16xi32>], vector<16xf32>,
        %gather3A_1311 = tpu.vector_load_idx %arg5[%get3A_1305] : memref<100000xf32, #tpu.memory_space<vmem>>[vector<16xi32>], vector<16xf32>,
        %sub3A_1312 = arith.subf %gather3A_1310, %gather3A_1311 : vector<16xf32>
        %swap3A_1313 = arith.index_cast %mul3A_1301 : i32 to index
        %swap3A_1314 = tpu.vector_load %arg11[%swap3A_1313] {strides = array<i32>} : memref<2048xf32, #tpu.memory_space<vmem>>, vector<16xf32>,
        tpu.vector_store %arg11[%swap3A_1313], %sub3A_1312 {strides = array<i32>} : memref<2048xf32, #tpu.memory_space<vmem>>, vector<16xf32>,
      }
      %scan3A_834 = arith.constant 32 : i32
      %dma_start3A_835 = arith.constant 1 : i32
      %dma_start3A_836 = arith.constant 0 : i32
      %dma_start3A_837 = tpu.memref_slice %arg11[%dma_start3A_836] : memref<2048xf32, #tpu.memory_space<vmem>> -> memref<128xf32, #tpu.memory_space<vmem>>
      %dma_start3A_838 = arith.constant 0 : i32
      %dma_start3A_839 = tpu.memref_slice %arg10[%dma_start3A_835, %dma_start3A_838] : memref<2x2048xi32, #tpu.memory_space<vmem>> -> memref<1x128xi32, #tpu.memory_space<vmem>>
      %dma_start3A_840 = tpu.memref_squeeze %dma_start3A_839 : memref<1x128xi32, #tpu.memory_space<vmem>> -> memref<128xi32, #tpu.memory_space<vmem>>
      %dma_start3A_841 = arith.constant 0 : i32
      %dma_start3A_842 = tpu.memref_slice %arg14[%dma_start3A_841] : memref<100096xf32, #tpu.memory_space<vmem_shared>> -> memref<100096xf32, #tpu.memory_space<vmem_shared>>
      tpu.enqueue_indirect_dma source(%dma_start3A_837 : memref<128xf32, #tpu.memory_space<vmem>>) target(%dma_start3A_842 : memref<100096xf32, #tpu.memory_space<vmem_shared>>) offsets(%dma_start3A_840 : memref<128xi32, #tpu.memory_space<vmem>>) semaphore(%arg17 : memref<!tpu.dma_semaphore, #tpu.memory_space<semaphore_mem>>) {add = true}
      %dma_start3A_843 = arith.constant 1 : i32
      %dma_start3A_844 = arith.constant 128 : i32
      %dma_start3A_845 = tpu.memref_slice %arg11[%dma_start3A_844] : memref<2048xf32, #tpu.memory_space<vmem>> -> memref<128xf32, #tpu.memory_space<vmem>>
      %dma_start3A_846 = arith.constant 128 : i32
      %dma_start3A_847 = tpu.memref_slice %arg10[%dma_start3A_843, %dma_start3A_846] : memref<2x2048xi32, #tpu.memory_space<vmem>> -> memref<1x128xi32, #tpu.memory_space<vmem>>
      %dma_start3A_848 = tpu.memref_squeeze %dma_start3A_847 : memref<1x128xi32, #tpu.memory_space<vmem>> -> memref<128xi32, #tpu.memory_space<vmem>>
      %dma_start3A_849 = arith.constant 0 : i32
      %dma_start3A_850 = tpu.memref_slice %arg14[%dma_start3A_849] : memref<100096xf32, #tpu.memory_space<vmem_shared>> -> memref<100096xf32, #tpu.memory_space<vmem_shared>>
      tpu.enqueue_indirect_dma source(%dma_start3A_845 : memref<128xf32, #tpu.memory_space<vmem>>) target(%dma_start3A_850 : memref<100096xf32, #tpu.memory_space<vmem_shared>>) offsets(%dma_start3A_848 : memref<128xi32, #tpu.memory_space<vmem>>) semaphore(%arg17 : memref<!tpu.dma_semaphore, #tpu.memory_space<semaphore_mem>>) {add = true}
      %dma_start3A_851 = arith.constant 1 : i32
      %dma_start3A_852 = arith.constant 256 : i32
      %dma_start3A_853 = tpu.memref_slice %arg11[%dma_start3A_852] : memref<2048xf32, #tpu.memory_space<vmem>> -> memref<128xf32, #tpu.memory_space<vmem>>
      %dma_start3A_854 = arith.constant 256 : i32
      %dma_start3A_855 = tpu.memref_slice %arg10[%dma_start3A_851, %dma_start3A_854] : memref<2x2048xi32, #tpu.memory_space<vmem>> -> memref<1x128xi32, #tpu.memory_space<vmem>>
      %dma_start3A_856 = tpu.memref_squeeze %dma_start3A_855 : memref<1x128xi32, #tpu.memory_space<vmem>> -> memref<128xi32, #tpu.memory_space<vmem>>
      %dma_start3A_857 = arith.constant 0 : i32
      %dma_start3A_858 = tpu.memref_slice %arg14[%dma_start3A_857] : memref<100096xf32, #tpu.memory_space<vmem_shared>> -> memref<100096xf32, #tpu.memory_space<vmem_shared>>
      tpu.enqueue_indirect_dma source(%dma_start3A_853 : memref<128xf32, #tpu.memory_space<vmem>>) target(%dma_start3A_858 : memref<100096xf32, #tpu.memory_space<vmem_shared>>) offsets(%dma_start3A_856 : memref<128xi32, #tpu.memory_space<vmem>>) semaphore(%arg17 : memref<!tpu.dma_semaphore, #tpu.memory_space<semaphore_mem>>) {add = true}
      %dma_start3A_859 = arith.constant 1 : i32
      %dma_start3A_860 = arith.constant 384 : i32
      %dma_start3A_861 = tpu.memref_slice %arg11[%dma_start3A_860] : memref<2048xf32, #tpu.memory_space<vmem>> -> memref<128xf32, #tpu.memory_space<vmem>>
      %dma_start3A_862 = arith.constant 384 : i32
      %dma_start3A_863 = tpu.memref_slice %arg10[%dma_start3A_859, %dma_start3A_862] : memref<2x2048xi32, #tpu.memory_space<vmem>> -> memref<1x128xi32, #tpu.memory_space<vmem>>
      %dma_start3A_864 = tpu.memref_squeeze %dma_start3A_863 : memref<1x128xi32, #tpu.memory_space<vmem>> -> memref<128xi32, #tpu.memory_space<vmem>>
      %dma_start3A_865 = arith.constant 0 : i32
      %dma_start3A_866 = tpu.memref_slice %arg14[%dma_start3A_865] : memref<100096xf32, #tpu.memory_space<vmem_shared>> -> memref<100096xf32, #tpu.memory_space<vmem_shared>>
      tpu.enqueue_indirect_dma source(%dma_start3A_861 : memref<128xf32, #tpu.memory_space<vmem>>) target(%dma_start3A_866 : memref<100096xf32, #tpu.memory_space<vmem_shared>>) offsets(%dma_start3A_864 : memref<128xi32, #tpu.memory_space<vmem>>) semaphore(%arg17 : memref<!tpu.dma_semaphore, #tpu.memory_space<semaphore_mem>>) {add = true}
      %dma_start3A_867 = arith.constant 1 : i32
      %dma_start3A_868 = arith.constant 512 : i32
      %dma_start3A_869 = tpu.memref_slice %arg11[%dma_start3A_868] : memref<2048xf32, #tpu.memory_space<vmem>> -> memref<128xf32, #tpu.memory_space<vmem>>
      %dma_start3A_870 = arith.constant 512 : i32
      %dma_start3A_871 = tpu.memref_slice %arg10[%dma_start3A_867, %dma_start3A_870] : memref<2x2048xi32, #tpu.memory_space<vmem>> -> memref<1x128xi32, #tpu.memory_space<vmem>>
      %dma_start3A_872 = tpu.memref_squeeze %dma_start3A_871 : memref<1x128xi32, #tpu.memory_space<vmem>> -> memref<128xi32, #tpu.memory_space<vmem>>
      %dma_start3A_873 = arith.constant 0 : i32
      %dma_start3A_874 = tpu.memref_slice %arg14[%dma_start3A_873] : memref<100096xf32, #tpu.memory_space<vmem_shared>> -> memref<100096xf32, #tpu.memory_space<vmem_shared>>
      tpu.enqueue_indirect_dma source(%dma_start3A_869 : memref<128xf32, #tpu.memory_space<vmem>>) target(%dma_start3A_874 : memref<100096xf32, #tpu.memory_space<vmem_shared>>) offsets(%dma_start3A_872 : memref<128xi32, #tpu.memory_space<vmem>>) semaphore(%arg17 : memref<!tpu.dma_semaphore, #tpu.memory_space<semaphore_mem>>) {add = true}
      %dma_start3A_875 = arith.constant 1 : i32
      %dma_start3A_876 = arith.constant 640 : i32
      %dma_start3A_877 = tpu.memref_slice %arg11[%dma_start3A_876] : memref<2048xf32, #tpu.memory_space<vmem>> -> memref<128xf32, #tpu.memory_space<vmem>>
      %dma_start3A_878 = arith.constant 640 : i32
      %dma_start3A_879 = tpu.memref_slice %arg10[%dma_start3A_875, %dma_start3A_878] : memref<2x2048xi32, #tpu.memory_space<vmem>> -> memref<1x128xi32, #tpu.memory_space<vmem>>
      %dma_start3A_880 = tpu.memref_squeeze %dma_start3A_879 : memref<1x128xi32, #tpu.memory_space<vmem>> -> memref<128xi32, #tpu.memory_space<vmem>>
      %dma_start3A_881 = arith.constant 0 : i32
      %dma_start3A_882 = tpu.memref_slice %arg14[%dma_start3A_881] : memref<100096xf32, #tpu.memory_space<vmem_shared>> -> memref<100096xf32, #tpu.memory_space<vmem_shared>>
      tpu.enqueue_indirect_dma source(%dma_start3A_877 : memref<128xf32, #tpu.memory_space<vmem>>) target(%dma_start3A_882 : memref<100096xf32, #tpu.memory_space<vmem_shared>>) offsets(%dma_start3A_880 : memref<128xi32, #tpu.memory_space<vmem>>) semaphore(%arg17 : memref<!tpu.dma_semaphore, #tpu.memory_space<semaphore_mem>>) {add = true}
      %dma_start3A_883 = arith.constant 1 : i32
      %dma_start3A_884 = arith.constant 768 : i32
      %dma_start3A_885 = tpu.memref_slice %arg11[%dma_start3A_884] : memref<2048xf32, #tpu.memory_space<vmem>> -> memref<128xf32, #tpu.memory_space<vmem>>
      %dma_start3A_886 = arith.constant 768 : i32
      %dma_start3A_887 = tpu.memref_slice %arg10[%dma_start3A_883, %dma_start3A_886] : memref<2x2048xi32, #tpu.memory_space<vmem>> -> memref<1x128xi32, #tpu.memory_space<vmem>>
      %dma_start3A_888 = tpu.memref_squeeze %dma_start3A_887 : memref<1x128xi32, #tpu.memory_space<vmem>> -> memref<128xi32, #tpu.memory_space<vmem>>
      %dma_start3A_889 = arith.constant 0 : i32
      %dma_start3A_890 = tpu.memref_slice %arg14[%dma_start3A_889] : memref<100096xf32, #tpu.memory_space<vmem_shared>> -> memref<100096xf32, #tpu.memory_space<vmem_shared>>
      tpu.enqueue_indirect_dma source(%dma_start3A_885 : memref<128xf32, #tpu.memory_space<vmem>>) target(%dma_start3A_890 : memref<100096xf32, #tpu.memory_space<vmem_shared>>) offsets(%dma_start3A_888 : memref<128xi32, #tpu.memory_space<vmem>>) semaphore(%arg17 : memref<!tpu.dma_semaphore, #tpu.memory_space<semaphore_mem>>) {add = true}
      %dma_start3A_891 = arith.constant 1 : i32
      %dma_start3A_892 = arith.constant 896 : i32
      %dma_start3A_893 = tpu.memref_slice %arg11[%dma_start3A_892] : memref<2048xf32, #tpu.memory_space<vmem>> -> memref<128xf32, #tpu.memory_space<vmem>>
      %dma_start3A_894 = arith.constant 896 : i32
      %dma_start3A_895 = tpu.memref_slice %arg10[%dma_start3A_891, %dma_start3A_894] : memref<2x2048xi32, #tpu.memory_space<vmem>> -> memref<1x128xi32, #tpu.memory_space<vmem>>
      %dma_start3A_896 = tpu.memref_squeeze %dma_start3A_895 : memref<1x128xi32, #tpu.memory_space<vmem>> -> memref<128xi32, #tpu.memory_space<vmem>>
      %dma_start3A_897 = arith.constant 0 : i32
      %dma_start3A_898 = tpu.memref_slice %arg14[%dma_start3A_897] : memref<100096xf32, #tpu.memory_space<vmem_shared>> -> memref<100096xf32, #tpu.memory_space<vmem_shared>>
      tpu.enqueue_indirect_dma source(%dma_start3A_893 : memref<128xf32, #tpu.memory_space<vmem>>) target(%dma_start3A_898 : memref<100096xf32, #tpu.memory_space<vmem_shared>>) offsets(%dma_start3A_896 : memref<128xi32, #tpu.memory_space<vmem>>) semaphore(%arg17 : memref<!tpu.dma_semaphore, #tpu.memory_space<semaphore_mem>>) {add = true}
      %dma_start3A_899 = arith.constant 1 : i32
      %dma_start3A_900 = arith.constant 1024 : i32
      %dma_start3A_901 = tpu.memref_slice %arg11[%dma_start3A_900] : memref<2048xf32, #tpu.memory_space<vmem>> -> memref<128xf32, #tpu.memory_space<vmem>>
      %dma_start3A_902 = arith.constant 1024 : i32
      %dma_start3A_903 = tpu.memref_slice %arg10[%dma_start3A_899, %dma_start3A_902] : memref<2x2048xi32, #tpu.memory_space<vmem>> -> memref<1x128xi32, #tpu.memory_space<vmem>>
      %dma_start3A_904 = tpu.memref_squeeze %dma_start3A_903 : memref<1x128xi32, #tpu.memory_space<vmem>> -> memref<128xi32, #tpu.memory_space<vmem>>
      %dma_start3A_905 = arith.constant 0 : i32
      %dma_start3A_906 = tpu.memref_slice %arg14[%dma_start3A_905] : memref<100096xf32, #tpu.memory_space<vmem_shared>> -> memref<100096xf32, #tpu.memory_space<vmem_shared>>
      tpu.enqueue_indirect_dma source(%dma_start3A_901 : memref<128xf32, #tpu.memory_space<vmem>>) target(%dma_start3A_906 : memref<100096xf32, #tpu.memory_space<vmem_shared>>) offsets(%dma_start3A_904 : memref<128xi32, #tpu.memory_space<vmem>>) semaphore(%arg17 : memref<!tpu.dma_semaphore, #tpu.memory_space<semaphore_mem>>) {add = true}
      %dma_start3A_907 = arith.constant 1 : i32
      %dma_start3A_908 = arith.constant 1152 : i32
      %dma_start3A_909 = tpu.memref_slice %arg11[%dma_start3A_908] : memref<2048xf32, #tpu.memory_space<vmem>> -> memref<128xf32, #tpu.memory_space<vmem>>
      %dma_start3A_910 = arith.constant 1152 : i32
      %dma_start3A_911 = tpu.memref_slice %arg10[%dma_start3A_907, %dma_start3A_910] : memref<2x2048xi32, #tpu.memory_space<vmem>> -> memref<1x128xi32, #tpu.memory_space<vmem>>
      %dma_start3A_912 = tpu.memref_squeeze %dma_start3A_911 : memref<1x128xi32, #tpu.memory_space<vmem>> -> memref<128xi32, #tpu.memory_space<vmem>>
      %dma_start3A_913 = arith.constant 0 : i32
      %dma_start3A_914 = tpu.memref_slice %arg14[%dma_start3A_913] : memref<100096xf32, #tpu.memory_space<vmem_shared>> -> memref<100096xf32, #tpu.memory_space<vmem_shared>>
      tpu.enqueue_indirect_dma source(%dma_start3A_909 : memref<128xf32, #tpu.memory_space<vmem>>) target(%dma_start3A_914 : memref<100096xf32, #tpu.memory_space<vmem_shared>>) offsets(%dma_start3A_912 : memref<128xi32, #tpu.memory_space<vmem>>) semaphore(%arg17 : memref<!tpu.dma_semaphore, #tpu.memory_space<semaphore_mem>>) {add = true}
      %dma_start3A_915 = arith.constant 1 : i32
      %dma_start3A_916 = arith.constant 1280 : i32
      %dma_start3A_917 = tpu.memref_slice %arg11[%dma_start3A_916] : memref<2048xf32, #tpu.memory_space<vmem>> -> memref<128xf32, #tpu.memory_space<vmem>>
      %dma_start3A_918 = arith.constant 1280 : i32
      %dma_start3A_919 = tpu.memref_slice %arg10[%dma_start3A_915, %dma_start3A_918] : memref<2x2048xi32, #tpu.memory_space<vmem>> -> memref<1x128xi32, #tpu.memory_space<vmem>>
      %dma_start3A_920 = tpu.memref_squeeze %dma_start3A_919 : memref<1x128xi32, #tpu.memory_space<vmem>> -> memref<128xi32, #tpu.memory_space<vmem>>
      %dma_start3A_921 = arith.constant 0 : i32
      %dma_start3A_922 = tpu.memref_slice %arg14[%dma_start3A_921] : memref<100096xf32, #tpu.memory_space<vmem_shared>> -> memref<100096xf32, #tpu.memory_space<vmem_shared>>
      tpu.enqueue_indirect_dma source(%dma_start3A_917 : memref<128xf32, #tpu.memory_space<vmem>>) target(%dma_start3A_922 : memref<100096xf32, #tpu.memory_space<vmem_shared>>) offsets(%dma_start3A_920 : memref<128xi32, #tpu.memory_space<vmem>>) semaphore(%arg17 : memref<!tpu.dma_semaphore, #tpu.memory_space<semaphore_mem>>) {add = true}
      %dma_start3A_923 = arith.constant 1 : i32
      %dma_start3A_924 = arith.constant 1408 : i32
      %dma_start3A_925 = tpu.memref_slice %arg11[%dma_start3A_924] : memref<2048xf32, #tpu.memory_space<vmem>> -> memref<128xf32, #tpu.memory_space<vmem>>
      %dma_start3A_926 = arith.constant 1408 : i32
      %dma_start3A_927 = tpu.memref_slice %arg10[%dma_start3A_923, %dma_start3A_926] : memref<2x2048xi32, #tpu.memory_space<vmem>> -> memref<1x128xi32, #tpu.memory_space<vmem>>
      %dma_start3A_928 = tpu.memref_squeeze %dma_start3A_927 : memref<1x128xi32, #tpu.memory_space<vmem>> -> memref<128xi32, #tpu.memory_space<vmem>>
      %dma_start3A_929 = arith.constant 0 : i32
      %dma_start3A_930 = tpu.memref_slice %arg14[%dma_start3A_929] : memref<100096xf32, #tpu.memory_space<vmem_shared>> -> memref<100096xf32, #tpu.memory_space<vmem_shared>>
      tpu.enqueue_indirect_dma source(%dma_start3A_925 : memref<128xf32, #tpu.memory_space<vmem>>) target(%dma_start3A_930 : memref<100096xf32, #tpu.memory_space<vmem_shared>>) offsets(%dma_start3A_928 : memref<128xi32, #tpu.memory_space<vmem>>) semaphore(%arg17 : memref<!tpu.dma_semaphore, #tpu.memory_space<semaphore_mem>>) {add = true}
      %dma_start3A_931 = arith.constant 1 : i32
      %dma_start3A_932 = arith.constant 1536 : i32
      %dma_start3A_933 = tpu.memref_slice %arg11[%dma_start3A_932] : memref<2048xf32, #tpu.memory_space<vmem>> -> memref<128xf32, #tpu.memory_space<vmem>>
      %dma_start3A_934 = arith.constant 1536 : i32
      %dma_start3A_935 = tpu.memref_slice %arg10[%dma_start3A_931, %dma_start3A_934] : memref<2x2048xi32, #tpu.memory_space<vmem>> -> memref<1x128xi32, #tpu.memory_space<vmem>>
      %dma_start3A_936 = tpu.memref_squeeze %dma_start3A_935 : memref<1x128xi32, #tpu.memory_space<vmem>> -> memref<128xi32, #tpu.memory_space<vmem>>
      %dma_start3A_937 = arith.constant 0 : i32
      %dma_start3A_938 = tpu.memref_slice %arg14[%dma_start3A_937] : memref<100096xf32, #tpu.memory_space<vmem_shared>> -> memref<100096xf32, #tpu.memory_space<vmem_shared>>
      tpu.enqueue_indirect_dma source(%dma_start3A_933 : memref<128xf32, #tpu.memory_space<vmem>>) target(%dma_start3A_938 : memref<100096xf32, #tpu.memory_space<vmem_shared>>) offsets(%dma_start3A_936 : memref<128xi32, #tpu.memory_space<vmem>>) semaphore(%arg17 : memref<!tpu.dma_semaphore, #tpu.memory_space<semaphore_mem>>) {add = true}
      %dma_start3A_939 = arith.constant 1 : i32
      %dma_start3A_940 = arith.constant 1664 : i32
      %dma_start3A_941 = tpu.memref_slice %arg11[%dma_start3A_940] : memref<2048xf32, #tpu.memory_space<vmem>> -> memref<128xf32, #tpu.memory_space<vmem>>
      %dma_start3A_942 = arith.constant 1664 : i32
      %dma_start3A_943 = tpu.memref_slice %arg10[%dma_start3A_939, %dma_start3A_942] : memref<2x2048xi32, #tpu.memory_space<vmem>> -> memref<1x128xi32, #tpu.memory_space<vmem>>
      %dma_start3A_944 = tpu.memref_squeeze %dma_start3A_943 : memref<1x128xi32, #tpu.memory_space<vmem>> -> memref<128xi32, #tpu.memory_space<vmem>>
      %dma_start3A_945 = arith.constant 0 : i32
      %dma_start3A_946 = tpu.memref_slice %arg14[%dma_start3A_945] : memref<100096xf32, #tpu.memory_space<vmem_shared>> -> memref<100096xf32, #tpu.memory_space<vmem_shared>>
      tpu.enqueue_indirect_dma source(%dma_start3A_941 : memref<128xf32, #tpu.memory_space<vmem>>) target(%dma_start3A_946 : memref<100096xf32, #tpu.memory_space<vmem_shared>>) offsets(%dma_start3A_944 : memref<128xi32, #tpu.memory_space<vmem>>) semaphore(%arg17 : memref<!tpu.dma_semaphore, #tpu.memory_space<semaphore_mem>>) {add = true}
      %dma_start3A_947 = arith.constant 1 : i32
      %dma_start3A_948 = arith.constant 1792 : i32
      %dma_start3A_949 = tpu.memref_slice %arg11[%dma_start3A_948] : memref<2048xf32, #tpu.memory_space<vmem>> -> memref<128xf32, #tpu.memory_space<vmem>>
      %dma_start3A_950 = arith.constant 1792 : i32
      %dma_start3A_951 = tpu.memref_slice %arg10[%dma_start3A_947, %dma_start3A_950] : memref<2x2048xi32, #tpu.memory_space<vmem>> -> memref<1x128xi32, #tpu.memory_space<vmem>>
      %dma_start3A_952 = tpu.memref_squeeze %dma_start3A_951 : memref<1x128xi32, #tpu.memory_space<vmem>> -> memref<128xi32, #tpu.memory_space<vmem>>
      %dma_start3A_953 = arith.constant 0 : i32
      %dma_start3A_954 = tpu.memref_slice %arg14[%dma_start3A_953] : memref<100096xf32, #tpu.memory_space<vmem_shared>> -> memref<100096xf32, #tpu.memory_space<vmem_shared>>
      tpu.enqueue_indirect_dma source(%dma_start3A_949 : memref<128xf32, #tpu.memory_space<vmem>>) target(%dma_start3A_954 : memref<100096xf32, #tpu.memory_space<vmem_shared>>) offsets(%dma_start3A_952 : memref<128xi32, #tpu.memory_space<vmem>>) semaphore(%arg17 : memref<!tpu.dma_semaphore, #tpu.memory_space<semaphore_mem>>) {add = true}
      %dma_start3A_955 = arith.constant 1 : i32
      %dma_start3A_956 = arith.constant 1920 : i32
      %dma_start3A_957 = tpu.memref_slice %arg11[%dma_start3A_956] : memref<2048xf32, #tpu.memory_space<vmem>> -> memref<128xf32, #tpu.memory_space<vmem>>
      %dma_start3A_958 = arith.constant 1920 : i32
      %dma_start3A_959 = tpu.memref_slice %arg10[%dma_start3A_955, %dma_start3A_958] : memref<2x2048xi32, #tpu.memory_space<vmem>> -> memref<1x128xi32, #tpu.memory_space<vmem>>
      %dma_start3A_960 = tpu.memref_squeeze %dma_start3A_959 : memref<1x128xi32, #tpu.memory_space<vmem>> -> memref<128xi32, #tpu.memory_space<vmem>>
      %dma_start3A_961 = arith.constant 0 : i32
      %dma_start3A_962 = tpu.memref_slice %arg14[%dma_start3A_961] : memref<100096xf32, #tpu.memory_space<vmem_shared>> -> memref<100096xf32, #tpu.memory_space<vmem_shared>>
      tpu.enqueue_indirect_dma source(%dma_start3A_957 : memref<128xf32, #tpu.memory_space<vmem>>) target(%dma_start3A_962 : memref<100096xf32, #tpu.memory_space<vmem_shared>>) offsets(%dma_start3A_960 : memref<128xi32, #tpu.memory_space<vmem>>) semaphore(%arg17 : memref<!tpu.dma_semaphore, #tpu.memory_space<semaphore_mem>>) {add = true}
      %dma_wait3A_963 = arith.constant 0 : i32
      %dma_wait3A_964 = arith.constant 0 : i32
      %dma_wait3A_965 = tpu.memref_slice %arg3[%dma_wait3A_963, %dma_wait3A_964] : memref<2x3200000xi32, #tpu.memory_space<hbm>> -> memref<2x2048xi32, #tpu.memory_space<hbm>>
      %dma_wait3A_966 = arith.constant 0 : i32
      %dma_wait3A_967 = arith.constant 0 : i32
      %dma_wait3A_968 = tpu.memref_slice %arg3[%dma_wait3A_966, %dma_wait3A_967] : memref<2x3200000xi32, #tpu.memory_space<hbm>> -> memref<2x2048xi32, #tpu.memory_space<hbm>>
      tpu.wait_dma2 semaphore(%arg22 : memref<!tpu.dma_semaphore, #tpu.memory_space<semaphore_mem>>) src(%dma_wait3A_968 : memref<2x2048xi32, #tpu.memory_space<hbm>>) dst(%arg12 : memref<2x2048xi32, #tpu.memory_space<vmem>>)
      %dma_wait3A_969 = arith.constant 1 : i32
      %dma_wait3A_970 = arith.constant 0 : i32
      %dma_wait3A_971 = tpu.memref_slice %arg9[%dma_wait3A_970] : memref<2048xf32, #tpu.memory_space<vmem>> -> memref<128xf32, #tpu.memory_space<vmem>>
      %dma_wait3A_972 = arith.constant 0 : i32
      %dma_wait3A_973 = tpu.memref_slice %arg8[%dma_wait3A_969, %dma_wait3A_972] : memref<2x2048xi32, #tpu.memory_space<vmem>> -> memref<1x128xi32, #tpu.memory_space<vmem>>
      %dma_wait3A_974 = tpu.memref_squeeze %dma_wait3A_973 : memref<1x128xi32, #tpu.memory_space<vmem>> -> memref<128xi32, #tpu.memory_space<vmem>>
      %dma_wait3A_975 = arith.constant 0 : i32
      %dma_wait3A_976 = tpu.memref_slice %arg14[%dma_wait3A_975] : memref<100096xf32, #tpu.memory_space<vmem_shared>> -> memref<100096xf32, #tpu.memory_space<vmem_shared>>
      tpu.wait_indirect_dma semaphore(%arg16 : memref<!tpu.dma_semaphore, #tpu.memory_space<semaphore_mem>>) src(%dma_wait3A_971 : memref<128xf32, #tpu.memory_space<vmem>>) dst(%dma_wait3A_976 : memref<100096xf32, #tpu.memory_space<vmem_shared>>)
      %dma_wait3A_977 = arith.constant 1 : i32
      %dma_wait3A_978 = arith.constant 128 : i32
      %dma_wait3A_979 = tpu.memref_slice %arg9[%dma_wait3A_978] : memref<2048xf32, #tpu.memory_space<vmem>> -> memref<128xf32, #tpu.memory_space<vmem>>
      %dma_wait3A_980 = arith.constant 128 : i32
      %dma_wait3A_981 = tpu.memref_slice %arg8[%dma_wait3A_977, %dma_wait3A_980] : memref<2x2048xi32, #tpu.memory_space<vmem>> -> memref<1x128xi32, #tpu.memory_space<vmem>>
      %dma_wait3A_982 = tpu.memref_squeeze %dma_wait3A_981 : memref<1x128xi32, #tpu.memory_space<vmem>> -> memref<128xi32, #tpu.memory_space<vmem>>
      %dma_wait3A_983 = arith.constant 0 : i32
      %dma_wait3A_984 = tpu.memref_slice %arg14[%dma_wait3A_983] : memref<100096xf32, #tpu.memory_space<vmem_shared>> -> memref<100096xf32, #tpu.memory_space<vmem_shared>>
      tpu.wait_indirect_dma semaphore(%arg16 : memref<!tpu.dma_semaphore, #tpu.memory_space<semaphore_mem>>) src(%dma_wait3A_979 : memref<128xf32, #tpu.memory_space<vmem>>) dst(%dma_wait3A_984 : memref<100096xf32, #tpu.memory_space<vmem_shared>>)
      %dma_wait3A_985 = arith.constant 1 : i32
      %dma_wait3A_986 = arith.constant 256 : i32
      %dma_wait3A_987 = tpu.memref_slice %arg9[%dma_wait3A_986] : memref<2048xf32, #tpu.memory_space<vmem>> -> memref<128xf32, #tpu.memory_space<vmem>>
      %dma_wait3A_988 = arith.constant 256 : i32
      %dma_wait3A_989 = tpu.memref_slice %arg8[%dma_wait3A_985, %dma_wait3A_988] : memref<2x2048xi32, #tpu.memory_space<vmem>> -> memref<1x128xi32, #tpu.memory_space<vmem>>
      %dma_wait3A_990 = tpu.memref_squeeze %dma_wait3A_989 : memref<1x128xi32, #tpu.memory_space<vmem>> -> memref<128xi32, #tpu.memory_space<vmem>>
      %dma_wait3A_991 = arith.constant 0 : i32
      %dma_wait3A_992 = tpu.memref_slice %arg14[%dma_wait3A_991] : memref<100096xf32, #tpu.memory_space<vmem_shared>> -> memref<100096xf32, #tpu.memory_space<vmem_shared>>
      tpu.wait_indirect_dma semaphore(%arg16 : memref<!tpu.dma_semaphore, #tpu.memory_space<semaphore_mem>>) src(%dma_wait3A_987 : memref<128xf32, #tpu.memory_space<vmem>>) dst(%dma_wait3A_992 : memref<100096xf32, #tpu.memory_space<vmem_shared>>)
      %dma_wait3A_993 = arith.constant 1 : i32
      %dma_wait3A_994 = arith.constant 384 : i32
      %dma_wait3A_995 = tpu.memref_slice %arg9[%dma_wait3A_994] : memref<2048xf32, #tpu.memory_space<vmem>> -> memref<128xf32, #tpu.memory_space<vmem>>
      %dma_wait3A_996 = arith.constant 384 : i32
      %dma_wait3A_997 = tpu.memref_slice %arg8[%dma_wait3A_993, %dma_wait3A_996] : memref<2x2048xi32, #tpu.memory_space<vmem>> -> memref<1x128xi32, #tpu.memory_space<vmem>>
      %dma_wait3A_998 = tpu.memref_squeeze %dma_wait3A_997 : memref<1x128xi32, #tpu.memory_space<vmem>> -> memref<128xi32, #tpu.memory_space<vmem>>
      %dma_wait3A_999 = arith.constant 0 : i32
      %dma_wait3A_1000 = tpu.memref_slice %arg14[%dma_wait3A_999] : memref<100096xf32, #tpu.memory_space<vmem_shared>> -> memref<100096xf32, #tpu.memory_space<vmem_shared>>
      tpu.wait_indirect_dma semaphore(%arg16 : memref<!tpu.dma_semaphore, #tpu.memory_space<semaphore_mem>>) src(%dma_wait3A_995 : memref<128xf32, #tpu.memory_space<vmem>>) dst(%dma_wait3A_1000 : memref<100096xf32, #tpu.memory_space<vmem_shared>>)
      %dma_wait3A_1001 = arith.constant 1 : i32
      %dma_wait3A_1002 = arith.constant 512 : i32
      %dma_wait3A_1003 = tpu.memref_slice %arg9[%dma_wait3A_1002] : memref<2048xf32, #tpu.memory_space<vmem>> -> memref<128xf32, #tpu.memory_space<vmem>>
      %dma_wait3A_1004 = arith.constant 512 : i32
      %dma_wait3A_1005 = tpu.memref_slice %arg8[%dma_wait3A_1001, %dma_wait3A_1004] : memref<2x2048xi32, #tpu.memory_space<vmem>> -> memref<1x128xi32, #tpu.memory_space<vmem>>
      %dma_wait3A_1006 = tpu.memref_squeeze %dma_wait3A_1005 : memref<1x128xi32, #tpu.memory_space<vmem>> -> memref<128xi32, #tpu.memory_space<vmem>>
      %dma_wait3A_1007 = arith.constant 0 : i32
      %dma_wait3A_1008 = tpu.memref_slice %arg14[%dma_wait3A_1007] : memref<100096xf32, #tpu.memory_space<vmem_shared>> -> memref<100096xf32, #tpu.memory_space<vmem_shared>>
      tpu.wait_indirect_dma semaphore(%arg16 : memref<!tpu.dma_semaphore, #tpu.memory_space<semaphore_mem>>) src(%dma_wait3A_1003 : memref<128xf32, #tpu.memory_space<vmem>>) dst(%dma_wait3A_1008 : memref<100096xf32, #tpu.memory_space<vmem_shared>>)
      %dma_wait3A_1009 = arith.constant 1 : i32
      %dma_wait3A_1010 = arith.constant 640 : i32
      %dma_wait3A_1011 = tpu.memref_slice %arg9[%dma_wait3A_1010] : memref<2048xf32, #tpu.memory_space<vmem>> -> memref<128xf32, #tpu.memory_space<vmem>>
      %dma_wait3A_1012 = arith.constant 640 : i32
      %dma_wait3A_1013 = tpu.memref_slice %arg8[%dma_wait3A_1009, %dma_wait3A_1012] : memref<2x2048xi32, #tpu.memory_space<vmem>> -> memref<1x128xi32, #tpu.memory_space<vmem>>
      %dma_wait3A_1014 = tpu.memref_squeeze %dma_wait3A_1013 : memref<1x128xi32, #tpu.memory_space<vmem>> -> memref<128xi32, #tpu.memory_space<vmem>>
      %dma_wait3A_1015 = arith.constant 0 : i32
      %dma_wait3A_1016 = tpu.memref_slice %arg14[%dma_wait3A_1015] : memref<100096xf32, #tpu.memory_space<vmem_shared>> -> memref<100096xf32, #tpu.memory_space<vmem_shared>>
      tpu.wait_indirect_dma semaphore(%arg16 : memref<!tpu.dma_semaphore, #tpu.memory_space<semaphore_mem>>) src(%dma_wait3A_1011 : memref<128xf32, #tpu.memory_space<vmem>>) dst(%dma_wait3A_1016 : memref<100096xf32, #tpu.memory_space<vmem_shared>>)
      %dma_wait3A_1017 = arith.constant 1 : i32
      %dma_wait3A_1018 = arith.constant 768 : i32
      %dma_wait3A_1019 = tpu.memref_slice %arg9[%dma_wait3A_1018] : memref<2048xf32, #tpu.memory_space<vmem>> -> memref<128xf32, #tpu.memory_space<vmem>>
      %dma_wait3A_1020 = arith.constant 768 : i32
      %dma_wait3A_1021 = tpu.memref_slice %arg8[%dma_wait3A_1017, %dma_wait3A_1020] : memref<2x2048xi32, #tpu.memory_space<vmem>> -> memref<1x128xi32, #tpu.memory_space<vmem>>
      %dma_wait3A_1022 = tpu.memref_squeeze %dma_wait3A_1021 : memref<1x128xi32, #tpu.memory_space<vmem>> -> memref<128xi32, #tpu.memory_space<vmem>>
      %dma_wait3A_1023 = arith.constant 0 : i32
      %dma_wait3A_1024 = tpu.memref_slice %arg14[%dma_wait3A_1023] : memref<100096xf32, #tpu.memory_space<vmem_shared>> -> memref<100096xf32, #tpu.memory_space<vmem_shared>>
      tpu.wait_indirect_dma semaphore(%arg16 : memref<!tpu.dma_semaphore, #tpu.memory_space<semaphore_mem>>) src(%dma_wait3A_1019 : memref<128xf32, #tpu.memory_space<vmem>>) dst(%dma_wait3A_1024 : memref<100096xf32, #tpu.memory_space<vmem_shared>>)
      %dma_wait3A_1025 = arith.constant 1 : i32
      %dma_wait3A_1026 = arith.constant 896 : i32
      %dma_wait3A_1027 = tpu.memref_slice %arg9[%dma_wait3A_1026] : memref<2048xf32, #tpu.memory_space<vmem>> -> memref<128xf32, #tpu.memory_space<vmem>>
      %dma_wait3A_1028 = arith.constant 896 : i32
      %dma_wait3A_1029 = tpu.memref_slice %arg8[%dma_wait3A_1025, %dma_wait3A_1028] : memref<2x2048xi32, #tpu.memory_space<vmem>> -> memref<1x128xi32, #tpu.memory_space<vmem>>
      %dma_wait3A_1030 = tpu.memref_squeeze %dma_wait3A_1029 : memref<1x128xi32, #tpu.memory_space<vmem>> -> memref<128xi32, #tpu.memory_space<vmem>>
      %dma_wait3A_1031 = arith.constant 0 : i32
      %dma_wait3A_1032 = tpu.memref_slice %arg14[%dma_wait3A_1031] : memref<100096xf32, #tpu.memory_space<vmem_shared>> -> memref<100096xf32, #tpu.memory_space<vmem_shared>>
      tpu.wait_indirect_dma semaphore(%arg16 : memref<!tpu.dma_semaphore, #tpu.memory_space<semaphore_mem>>) src(%dma_wait3A_1027 : memref<128xf32, #tpu.memory_space<vmem>>) dst(%dma_wait3A_1032 : memref<100096xf32, #tpu.memory_space<vmem_shared>>)
      %dma_wait3A_1033 = arith.constant 1 : i32
      %dma_wait3A_1034 = arith.constant 1024 : i32
      %dma_wait3A_1035 = tpu.memref_slice %arg9[%dma_wait3A_1034] : memref<2048xf32, #tpu.memory_space<vmem>> -> memref<128xf32, #tpu.memory_space<vmem>>
      %dma_wait3A_1036 = arith.constant 1024 : i32
      %dma_wait3A_1037 = tpu.memref_slice %arg8[%dma_wait3A_1033, %dma_wait3A_1036] : memref<2x2048xi32, #tpu.memory_space<vmem>> -> memref<1x128xi32, #tpu.memory_space<vmem>>
      %dma_wait3A_1038 = tpu.memref_squeeze %dma_wait3A_1037 : memref<1x128xi32, #tpu.memory_space<vmem>> -> memref<128xi32, #tpu.memory_space<vmem>>
      %dma_wait3A_1039 = arith.constant 0 : i32
      %dma_wait3A_1040 = tpu.memref_slice %arg14[%dma_wait3A_1039] : memref<100096xf32, #tpu.memory_space<vmem_shared>> -> memref<100096xf32, #tpu.memory_space<vmem_shared>>
      tpu.wait_indirect_dma semaphore(%arg16 : memref<!tpu.dma_semaphore, #tpu.memory_space<semaphore_mem>>) src(%dma_wait3A_1035 : memref<128xf32, #tpu.memory_space<vmem>>) dst(%dma_wait3A_1040 : memref<100096xf32, #tpu.memory_space<vmem_shared>>)
      %dma_wait3A_1041 = arith.constant 1 : i32
      %dma_wait3A_1042 = arith.constant 1152 : i32
      %dma_wait3A_1043 = tpu.memref_slice %arg9[%dma_wait3A_1042] : memref<2048xf32, #tpu.memory_space<vmem>> -> memref<128xf32, #tpu.memory_space<vmem>>
      %dma_wait3A_1044 = arith.constant 1152 : i32
      %dma_wait3A_1045 = tpu.memref_slice %arg8[%dma_wait3A_1041, %dma_wait3A_1044] : memref<2x2048xi32, #tpu.memory_space<vmem>> -> memref<1x128xi32, #tpu.memory_space<vmem>>
      %dma_wait3A_1046 = tpu.memref_squeeze %dma_wait3A_1045 : memref<1x128xi32, #tpu.memory_space<vmem>> -> memref<128xi32, #tpu.memory_space<vmem>>
      %dma_wait3A_1047 = arith.constant 0 : i32
      %dma_wait3A_1048 = tpu.memref_slice %arg14[%dma_wait3A_1047] : memref<100096xf32, #tpu.memory_space<vmem_shared>> -> memref<100096xf32, #tpu.memory_space<vmem_shared>>
      tpu.wait_indirect_dma semaphore(%arg16 : memref<!tpu.dma_semaphore, #tpu.memory_space<semaphore_mem>>) src(%dma_wait3A_1043 : memref<128xf32, #tpu.memory_space<vmem>>) dst(%dma_wait3A_1048 : memref<100096xf32, #tpu.memory_space<vmem_shared>>)
      %dma_wait3A_1049 = arith.constant 1 : i32
      %dma_wait3A_1050 = arith.constant 1280 : i32
      %dma_wait3A_1051 = tpu.memref_slice %arg9[%dma_wait3A_1050] : memref<2048xf32, #tpu.memory_space<vmem>> -> memref<128xf32, #tpu.memory_space<vmem>>
      %dma_wait3A_1052 = arith.constant 1280 : i32
      %dma_wait3A_1053 = tpu.memref_slice %arg8[%dma_wait3A_1049, %dma_wait3A_1052] : memref<2x2048xi32, #tpu.memory_space<vmem>> -> memref<1x128xi32, #tpu.memory_space<vmem>>
      %dma_wait3A_1054 = tpu.memref_squeeze %dma_wait3A_1053 : memref<1x128xi32, #tpu.memory_space<vmem>> -> memref<128xi32, #tpu.memory_space<vmem>>
      %dma_wait3A_1055 = arith.constant 0 : i32
      %dma_wait3A_1056 = tpu.memref_slice %arg14[%dma_wait3A_1055] : memref<100096xf32, #tpu.memory_space<vmem_shared>> -> memref<100096xf32, #tpu.memory_space<vmem_shared>>
      tpu.wait_indirect_dma semaphore(%arg16 : memref<!tpu.dma_semaphore, #tpu.memory_space<semaphore_mem>>) src(%dma_wait3A_1051 : memref<128xf32, #tpu.memory_space<vmem>>) dst(%dma_wait3A_1056 : memref<100096xf32, #tpu.memory_space<vmem_shared>>)
      %dma_wait3A_1057 = arith.constant 1 : i32
      %dma_wait3A_1058 = arith.constant 1408 : i32
      %dma_wait3A_1059 = tpu.memref_slice %arg9[%dma_wait3A_1058] : memref<2048xf32, #tpu.memory_space<vmem>> -> memref<128xf32, #tpu.memory_space<vmem>>
      %dma_wait3A_1060 = arith.constant 1408 : i32
      %dma_wait3A_1061 = tpu.memref_slice %arg8[%dma_wait3A_1057, %dma_wait3A_1060] : memref<2x2048xi32, #tpu.memory_space<vmem>> -> memref<1x128xi32, #tpu.memory_space<vmem>>
      %dma_wait3A_1062 = tpu.memref_squeeze %dma_wait3A_1061 : memref<1x128xi32, #tpu.memory_space<vmem>> -> memref<128xi32, #tpu.memory_space<vmem>>
      %dma_wait3A_1063 = arith.constant 0 : i32
      %dma_wait3A_1064 = tpu.memref_slice %arg14[%dma_wait3A_1063] : memref<100096xf32, #tpu.memory_space<vmem_shared>> -> memref<100096xf32, #tpu.memory_space<vmem_shared>>
      tpu.wait_indirect_dma semaphore(%arg16 : memref<!tpu.dma_semaphore, #tpu.memory_space<semaphore_mem>>) src(%dma_wait3A_1059 : memref<128xf32, #tpu.memory_space<vmem>>) dst(%dma_wait3A_1064 : memref<100096xf32, #tpu.memory_space<vmem_shared>>)
      %dma_wait3A_1065 = arith.constant 1 : i32
      %dma_wait3A_1066 = arith.constant 1536 : i32
      %dma_wait3A_1067 = tpu.memref_slice %arg9[%dma_wait3A_1066] : memref<2048xf32, #tpu.memory_space<vmem>> -> memref<128xf32, #tpu.memory_space<vmem>>
      %dma_wait3A_1068 = arith.constant 1536 : i32
      %dma_wait3A_1069 = tpu.memref_slice %arg8[%dma_wait3A_1065, %dma_wait3A_1068] : memref<2x2048xi32, #tpu.memory_space<vmem>> -> memref<1x128xi32, #tpu.memory_space<vmem>>
      %dma_wait3A_1070 = tpu.memref_squeeze %dma_wait3A_1069 : memref<1x128xi32, #tpu.memory_space<vmem>> -> memref<128xi32, #tpu.memory_space<vmem>>
      %dma_wait3A_1071 = arith.constant 0 : i32
      %dma_wait3A_1072 = tpu.memref_slice %arg14[%dma_wait3A_1071] : memref<100096xf32, #tpu.memory_space<vmem_shared>> -> memref<100096xf32, #tpu.memory_space<vmem_shared>>
      tpu.wait_indirect_dma semaphore(%arg16 : memref<!tpu.dma_semaphore, #tpu.memory_space<semaphore_mem>>) src(%dma_wait3A_1067 : memref<128xf32, #tpu.memory_space<vmem>>) dst(%dma_wait3A_1072 : memref<100096xf32, #tpu.memory_space<vmem_shared>>)
      %dma_wait3A_1073 = arith.constant 1 : i32
      %dma_wait3A_1074 = arith.constant 1664 : i32
      %dma_wait3A_1075 = tpu.memref_slice %arg9[%dma_wait3A_1074] : memref<2048xf32, #tpu.memory_space<vmem>> -> memref<128xf32, #tpu.memory_space<vmem>>
      %dma_wait3A_1076 = arith.constant 1664 : i32
      %dma_wait3A_1077 = tpu.memref_slice %arg8[%dma_wait3A_1073, %dma_wait3A_1076] : memref<2x2048xi32, #tpu.memory_space<vmem>> -> memref<1x128xi32, #tpu.memory_space<vmem>>
      %dma_wait3A_1078 = tpu.memref_squeeze %dma_wait3A_1077 : memref<1x128xi32, #tpu.memory_space<vmem>> -> memref<128xi32, #tpu.memory_space<vmem>>
      %dma_wait3A_1079 = arith.constant 0 : i32
      %dma_wait3A_1080 = tpu.memref_slice %arg14[%dma_wait3A_1079] : memref<100096xf32, #tpu.memory_space<vmem_shared>> -> memref<100096xf32, #tpu.memory_space<vmem_shared>>
      tpu.wait_indirect_dma semaphore(%arg16 : memref<!tpu.dma_semaphore, #tpu.memory_space<semaphore_mem>>) src(%dma_wait3A_1075 : memref<128xf32, #tpu.memory_space<vmem>>) dst(%dma_wait3A_1080 : memref<100096xf32, #tpu.memory_space<vmem_shared>>)
      %dma_wait3A_1081 = arith.constant 1 : i32
      %dma_wait3A_1082 = arith.constant 1792 : i32
      %dma_wait3A_1083 = tpu.memref_slice %arg9[%dma_wait3A_1082] : memref<2048xf32, #tpu.memory_space<vmem>> -> memref<128xf32, #tpu.memory_space<vmem>>
      %dma_wait3A_1084 = arith.constant 1792 : i32
      %dma_wait3A_1085 = tpu.memref_slice %arg8[%dma_wait3A_1081, %dma_wait3A_1084] : memref<2x2048xi32, #tpu.memory_space<vmem>> -> memref<1x128xi32, #tpu.memory_space<vmem>>
      %dma_wait3A_1086 = tpu.memref_squeeze %dma_wait3A_1085 : memref<1x128xi32, #tpu.memory_space<vmem>> -> memref<128xi32, #tpu.memory_space<vmem>>
      %dma_wait3A_1087 = arith.constant 0 : i32
      %dma_wait3A_1088 = tpu.memref_slice %arg14[%dma_wait3A_1087] : memref<100096xf32, #tpu.memory_space<vmem_shared>> -> memref<100096xf32, #tpu.memory_space<vmem_shared>>
      tpu.wait_indirect_dma semaphore(%arg16 : memref<!tpu.dma_semaphore, #tpu.memory_space<semaphore_mem>>) src(%dma_wait3A_1083 : memref<128xf32, #tpu.memory_space<vmem>>) dst(%dma_wait3A_1088 : memref<100096xf32, #tpu.memory_space<vmem_shared>>)
      %dma_wait3A_1089 = arith.constant 1 : i32
      %dma_wait3A_1090 = arith.constant 1920 : i32
      %dma_wait3A_1091 = tpu.memref_slice %arg9[%dma_wait3A_1090] : memref<2048xf32, #tpu.memory_space<vmem>> -> memref<128xf32, #tpu.memory_space<vmem>>
      %dma_wait3A_1092 = arith.constant 1920 : i32
      %dma_wait3A_1093 = tpu.memref_slice %arg8[%dma_wait3A_1089, %dma_wait3A_1092] : memref<2x2048xi32, #tpu.memory_space<vmem>> -> memref<1x128xi32, #tpu.memory_space<vmem>>
      %dma_wait3A_1094 = tpu.memref_squeeze %dma_wait3A_1093 : memref<1x128xi32, #tpu.memory_space<vmem>> -> memref<128xi32, #tpu.memory_space<vmem>>
      %dma_wait3A_1095 = arith.constant 0 : i32
      %dma_wait3A_1096 = tpu.memref_slice %arg14[%dma_wait3A_1095] : memref<100096xf32, #tpu.memory_space<vmem_shared>> -> memref<100096xf32, #tpu.memory_space<vmem_shared>>
      tpu.wait_indirect_dma semaphore(%arg16 : memref<!tpu.dma_semaphore, #tpu.memory_space<semaphore_mem>>) src(%dma_wait3A_1091 : memref<128xf32, #tpu.memory_space<vmem>>) dst(%dma_wait3A_1096 : memref<100096xf32, #tpu.memory_space<vmem_shared>>)
      %add3A_1097 = arith.constant 3 : i32
      %add3A_1098 = arith.addi %mul3A_372, %add3A_1097 : i32
      %add3A_1099 = arith.constant 2 : i32
      %add3A_1100 = arith.addi %add3A_1098, %add3A_1099 : i32
      %mul3A_1101 = arith.constant 2048 : i32
      %mul3A_1102 = arith.muli %add3A_1100, %mul3A_1101 : i32
      %add3A_1103 = arith.addi %mul3A_23, %mul3A_1102 : i32
      %dma_start3A_1104 = arith.constant 0 : i32
      %dma_start3A_1105 = tpu.memref_slice %arg3[%dma_start3A_1104, %add3A_1103] : memref<2x3200000xi32, #tpu.memory_space<hbm>> -> memref<2x2048xi32, #tpu.memory_space<hbm>>
      %dma_start3A_1106 = arith.constant 0 : i32
      %dma_start3A_1107 = tpu.memref_slice %arg3[%dma_start3A_1106, %add3A_1103] : memref<2x3200000xi32, #tpu.memory_space<hbm>> -> memref<2x2048xi32, #tpu.memory_space<hbm>>
      tpu.enqueue_dma source(%dma_start3A_1107 : memref<2x2048xi32, #tpu.memory_space<hbm>>) target(%arg8 : memref<2x2048xi32, #tpu.memory_space<vmem>>) target_semaphore(%arg20 : memref<!tpu.dma_semaphore, #tpu.memory_space<semaphore_mem>>)
      %scan3A_1108 = arith.constant 0 : i32
      %scan3A_1109 = arith.constant 0 : i32
      %scan3A_1110 = arith.constant 32 : i32
      %scan3A_1111 = arith.addi %scan3A_1109, %scan3A_1110 : i32
      %scan3A_1112 = arith.constant 1 : i32
      scf.for %scan3A_1242 = %scan3A_1109 to %scan3A_1111 step %scan3A_1112  : i32 {
        %mul3A_1243 = arith.constant 4 : i32
        %mul3A_1244 = arith.muli %scan3A_1242, %mul3A_1243 : i32
        %add3A_1245 = arith.constant 0 : i32
        %add3A_1246 = arith.addi %mul3A_1244, %add3A_1245 : i32
        %mul3A_1247 = arith.constant 16 : i32
        %mul3A_1248 = arith.muli %add3A_1246, %mul3A_1247 : i32
        %get3A = arith.constant 0 : i32
        %get3A_1249 = arith.index_cast %get3A : i32 to index
        %get3A_1250 = arith.index_cast %mul3A_1248 : i32 to index
        %get3A_1251 = tpu.vector_load %arg12[%get3A_1249, %get3A_1250] {strides = array<i32>} : memref<2x2048xi32, #tpu.memory_space<vmem>>, vector<16xi32>,
        %get3A_1252 = arith.constant 1 : i32
        %get3A_1253 = arith.index_cast %get3A_1252 : i32 to index
        %get3A_1254 = arith.index_cast %mul3A_1248 : i32 to index
        %get3A_1255 = tpu.vector_load %arg12[%get3A_1253, %get3A_1254] {strides = array<i32>} : memref<2x2048xi32, #tpu.memory_space<vmem>>, vector<16xi32>,
        %gather3A = tpu.vector_load_idx %arg5[%get3A_1255] : memref<100000xf32, #tpu.memory_space<vmem>>[vector<16xi32>], vector<16xf32>,
        %gather3A_1256 = tpu.vector_load_idx %arg5[%get3A_1251] : memref<100000xf32, #tpu.memory_space<vmem>>[vector<16xi32>], vector<16xf32>,
        %sub3A = arith.subf %gather3A, %gather3A_1256 : vector<16xf32>
        %swap3A = arith.index_cast %mul3A_1248 : i32 to index
        %swap3A_1257 = tpu.vector_load %arg13[%swap3A] {strides = array<i32>} : memref<2048xf32, #tpu.memory_space<vmem>>, vector<16xf32>,
        tpu.vector_store %arg13[%swap3A], %sub3A {strides = array<i32>} : memref<2048xf32, #tpu.memory_space<vmem>>, vector<16xf32>,
        %mul3A_1258 = arith.constant 4 : i32
        %mul3A_1259 = arith.muli %scan3A_1242, %mul3A_1258 : i32
        %add3A_1260 = arith.constant 1 : i32
        %add3A_1261 = arith.addi %mul3A_1259, %add3A_1260 : i32
        %mul3A_1262 = arith.constant 16 : i32
        %mul3A_1263 = arith.muli %add3A_1261, %mul3A_1262 : i32
        %get3A_1264 = arith.constant 0 : i32
        %get3A_1265 = arith.index_cast %get3A_1264 : i32 to index
        %get3A_1266 = arith.index_cast %mul3A_1263 : i32 to index
        %get3A_1267 = tpu.vector_load %arg12[%get3A_1265, %get3A_1266] {strides = array<i32>} : memref<2x2048xi32, #tpu.memory_space<vmem>>, vector<16xi32>,
        %get3A_1268 = arith.constant 1 : i32
        %get3A_1269 = arith.index_cast %get3A_1268 : i32 to index
        %get3A_1270 = arith.index_cast %mul3A_1263 : i32 to index
        %get3A_1271 = tpu.vector_load %arg12[%get3A_1269, %get3A_1270] {strides = array<i32>} : memref<2x2048xi32, #tpu.memory_space<vmem>>, vector<16xi32>,
        %gather3A_1272 = tpu.vector_load_idx %arg5[%get3A_1271] : memref<100000xf32, #tpu.memory_space<vmem>>[vector<16xi32>], vector<16xf32>,
        %gather3A_1273 = tpu.vector_load_idx %arg5[%get3A_1267] : memref<100000xf32, #tpu.memory_space<vmem>>[vector<16xi32>], vector<16xf32>,
        %sub3A_1274 = arith.subf %gather3A_1272, %gather3A_1273 : vector<16xf32>
        %swap3A_1275 = arith.index_cast %mul3A_1263 : i32 to index
        %swap3A_1276 = tpu.vector_load %arg13[%swap3A_1275] {strides = array<i32>} : memref<2048xf32, #tpu.memory_space<vmem>>, vector<16xf32>,
        tpu.vector_store %arg13[%swap3A_1275], %sub3A_1274 {strides = array<i32>} : memref<2048xf32, #tpu.memory_space<vmem>>, vector<16xf32>,
        %mul3A_1277 = arith.constant 4 : i32
        %mul3A_1278 = arith.muli %scan3A_1242, %mul3A_1277 : i32
        %add3A_1279 = arith.constant 2 : i32
        %add3A_1280 = arith.addi %mul3A_1278, %add3A_1279 : i32
        %mul3A_1281 = arith.constant 16 : i32
        %mul3A_1282 = arith.muli %add3A_1280, %mul3A_1281 : i32
        %get3A_1283 = arith.constant 0 : i32
        %get3A_1284 = arith.index_cast %get3A_1283 : i32 to index
        %get3A_1285 = arith.index_cast %mul3A_1282 : i32 to index
        %get3A_1286 = tpu.vector_load %arg12[%get3A_1284, %get3A_1285] {strides = array<i32>} : memref<2x2048xi32, #tpu.memory_space<vmem>>, vector<16xi32>,
        %get3A_1287 = arith.constant 1 : i32
        %get3A_1288 = arith.index_cast %get3A_1287 : i32 to index
        %get3A_1289 = arith.index_cast %mul3A_1282 : i32 to index
        %get3A_1290 = tpu.vector_load %arg12[%get3A_1288, %get3A_1289] {strides = array<i32>} : memref<2x2048xi32, #tpu.memory_space<vmem>>, vector<16xi32>,
        %gather3A_1291 = tpu.vector_load_idx %arg5[%get3A_1290] : memref<100000xf32, #tpu.memory_space<vmem>>[vector<16xi32>], vector<16xf32>,
        %gather3A_1292 = tpu.vector_load_idx %arg5[%get3A_1286] : memref<100000xf32, #tpu.memory_space<vmem>>[vector<16xi32>], vector<16xf32>,
        %sub3A_1293 = arith.subf %gather3A_1291, %gather3A_1292 : vector<16xf32>
        %swap3A_1294 = arith.index_cast %mul3A_1282 : i32 to index
        %swap3A_1295 = tpu.vector_load %arg13[%swap3A_1294] {strides = array<i32>} : memref<2048xf32, #tpu.memory_space<vmem>>, vector<16xf32>,
        tpu.vector_store %arg13[%swap3A_1294], %sub3A_1293 {strides = array<i32>} : memref<2048xf32, #tpu.memory_space<vmem>>, vector<16xf32>,
        %mul3A_1296 = arith.constant 4 : i32
        %mul3A_1297 = arith.muli %scan3A_1242, %mul3A_1296 : i32
        %add3A_1298 = arith.constant 3 : i32
        %add3A_1299 = arith.addi %mul3A_1297, %add3A_1298 : i32
        %mul3A_1300 = arith.constant 16 : i32
        %mul3A_1301 = arith.muli %add3A_1299, %mul3A_1300 : i32
        %get3A_1302 = arith.constant 0 : i32
        %get3A_1303 = arith.index_cast %get3A_1302 : i32 to index
        %get3A_1304 = arith.index_cast %mul3A_1301 : i32 to index
        %get3A_1305 = tpu.vector_load %arg12[%get3A_1303, %get3A_1304] {strides = array<i32>} : memref<2x2048xi32, #tpu.memory_space<vmem>>, vector<16xi32>,
        %get3A_1306 = arith.constant 1 : i32
        %get3A_1307 = arith.index_cast %get3A_1306 : i32 to index
        %get3A_1308 = arith.index_cast %mul3A_1301 : i32 to index
        %get3A_1309 = tpu.vector_load %arg12[%get3A_1307, %get3A_1308] {strides = array<i32>} : memref<2x2048xi32, #tpu.memory_space<vmem>>, vector<16xi32>,
        %gather3A_1310 = tpu.vector_load_idx %arg5[%get3A_1309] : memref<100000xf32, #tpu.memory_space<vmem>>[vector<16xi32>], vector<16xf32>,
        %gather3A_1311 = tpu.vector_load_idx %arg5[%get3A_1305] : memref<100000xf32, #tpu.memory_space<vmem>>[vector<16xi32>], vector<16xf32>,
        %sub3A_1312 = arith.subf %gather3A_1310, %gather3A_1311 : vector<16xf32>
        %swap3A_1313 = arith.index_cast %mul3A_1301 : i32 to index
        %swap3A_1314 = tpu.vector_load %arg13[%swap3A_1313] {strides = array<i32>} : memref<2048xf32, #tpu.memory_space<vmem>>, vector<16xf32>,
        tpu.vector_store %arg13[%swap3A_1313], %sub3A_1312 {strides = array<i32>} : memref<2048xf32, #tpu.memory_space<vmem>>, vector<16xf32>,
      }
      %scan3A_1113 = arith.constant 32 : i32
      %dma_start3A_1114 = arith.constant 1 : i32
      %dma_start3A_1115 = arith.constant 0 : i32
      %dma_start3A_1116 = tpu.memref_slice %arg13[%dma_start3A_1115] : memref<2048xf32, #tpu.memory_space<vmem>> -> memref<128xf32, #tpu.memory_space<vmem>>
      %dma_start3A_1117 = arith.constant 0 : i32
      %dma_start3A_1118 = tpu.memref_slice %arg12[%dma_start3A_1114, %dma_start3A_1117] : memref<2x2048xi32, #tpu.memory_space<vmem>> -> memref<1x128xi32, #tpu.memory_space<vmem>>
      %dma_start3A_1119 = tpu.memref_squeeze %dma_start3A_1118 : memref<1x128xi32, #tpu.memory_space<vmem>> -> memref<128xi32, #tpu.memory_space<vmem>>
      %dma_start3A_1120 = arith.constant 0 : i32
      %dma_start3A_1121 = tpu.memref_slice %arg14[%dma_start3A_1120] : memref<100096xf32, #tpu.memory_space<vmem_shared>> -> memref<100096xf32, #tpu.memory_space<vmem_shared>>
      tpu.enqueue_indirect_dma source(%dma_start3A_1116 : memref<128xf32, #tpu.memory_space<vmem>>) target(%dma_start3A_1121 : memref<100096xf32, #tpu.memory_space<vmem_shared>>) offsets(%dma_start3A_1119 : memref<128xi32, #tpu.memory_space<vmem>>) semaphore(%arg18 : memref<!tpu.dma_semaphore, #tpu.memory_space<semaphore_mem>>) {add = true}
      %dma_start3A_1122 = arith.constant 1 : i32
      %dma_start3A_1123 = arith.constant 128 : i32
      %dma_start3A_1124 = tpu.memref_slice %arg13[%dma_start3A_1123] : memref<2048xf32, #tpu.memory_space<vmem>> -> memref<128xf32, #tpu.memory_space<vmem>>
      %dma_start3A_1125 = arith.constant 128 : i32
      %dma_start3A_1126 = tpu.memref_slice %arg12[%dma_start3A_1122, %dma_start3A_1125] : memref<2x2048xi32, #tpu.memory_space<vmem>> -> memref<1x128xi32, #tpu.memory_space<vmem>>
      %dma_start3A_1127 = tpu.memref_squeeze %dma_start3A_1126 : memref<1x128xi32, #tpu.memory_space<vmem>> -> memref<128xi32, #tpu.memory_space<vmem>>
      %dma_start3A_1128 = arith.constant 0 : i32
      %dma_start3A_1129 = tpu.memref_slice %arg14[%dma_start3A_1128] : memref<100096xf32, #tpu.memory_space<vmem_shared>> -> memref<100096xf32, #tpu.memory_space<vmem_shared>>
      tpu.enqueue_indirect_dma source(%dma_start3A_1124 : memref<128xf32, #tpu.memory_space<vmem>>) target(%dma_start3A_1129 : memref<100096xf32, #tpu.memory_space<vmem_shared>>) offsets(%dma_start3A_1127 : memref<128xi32, #tpu.memory_space<vmem>>) semaphore(%arg18 : memref<!tpu.dma_semaphore, #tpu.memory_space<semaphore_mem>>) {add = true}
      %dma_start3A_1130 = arith.constant 1 : i32
      %dma_start3A_1131 = arith.constant 256 : i32
      %dma_start3A_1132 = tpu.memref_slice %arg13[%dma_start3A_1131] : memref<2048xf32, #tpu.memory_space<vmem>> -> memref<128xf32, #tpu.memory_space<vmem>>
      %dma_start3A_1133 = arith.constant 256 : i32
      %dma_start3A_1134 = tpu.memref_slice %arg12[%dma_start3A_1130, %dma_start3A_1133] : memref<2x2048xi32, #tpu.memory_space<vmem>> -> memref<1x128xi32, #tpu.memory_space<vmem>>
      %dma_start3A_1135 = tpu.memref_squeeze %dma_start3A_1134 : memref<1x128xi32, #tpu.memory_space<vmem>> -> memref<128xi32, #tpu.memory_space<vmem>>
      %dma_start3A_1136 = arith.constant 0 : i32
      %dma_start3A_1137 = tpu.memref_slice %arg14[%dma_start3A_1136] : memref<100096xf32, #tpu.memory_space<vmem_shared>> -> memref<100096xf32, #tpu.memory_space<vmem_shared>>
      tpu.enqueue_indirect_dma source(%dma_start3A_1132 : memref<128xf32, #tpu.memory_space<vmem>>) target(%dma_start3A_1137 : memref<100096xf32, #tpu.memory_space<vmem_shared>>) offsets(%dma_start3A_1135 : memref<128xi32, #tpu.memory_space<vmem>>) semaphore(%arg18 : memref<!tpu.dma_semaphore, #tpu.memory_space<semaphore_mem>>) {add = true}
      %dma_start3A_1138 = arith.constant 1 : i32
      %dma_start3A_1139 = arith.constant 384 : i32
      %dma_start3A_1140 = tpu.memref_slice %arg13[%dma_start3A_1139] : memref<2048xf32, #tpu.memory_space<vmem>> -> memref<128xf32, #tpu.memory_space<vmem>>
      %dma_start3A_1141 = arith.constant 384 : i32
      %dma_start3A_1142 = tpu.memref_slice %arg12[%dma_start3A_1138, %dma_start3A_1141] : memref<2x2048xi32, #tpu.memory_space<vmem>> -> memref<1x128xi32, #tpu.memory_space<vmem>>
      %dma_start3A_1143 = tpu.memref_squeeze %dma_start3A_1142 : memref<1x128xi32, #tpu.memory_space<vmem>> -> memref<128xi32, #tpu.memory_space<vmem>>
      %dma_start3A_1144 = arith.constant 0 : i32
      %dma_start3A_1145 = tpu.memref_slice %arg14[%dma_start3A_1144] : memref<100096xf32, #tpu.memory_space<vmem_shared>> -> memref<100096xf32, #tpu.memory_space<vmem_shared>>
      tpu.enqueue_indirect_dma source(%dma_start3A_1140 : memref<128xf32, #tpu.memory_space<vmem>>) target(%dma_start3A_1145 : memref<100096xf32, #tpu.memory_space<vmem_shared>>) offsets(%dma_start3A_1143 : memref<128xi32, #tpu.memory_space<vmem>>) semaphore(%arg18 : memref<!tpu.dma_semaphore, #tpu.memory_space<semaphore_mem>>) {add = true}
      %dma_start3A_1146 = arith.constant 1 : i32
      %dma_start3A_1147 = arith.constant 512 : i32
      %dma_start3A_1148 = tpu.memref_slice %arg13[%dma_start3A_1147] : memref<2048xf32, #tpu.memory_space<vmem>> -> memref<128xf32, #tpu.memory_space<vmem>>
      %dma_start3A_1149 = arith.constant 512 : i32
      %dma_start3A_1150 = tpu.memref_slice %arg12[%dma_start3A_1146, %dma_start3A_1149] : memref<2x2048xi32, #tpu.memory_space<vmem>> -> memref<1x128xi32, #tpu.memory_space<vmem>>
      %dma_start3A_1151 = tpu.memref_squeeze %dma_start3A_1150 : memref<1x128xi32, #tpu.memory_space<vmem>> -> memref<128xi32, #tpu.memory_space<vmem>>
      %dma_start3A_1152 = arith.constant 0 : i32
      %dma_start3A_1153 = tpu.memref_slice %arg14[%dma_start3A_1152] : memref<100096xf32, #tpu.memory_space<vmem_shared>> -> memref<100096xf32, #tpu.memory_space<vmem_shared>>
      tpu.enqueue_indirect_dma source(%dma_start3A_1148 : memref<128xf32, #tpu.memory_space<vmem>>) target(%dma_start3A_1153 : memref<100096xf32, #tpu.memory_space<vmem_shared>>) offsets(%dma_start3A_1151 : memref<128xi32, #tpu.memory_space<vmem>>) semaphore(%arg18 : memref<!tpu.dma_semaphore, #tpu.memory_space<semaphore_mem>>) {add = true}
      %dma_start3A_1154 = arith.constant 1 : i32
      %dma_start3A_1155 = arith.constant 640 : i32
      %dma_start3A_1156 = tpu.memref_slice %arg13[%dma_start3A_1155] : memref<2048xf32, #tpu.memory_space<vmem>> -> memref<128xf32, #tpu.memory_space<vmem>>
      %dma_start3A_1157 = arith.constant 640 : i32
      %dma_start3A_1158 = tpu.memref_slice %arg12[%dma_start3A_1154, %dma_start3A_1157] : memref<2x2048xi32, #tpu.memory_space<vmem>> -> memref<1x128xi32, #tpu.memory_space<vmem>>
      %dma_start3A_1159 = tpu.memref_squeeze %dma_start3A_1158 : memref<1x128xi32, #tpu.memory_space<vmem>> -> memref<128xi32, #tpu.memory_space<vmem>>
      %dma_start3A_1160 = arith.constant 0 : i32
      %dma_start3A_1161 = tpu.memref_slice %arg14[%dma_start3A_1160] : memref<100096xf32, #tpu.memory_space<vmem_shared>> -> memref<100096xf32, #tpu.memory_space<vmem_shared>>
      tpu.enqueue_indirect_dma source(%dma_start3A_1156 : memref<128xf32, #tpu.memory_space<vmem>>) target(%dma_start3A_1161 : memref<100096xf32, #tpu.memory_space<vmem_shared>>) offsets(%dma_start3A_1159 : memref<128xi32, #tpu.memory_space<vmem>>) semaphore(%arg18 : memref<!tpu.dma_semaphore, #tpu.memory_space<semaphore_mem>>) {add = true}
      %dma_start3A_1162 = arith.constant 1 : i32
      %dma_start3A_1163 = arith.constant 768 : i32
      %dma_start3A_1164 = tpu.memref_slice %arg13[%dma_start3A_1163] : memref<2048xf32, #tpu.memory_space<vmem>> -> memref<128xf32, #tpu.memory_space<vmem>>
      %dma_start3A_1165 = arith.constant 768 : i32
      %dma_start3A_1166 = tpu.memref_slice %arg12[%dma_start3A_1162, %dma_start3A_1165] : memref<2x2048xi32, #tpu.memory_space<vmem>> -> memref<1x128xi32, #tpu.memory_space<vmem>>
      %dma_start3A_1167 = tpu.memref_squeeze %dma_start3A_1166 : memref<1x128xi32, #tpu.memory_space<vmem>> -> memref<128xi32, #tpu.memory_space<vmem>>
      %dma_start3A_1168 = arith.constant 0 : i32
      %dma_start3A_1169 = tpu.memref_slice %arg14[%dma_start3A_1168] : memref<100096xf32, #tpu.memory_space<vmem_shared>> -> memref<100096xf32, #tpu.memory_space<vmem_shared>>
      tpu.enqueue_indirect_dma source(%dma_start3A_1164 : memref<128xf32, #tpu.memory_space<vmem>>) target(%dma_start3A_1169 : memref<100096xf32, #tpu.memory_space<vmem_shared>>) offsets(%dma_start3A_1167 : memref<128xi32, #tpu.memory_space<vmem>>) semaphore(%arg18 : memref<!tpu.dma_semaphore, #tpu.memory_space<semaphore_mem>>) {add = true}
      %dma_start3A_1170 = arith.constant 1 : i32
      %dma_start3A_1171 = arith.constant 896 : i32
      %dma_start3A_1172 = tpu.memref_slice %arg13[%dma_start3A_1171] : memref<2048xf32, #tpu.memory_space<vmem>> -> memref<128xf32, #tpu.memory_space<vmem>>
      %dma_start3A_1173 = arith.constant 896 : i32
      %dma_start3A_1174 = tpu.memref_slice %arg12[%dma_start3A_1170, %dma_start3A_1173] : memref<2x2048xi32, #tpu.memory_space<vmem>> -> memref<1x128xi32, #tpu.memory_space<vmem>>
      %dma_start3A_1175 = tpu.memref_squeeze %dma_start3A_1174 : memref<1x128xi32, #tpu.memory_space<vmem>> -> memref<128xi32, #tpu.memory_space<vmem>>
      %dma_start3A_1176 = arith.constant 0 : i32
      %dma_start3A_1177 = tpu.memref_slice %arg14[%dma_start3A_1176] : memref<100096xf32, #tpu.memory_space<vmem_shared>> -> memref<100096xf32, #tpu.memory_space<vmem_shared>>
      tpu.enqueue_indirect_dma source(%dma_start3A_1172 : memref<128xf32, #tpu.memory_space<vmem>>) target(%dma_start3A_1177 : memref<100096xf32, #tpu.memory_space<vmem_shared>>) offsets(%dma_start3A_1175 : memref<128xi32, #tpu.memory_space<vmem>>) semaphore(%arg18 : memref<!tpu.dma_semaphore, #tpu.memory_space<semaphore_mem>>) {add = true}
      %dma_start3A_1178 = arith.constant 1 : i32
      %dma_start3A_1179 = arith.constant 1024 : i32
      %dma_start3A_1180 = tpu.memref_slice %arg13[%dma_start3A_1179] : memref<2048xf32, #tpu.memory_space<vmem>> -> memref<128xf32, #tpu.memory_space<vmem>>
      %dma_start3A_1181 = arith.constant 1024 : i32
      %dma_start3A_1182 = tpu.memref_slice %arg12[%dma_start3A_1178, %dma_start3A_1181] : memref<2x2048xi32, #tpu.memory_space<vmem>> -> memref<1x128xi32, #tpu.memory_space<vmem>>
      %dma_start3A_1183 = tpu.memref_squeeze %dma_start3A_1182 : memref<1x128xi32, #tpu.memory_space<vmem>> -> memref<128xi32, #tpu.memory_space<vmem>>
      %dma_start3A_1184 = arith.constant 0 : i32
      %dma_start3A_1185 = tpu.memref_slice %arg14[%dma_start3A_1184] : memref<100096xf32, #tpu.memory_space<vmem_shared>> -> memref<100096xf32, #tpu.memory_space<vmem_shared>>
      tpu.enqueue_indirect_dma source(%dma_start3A_1180 : memref<128xf32, #tpu.memory_space<vmem>>) target(%dma_start3A_1185 : memref<100096xf32, #tpu.memory_space<vmem_shared>>) offsets(%dma_start3A_1183 : memref<128xi32, #tpu.memory_space<vmem>>) semaphore(%arg18 : memref<!tpu.dma_semaphore, #tpu.memory_space<semaphore_mem>>) {add = true}
      %dma_start3A_1186 = arith.constant 1 : i32
      %dma_start3A_1187 = arith.constant 1152 : i32
      %dma_start3A_1188 = tpu.memref_slice %arg13[%dma_start3A_1187] : memref<2048xf32, #tpu.memory_space<vmem>> -> memref<128xf32, #tpu.memory_space<vmem>>
      %dma_start3A_1189 = arith.constant 1152 : i32
      %dma_start3A_1190 = tpu.memref_slice %arg12[%dma_start3A_1186, %dma_start3A_1189] : memref<2x2048xi32, #tpu.memory_space<vmem>> -> memref<1x128xi32, #tpu.memory_space<vmem>>
      %dma_start3A_1191 = tpu.memref_squeeze %dma_start3A_1190 : memref<1x128xi32, #tpu.memory_space<vmem>> -> memref<128xi32, #tpu.memory_space<vmem>>
      %dma_start3A_1192 = arith.constant 0 : i32
      %dma_start3A_1193 = tpu.memref_slice %arg14[%dma_start3A_1192] : memref<100096xf32, #tpu.memory_space<vmem_shared>> -> memref<100096xf32, #tpu.memory_space<vmem_shared>>
      tpu.enqueue_indirect_dma source(%dma_start3A_1188 : memref<128xf32, #tpu.memory_space<vmem>>) target(%dma_start3A_1193 : memref<100096xf32, #tpu.memory_space<vmem_shared>>) offsets(%dma_start3A_1191 : memref<128xi32, #tpu.memory_space<vmem>>) semaphore(%arg18 : memref<!tpu.dma_semaphore, #tpu.memory_space<semaphore_mem>>) {add = true}
      %dma_start3A_1194 = arith.constant 1 : i32
      %dma_start3A_1195 = arith.constant 1280 : i32
      %dma_start3A_1196 = tpu.memref_slice %arg13[%dma_start3A_1195] : memref<2048xf32, #tpu.memory_space<vmem>> -> memref<128xf32, #tpu.memory_space<vmem>>
      %dma_start3A_1197 = arith.constant 1280 : i32
      %dma_start3A_1198 = tpu.memref_slice %arg12[%dma_start3A_1194, %dma_start3A_1197] : memref<2x2048xi32, #tpu.memory_space<vmem>> -> memref<1x128xi32, #tpu.memory_space<vmem>>
      %dma_start3A_1199 = tpu.memref_squeeze %dma_start3A_1198 : memref<1x128xi32, #tpu.memory_space<vmem>> -> memref<128xi32, #tpu.memory_space<vmem>>
      %dma_start3A_1200 = arith.constant 0 : i32
      %dma_start3A_1201 = tpu.memref_slice %arg14[%dma_start3A_1200] : memref<100096xf32, #tpu.memory_space<vmem_shared>> -> memref<100096xf32, #tpu.memory_space<vmem_shared>>
      tpu.enqueue_indirect_dma source(%dma_start3A_1196 : memref<128xf32, #tpu.memory_space<vmem>>) target(%dma_start3A_1201 : memref<100096xf32, #tpu.memory_space<vmem_shared>>) offsets(%dma_start3A_1199 : memref<128xi32, #tpu.memory_space<vmem>>) semaphore(%arg18 : memref<!tpu.dma_semaphore, #tpu.memory_space<semaphore_mem>>) {add = true}
      %dma_start3A_1202 = arith.constant 1 : i32
      %dma_start3A_1203 = arith.constant 1408 : i32
      %dma_start3A_1204 = tpu.memref_slice %arg13[%dma_start3A_1203] : memref<2048xf32, #tpu.memory_space<vmem>> -> memref<128xf32, #tpu.memory_space<vmem>>
      %dma_start3A_1205 = arith.constant 1408 : i32
      %dma_start3A_1206 = tpu.memref_slice %arg12[%dma_start3A_1202, %dma_start3A_1205] : memref<2x2048xi32, #tpu.memory_space<vmem>> -> memref<1x128xi32, #tpu.memory_space<vmem>>
      %dma_start3A_1207 = tpu.memref_squeeze %dma_start3A_1206 : memref<1x128xi32, #tpu.memory_space<vmem>> -> memref<128xi32, #tpu.memory_space<vmem>>
      %dma_start3A_1208 = arith.constant 0 : i32
      %dma_start3A_1209 = tpu.memref_slice %arg14[%dma_start3A_1208] : memref<100096xf32, #tpu.memory_space<vmem_shared>> -> memref<100096xf32, #tpu.memory_space<vmem_shared>>
      tpu.enqueue_indirect_dma source(%dma_start3A_1204 : memref<128xf32, #tpu.memory_space<vmem>>) target(%dma_start3A_1209 : memref<100096xf32, #tpu.memory_space<vmem_shared>>) offsets(%dma_start3A_1207 : memref<128xi32, #tpu.memory_space<vmem>>) semaphore(%arg18 : memref<!tpu.dma_semaphore, #tpu.memory_space<semaphore_mem>>) {add = true}
      %dma_start3A_1210 = arith.constant 1 : i32
      %dma_start3A_1211 = arith.constant 1536 : i32
      %dma_start3A_1212 = tpu.memref_slice %arg13[%dma_start3A_1211] : memref<2048xf32, #tpu.memory_space<vmem>> -> memref<128xf32, #tpu.memory_space<vmem>>
      %dma_start3A_1213 = arith.constant 1536 : i32
      %dma_start3A_1214 = tpu.memref_slice %arg12[%dma_start3A_1210, %dma_start3A_1213] : memref<2x2048xi32, #tpu.memory_space<vmem>> -> memref<1x128xi32, #tpu.memory_space<vmem>>
      %dma_start3A_1215 = tpu.memref_squeeze %dma_start3A_1214 : memref<1x128xi32, #tpu.memory_space<vmem>> -> memref<128xi32, #tpu.memory_space<vmem>>
      %dma_start3A_1216 = arith.constant 0 : i32
      %dma_start3A_1217 = tpu.memref_slice %arg14[%dma_start3A_1216] : memref<100096xf32, #tpu.memory_space<vmem_shared>> -> memref<100096xf32, #tpu.memory_space<vmem_shared>>
      tpu.enqueue_indirect_dma source(%dma_start3A_1212 : memref<128xf32, #tpu.memory_space<vmem>>) target(%dma_start3A_1217 : memref<100096xf32, #tpu.memory_space<vmem_shared>>) offsets(%dma_start3A_1215 : memref<128xi32, #tpu.memory_space<vmem>>) semaphore(%arg18 : memref<!tpu.dma_semaphore, #tpu.memory_space<semaphore_mem>>) {add = true}
      %dma_start3A_1218 = arith.constant 1 : i32
      %dma_start3A_1219 = arith.constant 1664 : i32
      %dma_start3A_1220 = tpu.memref_slice %arg13[%dma_start3A_1219] : memref<2048xf32, #tpu.memory_space<vmem>> -> memref<128xf32, #tpu.memory_space<vmem>>
      %dma_start3A_1221 = arith.constant 1664 : i32
      %dma_start3A_1222 = tpu.memref_slice %arg12[%dma_start3A_1218, %dma_start3A_1221] : memref<2x2048xi32, #tpu.memory_space<vmem>> -> memref<1x128xi32, #tpu.memory_space<vmem>>
      %dma_start3A_1223 = tpu.memref_squeeze %dma_start3A_1222 : memref<1x128xi32, #tpu.memory_space<vmem>> -> memref<128xi32, #tpu.memory_space<vmem>>
      %dma_start3A_1224 = arith.constant 0 : i32
      %dma_start3A_1225 = tpu.memref_slice %arg14[%dma_start3A_1224] : memref<100096xf32, #tpu.memory_space<vmem_shared>> -> memref<100096xf32, #tpu.memory_space<vmem_shared>>
      tpu.enqueue_indirect_dma source(%dma_start3A_1220 : memref<128xf32, #tpu.memory_space<vmem>>) target(%dma_start3A_1225 : memref<100096xf32, #tpu.memory_space<vmem_shared>>) offsets(%dma_start3A_1223 : memref<128xi32, #tpu.memory_space<vmem>>) semaphore(%arg18 : memref<!tpu.dma_semaphore, #tpu.memory_space<semaphore_mem>>) {add = true}
      %dma_start3A_1226 = arith.constant 1 : i32
      %dma_start3A_1227 = arith.constant 1792 : i32
      %dma_start3A_1228 = tpu.memref_slice %arg13[%dma_start3A_1227] : memref<2048xf32, #tpu.memory_space<vmem>> -> memref<128xf32, #tpu.memory_space<vmem>>
      %dma_start3A_1229 = arith.constant 1792 : i32
      %dma_start3A_1230 = tpu.memref_slice %arg12[%dma_start3A_1226, %dma_start3A_1229] : memref<2x2048xi32, #tpu.memory_space<vmem>> -> memref<1x128xi32, #tpu.memory_space<vmem>>
      %dma_start3A_1231 = tpu.memref_squeeze %dma_start3A_1230 : memref<1x128xi32, #tpu.memory_space<vmem>> -> memref<128xi32, #tpu.memory_space<vmem>>
      %dma_start3A_1232 = arith.constant 0 : i32
      %dma_start3A_1233 = tpu.memref_slice %arg14[%dma_start3A_1232] : memref<100096xf32, #tpu.memory_space<vmem_shared>> -> memref<100096xf32, #tpu.memory_space<vmem_shared>>
      tpu.enqueue_indirect_dma source(%dma_start3A_1228 : memref<128xf32, #tpu.memory_space<vmem>>) target(%dma_start3A_1233 : memref<100096xf32, #tpu.memory_space<vmem_shared>>) offsets(%dma_start3A_1231 : memref<128xi32, #tpu.memory_space<vmem>>) semaphore(%arg18 : memref<!tpu.dma_semaphore, #tpu.memory_space<semaphore_mem>>) {add = true}
      %dma_start3A_1234 = arith.constant 1 : i32
      %dma_start3A_1235 = arith.constant 1920 : i32
      %dma_start3A_1236 = tpu.memref_slice %arg13[%dma_start3A_1235] : memref<2048xf32, #tpu.memory_space<vmem>> -> memref<128xf32, #tpu.memory_space<vmem>>
      %dma_start3A_1237 = arith.constant 1920 : i32
      %dma_start3A_1238 = tpu.memref_slice %arg12[%dma_start3A_1234, %dma_start3A_1237] : memref<2x2048xi32, #tpu.memory_space<vmem>> -> memref<1x128xi32, #tpu.memory_space<vmem>>
      %dma_start3A_1239 = tpu.memref_squeeze %dma_start3A_1238 : memref<1x128xi32, #tpu.memory_space<vmem>> -> memref<128xi32, #tpu.memory_space<vmem>>
      %dma_start3A_1240 = arith.constant 0 : i32
      %dma_start3A_1241 = tpu.memref_slice %arg14[%dma_start3A_1240] : memref<100096xf32, #tpu.memory_space<vmem_shared>> -> memref<100096xf32, #tpu.memory_space<vmem_shared>>
      tpu.enqueue_indirect_dma source(%dma_start3A_1236 : memref<128xf32, #tpu.memory_space<vmem>>) target(%dma_start3A_1241 : memref<100096xf32, #tpu.memory_space<vmem_shared>>) offsets(%dma_start3A_1239 : memref<128xi32, #tpu.memory_space<vmem>>) semaphore(%arg18 : memref<!tpu.dma_semaphore, #tpu.memory_space<semaphore_mem>>) {add = true}
    }
    %scan3A_38 = arith.constant 12 : i32
    %dma_wait3A = arith.constant 0 : i32
    %dma_wait3A_39 = arith.constant 0 : i32
    %dma_wait3A_40 = tpu.memref_slice %arg3[%dma_wait3A, %dma_wait3A_39] : memref<2x3200000xi32, #tpu.memory_space<hbm>> -> memref<2x2048xi32, #tpu.memory_space<hbm>>
    %dma_wait3A_41 = arith.constant 0 : i32
    %dma_wait3A_42 = arith.constant 0 : i32
    %dma_wait3A_43 = tpu.memref_slice %arg3[%dma_wait3A_41, %dma_wait3A_42] : memref<2x3200000xi32, #tpu.memory_space<hbm>> -> memref<2x2048xi32, #tpu.memory_space<hbm>>
    tpu.wait_dma2 semaphore(%arg19 : memref<!tpu.dma_semaphore, #tpu.memory_space<semaphore_mem>>) src(%dma_wait3A_43 : memref<2x2048xi32, #tpu.memory_space<hbm>>) dst(%arg6 : memref<2x2048xi32, #tpu.memory_space<vmem>>)
    %dma_wait3A_44 = arith.constant 0 : i32
    %dma_wait3A_45 = arith.constant 0 : i32
    %dma_wait3A_46 = tpu.memref_slice %arg3[%dma_wait3A_44, %dma_wait3A_45] : memref<2x3200000xi32, #tpu.memory_space<hbm>> -> memref<2x2048xi32, #tpu.memory_space<hbm>>
    %dma_wait3A_47 = arith.constant 0 : i32
    %dma_wait3A_48 = arith.constant 0 : i32
    %dma_wait3A_49 = tpu.memref_slice %arg3[%dma_wait3A_47, %dma_wait3A_48] : memref<2x3200000xi32, #tpu.memory_space<hbm>> -> memref<2x2048xi32, #tpu.memory_space<hbm>>
    tpu.wait_dma2 semaphore(%arg20 : memref<!tpu.dma_semaphore, #tpu.memory_space<semaphore_mem>>) src(%dma_wait3A_49 : memref<2x2048xi32, #tpu.memory_space<hbm>>) dst(%arg8 : memref<2x2048xi32, #tpu.memory_space<vmem>>)
    %dma_wait3A_50 = arith.constant 1 : i32
    %dma_wait3A_51 = arith.constant 0 : i32
    %dma_wait3A_52 = tpu.memref_slice %arg11[%dma_wait3A_51] : memref<2048xf32, #tpu.memory_space<vmem>> -> memref<128xf32, #tpu.memory_space<vmem>>
    %dma_wait3A_53 = arith.constant 0 : i32
    %dma_wait3A_54 = tpu.memref_slice %arg10[%dma_wait3A_50, %dma_wait3A_53] : memref<2x2048xi32, #tpu.memory_space<vmem>> -> memref<1x128xi32, #tpu.memory_space<vmem>>
    %dma_wait3A_55 = tpu.memref_squeeze %dma_wait3A_54 : memref<1x128xi32, #tpu.memory_space<vmem>> -> memref<128xi32, #tpu.memory_space<vmem>>
    %dma_wait3A_56 = arith.constant 0 : i32
    %dma_wait3A_57 = tpu.memref_slice %arg14[%dma_wait3A_56] : memref<100096xf32, #tpu.memory_space<vmem_shared>> -> memref<100096xf32, #tpu.memory_space<vmem_shared>>
    tpu.wait_indirect_dma semaphore(%arg17 : memref<!tpu.dma_semaphore, #tpu.memory_space<semaphore_mem>>) src(%dma_wait3A_52 : memref<128xf32, #tpu.memory_space<vmem>>) dst(%dma_wait3A_57 : memref<100096xf32, #tpu.memory_space<vmem_shared>>)
    %dma_wait3A_58 = arith.constant 1 : i32
    %dma_wait3A_59 = arith.constant 128 : i32
    %dma_wait3A_60 = tpu.memref_slice %arg11[%dma_wait3A_59] : memref<2048xf32, #tpu.memory_space<vmem>> -> memref<128xf32, #tpu.memory_space<vmem>>
    %dma_wait3A_61 = arith.constant 128 : i32
    %dma_wait3A_62 = tpu.memref_slice %arg10[%dma_wait3A_58, %dma_wait3A_61] : memref<2x2048xi32, #tpu.memory_space<vmem>> -> memref<1x128xi32, #tpu.memory_space<vmem>>
    %dma_wait3A_63 = tpu.memref_squeeze %dma_wait3A_62 : memref<1x128xi32, #tpu.memory_space<vmem>> -> memref<128xi32, #tpu.memory_space<vmem>>
    %dma_wait3A_64 = arith.constant 0 : i32
    %dma_wait3A_65 = tpu.memref_slice %arg14[%dma_wait3A_64] : memref<100096xf32, #tpu.memory_space<vmem_shared>> -> memref<100096xf32, #tpu.memory_space<vmem_shared>>
    tpu.wait_indirect_dma semaphore(%arg17 : memref<!tpu.dma_semaphore, #tpu.memory_space<semaphore_mem>>) src(%dma_wait3A_60 : memref<128xf32, #tpu.memory_space<vmem>>) dst(%dma_wait3A_65 : memref<100096xf32, #tpu.memory_space<vmem_shared>>)
    %dma_wait3A_66 = arith.constant 1 : i32
    %dma_wait3A_67 = arith.constant 256 : i32
    %dma_wait3A_68 = tpu.memref_slice %arg11[%dma_wait3A_67] : memref<2048xf32, #tpu.memory_space<vmem>> -> memref<128xf32, #tpu.memory_space<vmem>>
    %dma_wait3A_69 = arith.constant 256 : i32
    %dma_wait3A_70 = tpu.memref_slice %arg10[%dma_wait3A_66, %dma_wait3A_69] : memref<2x2048xi32, #tpu.memory_space<vmem>> -> memref<1x128xi32, #tpu.memory_space<vmem>>
    %dma_wait3A_71 = tpu.memref_squeeze %dma_wait3A_70 : memref<1x128xi32, #tpu.memory_space<vmem>> -> memref<128xi32, #tpu.memory_space<vmem>>
    %dma_wait3A_72 = arith.constant 0 : i32
    %dma_wait3A_73 = tpu.memref_slice %arg14[%dma_wait3A_72] : memref<100096xf32, #tpu.memory_space<vmem_shared>> -> memref<100096xf32, #tpu.memory_space<vmem_shared>>
    tpu.wait_indirect_dma semaphore(%arg17 : memref<!tpu.dma_semaphore, #tpu.memory_space<semaphore_mem>>) src(%dma_wait3A_68 : memref<128xf32, #tpu.memory_space<vmem>>) dst(%dma_wait3A_73 : memref<100096xf32, #tpu.memory_space<vmem_shared>>)
    %dma_wait3A_74 = arith.constant 1 : i32
    %dma_wait3A_75 = arith.constant 384 : i32
    %dma_wait3A_76 = tpu.memref_slice %arg11[%dma_wait3A_75] : memref<2048xf32, #tpu.memory_space<vmem>> -> memref<128xf32, #tpu.memory_space<vmem>>
    %dma_wait3A_77 = arith.constant 384 : i32
    %dma_wait3A_78 = tpu.memref_slice %arg10[%dma_wait3A_74, %dma_wait3A_77] : memref<2x2048xi32, #tpu.memory_space<vmem>> -> memref<1x128xi32, #tpu.memory_space<vmem>>
    %dma_wait3A_79 = tpu.memref_squeeze %dma_wait3A_78 : memref<1x128xi32, #tpu.memory_space<vmem>> -> memref<128xi32, #tpu.memory_space<vmem>>
    %dma_wait3A_80 = arith.constant 0 : i32
    %dma_wait3A_81 = tpu.memref_slice %arg14[%dma_wait3A_80] : memref<100096xf32, #tpu.memory_space<vmem_shared>> -> memref<100096xf32, #tpu.memory_space<vmem_shared>>
    tpu.wait_indirect_dma semaphore(%arg17 : memref<!tpu.dma_semaphore, #tpu.memory_space<semaphore_mem>>) src(%dma_wait3A_76 : memref<128xf32, #tpu.memory_space<vmem>>) dst(%dma_wait3A_81 : memref<100096xf32, #tpu.memory_space<vmem_shared>>)
    %dma_wait3A_82 = arith.constant 1 : i32
    %dma_wait3A_83 = arith.constant 512 : i32
    %dma_wait3A_84 = tpu.memref_slice %arg11[%dma_wait3A_83] : memref<2048xf32, #tpu.memory_space<vmem>> -> memref<128xf32, #tpu.memory_space<vmem>>
    %dma_wait3A_85 = arith.constant 512 : i32
    %dma_wait3A_86 = tpu.memref_slice %arg10[%dma_wait3A_82, %dma_wait3A_85] : memref<2x2048xi32, #tpu.memory_space<vmem>> -> memref<1x128xi32, #tpu.memory_space<vmem>>
    %dma_wait3A_87 = tpu.memref_squeeze %dma_wait3A_86 : memref<1x128xi32, #tpu.memory_space<vmem>> -> memref<128xi32, #tpu.memory_space<vmem>>
    %dma_wait3A_88 = arith.constant 0 : i32
    %dma_wait3A_89 = tpu.memref_slice %arg14[%dma_wait3A_88] : memref<100096xf32, #tpu.memory_space<vmem_shared>> -> memref<100096xf32, #tpu.memory_space<vmem_shared>>
    tpu.wait_indirect_dma semaphore(%arg17 : memref<!tpu.dma_semaphore, #tpu.memory_space<semaphore_mem>>) src(%dma_wait3A_84 : memref<128xf32, #tpu.memory_space<vmem>>) dst(%dma_wait3A_89 : memref<100096xf32, #tpu.memory_space<vmem_shared>>)
    %dma_wait3A_90 = arith.constant 1 : i32
    %dma_wait3A_91 = arith.constant 640 : i32
    %dma_wait3A_92 = tpu.memref_slice %arg11[%dma_wait3A_91] : memref<2048xf32, #tpu.memory_space<vmem>> -> memref<128xf32, #tpu.memory_space<vmem>>
    %dma_wait3A_93 = arith.constant 640 : i32
    %dma_wait3A_94 = tpu.memref_slice %arg10[%dma_wait3A_90, %dma_wait3A_93] : memref<2x2048xi32, #tpu.memory_space<vmem>> -> memref<1x128xi32, #tpu.memory_space<vmem>>
    %dma_wait3A_95 = tpu.memref_squeeze %dma_wait3A_94 : memref<1x128xi32, #tpu.memory_space<vmem>> -> memref<128xi32, #tpu.memory_space<vmem>>
    %dma_wait3A_96 = arith.constant 0 : i32
    %dma_wait3A_97 = tpu.memref_slice %arg14[%dma_wait3A_96] : memref<100096xf32, #tpu.memory_space<vmem_shared>> -> memref<100096xf32, #tpu.memory_space<vmem_shared>>
    tpu.wait_indirect_dma semaphore(%arg17 : memref<!tpu.dma_semaphore, #tpu.memory_space<semaphore_mem>>) src(%dma_wait3A_92 : memref<128xf32, #tpu.memory_space<vmem>>) dst(%dma_wait3A_97 : memref<100096xf32, #tpu.memory_space<vmem_shared>>)
    %dma_wait3A_98 = arith.constant 1 : i32
    %dma_wait3A_99 = arith.constant 768 : i32
    %dma_wait3A_100 = tpu.memref_slice %arg11[%dma_wait3A_99] : memref<2048xf32, #tpu.memory_space<vmem>> -> memref<128xf32, #tpu.memory_space<vmem>>
    %dma_wait3A_101 = arith.constant 768 : i32
    %dma_wait3A_102 = tpu.memref_slice %arg10[%dma_wait3A_98, %dma_wait3A_101] : memref<2x2048xi32, #tpu.memory_space<vmem>> -> memref<1x128xi32, #tpu.memory_space<vmem>>
    %dma_wait3A_103 = tpu.memref_squeeze %dma_wait3A_102 : memref<1x128xi32, #tpu.memory_space<vmem>> -> memref<128xi32, #tpu.memory_space<vmem>>
    %dma_wait3A_104 = arith.constant 0 : i32
    %dma_wait3A_105 = tpu.memref_slice %arg14[%dma_wait3A_104] : memref<100096xf32, #tpu.memory_space<vmem_shared>> -> memref<100096xf32, #tpu.memory_space<vmem_shared>>
    tpu.wait_indirect_dma semaphore(%arg17 : memref<!tpu.dma_semaphore, #tpu.memory_space<semaphore_mem>>) src(%dma_wait3A_100 : memref<128xf32, #tpu.memory_space<vmem>>) dst(%dma_wait3A_105 : memref<100096xf32, #tpu.memory_space<vmem_shared>>)
    %dma_wait3A_106 = arith.constant 1 : i32
    %dma_wait3A_107 = arith.constant 896 : i32
    %dma_wait3A_108 = tpu.memref_slice %arg11[%dma_wait3A_107] : memref<2048xf32, #tpu.memory_space<vmem>> -> memref<128xf32, #tpu.memory_space<vmem>>
    %dma_wait3A_109 = arith.constant 896 : i32
    %dma_wait3A_110 = tpu.memref_slice %arg10[%dma_wait3A_106, %dma_wait3A_109] : memref<2x2048xi32, #tpu.memory_space<vmem>> -> memref<1x128xi32, #tpu.memory_space<vmem>>
    %dma_wait3A_111 = tpu.memref_squeeze %dma_wait3A_110 : memref<1x128xi32, #tpu.memory_space<vmem>> -> memref<128xi32, #tpu.memory_space<vmem>>
    %dma_wait3A_112 = arith.constant 0 : i32
    %dma_wait3A_113 = tpu.memref_slice %arg14[%dma_wait3A_112] : memref<100096xf32, #tpu.memory_space<vmem_shared>> -> memref<100096xf32, #tpu.memory_space<vmem_shared>>
    tpu.wait_indirect_dma semaphore(%arg17 : memref<!tpu.dma_semaphore, #tpu.memory_space<semaphore_mem>>) src(%dma_wait3A_108 : memref<128xf32, #tpu.memory_space<vmem>>) dst(%dma_wait3A_113 : memref<100096xf32, #tpu.memory_space<vmem_shared>>)
    %dma_wait3A_114 = arith.constant 1 : i32
    %dma_wait3A_115 = arith.constant 1024 : i32
    %dma_wait3A_116 = tpu.memref_slice %arg11[%dma_wait3A_115] : memref<2048xf32, #tpu.memory_space<vmem>> -> memref<128xf32, #tpu.memory_space<vmem>>
    %dma_wait3A_117 = arith.constant 1024 : i32
    %dma_wait3A_118 = tpu.memref_slice %arg10[%dma_wait3A_114, %dma_wait3A_117] : memref<2x2048xi32, #tpu.memory_space<vmem>> -> memref<1x128xi32, #tpu.memory_space<vmem>>
    %dma_wait3A_119 = tpu.memref_squeeze %dma_wait3A_118 : memref<1x128xi32, #tpu.memory_space<vmem>> -> memref<128xi32, #tpu.memory_space<vmem>>
    %dma_wait3A_120 = arith.constant 0 : i32
    %dma_wait3A_121 = tpu.memref_slice %arg14[%dma_wait3A_120] : memref<100096xf32, #tpu.memory_space<vmem_shared>> -> memref<100096xf32, #tpu.memory_space<vmem_shared>>
    tpu.wait_indirect_dma semaphore(%arg17 : memref<!tpu.dma_semaphore, #tpu.memory_space<semaphore_mem>>) src(%dma_wait3A_116 : memref<128xf32, #tpu.memory_space<vmem>>) dst(%dma_wait3A_121 : memref<100096xf32, #tpu.memory_space<vmem_shared>>)
    %dma_wait3A_122 = arith.constant 1 : i32
    %dma_wait3A_123 = arith.constant 1152 : i32
    %dma_wait3A_124 = tpu.memref_slice %arg11[%dma_wait3A_123] : memref<2048xf32, #tpu.memory_space<vmem>> -> memref<128xf32, #tpu.memory_space<vmem>>
    %dma_wait3A_125 = arith.constant 1152 : i32
    %dma_wait3A_126 = tpu.memref_slice %arg10[%dma_wait3A_122, %dma_wait3A_125] : memref<2x2048xi32, #tpu.memory_space<vmem>> -> memref<1x128xi32, #tpu.memory_space<vmem>>
    %dma_wait3A_127 = tpu.memref_squeeze %dma_wait3A_126 : memref<1x128xi32, #tpu.memory_space<vmem>> -> memref<128xi32, #tpu.memory_space<vmem>>
    %dma_wait3A_128 = arith.constant 0 : i32
    %dma_wait3A_129 = tpu.memref_slice %arg14[%dma_wait3A_128] : memref<100096xf32, #tpu.memory_space<vmem_shared>> -> memref<100096xf32, #tpu.memory_space<vmem_shared>>
    tpu.wait_indirect_dma semaphore(%arg17 : memref<!tpu.dma_semaphore, #tpu.memory_space<semaphore_mem>>) src(%dma_wait3A_124 : memref<128xf32, #tpu.memory_space<vmem>>) dst(%dma_wait3A_129 : memref<100096xf32, #tpu.memory_space<vmem_shared>>)
    %dma_wait3A_130 = arith.constant 1 : i32
    %dma_wait3A_131 = arith.constant 1280 : i32
    %dma_wait3A_132 = tpu.memref_slice %arg11[%dma_wait3A_131] : memref<2048xf32, #tpu.memory_space<vmem>> -> memref<128xf32, #tpu.memory_space<vmem>>
    %dma_wait3A_133 = arith.constant 1280 : i32
    %dma_wait3A_134 = tpu.memref_slice %arg10[%dma_wait3A_130, %dma_wait3A_133] : memref<2x2048xi32, #tpu.memory_space<vmem>> -> memref<1x128xi32, #tpu.memory_space<vmem>>
    %dma_wait3A_135 = tpu.memref_squeeze %dma_wait3A_134 : memref<1x128xi32, #tpu.memory_space<vmem>> -> memref<128xi32, #tpu.memory_space<vmem>>
    %dma_wait3A_136 = arith.constant 0 : i32
    %dma_wait3A_137 = tpu.memref_slice %arg14[%dma_wait3A_136] : memref<100096xf32, #tpu.memory_space<vmem_shared>> -> memref<100096xf32, #tpu.memory_space<vmem_shared>>
    tpu.wait_indirect_dma semaphore(%arg17 : memref<!tpu.dma_semaphore, #tpu.memory_space<semaphore_mem>>) src(%dma_wait3A_132 : memref<128xf32, #tpu.memory_space<vmem>>) dst(%dma_wait3A_137 : memref<100096xf32, #tpu.memory_space<vmem_shared>>)
    %dma_wait3A_138 = arith.constant 1 : i32
    %dma_wait3A_139 = arith.constant 1408 : i32
    %dma_wait3A_140 = tpu.memref_slice %arg11[%dma_wait3A_139] : memref<2048xf32, #tpu.memory_space<vmem>> -> memref<128xf32, #tpu.memory_space<vmem>>
    %dma_wait3A_141 = arith.constant 1408 : i32
    %dma_wait3A_142 = tpu.memref_slice %arg10[%dma_wait3A_138, %dma_wait3A_141] : memref<2x2048xi32, #tpu.memory_space<vmem>> -> memref<1x128xi32, #tpu.memory_space<vmem>>
    %dma_wait3A_143 = tpu.memref_squeeze %dma_wait3A_142 : memref<1x128xi32, #tpu.memory_space<vmem>> -> memref<128xi32, #tpu.memory_space<vmem>>
    %dma_wait3A_144 = arith.constant 0 : i32
    %dma_wait3A_145 = tpu.memref_slice %arg14[%dma_wait3A_144] : memref<100096xf32, #tpu.memory_space<vmem_shared>> -> memref<100096xf32, #tpu.memory_space<vmem_shared>>
    tpu.wait_indirect_dma semaphore(%arg17 : memref<!tpu.dma_semaphore, #tpu.memory_space<semaphore_mem>>) src(%dma_wait3A_140 : memref<128xf32, #tpu.memory_space<vmem>>) dst(%dma_wait3A_145 : memref<100096xf32, #tpu.memory_space<vmem_shared>>)
    %dma_wait3A_146 = arith.constant 1 : i32
    %dma_wait3A_147 = arith.constant 1536 : i32
    %dma_wait3A_148 = tpu.memref_slice %arg11[%dma_wait3A_147] : memref<2048xf32, #tpu.memory_space<vmem>> -> memref<128xf32, #tpu.memory_space<vmem>>
    %dma_wait3A_149 = arith.constant 1536 : i32
    %dma_wait3A_150 = tpu.memref_slice %arg10[%dma_wait3A_146, %dma_wait3A_149] : memref<2x2048xi32, #tpu.memory_space<vmem>> -> memref<1x128xi32, #tpu.memory_space<vmem>>
    %dma_wait3A_151 = tpu.memref_squeeze %dma_wait3A_150 : memref<1x128xi32, #tpu.memory_space<vmem>> -> memref<128xi32, #tpu.memory_space<vmem>>
    %dma_wait3A_152 = arith.constant 0 : i32
    %dma_wait3A_153 = tpu.memref_slice %arg14[%dma_wait3A_152] : memref<100096xf32, #tpu.memory_space<vmem_shared>> -> memref<100096xf32, #tpu.memory_space<vmem_shared>>
    tpu.wait_indirect_dma semaphore(%arg17 : memref<!tpu.dma_semaphore, #tpu.memory_space<semaphore_mem>>) src(%dma_wait3A_148 : memref<128xf32, #tpu.memory_space<vmem>>) dst(%dma_wait3A_153 : memref<100096xf32, #tpu.memory_space<vmem_shared>>)
    %dma_wait3A_154 = arith.constant 1 : i32
    %dma_wait3A_155 = arith.constant 1664 : i32
    %dma_wait3A_156 = tpu.memref_slice %arg11[%dma_wait3A_155] : memref<2048xf32, #tpu.memory_space<vmem>> -> memref<128xf32, #tpu.memory_space<vmem>>
    %dma_wait3A_157 = arith.constant 1664 : i32
    %dma_wait3A_158 = tpu.memref_slice %arg10[%dma_wait3A_154, %dma_wait3A_157] : memref<2x2048xi32, #tpu.memory_space<vmem>> -> memref<1x128xi32, #tpu.memory_space<vmem>>
    %dma_wait3A_159 = tpu.memref_squeeze %dma_wait3A_158 : memref<1x128xi32, #tpu.memory_space<vmem>> -> memref<128xi32, #tpu.memory_space<vmem>>
    %dma_wait3A_160 = arith.constant 0 : i32
    %dma_wait3A_161 = tpu.memref_slice %arg14[%dma_wait3A_160] : memref<100096xf32, #tpu.memory_space<vmem_shared>> -> memref<100096xf32, #tpu.memory_space<vmem_shared>>
    tpu.wait_indirect_dma semaphore(%arg17 : memref<!tpu.dma_semaphore, #tpu.memory_space<semaphore_mem>>) src(%dma_wait3A_156 : memref<128xf32, #tpu.memory_space<vmem>>) dst(%dma_wait3A_161 : memref<100096xf32, #tpu.memory_space<vmem_shared>>)
    %dma_wait3A_162 = arith.constant 1 : i32
    %dma_wait3A_163 = arith.constant 1792 : i32
    %dma_wait3A_164 = tpu.memref_slice %arg11[%dma_wait3A_163] : memref<2048xf32, #tpu.memory_space<vmem>> -> memref<128xf32, #tpu.memory_space<vmem>>
    %dma_wait3A_165 = arith.constant 1792 : i32
    %dma_wait3A_166 = tpu.memref_slice %arg10[%dma_wait3A_162, %dma_wait3A_165] : memref<2x2048xi32, #tpu.memory_space<vmem>> -> memref<1x128xi32, #tpu.memory_space<vmem>>
    %dma_wait3A_167 = tpu.memref_squeeze %dma_wait3A_166 : memref<1x128xi32, #tpu.memory_space<vmem>> -> memref<128xi32, #tpu.memory_space<vmem>>
    %dma_wait3A_168 = arith.constant 0 : i32
    %dma_wait3A_169 = tpu.memref_slice %arg14[%dma_wait3A_168] : memref<100096xf32, #tpu.memory_space<vmem_shared>> -> memref<100096xf32, #tpu.memory_space<vmem_shared>>
    tpu.wait_indirect_dma semaphore(%arg17 : memref<!tpu.dma_semaphore, #tpu.memory_space<semaphore_mem>>) src(%dma_wait3A_164 : memref<128xf32, #tpu.memory_space<vmem>>) dst(%dma_wait3A_169 : memref<100096xf32, #tpu.memory_space<vmem_shared>>)
    %dma_wait3A_170 = arith.constant 1 : i32
    %dma_wait3A_171 = arith.constant 1920 : i32
    %dma_wait3A_172 = tpu.memref_slice %arg11[%dma_wait3A_171] : memref<2048xf32, #tpu.memory_space<vmem>> -> memref<128xf32, #tpu.memory_space<vmem>>
    %dma_wait3A_173 = arith.constant 1920 : i32
    %dma_wait3A_174 = tpu.memref_slice %arg10[%dma_wait3A_170, %dma_wait3A_173] : memref<2x2048xi32, #tpu.memory_space<vmem>> -> memref<1x128xi32, #tpu.memory_space<vmem>>
    %dma_wait3A_175 = tpu.memref_squeeze %dma_wait3A_174 : memref<1x128xi32, #tpu.memory_space<vmem>> -> memref<128xi32, #tpu.memory_space<vmem>>
    %dma_wait3A_176 = arith.constant 0 : i32
    %dma_wait3A_177 = tpu.memref_slice %arg14[%dma_wait3A_176] : memref<100096xf32, #tpu.memory_space<vmem_shared>> -> memref<100096xf32, #tpu.memory_space<vmem_shared>>
    tpu.wait_indirect_dma semaphore(%arg17 : memref<!tpu.dma_semaphore, #tpu.memory_space<semaphore_mem>>) src(%dma_wait3A_172 : memref<128xf32, #tpu.memory_space<vmem>>) dst(%dma_wait3A_177 : memref<100096xf32, #tpu.memory_space<vmem_shared>>)
    %dma_wait3A_178 = arith.constant 1 : i32
    %dma_wait3A_179 = arith.constant 0 : i32
    %dma_wait3A_180 = tpu.memref_slice %arg13[%dma_wait3A_179] : memref<2048xf32, #tpu.memory_space<vmem>> -> memref<128xf32, #tpu.memory_space<vmem>>
    %dma_wait3A_181 = arith.constant 0 : i32
    %dma_wait3A_182 = tpu.memref_slice %arg12[%dma_wait3A_178, %dma_wait3A_181] : memref<2x2048xi32, #tpu.memory_space<vmem>> -> memref<1x128xi32, #tpu.memory_space<vmem>>
    %dma_wait3A_183 = tpu.memref_squeeze %dma_wait3A_182 : memref<1x128xi32, #tpu.memory_space<vmem>> -> memref<128xi32, #tpu.memory_space<vmem>>
    %dma_wait3A_184 = arith.constant 0 : i32
    %dma_wait3A_185 = tpu.memref_slice %arg14[%dma_wait3A_184] : memref<100096xf32, #tpu.memory_space<vmem_shared>> -> memref<100096xf32, #tpu.memory_space<vmem_shared>>
    tpu.wait_indirect_dma semaphore(%arg18 : memref<!tpu.dma_semaphore, #tpu.memory_space<semaphore_mem>>) src(%dma_wait3A_180 : memref<128xf32, #tpu.memory_space<vmem>>) dst(%dma_wait3A_185 : memref<100096xf32, #tpu.memory_space<vmem_shared>>)
    %dma_wait3A_186 = arith.constant 1 : i32
    %dma_wait3A_187 = arith.constant 128 : i32
    %dma_wait3A_188 = tpu.memref_slice %arg13[%dma_wait3A_187] : memref<2048xf32, #tpu.memory_space<vmem>> -> memref<128xf32, #tpu.memory_space<vmem>>
    %dma_wait3A_189 = arith.constant 128 : i32
    %dma_wait3A_190 = tpu.memref_slice %arg12[%dma_wait3A_186, %dma_wait3A_189] : memref<2x2048xi32, #tpu.memory_space<vmem>> -> memref<1x128xi32, #tpu.memory_space<vmem>>
    %dma_wait3A_191 = tpu.memref_squeeze %dma_wait3A_190 : memref<1x128xi32, #tpu.memory_space<vmem>> -> memref<128xi32, #tpu.memory_space<vmem>>
    %dma_wait3A_192 = arith.constant 0 : i32
    %dma_wait3A_193 = tpu.memref_slice %arg14[%dma_wait3A_192] : memref<100096xf32, #tpu.memory_space<vmem_shared>> -> memref<100096xf32, #tpu.memory_space<vmem_shared>>
    tpu.wait_indirect_dma semaphore(%arg18 : memref<!tpu.dma_semaphore, #tpu.memory_space<semaphore_mem>>) src(%dma_wait3A_188 : memref<128xf32, #tpu.memory_space<vmem>>) dst(%dma_wait3A_193 : memref<100096xf32, #tpu.memory_space<vmem_shared>>)
    %dma_wait3A_194 = arith.constant 1 : i32
    %dma_wait3A_195 = arith.constant 256 : i32
    %dma_wait3A_196 = tpu.memref_slice %arg13[%dma_wait3A_195] : memref<2048xf32, #tpu.memory_space<vmem>> -> memref<128xf32, #tpu.memory_space<vmem>>
    %dma_wait3A_197 = arith.constant 256 : i32
    %dma_wait3A_198 = tpu.memref_slice %arg12[%dma_wait3A_194, %dma_wait3A_197] : memref<2x2048xi32, #tpu.memory_space<vmem>> -> memref<1x128xi32, #tpu.memory_space<vmem>>
    %dma_wait3A_199 = tpu.memref_squeeze %dma_wait3A_198 : memref<1x128xi32, #tpu.memory_space<vmem>> -> memref<128xi32, #tpu.memory_space<vmem>>
    %dma_wait3A_200 = arith.constant 0 : i32
    %dma_wait3A_201 = tpu.memref_slice %arg14[%dma_wait3A_200] : memref<100096xf32, #tpu.memory_space<vmem_shared>> -> memref<100096xf32, #tpu.memory_space<vmem_shared>>
    tpu.wait_indirect_dma semaphore(%arg18 : memref<!tpu.dma_semaphore, #tpu.memory_space<semaphore_mem>>) src(%dma_wait3A_196 : memref<128xf32, #tpu.memory_space<vmem>>) dst(%dma_wait3A_201 : memref<100096xf32, #tpu.memory_space<vmem_shared>>)
    %dma_wait3A_202 = arith.constant 1 : i32
    %dma_wait3A_203 = arith.constant 384 : i32
    %dma_wait3A_204 = tpu.memref_slice %arg13[%dma_wait3A_203] : memref<2048xf32, #tpu.memory_space<vmem>> -> memref<128xf32, #tpu.memory_space<vmem>>
    %dma_wait3A_205 = arith.constant 384 : i32
    %dma_wait3A_206 = tpu.memref_slice %arg12[%dma_wait3A_202, %dma_wait3A_205] : memref<2x2048xi32, #tpu.memory_space<vmem>> -> memref<1x128xi32, #tpu.memory_space<vmem>>
    %dma_wait3A_207 = tpu.memref_squeeze %dma_wait3A_206 : memref<1x128xi32, #tpu.memory_space<vmem>> -> memref<128xi32, #tpu.memory_space<vmem>>
    %dma_wait3A_208 = arith.constant 0 : i32
    %dma_wait3A_209 = tpu.memref_slice %arg14[%dma_wait3A_208] : memref<100096xf32, #tpu.memory_space<vmem_shared>> -> memref<100096xf32, #tpu.memory_space<vmem_shared>>
    tpu.wait_indirect_dma semaphore(%arg18 : memref<!tpu.dma_semaphore, #tpu.memory_space<semaphore_mem>>) src(%dma_wait3A_204 : memref<128xf32, #tpu.memory_space<vmem>>) dst(%dma_wait3A_209 : memref<100096xf32, #tpu.memory_space<vmem_shared>>)
    %dma_wait3A_210 = arith.constant 1 : i32
    %dma_wait3A_211 = arith.constant 512 : i32
    %dma_wait3A_212 = tpu.memref_slice %arg13[%dma_wait3A_211] : memref<2048xf32, #tpu.memory_space<vmem>> -> memref<128xf32, #tpu.memory_space<vmem>>
    %dma_wait3A_213 = arith.constant 512 : i32
    %dma_wait3A_214 = tpu.memref_slice %arg12[%dma_wait3A_210, %dma_wait3A_213] : memref<2x2048xi32, #tpu.memory_space<vmem>> -> memref<1x128xi32, #tpu.memory_space<vmem>>
    %dma_wait3A_215 = tpu.memref_squeeze %dma_wait3A_214 : memref<1x128xi32, #tpu.memory_space<vmem>> -> memref<128xi32, #tpu.memory_space<vmem>>
    %dma_wait3A_216 = arith.constant 0 : i32
    %dma_wait3A_217 = tpu.memref_slice %arg14[%dma_wait3A_216] : memref<100096xf32, #tpu.memory_space<vmem_shared>> -> memref<100096xf32, #tpu.memory_space<vmem_shared>>
    tpu.wait_indirect_dma semaphore(%arg18 : memref<!tpu.dma_semaphore, #tpu.memory_space<semaphore_mem>>) src(%dma_wait3A_212 : memref<128xf32, #tpu.memory_space<vmem>>) dst(%dma_wait3A_217 : memref<100096xf32, #tpu.memory_space<vmem_shared>>)
    %dma_wait3A_218 = arith.constant 1 : i32
    %dma_wait3A_219 = arith.constant 640 : i32
    %dma_wait3A_220 = tpu.memref_slice %arg13[%dma_wait3A_219] : memref<2048xf32, #tpu.memory_space<vmem>> -> memref<128xf32, #tpu.memory_space<vmem>>
    %dma_wait3A_221 = arith.constant 640 : i32
    %dma_wait3A_222 = tpu.memref_slice %arg12[%dma_wait3A_218, %dma_wait3A_221] : memref<2x2048xi32, #tpu.memory_space<vmem>> -> memref<1x128xi32, #tpu.memory_space<vmem>>
    %dma_wait3A_223 = tpu.memref_squeeze %dma_wait3A_222 : memref<1x128xi32, #tpu.memory_space<vmem>> -> memref<128xi32, #tpu.memory_space<vmem>>
    %dma_wait3A_224 = arith.constant 0 : i32
    %dma_wait3A_225 = tpu.memref_slice %arg14[%dma_wait3A_224] : memref<100096xf32, #tpu.memory_space<vmem_shared>> -> memref<100096xf32, #tpu.memory_space<vmem_shared>>
    tpu.wait_indirect_dma semaphore(%arg18 : memref<!tpu.dma_semaphore, #tpu.memory_space<semaphore_mem>>) src(%dma_wait3A_220 : memref<128xf32, #tpu.memory_space<vmem>>) dst(%dma_wait3A_225 : memref<100096xf32, #tpu.memory_space<vmem_shared>>)
    %dma_wait3A_226 = arith.constant 1 : i32
    %dma_wait3A_227 = arith.constant 768 : i32
    %dma_wait3A_228 = tpu.memref_slice %arg13[%dma_wait3A_227] : memref<2048xf32, #tpu.memory_space<vmem>> -> memref<128xf32, #tpu.memory_space<vmem>>
    %dma_wait3A_229 = arith.constant 768 : i32
    %dma_wait3A_230 = tpu.memref_slice %arg12[%dma_wait3A_226, %dma_wait3A_229] : memref<2x2048xi32, #tpu.memory_space<vmem>> -> memref<1x128xi32, #tpu.memory_space<vmem>>
    %dma_wait3A_231 = tpu.memref_squeeze %dma_wait3A_230 : memref<1x128xi32, #tpu.memory_space<vmem>> -> memref<128xi32, #tpu.memory_space<vmem>>
    %dma_wait3A_232 = arith.constant 0 : i32
    %dma_wait3A_233 = tpu.memref_slice %arg14[%dma_wait3A_232] : memref<100096xf32, #tpu.memory_space<vmem_shared>> -> memref<100096xf32, #tpu.memory_space<vmem_shared>>
    tpu.wait_indirect_dma semaphore(%arg18 : memref<!tpu.dma_semaphore, #tpu.memory_space<semaphore_mem>>) src(%dma_wait3A_228 : memref<128xf32, #tpu.memory_space<vmem>>) dst(%dma_wait3A_233 : memref<100096xf32, #tpu.memory_space<vmem_shared>>)
    %dma_wait3A_234 = arith.constant 1 : i32
    %dma_wait3A_235 = arith.constant 896 : i32
    %dma_wait3A_236 = tpu.memref_slice %arg13[%dma_wait3A_235] : memref<2048xf32, #tpu.memory_space<vmem>> -> memref<128xf32, #tpu.memory_space<vmem>>
    %dma_wait3A_237 = arith.constant 896 : i32
    %dma_wait3A_238 = tpu.memref_slice %arg12[%dma_wait3A_234, %dma_wait3A_237] : memref<2x2048xi32, #tpu.memory_space<vmem>> -> memref<1x128xi32, #tpu.memory_space<vmem>>
    %dma_wait3A_239 = tpu.memref_squeeze %dma_wait3A_238 : memref<1x128xi32, #tpu.memory_space<vmem>> -> memref<128xi32, #tpu.memory_space<vmem>>
    %dma_wait3A_240 = arith.constant 0 : i32
    %dma_wait3A_241 = tpu.memref_slice %arg14[%dma_wait3A_240] : memref<100096xf32, #tpu.memory_space<vmem_shared>> -> memref<100096xf32, #tpu.memory_space<vmem_shared>>
    tpu.wait_indirect_dma semaphore(%arg18 : memref<!tpu.dma_semaphore, #tpu.memory_space<semaphore_mem>>) src(%dma_wait3A_236 : memref<128xf32, #tpu.memory_space<vmem>>) dst(%dma_wait3A_241 : memref<100096xf32, #tpu.memory_space<vmem_shared>>)
    %dma_wait3A_242 = arith.constant 1 : i32
    %dma_wait3A_243 = arith.constant 1024 : i32
    %dma_wait3A_244 = tpu.memref_slice %arg13[%dma_wait3A_243] : memref<2048xf32, #tpu.memory_space<vmem>> -> memref<128xf32, #tpu.memory_space<vmem>>
    %dma_wait3A_245 = arith.constant 1024 : i32
    %dma_wait3A_246 = tpu.memref_slice %arg12[%dma_wait3A_242, %dma_wait3A_245] : memref<2x2048xi32, #tpu.memory_space<vmem>> -> memref<1x128xi32, #tpu.memory_space<vmem>>
    %dma_wait3A_247 = tpu.memref_squeeze %dma_wait3A_246 : memref<1x128xi32, #tpu.memory_space<vmem>> -> memref<128xi32, #tpu.memory_space<vmem>>
    %dma_wait3A_248 = arith.constant 0 : i32
    %dma_wait3A_249 = tpu.memref_slice %arg14[%dma_wait3A_248] : memref<100096xf32, #tpu.memory_space<vmem_shared>> -> memref<100096xf32, #tpu.memory_space<vmem_shared>>
    tpu.wait_indirect_dma semaphore(%arg18 : memref<!tpu.dma_semaphore, #tpu.memory_space<semaphore_mem>>) src(%dma_wait3A_244 : memref<128xf32, #tpu.memory_space<vmem>>) dst(%dma_wait3A_249 : memref<100096xf32, #tpu.memory_space<vmem_shared>>)
    %dma_wait3A_250 = arith.constant 1 : i32
    %dma_wait3A_251 = arith.constant 1152 : i32
    %dma_wait3A_252 = tpu.memref_slice %arg13[%dma_wait3A_251] : memref<2048xf32, #tpu.memory_space<vmem>> -> memref<128xf32, #tpu.memory_space<vmem>>
    %dma_wait3A_253 = arith.constant 1152 : i32
    %dma_wait3A_254 = tpu.memref_slice %arg12[%dma_wait3A_250, %dma_wait3A_253] : memref<2x2048xi32, #tpu.memory_space<vmem>> -> memref<1x128xi32, #tpu.memory_space<vmem>>
    %dma_wait3A_255 = tpu.memref_squeeze %dma_wait3A_254 : memref<1x128xi32, #tpu.memory_space<vmem>> -> memref<128xi32, #tpu.memory_space<vmem>>
    %dma_wait3A_256 = arith.constant 0 : i32
    %dma_wait3A_257 = tpu.memref_slice %arg14[%dma_wait3A_256] : memref<100096xf32, #tpu.memory_space<vmem_shared>> -> memref<100096xf32, #tpu.memory_space<vmem_shared>>
    tpu.wait_indirect_dma semaphore(%arg18 : memref<!tpu.dma_semaphore, #tpu.memory_space<semaphore_mem>>) src(%dma_wait3A_252 : memref<128xf32, #tpu.memory_space<vmem>>) dst(%dma_wait3A_257 : memref<100096xf32, #tpu.memory_space<vmem_shared>>)
    %dma_wait3A_258 = arith.constant 1 : i32
    %dma_wait3A_259 = arith.constant 1280 : i32
    %dma_wait3A_260 = tpu.memref_slice %arg13[%dma_wait3A_259] : memref<2048xf32, #tpu.memory_space<vmem>> -> memref<128xf32, #tpu.memory_space<vmem>>
    %dma_wait3A_261 = arith.constant 1280 : i32
    %dma_wait3A_262 = tpu.memref_slice %arg12[%dma_wait3A_258, %dma_wait3A_261] : memref<2x2048xi32, #tpu.memory_space<vmem>> -> memref<1x128xi32, #tpu.memory_space<vmem>>
    %dma_wait3A_263 = tpu.memref_squeeze %dma_wait3A_262 : memref<1x128xi32, #tpu.memory_space<vmem>> -> memref<128xi32, #tpu.memory_space<vmem>>
    %dma_wait3A_264 = arith.constant 0 : i32
    %dma_wait3A_265 = tpu.memref_slice %arg14[%dma_wait3A_264] : memref<100096xf32, #tpu.memory_space<vmem_shared>> -> memref<100096xf32, #tpu.memory_space<vmem_shared>>
    tpu.wait_indirect_dma semaphore(%arg18 : memref<!tpu.dma_semaphore, #tpu.memory_space<semaphore_mem>>) src(%dma_wait3A_260 : memref<128xf32, #tpu.memory_space<vmem>>) dst(%dma_wait3A_265 : memref<100096xf32, #tpu.memory_space<vmem_shared>>)
    %dma_wait3A_266 = arith.constant 1 : i32
    %dma_wait3A_267 = arith.constant 1408 : i32
    %dma_wait3A_268 = tpu.memref_slice %arg13[%dma_wait3A_267] : memref<2048xf32, #tpu.memory_space<vmem>> -> memref<128xf32, #tpu.memory_space<vmem>>
    %dma_wait3A_269 = arith.constant 1408 : i32
    %dma_wait3A_270 = tpu.memref_slice %arg12[%dma_wait3A_266, %dma_wait3A_269] : memref<2x2048xi32, #tpu.memory_space<vmem>> -> memref<1x128xi32, #tpu.memory_space<vmem>>
    %dma_wait3A_271 = tpu.memref_squeeze %dma_wait3A_270 : memref<1x128xi32, #tpu.memory_space<vmem>> -> memref<128xi32, #tpu.memory_space<vmem>>
    %dma_wait3A_272 = arith.constant 0 : i32
    %dma_wait3A_273 = tpu.memref_slice %arg14[%dma_wait3A_272] : memref<100096xf32, #tpu.memory_space<vmem_shared>> -> memref<100096xf32, #tpu.memory_space<vmem_shared>>
    tpu.wait_indirect_dma semaphore(%arg18 : memref<!tpu.dma_semaphore, #tpu.memory_space<semaphore_mem>>) src(%dma_wait3A_268 : memref<128xf32, #tpu.memory_space<vmem>>) dst(%dma_wait3A_273 : memref<100096xf32, #tpu.memory_space<vmem_shared>>)
    %dma_wait3A_274 = arith.constant 1 : i32
    %dma_wait3A_275 = arith.constant 1536 : i32
    %dma_wait3A_276 = tpu.memref_slice %arg13[%dma_wait3A_275] : memref<2048xf32, #tpu.memory_space<vmem>> -> memref<128xf32, #tpu.memory_space<vmem>>
    %dma_wait3A_277 = arith.constant 1536 : i32
    %dma_wait3A_278 = tpu.memref_slice %arg12[%dma_wait3A_274, %dma_wait3A_277] : memref<2x2048xi32, #tpu.memory_space<vmem>> -> memref<1x128xi32, #tpu.memory_space<vmem>>
    %dma_wait3A_279 = tpu.memref_squeeze %dma_wait3A_278 : memref<1x128xi32, #tpu.memory_space<vmem>> -> memref<128xi32, #tpu.memory_space<vmem>>
    %dma_wait3A_280 = arith.constant 0 : i32
    %dma_wait3A_281 = tpu.memref_slice %arg14[%dma_wait3A_280] : memref<100096xf32, #tpu.memory_space<vmem_shared>> -> memref<100096xf32, #tpu.memory_space<vmem_shared>>
    tpu.wait_indirect_dma semaphore(%arg18 : memref<!tpu.dma_semaphore, #tpu.memory_space<semaphore_mem>>) src(%dma_wait3A_276 : memref<128xf32, #tpu.memory_space<vmem>>) dst(%dma_wait3A_281 : memref<100096xf32, #tpu.memory_space<vmem_shared>>)
    %dma_wait3A_282 = arith.constant 1 : i32
    %dma_wait3A_283 = arith.constant 1664 : i32
    %dma_wait3A_284 = tpu.memref_slice %arg13[%dma_wait3A_283] : memref<2048xf32, #tpu.memory_space<vmem>> -> memref<128xf32, #tpu.memory_space<vmem>>
    %dma_wait3A_285 = arith.constant 1664 : i32
    %dma_wait3A_286 = tpu.memref_slice %arg12[%dma_wait3A_282, %dma_wait3A_285] : memref<2x2048xi32, #tpu.memory_space<vmem>> -> memref<1x128xi32, #tpu.memory_space<vmem>>
    %dma_wait3A_287 = tpu.memref_squeeze %dma_wait3A_286 : memref<1x128xi32, #tpu.memory_space<vmem>> -> memref<128xi32, #tpu.memory_space<vmem>>
    %dma_wait3A_288 = arith.constant 0 : i32
    %dma_wait3A_289 = tpu.memref_slice %arg14[%dma_wait3A_288] : memref<100096xf32, #tpu.memory_space<vmem_shared>> -> memref<100096xf32, #tpu.memory_space<vmem_shared>>
    tpu.wait_indirect_dma semaphore(%arg18 : memref<!tpu.dma_semaphore, #tpu.memory_space<semaphore_mem>>) src(%dma_wait3A_284 : memref<128xf32, #tpu.memory_space<vmem>>) dst(%dma_wait3A_289 : memref<100096xf32, #tpu.memory_space<vmem_shared>>)
    %dma_wait3A_290 = arith.constant 1 : i32
    %dma_wait3A_291 = arith.constant 1792 : i32
    %dma_wait3A_292 = tpu.memref_slice %arg13[%dma_wait3A_291] : memref<2048xf32, #tpu.memory_space<vmem>> -> memref<128xf32, #tpu.memory_space<vmem>>
    %dma_wait3A_293 = arith.constant 1792 : i32
    %dma_wait3A_294 = tpu.memref_slice %arg12[%dma_wait3A_290, %dma_wait3A_293] : memref<2x2048xi32, #tpu.memory_space<vmem>> -> memref<1x128xi32, #tpu.memory_space<vmem>>
    %dma_wait3A_295 = tpu.memref_squeeze %dma_wait3A_294 : memref<1x128xi32, #tpu.memory_space<vmem>> -> memref<128xi32, #tpu.memory_space<vmem>>
    %dma_wait3A_296 = arith.constant 0 : i32
    %dma_wait3A_297 = tpu.memref_slice %arg14[%dma_wait3A_296] : memref<100096xf32, #tpu.memory_space<vmem_shared>> -> memref<100096xf32, #tpu.memory_space<vmem_shared>>
    tpu.wait_indirect_dma semaphore(%arg18 : memref<!tpu.dma_semaphore, #tpu.memory_space<semaphore_mem>>) src(%dma_wait3A_292 : memref<128xf32, #tpu.memory_space<vmem>>) dst(%dma_wait3A_297 : memref<100096xf32, #tpu.memory_space<vmem_shared>>)
    %dma_wait3A_298 = arith.constant 1 : i32
    %dma_wait3A_299 = arith.constant 1920 : i32
    %dma_wait3A_300 = tpu.memref_slice %arg13[%dma_wait3A_299] : memref<2048xf32, #tpu.memory_space<vmem>> -> memref<128xf32, #tpu.memory_space<vmem>>
    %dma_wait3A_301 = arith.constant 1920 : i32
    %dma_wait3A_302 = tpu.memref_slice %arg12[%dma_wait3A_298, %dma_wait3A_301] : memref<2x2048xi32, #tpu.memory_space<vmem>> -> memref<1x128xi32, #tpu.memory_space<vmem>>
    %dma_wait3A_303 = tpu.memref_squeeze %dma_wait3A_302 : memref<1x128xi32, #tpu.memory_space<vmem>> -> memref<128xi32, #tpu.memory_space<vmem>>
    %dma_wait3A_304 = arith.constant 0 : i32
    %dma_wait3A_305 = tpu.memref_slice %arg14[%dma_wait3A_304] : memref<100096xf32, #tpu.memory_space<vmem_shared>> -> memref<100096xf32, #tpu.memory_space<vmem_shared>>
    tpu.wait_indirect_dma semaphore(%arg18 : memref<!tpu.dma_semaphore, #tpu.memory_space<semaphore_mem>>) src(%dma_wait3A_300 : memref<128xf32, #tpu.memory_space<vmem>>) dst(%dma_wait3A_305 : memref<100096xf32, #tpu.memory_space<vmem_shared>>)
    %mul3A_306 = arith.constant 1024 : i32
    %mul3A_307 = arith.muli %add3A, %mul3A_306 : i32
    %add3A_308 = arith.constant 3145728 : i32
    %add3A_309 = arith.addi %add3A_308, %mul3A_307 : i32
    "tpu.region"() ({
      %run_scoped3A_370 = tpu.sem_alloc : memref<!tpu.dma_semaphore, #tpu.memory_space<semaphore_mem>>
      %dma_start3A_371 = arith.constant 0 : i32
      %dma_start3A_372 = arith.constant 0 : i32
      %dma_start3A_373 = tpu.memref_slice %arg6[%dma_start3A_371, %dma_start3A_372] : memref<2x2048xi32, #tpu.memory_space<vmem>> -> memref<2x1024xi32, #tpu.memory_space<vmem>>
      %dma_start3A_374 = arith.constant 0 : i32
      %dma_start3A_375 = tpu.memref_slice %arg3[%dma_start3A_374, %add3A_309] : memref<2x3200000xi32, #tpu.memory_space<hbm>> -> memref<2x1024xi32, #tpu.memory_space<hbm>>
      %dma_start3A_376 = arith.constant 0 : i32
      %dma_start3A_377 = arith.constant 0 : i32
      %dma_start3A_378 = tpu.memref_slice %arg6[%dma_start3A_376, %dma_start3A_377] : memref<2x2048xi32, #tpu.memory_space<vmem>> -> memref<2x1024xi32, #tpu.memory_space<vmem>>
      %dma_start3A_379 = arith.constant 0 : i32
      %dma_start3A_380 = tpu.memref_slice %arg3[%dma_start3A_379, %add3A_309] : memref<2x3200000xi32, #tpu.memory_space<hbm>> -> memref<2x1024xi32, #tpu.memory_space<hbm>>
      tpu.enqueue_dma source(%dma_start3A_380 : memref<2x1024xi32, #tpu.memory_space<hbm>>) target(%dma_start3A_378 : memref<2x1024xi32, #tpu.memory_space<vmem>>) target_semaphore(%run_scoped3A_370 : memref<!tpu.dma_semaphore, #tpu.memory_space<semaphore_mem>>)
      %dma_wait3A_381 = arith.constant 0 : i32
      %dma_wait3A_382 = arith.constant 0 : i32
      %dma_wait3A_383 = tpu.memref_slice %arg6[%dma_wait3A_381, %dma_wait3A_382] : memref<2x2048xi32, #tpu.memory_space<vmem>> -> memref<2x1024xi32, #tpu.memory_space<vmem>>
      %dma_wait3A_384 = arith.constant 0 : i32
      %dma_wait3A_385 = tpu.memref_slice %arg3[%dma_wait3A_384, %add3A_309] : memref<2x3200000xi32, #tpu.memory_space<hbm>> -> memref<2x1024xi32, #tpu.memory_space<hbm>>
      %dma_wait3A_386 = arith.constant 0 : i32
      %dma_wait3A_387 = arith.constant 0 : i32
      %dma_wait3A_388 = tpu.memref_slice %arg6[%dma_wait3A_386, %dma_wait3A_387] : memref<2x2048xi32, #tpu.memory_space<vmem>> -> memref<2x1024xi32, #tpu.memory_space<vmem>>
      %dma_wait3A_389 = arith.constant 0 : i32
      %dma_wait3A_390 = tpu.memref_slice %arg3[%dma_wait3A_389, %add3A_309] : memref<2x3200000xi32, #tpu.memory_space<hbm>> -> memref<2x1024xi32, #tpu.memory_space<hbm>>
      tpu.wait_dma2 semaphore(%run_scoped3A_370 : memref<!tpu.dma_semaphore, #tpu.memory_space<semaphore_mem>>) src(%dma_wait3A_390 : memref<2x1024xi32, #tpu.memory_space<hbm>>) dst(%dma_wait3A_388 : memref<2x1024xi32, #tpu.memory_space<vmem>>)
      tpu.yield
    }) : () -> ()
    %scan3A_310 = arith.constant 0 : i32
    %scan3A_311 = arith.constant 0 : i32
    %scan3A_312 = arith.constant 16 : i32
    %scan3A_313 = arith.addi %scan3A_311, %scan3A_312 : i32
    %scan3A_314 = arith.constant 1 : i32
    scf.for %scan3A_370 = %scan3A_311 to %scan3A_313 step %scan3A_314  : i32 {
      %mul3A_371 = arith.constant 4 : i32
      %mul3A_372 = arith.muli %scan3A_370, %mul3A_371 : i32
      %add3A_373 = arith.constant 0 : i32
      %add3A_374 = arith.addi %mul3A_372, %add3A_373 : i32
      %mul3A_375 = arith.constant 16 : i32
      %mul3A_376 = arith.muli %add3A_374, %mul3A_375 : i32
      %get3A = arith.constant 0 : i32
      %get3A_377 = arith.index_cast %get3A : i32 to index
      %get3A_378 = arith.index_cast %mul3A_376 : i32 to index
      %get3A_379 = tpu.vector_load %arg6[%get3A_377, %get3A_378] {strides = array<i32>} : memref<2x2048xi32, #tpu.memory_space<vmem>>, vector<16xi32>,
      %get3A_380 = arith.constant 1 : i32
      %get3A_381 = arith.index_cast %get3A_380 : i32 to index
      %get3A_382 = arith.index_cast %mul3A_376 : i32 to index
      %get3A_383 = tpu.vector_load %arg6[%get3A_381, %get3A_382] {strides = array<i32>} : memref<2x2048xi32, #tpu.memory_space<vmem>>, vector<16xi32>,
      %gather3A = tpu.vector_load_idx %arg5[%get3A_383] : memref<100000xf32, #tpu.memory_space<vmem>>[vector<16xi32>], vector<16xf32>,
      %gather3A_384 = tpu.vector_load_idx %arg5[%get3A_379] : memref<100000xf32, #tpu.memory_space<vmem>>[vector<16xi32>], vector<16xf32>,
      %sub3A = arith.subf %gather3A, %gather3A_384 : vector<16xf32>
      %swap3A = arith.index_cast %mul3A_376 : i32 to index
      %swap3A_385 = tpu.vector_load %arg7[%swap3A] {strides = array<i32>} : memref<2048xf32, #tpu.memory_space<vmem>>, vector<16xf32>,
      tpu.vector_store %arg7[%swap3A], %sub3A {strides = array<i32>} : memref<2048xf32, #tpu.memory_space<vmem>>, vector<16xf32>,
      %mul3A_386 = arith.constant 4 : i32
      %mul3A_387 = arith.muli %scan3A_370, %mul3A_386 : i32
      %add3A_388 = arith.constant 1 : i32
      %add3A_389 = arith.addi %mul3A_387, %add3A_388 : i32
      %mul3A_390 = arith.constant 16 : i32
      %mul3A_391 = arith.muli %add3A_389, %mul3A_390 : i32
      %get3A_392 = arith.constant 0 : i32
      %get3A_393 = arith.index_cast %get3A_392 : i32 to index
      %get3A_394 = arith.index_cast %mul3A_391 : i32 to index
      %get3A_395 = tpu.vector_load %arg6[%get3A_393, %get3A_394] {strides = array<i32>} : memref<2x2048xi32, #tpu.memory_space<vmem>>, vector<16xi32>,
      %get3A_396 = arith.constant 1 : i32
      %get3A_397 = arith.index_cast %get3A_396 : i32 to index
      %get3A_398 = arith.index_cast %mul3A_391 : i32 to index
      %get3A_399 = tpu.vector_load %arg6[%get3A_397, %get3A_398] {strides = array<i32>} : memref<2x2048xi32, #tpu.memory_space<vmem>>, vector<16xi32>,
      %gather3A_400 = tpu.vector_load_idx %arg5[%get3A_399] : memref<100000xf32, #tpu.memory_space<vmem>>[vector<16xi32>], vector<16xf32>,
      %gather3A_401 = tpu.vector_load_idx %arg5[%get3A_395] : memref<100000xf32, #tpu.memory_space<vmem>>[vector<16xi32>], vector<16xf32>,
      %sub3A_402 = arith.subf %gather3A_400, %gather3A_401 : vector<16xf32>
      %swap3A_403 = arith.index_cast %mul3A_391 : i32 to index
      %swap3A_404 = tpu.vector_load %arg7[%swap3A_403] {strides = array<i32>} : memref<2048xf32, #tpu.memory_space<vmem>>, vector<16xf32>,
      tpu.vector_store %arg7[%swap3A_403], %sub3A_402 {strides = array<i32>} : memref<2048xf32, #tpu.memory_space<vmem>>, vector<16xf32>,
      %mul3A_405 = arith.constant 4 : i32
      %mul3A_406 = arith.muli %scan3A_370, %mul3A_405 : i32
      %add3A_407 = arith.constant 2 : i32
      %add3A_408 = arith.addi %mul3A_406, %add3A_407 : i32
      %mul3A_409 = arith.constant 16 : i32
      %mul3A_410 = arith.muli %add3A_408, %mul3A_409 : i32
      %get3A_411 = arith.constant 0 : i32
      %get3A_412 = arith.index_cast %get3A_411 : i32 to index
      %get3A_413 = arith.index_cast %mul3A_410 : i32 to index
      %get3A_414 = tpu.vector_load %arg6[%get3A_412, %get3A_413] {strides = array<i32>} : memref<2x2048xi32, #tpu.memory_space<vmem>>, vector<16xi32>,
      %get3A_415 = arith.constant 1 : i32
      %get3A_416 = arith.index_cast %get3A_415 : i32 to index
      %get3A_417 = arith.index_cast %mul3A_410 : i32 to index
      %get3A_418 = tpu.vector_load %arg6[%get3A_416, %get3A_417] {strides = array<i32>} : memref<2x2048xi32, #tpu.memory_space<vmem>>, vector<16xi32>,
      %gather3A_419 = tpu.vector_load_idx %arg5[%get3A_418] : memref<100000xf32, #tpu.memory_space<vmem>>[vector<16xi32>], vector<16xf32>,
      %gather3A_420 = tpu.vector_load_idx %arg5[%get3A_414] : memref<100000xf32, #tpu.memory_space<vmem>>[vector<16xi32>], vector<16xf32>,
      %sub3A_421 = arith.subf %gather3A_419, %gather3A_420 : vector<16xf32>
      %swap3A_422 = arith.index_cast %mul3A_410 : i32 to index
      %swap3A_423 = tpu.vector_load %arg7[%swap3A_422] {strides = array<i32>} : memref<2048xf32, #tpu.memory_space<vmem>>, vector<16xf32>,
      tpu.vector_store %arg7[%swap3A_422], %sub3A_421 {strides = array<i32>} : memref<2048xf32, #tpu.memory_space<vmem>>, vector<16xf32>,
      %mul3A_424 = arith.constant 4 : i32
      %mul3A_425 = arith.muli %scan3A_370, %mul3A_424 : i32
      %add3A_426 = arith.constant 3 : i32
      %add3A_427 = arith.addi %mul3A_425, %add3A_426 : i32
      %mul3A_428 = arith.constant 16 : i32
      %mul3A_429 = arith.muli %add3A_427, %mul3A_428 : i32
      %get3A_430 = arith.constant 0 : i32
      %get3A_431 = arith.index_cast %get3A_430 : i32 to index
      %get3A_432 = arith.index_cast %mul3A_429 : i32 to index
      %get3A_433 = tpu.vector_load %arg6[%get3A_431, %get3A_432] {strides = array<i32>} : memref<2x2048xi32, #tpu.memory_space<vmem>>, vector<16xi32>,
      %get3A_434 = arith.constant 1 : i32
      %get3A_435 = arith.index_cast %get3A_434 : i32 to index
      %get3A_436 = arith.index_cast %mul3A_429 : i32 to index
      %get3A_437 = tpu.vector_load %arg6[%get3A_435, %get3A_436] {strides = array<i32>} : memref<2x2048xi32, #tpu.memory_space<vmem>>, vector<16xi32>,
      %gather3A_438 = tpu.vector_load_idx %arg5[%get3A_437] : memref<100000xf32, #tpu.memory_space<vmem>>[vector<16xi32>], vector<16xf32>,
      %gather3A_439 = tpu.vector_load_idx %arg5[%get3A_433] : memref<100000xf32, #tpu.memory_space<vmem>>[vector<16xi32>], vector<16xf32>,
      %sub3A_440 = arith.subf %gather3A_438, %gather3A_439 : vector<16xf32>
      %swap3A_441 = arith.index_cast %mul3A_429 : i32 to index
      %swap3A_442 = tpu.vector_load %arg7[%swap3A_441] {strides = array<i32>} : memref<2048xf32, #tpu.memory_space<vmem>>, vector<16xf32>,
      tpu.vector_store %arg7[%swap3A_441], %sub3A_440 {strides = array<i32>} : memref<2048xf32, #tpu.memory_space<vmem>>, vector<16xf32>,
    }
    %scan3A_315 = arith.constant 16 : i32
    %run_scoped3A = arith.constant 1 : i32
    "tpu.region"() ({
      %run_scoped3A_370 = tpu.sem_alloc : memref<!tpu.dma_semaphore, #tpu.memory_space<semaphore_mem>>
      %dma_start3A_371 = arith.constant 0 : i32
      %dma_start3A_372 = tpu.memref_slice %arg7[%dma_start3A_371] : memref<2048xf32, #tpu.memory_space<vmem>> -> memref<128xf32, #tpu.memory_space<vmem>>
      %dma_start3A_373 = arith.constant 0 : i32
      %dma_start3A_374 = tpu.memref_slice %arg6[%run_scoped3A, %dma_start3A_373] : memref<2x2048xi32, #tpu.memory_space<vmem>> -> memref<1x128xi32, #tpu.memory_space<vmem>>
      %dma_start3A_375 = tpu.memref_squeeze %dma_start3A_374 : memref<1x128xi32, #tpu.memory_space<vmem>> -> memref<128xi32, #tpu.memory_space<vmem>>
      %dma_start3A_376 = arith.constant 0 : i32
      %dma_start3A_377 = tpu.memref_slice %arg14[%dma_start3A_376] : memref<100096xf32, #tpu.memory_space<vmem_shared>> -> memref<100096xf32, #tpu.memory_space<vmem_shared>>
      tpu.enqueue_indirect_dma source(%dma_start3A_372 : memref<128xf32, #tpu.memory_space<vmem>>) target(%dma_start3A_377 : memref<100096xf32, #tpu.memory_space<vmem_shared>>) offsets(%dma_start3A_375 : memref<128xi32, #tpu.memory_space<vmem>>) semaphore(%run_scoped3A_370 : memref<!tpu.dma_semaphore, #tpu.memory_space<semaphore_mem>>) {add = true}
      %dma_wait3A_378 = arith.constant 0 : i32
      %dma_wait3A_379 = tpu.memref_slice %arg7[%dma_wait3A_378] : memref<2048xf32, #tpu.memory_space<vmem>> -> memref<128xf32, #tpu.memory_space<vmem>>
      %dma_wait3A_380 = arith.constant 0 : i32
      %dma_wait3A_381 = tpu.memref_slice %arg6[%run_scoped3A, %dma_wait3A_380] : memref<2x2048xi32, #tpu.memory_space<vmem>> -> memref<1x128xi32, #tpu.memory_space<vmem>>
      %dma_wait3A_382 = tpu.memref_squeeze %dma_wait3A_381 : memref<1x128xi32, #tpu.memory_space<vmem>> -> memref<128xi32, #tpu.memory_space<vmem>>
      %dma_wait3A_383 = arith.constant 0 : i32
      %dma_wait3A_384 = tpu.memref_slice %arg14[%dma_wait3A_383] : memref<100096xf32, #tpu.memory_space<vmem_shared>> -> memref<100096xf32, #tpu.memory_space<vmem_shared>>
      tpu.wait_indirect_dma semaphore(%run_scoped3A_370 : memref<!tpu.dma_semaphore, #tpu.memory_space<semaphore_mem>>) src(%dma_wait3A_379 : memref<128xf32, #tpu.memory_space<vmem>>) dst(%dma_wait3A_384 : memref<100096xf32, #tpu.memory_space<vmem_shared>>)
      tpu.yield
    }) : () -> ()
    %run_scoped3A_316 = arith.constant 1 : i32
    "tpu.region"() ({
      %run_scoped3A_370 = tpu.sem_alloc : memref<!tpu.dma_semaphore, #tpu.memory_space<semaphore_mem>>
      %dma_start3A_371 = arith.constant 128 : i32
      %dma_start3A_372 = tpu.memref_slice %arg7[%dma_start3A_371] : memref<2048xf32, #tpu.memory_space<vmem>> -> memref<128xf32, #tpu.memory_space<vmem>>
      %dma_start3A_373 = arith.constant 128 : i32
      %dma_start3A_374 = tpu.memref_slice %arg6[%run_scoped3A_316, %dma_start3A_373] : memref<2x2048xi32, #tpu.memory_space<vmem>> -> memref<1x128xi32, #tpu.memory_space<vmem>>
      %dma_start3A_375 = tpu.memref_squeeze %dma_start3A_374 : memref<1x128xi32, #tpu.memory_space<vmem>> -> memref<128xi32, #tpu.memory_space<vmem>>
      %dma_start3A_376 = arith.constant 0 : i32
      %dma_start3A_377 = tpu.memref_slice %arg14[%dma_start3A_376] : memref<100096xf32, #tpu.memory_space<vmem_shared>> -> memref<100096xf32, #tpu.memory_space<vmem_shared>>
      tpu.enqueue_indirect_dma source(%dma_start3A_372 : memref<128xf32, #tpu.memory_space<vmem>>) target(%dma_start3A_377 : memref<100096xf32, #tpu.memory_space<vmem_shared>>) offsets(%dma_start3A_375 : memref<128xi32, #tpu.memory_space<vmem>>) semaphore(%run_scoped3A_370 : memref<!tpu.dma_semaphore, #tpu.memory_space<semaphore_mem>>) {add = true}
      %dma_wait3A_378 = arith.constant 128 : i32
      %dma_wait3A_379 = tpu.memref_slice %arg7[%dma_wait3A_378] : memref<2048xf32, #tpu.memory_space<vmem>> -> memref<128xf32, #tpu.memory_space<vmem>>
      %dma_wait3A_380 = arith.constant 128 : i32
      %dma_wait3A_381 = tpu.memref_slice %arg6[%run_scoped3A_316, %dma_wait3A_380] : memref<2x2048xi32, #tpu.memory_space<vmem>> -> memref<1x128xi32, #tpu.memory_space<vmem>>
      %dma_wait3A_382 = tpu.memref_squeeze %dma_wait3A_381 : memref<1x128xi32, #tpu.memory_space<vmem>> -> memref<128xi32, #tpu.memory_space<vmem>>
      %dma_wait3A_383 = arith.constant 0 : i32
      %dma_wait3A_384 = tpu.memref_slice %arg14[%dma_wait3A_383] : memref<100096xf32, #tpu.memory_space<vmem_shared>> -> memref<100096xf32, #tpu.memory_space<vmem_shared>>
      tpu.wait_indirect_dma semaphore(%run_scoped3A_370 : memref<!tpu.dma_semaphore, #tpu.memory_space<semaphore_mem>>) src(%dma_wait3A_379 : memref<128xf32, #tpu.memory_space<vmem>>) dst(%dma_wait3A_384 : memref<100096xf32, #tpu.memory_space<vmem_shared>>)
      tpu.yield
    }) : () -> ()
    %run_scoped3A_317 = arith.constant 1 : i32
    "tpu.region"() ({
      %run_scoped3A_370 = tpu.sem_alloc : memref<!tpu.dma_semaphore, #tpu.memory_space<semaphore_mem>>
      %dma_start3A_371 = arith.constant 256 : i32
      %dma_start3A_372 = tpu.memref_slice %arg7[%dma_start3A_371] : memref<2048xf32, #tpu.memory_space<vmem>> -> memref<128xf32, #tpu.memory_space<vmem>>
      %dma_start3A_373 = arith.constant 256 : i32
      %dma_start3A_374 = tpu.memref_slice %arg6[%run_scoped3A_317, %dma_start3A_373] : memref<2x2048xi32, #tpu.memory_space<vmem>> -> memref<1x128xi32, #tpu.memory_space<vmem>>
      %dma_start3A_375 = tpu.memref_squeeze %dma_start3A_374 : memref<1x128xi32, #tpu.memory_space<vmem>> -> memref<128xi32, #tpu.memory_space<vmem>>
      %dma_start3A_376 = arith.constant 0 : i32
      %dma_start3A_377 = tpu.memref_slice %arg14[%dma_start3A_376] : memref<100096xf32, #tpu.memory_space<vmem_shared>> -> memref<100096xf32, #tpu.memory_space<vmem_shared>>
      tpu.enqueue_indirect_dma source(%dma_start3A_372 : memref<128xf32, #tpu.memory_space<vmem>>) target(%dma_start3A_377 : memref<100096xf32, #tpu.memory_space<vmem_shared>>) offsets(%dma_start3A_375 : memref<128xi32, #tpu.memory_space<vmem>>) semaphore(%run_scoped3A_370 : memref<!tpu.dma_semaphore, #tpu.memory_space<semaphore_mem>>) {add = true}
      %dma_wait3A_378 = arith.constant 256 : i32
      %dma_wait3A_379 = tpu.memref_slice %arg7[%dma_wait3A_378] : memref<2048xf32, #tpu.memory_space<vmem>> -> memref<128xf32, #tpu.memory_space<vmem>>
      %dma_wait3A_380 = arith.constant 256 : i32
      %dma_wait3A_381 = tpu.memref_slice %arg6[%run_scoped3A_317, %dma_wait3A_380] : memref<2x2048xi32, #tpu.memory_space<vmem>> -> memref<1x128xi32, #tpu.memory_space<vmem>>
      %dma_wait3A_382 = tpu.memref_squeeze %dma_wait3A_381 : memref<1x128xi32, #tpu.memory_space<vmem>> -> memref<128xi32, #tpu.memory_space<vmem>>
      %dma_wait3A_383 = arith.constant 0 : i32
      %dma_wait3A_384 = tpu.memref_slice %arg14[%dma_wait3A_383] : memref<100096xf32, #tpu.memory_space<vmem_shared>> -> memref<100096xf32, #tpu.memory_space<vmem_shared>>
      tpu.wait_indirect_dma semaphore(%run_scoped3A_370 : memref<!tpu.dma_semaphore, #tpu.memory_space<semaphore_mem>>) src(%dma_wait3A_379 : memref<128xf32, #tpu.memory_space<vmem>>) dst(%dma_wait3A_384 : memref<100096xf32, #tpu.memory_space<vmem_shared>>)
      tpu.yield
    }) : () -> ()
    %run_scoped3A_318 = arith.constant 1 : i32
    "tpu.region"() ({
      %run_scoped3A_370 = tpu.sem_alloc : memref<!tpu.dma_semaphore, #tpu.memory_space<semaphore_mem>>
      %dma_start3A_371 = arith.constant 384 : i32
      %dma_start3A_372 = tpu.memref_slice %arg7[%dma_start3A_371] : memref<2048xf32, #tpu.memory_space<vmem>> -> memref<128xf32, #tpu.memory_space<vmem>>
      %dma_start3A_373 = arith.constant 384 : i32
      %dma_start3A_374 = tpu.memref_slice %arg6[%run_scoped3A_318, %dma_start3A_373] : memref<2x2048xi32, #tpu.memory_space<vmem>> -> memref<1x128xi32, #tpu.memory_space<vmem>>
      %dma_start3A_375 = tpu.memref_squeeze %dma_start3A_374 : memref<1x128xi32, #tpu.memory_space<vmem>> -> memref<128xi32, #tpu.memory_space<vmem>>
      %dma_start3A_376 = arith.constant 0 : i32
      %dma_start3A_377 = tpu.memref_slice %arg14[%dma_start3A_376] : memref<100096xf32, #tpu.memory_space<vmem_shared>> -> memref<100096xf32, #tpu.memory_space<vmem_shared>>
      tpu.enqueue_indirect_dma source(%dma_start3A_372 : memref<128xf32, #tpu.memory_space<vmem>>) target(%dma_start3A_377 : memref<100096xf32, #tpu.memory_space<vmem_shared>>) offsets(%dma_start3A_375 : memref<128xi32, #tpu.memory_space<vmem>>) semaphore(%run_scoped3A_370 : memref<!tpu.dma_semaphore, #tpu.memory_space<semaphore_mem>>) {add = true}
      %dma_wait3A_378 = arith.constant 384 : i32
      %dma_wait3A_379 = tpu.memref_slice %arg7[%dma_wait3A_378] : memref<2048xf32, #tpu.memory_space<vmem>> -> memref<128xf32, #tpu.memory_space<vmem>>
      %dma_wait3A_380 = arith.constant 384 : i32
      %dma_wait3A_381 = tpu.memref_slice %arg6[%run_scoped3A_318, %dma_wait3A_380] : memref<2x2048xi32, #tpu.memory_space<vmem>> -> memref<1x128xi32, #tpu.memory_space<vmem>>
      %dma_wait3A_382 = tpu.memref_squeeze %dma_wait3A_381 : memref<1x128xi32, #tpu.memory_space<vmem>> -> memref<128xi32, #tpu.memory_space<vmem>>
      %dma_wait3A_383 = arith.constant 0 : i32
      %dma_wait3A_384 = tpu.memref_slice %arg14[%dma_wait3A_383] : memref<100096xf32, #tpu.memory_space<vmem_shared>> -> memref<100096xf32, #tpu.memory_space<vmem_shared>>
      tpu.wait_indirect_dma semaphore(%run_scoped3A_370 : memref<!tpu.dma_semaphore, #tpu.memory_space<semaphore_mem>>) src(%dma_wait3A_379 : memref<128xf32, #tpu.memory_space<vmem>>) dst(%dma_wait3A_384 : memref<100096xf32, #tpu.memory_space<vmem_shared>>)
      tpu.yield
    }) : () -> ()
    %run_scoped3A_319 = arith.constant 1 : i32
    "tpu.region"() ({
      %run_scoped3A_370 = tpu.sem_alloc : memref<!tpu.dma_semaphore, #tpu.memory_space<semaphore_mem>>
      %dma_start3A_371 = arith.constant 512 : i32
      %dma_start3A_372 = tpu.memref_slice %arg7[%dma_start3A_371] : memref<2048xf32, #tpu.memory_space<vmem>> -> memref<128xf32, #tpu.memory_space<vmem>>
      %dma_start3A_373 = arith.constant 512 : i32
      %dma_start3A_374 = tpu.memref_slice %arg6[%run_scoped3A_319, %dma_start3A_373] : memref<2x2048xi32, #tpu.memory_space<vmem>> -> memref<1x128xi32, #tpu.memory_space<vmem>>
      %dma_start3A_375 = tpu.memref_squeeze %dma_start3A_374 : memref<1x128xi32, #tpu.memory_space<vmem>> -> memref<128xi32, #tpu.memory_space<vmem>>
      %dma_start3A_376 = arith.constant 0 : i32
      %dma_start3A_377 = tpu.memref_slice %arg14[%dma_start3A_376] : memref<100096xf32, #tpu.memory_space<vmem_shared>> -> memref<100096xf32, #tpu.memory_space<vmem_shared>>
      tpu.enqueue_indirect_dma source(%dma_start3A_372 : memref<128xf32, #tpu.memory_space<vmem>>) target(%dma_start3A_377 : memref<100096xf32, #tpu.memory_space<vmem_shared>>) offsets(%dma_start3A_375 : memref<128xi32, #tpu.memory_space<vmem>>) semaphore(%run_scoped3A_370 : memref<!tpu.dma_semaphore, #tpu.memory_space<semaphore_mem>>) {add = true}
      %dma_wait3A_378 = arith.constant 512 : i32
      %dma_wait3A_379 = tpu.memref_slice %arg7[%dma_wait3A_378] : memref<2048xf32, #tpu.memory_space<vmem>> -> memref<128xf32, #tpu.memory_space<vmem>>
      %dma_wait3A_380 = arith.constant 512 : i32
      %dma_wait3A_381 = tpu.memref_slice %arg6[%run_scoped3A_319, %dma_wait3A_380] : memref<2x2048xi32, #tpu.memory_space<vmem>> -> memref<1x128xi32, #tpu.memory_space<vmem>>
      %dma_wait3A_382 = tpu.memref_squeeze %dma_wait3A_381 : memref<1x128xi32, #tpu.memory_space<vmem>> -> memref<128xi32, #tpu.memory_space<vmem>>
      %dma_wait3A_383 = arith.constant 0 : i32
      %dma_wait3A_384 = tpu.memref_slice %arg14[%dma_wait3A_383] : memref<100096xf32, #tpu.memory_space<vmem_shared>> -> memref<100096xf32, #tpu.memory_space<vmem_shared>>
      tpu.wait_indirect_dma semaphore(%run_scoped3A_370 : memref<!tpu.dma_semaphore, #tpu.memory_space<semaphore_mem>>) src(%dma_wait3A_379 : memref<128xf32, #tpu.memory_space<vmem>>) dst(%dma_wait3A_384 : memref<100096xf32, #tpu.memory_space<vmem_shared>>)
      tpu.yield
    }) : () -> ()
    %run_scoped3A_320 = arith.constant 1 : i32
    "tpu.region"() ({
      %run_scoped3A_370 = tpu.sem_alloc : memref<!tpu.dma_semaphore, #tpu.memory_space<semaphore_mem>>
      %dma_start3A_371 = arith.constant 640 : i32
      %dma_start3A_372 = tpu.memref_slice %arg7[%dma_start3A_371] : memref<2048xf32, #tpu.memory_space<vmem>> -> memref<128xf32, #tpu.memory_space<vmem>>
      %dma_start3A_373 = arith.constant 640 : i32
      %dma_start3A_374 = tpu.memref_slice %arg6[%run_scoped3A_320, %dma_start3A_373] : memref<2x2048xi32, #tpu.memory_space<vmem>> -> memref<1x128xi32, #tpu.memory_space<vmem>>
      %dma_start3A_375 = tpu.memref_squeeze %dma_start3A_374 : memref<1x128xi32, #tpu.memory_space<vmem>> -> memref<128xi32, #tpu.memory_space<vmem>>
      %dma_start3A_376 = arith.constant 0 : i32
      %dma_start3A_377 = tpu.memref_slice %arg14[%dma_start3A_376] : memref<100096xf32, #tpu.memory_space<vmem_shared>> -> memref<100096xf32, #tpu.memory_space<vmem_shared>>
      tpu.enqueue_indirect_dma source(%dma_start3A_372 : memref<128xf32, #tpu.memory_space<vmem>>) target(%dma_start3A_377 : memref<100096xf32, #tpu.memory_space<vmem_shared>>) offsets(%dma_start3A_375 : memref<128xi32, #tpu.memory_space<vmem>>) semaphore(%run_scoped3A_370 : memref<!tpu.dma_semaphore, #tpu.memory_space<semaphore_mem>>) {add = true}
      %dma_wait3A_378 = arith.constant 640 : i32
      %dma_wait3A_379 = tpu.memref_slice %arg7[%dma_wait3A_378] : memref<2048xf32, #tpu.memory_space<vmem>> -> memref<128xf32, #tpu.memory_space<vmem>>
      %dma_wait3A_380 = arith.constant 640 : i32
      %dma_wait3A_381 = tpu.memref_slice %arg6[%run_scoped3A_320, %dma_wait3A_380] : memref<2x2048xi32, #tpu.memory_space<vmem>> -> memref<1x128xi32, #tpu.memory_space<vmem>>
      %dma_wait3A_382 = tpu.memref_squeeze %dma_wait3A_381 : memref<1x128xi32, #tpu.memory_space<vmem>> -> memref<128xi32, #tpu.memory_space<vmem>>
      %dma_wait3A_383 = arith.constant 0 : i32
      %dma_wait3A_384 = tpu.memref_slice %arg14[%dma_wait3A_383] : memref<100096xf32, #tpu.memory_space<vmem_shared>> -> memref<100096xf32, #tpu.memory_space<vmem_shared>>
      tpu.wait_indirect_dma semaphore(%run_scoped3A_370 : memref<!tpu.dma_semaphore, #tpu.memory_space<semaphore_mem>>) src(%dma_wait3A_379 : memref<128xf32, #tpu.memory_space<vmem>>) dst(%dma_wait3A_384 : memref<100096xf32, #tpu.memory_space<vmem_shared>>)
      tpu.yield
    }) : () -> ()
    %run_scoped3A_321 = arith.constant 1 : i32
    "tpu.region"() ({
      %run_scoped3A_370 = tpu.sem_alloc : memref<!tpu.dma_semaphore, #tpu.memory_space<semaphore_mem>>
      %dma_start3A_371 = arith.constant 768 : i32
      %dma_start3A_372 = tpu.memref_slice %arg7[%dma_start3A_371] : memref<2048xf32, #tpu.memory_space<vmem>> -> memref<128xf32, #tpu.memory_space<vmem>>
      %dma_start3A_373 = arith.constant 768 : i32
      %dma_start3A_374 = tpu.memref_slice %arg6[%run_scoped3A_321, %dma_start3A_373] : memref<2x2048xi32, #tpu.memory_space<vmem>> -> memref<1x128xi32, #tpu.memory_space<vmem>>
      %dma_start3A_375 = tpu.memref_squeeze %dma_start3A_374 : memref<1x128xi32, #tpu.memory_space<vmem>> -> memref<128xi32, #tpu.memory_space<vmem>>
      %dma_start3A_376 = arith.constant 0 : i32
      %dma_start3A_377 = tpu.memref_slice %arg14[%dma_start3A_376] : memref<100096xf32, #tpu.memory_space<vmem_shared>> -> memref<100096xf32, #tpu.memory_space<vmem_shared>>
      tpu.enqueue_indirect_dma source(%dma_start3A_372 : memref<128xf32, #tpu.memory_space<vmem>>) target(%dma_start3A_377 : memref<100096xf32, #tpu.memory_space<vmem_shared>>) offsets(%dma_start3A_375 : memref<128xi32, #tpu.memory_space<vmem>>) semaphore(%run_scoped3A_370 : memref<!tpu.dma_semaphore, #tpu.memory_space<semaphore_mem>>) {add = true}
      %dma_wait3A_378 = arith.constant 768 : i32
      %dma_wait3A_379 = tpu.memref_slice %arg7[%dma_wait3A_378] : memref<2048xf32, #tpu.memory_space<vmem>> -> memref<128xf32, #tpu.memory_space<vmem>>
      %dma_wait3A_380 = arith.constant 768 : i32
      %dma_wait3A_381 = tpu.memref_slice %arg6[%run_scoped3A_321, %dma_wait3A_380] : memref<2x2048xi32, #tpu.memory_space<vmem>> -> memref<1x128xi32, #tpu.memory_space<vmem>>
      %dma_wait3A_382 = tpu.memref_squeeze %dma_wait3A_381 : memref<1x128xi32, #tpu.memory_space<vmem>> -> memref<128xi32, #tpu.memory_space<vmem>>
      %dma_wait3A_383 = arith.constant 0 : i32
      %dma_wait3A_384 = tpu.memref_slice %arg14[%dma_wait3A_383] : memref<100096xf32, #tpu.memory_space<vmem_shared>> -> memref<100096xf32, #tpu.memory_space<vmem_shared>>
      tpu.wait_indirect_dma semaphore(%run_scoped3A_370 : memref<!tpu.dma_semaphore, #tpu.memory_space<semaphore_mem>>) src(%dma_wait3A_379 : memref<128xf32, #tpu.memory_space<vmem>>) dst(%dma_wait3A_384 : memref<100096xf32, #tpu.memory_space<vmem_shared>>)
      tpu.yield
    }) : () -> ()
    %run_scoped3A_322 = arith.constant 1 : i32
    "tpu.region"() ({
      %run_scoped3A_370 = tpu.sem_alloc : memref<!tpu.dma_semaphore, #tpu.memory_space<semaphore_mem>>
      %dma_start3A_371 = arith.constant 896 : i32
      %dma_start3A_372 = tpu.memref_slice %arg7[%dma_start3A_371] : memref<2048xf32, #tpu.memory_space<vmem>> -> memref<128xf32, #tpu.memory_space<vmem>>
      %dma_start3A_373 = arith.constant 896 : i32
      %dma_start3A_374 = tpu.memref_slice %arg6[%run_scoped3A_322, %dma_start3A_373] : memref<2x2048xi32, #tpu.memory_space<vmem>> -> memref<1x128xi32, #tpu.memory_space<vmem>>
      %dma_start3A_375 = tpu.memref_squeeze %dma_start3A_374 : memref<1x128xi32, #tpu.memory_space<vmem>> -> memref<128xi32, #tpu.memory_space<vmem>>
      %dma_start3A_376 = arith.constant 0 : i32
      %dma_start3A_377 = tpu.memref_slice %arg14[%dma_start3A_376] : memref<100096xf32, #tpu.memory_space<vmem_shared>> -> memref<100096xf32, #tpu.memory_space<vmem_shared>>
      tpu.enqueue_indirect_dma source(%dma_start3A_372 : memref<128xf32, #tpu.memory_space<vmem>>) target(%dma_start3A_377 : memref<100096xf32, #tpu.memory_space<vmem_shared>>) offsets(%dma_start3A_375 : memref<128xi32, #tpu.memory_space<vmem>>) semaphore(%run_scoped3A_370 : memref<!tpu.dma_semaphore, #tpu.memory_space<semaphore_mem>>) {add = true}
      %dma_wait3A_378 = arith.constant 896 : i32
      %dma_wait3A_379 = tpu.memref_slice %arg7[%dma_wait3A_378] : memref<2048xf32, #tpu.memory_space<vmem>> -> memref<128xf32, #tpu.memory_space<vmem>>
      %dma_wait3A_380 = arith.constant 896 : i32
      %dma_wait3A_381 = tpu.memref_slice %arg6[%run_scoped3A_322, %dma_wait3A_380] : memref<2x2048xi32, #tpu.memory_space<vmem>> -> memref<1x128xi32, #tpu.memory_space<vmem>>
      %dma_wait3A_382 = tpu.memref_squeeze %dma_wait3A_381 : memref<1x128xi32, #tpu.memory_space<vmem>> -> memref<128xi32, #tpu.memory_space<vmem>>
      %dma_wait3A_383 = arith.constant 0 : i32
      %dma_wait3A_384 = tpu.memref_slice %arg14[%dma_wait3A_383] : memref<100096xf32, #tpu.memory_space<vmem_shared>> -> memref<100096xf32, #tpu.memory_space<vmem_shared>>
      tpu.wait_indirect_dma semaphore(%run_scoped3A_370 : memref<!tpu.dma_semaphore, #tpu.memory_space<semaphore_mem>>) src(%dma_wait3A_379 : memref<128xf32, #tpu.memory_space<vmem>>) dst(%dma_wait3A_384 : memref<100096xf32, #tpu.memory_space<vmem_shared>>)
      tpu.yield
    }) : () -> ()
    %lt3A = arith.constant 21 : i32
    %lt3A_323 = arith.cmpi slt, %add3A, %lt3A : i32
    %convert_element_type3A = arith.extui %lt3A_323 : i1 to i32
    %cond3A = arith.constant 0 : i32
    %cond3A_324 = arith.cmpi ne, %convert_element_type3A, %cond3A : i32
    scf.if %cond3A_324 {
      %add3A_370 = arith.constant 32 : i32
      %add3A_371 = arith.addi %add3A_370, %add3A : i32
      %mul3A_372 = arith.constant 1024 : i32
      %mul3A_373 = arith.muli %add3A_371, %mul3A_372 : i32
      %add3A_374 = arith.constant 3145728 : i32
      %add3A_375 = arith.addi %add3A_374, %mul3A_373 : i32
      "tpu.region"() ({
        %run_scoped3A_390 = tpu.sem_alloc : memref<!tpu.dma_semaphore, #tpu.memory_space<semaphore_mem>>
        %dma_start3A_391 = arith.constant 0 : i32
        %dma_start3A_392 = arith.constant 0 : i32
        %dma_start3A_393 = tpu.memref_slice %arg6[%dma_start3A_391, %dma_start3A_392] : memref<2x2048xi32, #tpu.memory_space<vmem>> -> memref<2x1024xi32, #tpu.memory_space<vmem>>
        %dma_start3A_394 = arith.constant 0 : i32
        %dma_start3A_395 = tpu.memref_slice %arg3[%dma_start3A_394, %add3A_375] : memref<2x3200000xi32, #tpu.memory_space<hbm>> -> memref<2x1024xi32, #tpu.memory_space<hbm>>
        %dma_start3A_396 = arith.constant 0 : i32
        %dma_start3A_397 = arith.constant 0 : i32
        %dma_start3A_398 = tpu.memref_slice %arg6[%dma_start3A_396, %dma_start3A_397] : memref<2x2048xi32, #tpu.memory_space<vmem>> -> memref<2x1024xi32, #tpu.memory_space<vmem>>
        %dma_start3A_399 = arith.constant 0 : i32
        %dma_start3A_400 = tpu.memref_slice %arg3[%dma_start3A_399, %add3A_375] : memref<2x3200000xi32, #tpu.memory_space<hbm>> -> memref<2x1024xi32, #tpu.memory_space<hbm>>
        tpu.enqueue_dma source(%dma_start3A_400 : memref<2x1024xi32, #tpu.memory_space<hbm>>) target(%dma_start3A_398 : memref<2x1024xi32, #tpu.memory_space<vmem>>) target_semaphore(%run_scoped3A_390 : memref<!tpu.dma_semaphore, #tpu.memory_space<semaphore_mem>>)
        %dma_wait3A_401 = arith.constant 0 : i32
        %dma_wait3A_402 = arith.constant 0 : i32
        %dma_wait3A_403 = tpu.memref_slice %arg6[%dma_wait3A_401, %dma_wait3A_402] : memref<2x2048xi32, #tpu.memory_space<vmem>> -> memref<2x1024xi32, #tpu.memory_space<vmem>>
        %dma_wait3A_404 = arith.constant 0 : i32
        %dma_wait3A_405 = tpu.memref_slice %arg3[%dma_wait3A_404, %add3A_375] : memref<2x3200000xi32, #tpu.memory_space<hbm>> -> memref<2x1024xi32, #tpu.memory_space<hbm>>
        %dma_wait3A_406 = arith.constant 0 : i32
        %dma_wait3A_407 = arith.constant 0 : i32
        %dma_wait3A_408 = tpu.memref_slice %arg6[%dma_wait3A_406, %dma_wait3A_407] : memref<2x2048xi32, #tpu.memory_space<vmem>> -> memref<2x1024xi32, #tpu.memory_space<vmem>>
        %dma_wait3A_409 = arith.constant 0 : i32
        %dma_wait3A_410 = tpu.memref_slice %arg3[%dma_wait3A_409, %add3A_375] : memref<2x3200000xi32, #tpu.memory_space<hbm>> -> memref<2x1024xi32, #tpu.memory_space<hbm>>
        tpu.wait_dma2 semaphore(%run_scoped3A_390 : memref<!tpu.dma_semaphore, #tpu.memory_space<semaphore_mem>>) src(%dma_wait3A_410 : memref<2x1024xi32, #tpu.memory_space<hbm>>) dst(%dma_wait3A_408 : memref<2x1024xi32, #tpu.memory_space<vmem>>)
        tpu.yield
      }) : () -> ()
      %scan3A_376 = arith.constant 0 : i32
      %scan3A_377 = arith.constant 0 : i32
      %scan3A_378 = arith.constant 16 : i32
      %scan3A_379 = arith.addi %scan3A_377, %scan3A_378 : i32
      %scan3A_380 = arith.constant 1 : i32
      scf.for %scan3A_390 = %scan3A_377 to %scan3A_379 step %scan3A_380  : i32 {
        %mul3A_391 = arith.constant 4 : i32
        %mul3A_392 = arith.muli %scan3A_390, %mul3A_391 : i32
        %add3A_393 = arith.constant 0 : i32
        %add3A_394 = arith.addi %mul3A_392, %add3A_393 : i32
        %mul3A_395 = arith.constant 16 : i32
        %mul3A_396 = arith.muli %add3A_394, %mul3A_395 : i32
        %get3A = arith.constant 0 : i32
        %get3A_397 = arith.index_cast %get3A : i32 to index
        %get3A_398 = arith.index_cast %mul3A_396 : i32 to index
        %get3A_399 = tpu.vector_load %arg6[%get3A_397, %get3A_398] {strides = array<i32>} : memref<2x2048xi32, #tpu.memory_space<vmem>>, vector<16xi32>,
        %get3A_400 = arith.constant 1 : i32
        %get3A_401 = arith.index_cast %get3A_400 : i32 to index
        %get3A_402 = arith.index_cast %mul3A_396 : i32 to index
        %get3A_403 = tpu.vector_load %arg6[%get3A_401, %get3A_402] {strides = array<i32>} : memref<2x2048xi32, #tpu.memory_space<vmem>>, vector<16xi32>,
        %gather3A = tpu.vector_load_idx %arg5[%get3A_403] : memref<100000xf32, #tpu.memory_space<vmem>>[vector<16xi32>], vector<16xf32>,
        %gather3A_404 = tpu.vector_load_idx %arg5[%get3A_399] : memref<100000xf32, #tpu.memory_space<vmem>>[vector<16xi32>], vector<16xf32>,
        %sub3A = arith.subf %gather3A, %gather3A_404 : vector<16xf32>
        %swap3A = arith.index_cast %mul3A_396 : i32 to index
        %swap3A_405 = tpu.vector_load %arg7[%swap3A] {strides = array<i32>} : memref<2048xf32, #tpu.memory_space<vmem>>, vector<16xf32>,
        tpu.vector_store %arg7[%swap3A], %sub3A {strides = array<i32>} : memref<2048xf32, #tpu.memory_space<vmem>>, vector<16xf32>,
        %mul3A_406 = arith.constant 4 : i32
        %mul3A_407 = arith.muli %scan3A_390, %mul3A_406 : i32
        %add3A_408 = arith.constant 1 : i32
        %add3A_409 = arith.addi %mul3A_407, %add3A_408 : i32
        %mul3A_410 = arith.constant 16 : i32
        %mul3A_411 = arith.muli %add3A_409, %mul3A_410 : i32
        %get3A_412 = arith.constant 0 : i32
        %get3A_413 = arith.index_cast %get3A_412 : i32 to index
        %get3A_414 = arith.index_cast %mul3A_411 : i32 to index
        %get3A_415 = tpu.vector_load %arg6[%get3A_413, %get3A_414] {strides = array<i32>} : memref<2x2048xi32, #tpu.memory_space<vmem>>, vector<16xi32>,
        %get3A_416 = arith.constant 1 : i32
        %get3A_417 = arith.index_cast %get3A_416 : i32 to index
        %get3A_418 = arith.index_cast %mul3A_411 : i32 to index
        %get3A_419 = tpu.vector_load %arg6[%get3A_417, %get3A_418] {strides = array<i32>} : memref<2x2048xi32, #tpu.memory_space<vmem>>, vector<16xi32>,
        %gather3A_420 = tpu.vector_load_idx %arg5[%get3A_419] : memref<100000xf32, #tpu.memory_space<vmem>>[vector<16xi32>], vector<16xf32>,
        %gather3A_421 = tpu.vector_load_idx %arg5[%get3A_415] : memref<100000xf32, #tpu.memory_space<vmem>>[vector<16xi32>], vector<16xf32>,
        %sub3A_422 = arith.subf %gather3A_420, %gather3A_421 : vector<16xf32>
        %swap3A_423 = arith.index_cast %mul3A_411 : i32 to index
        %swap3A_424 = tpu.vector_load %arg7[%swap3A_423] {strides = array<i32>} : memref<2048xf32, #tpu.memory_space<vmem>>, vector<16xf32>,
        tpu.vector_store %arg7[%swap3A_423], %sub3A_422 {strides = array<i32>} : memref<2048xf32, #tpu.memory_space<vmem>>, vector<16xf32>,
        %mul3A_425 = arith.constant 4 : i32
        %mul3A_426 = arith.muli %scan3A_390, %mul3A_425 : i32
        %add3A_427 = arith.constant 2 : i32
        %add3A_428 = arith.addi %mul3A_426, %add3A_427 : i32
        %mul3A_429 = arith.constant 16 : i32
        %mul3A_430 = arith.muli %add3A_428, %mul3A_429 : i32
        %get3A_431 = arith.constant 0 : i32
        %get3A_432 = arith.index_cast %get3A_431 : i32 to index
        %get3A_433 = arith.index_cast %mul3A_430 : i32 to index
        %get3A_434 = tpu.vector_load %arg6[%get3A_432, %get3A_433] {strides = array<i32>} : memref<2x2048xi32, #tpu.memory_space<vmem>>, vector<16xi32>,
        %get3A_435 = arith.constant 1 : i32
        %get3A_436 = arith.index_cast %get3A_435 : i32 to index
        %get3A_437 = arith.index_cast %mul3A_430 : i32 to index
        %get3A_438 = tpu.vector_load %arg6[%get3A_436, %get3A_437] {strides = array<i32>} : memref<2x2048xi32, #tpu.memory_space<vmem>>, vector<16xi32>,
        %gather3A_439 = tpu.vector_load_idx %arg5[%get3A_438] : memref<100000xf32, #tpu.memory_space<vmem>>[vector<16xi32>], vector<16xf32>,
        %gather3A_440 = tpu.vector_load_idx %arg5[%get3A_434] : memref<100000xf32, #tpu.memory_space<vmem>>[vector<16xi32>], vector<16xf32>,
        %sub3A_441 = arith.subf %gather3A_439, %gather3A_440 : vector<16xf32>
        %swap3A_442 = arith.index_cast %mul3A_430 : i32 to index
        %swap3A_443 = tpu.vector_load %arg7[%swap3A_442] {strides = array<i32>} : memref<2048xf32, #tpu.memory_space<vmem>>, vector<16xf32>,
        tpu.vector_store %arg7[%swap3A_442], %sub3A_441 {strides = array<i32>} : memref<2048xf32, #tpu.memory_space<vmem>>, vector<16xf32>,
        %mul3A_444 = arith.constant 4 : i32
        %mul3A_445 = arith.muli %scan3A_390, %mul3A_444 : i32
        %add3A_446 = arith.constant 3 : i32
        %add3A_447 = arith.addi %mul3A_445, %add3A_446 : i32
        %mul3A_448 = arith.constant 16 : i32
        %mul3A_449 = arith.muli %add3A_447, %mul3A_448 : i32
        %get3A_450 = arith.constant 0 : i32
        %get3A_451 = arith.index_cast %get3A_450 : i32 to index
        %get3A_452 = arith.index_cast %mul3A_449 : i32 to index
        %get3A_453 = tpu.vector_load %arg6[%get3A_451, %get3A_452] {strides = array<i32>} : memref<2x2048xi32, #tpu.memory_space<vmem>>, vector<16xi32>,
        %get3A_454 = arith.constant 1 : i32
        %get3A_455 = arith.index_cast %get3A_454 : i32 to index
        %get3A_456 = arith.index_cast %mul3A_449 : i32 to index
        %get3A_457 = tpu.vector_load %arg6[%get3A_455, %get3A_456] {strides = array<i32>} : memref<2x2048xi32, #tpu.memory_space<vmem>>, vector<16xi32>,
        %gather3A_458 = tpu.vector_load_idx %arg5[%get3A_457] : memref<100000xf32, #tpu.memory_space<vmem>>[vector<16xi32>], vector<16xf32>,
        %gather3A_459 = tpu.vector_load_idx %arg5[%get3A_453] : memref<100000xf32, #tpu.memory_space<vmem>>[vector<16xi32>], vector<16xf32>,
        %sub3A_460 = arith.subf %gather3A_458, %gather3A_459 : vector<16xf32>
        %swap3A_461 = arith.index_cast %mul3A_449 : i32 to index
        %swap3A_462 = tpu.vector_load %arg7[%swap3A_461] {strides = array<i32>} : memref<2048xf32, #tpu.memory_space<vmem>>, vector<16xf32>,
        tpu.vector_store %arg7[%swap3A_461], %sub3A_460 {strides = array<i32>} : memref<2048xf32, #tpu.memory_space<vmem>>, vector<16xf32>,
      }
      %scan3A_381 = arith.constant 16 : i32
      %run_scoped3A_382 = arith.constant 1 : i32
      "tpu.region"() ({
        %run_scoped3A_390 = tpu.sem_alloc : memref<!tpu.dma_semaphore, #tpu.memory_space<semaphore_mem>>
        %dma_start3A_391 = arith.constant 0 : i32
        %dma_start3A_392 = tpu.memref_slice %arg7[%dma_start3A_391] : memref<2048xf32, #tpu.memory_space<vmem>> -> memref<128xf32, #tpu.memory_space<vmem>>
        %dma_start3A_393 = arith.constant 0 : i32
        %dma_start3A_394 = tpu.memref_slice %arg6[%run_scoped3A_382, %dma_start3A_393] : memref<2x2048xi32, #tpu.memory_space<vmem>> -> memref<1x128xi32, #tpu.memory_space<vmem>>
        %dma_start3A_395 = tpu.memref_squeeze %dma_start3A_394 : memref<1x128xi32, #tpu.memory_space<vmem>> -> memref<128xi32, #tpu.memory_space<vmem>>
        %dma_start3A_396 = arith.constant 0 : i32
        %dma_start3A_397 = tpu.memref_slice %arg14[%dma_start3A_396] : memref<100096xf32, #tpu.memory_space<vmem_shared>> -> memref<100096xf32, #tpu.memory_space<vmem_shared>>
        tpu.enqueue_indirect_dma source(%dma_start3A_392 : memref<128xf32, #tpu.memory_space<vmem>>) target(%dma_start3A_397 : memref<100096xf32, #tpu.memory_space<vmem_shared>>) offsets(%dma_start3A_395 : memref<128xi32, #tpu.memory_space<vmem>>) semaphore(%run_scoped3A_390 : memref<!tpu.dma_semaphore, #tpu.memory_space<semaphore_mem>>) {add = true}
        %dma_wait3A_398 = arith.constant 0 : i32
        %dma_wait3A_399 = tpu.memref_slice %arg7[%dma_wait3A_398] : memref<2048xf32, #tpu.memory_space<vmem>> -> memref<128xf32, #tpu.memory_space<vmem>>
        %dma_wait3A_400 = arith.constant 0 : i32
        %dma_wait3A_401 = tpu.memref_slice %arg6[%run_scoped3A_382, %dma_wait3A_400] : memref<2x2048xi32, #tpu.memory_space<vmem>> -> memref<1x128xi32, #tpu.memory_space<vmem>>
        %dma_wait3A_402 = tpu.memref_squeeze %dma_wait3A_401 : memref<1x128xi32, #tpu.memory_space<vmem>> -> memref<128xi32, #tpu.memory_space<vmem>>
        %dma_wait3A_403 = arith.constant 0 : i32
        %dma_wait3A_404 = tpu.memref_slice %arg14[%dma_wait3A_403] : memref<100096xf32, #tpu.memory_space<vmem_shared>> -> memref<100096xf32, #tpu.memory_space<vmem_shared>>
        tpu.wait_indirect_dma semaphore(%run_scoped3A_390 : memref<!tpu.dma_semaphore, #tpu.memory_space<semaphore_mem>>) src(%dma_wait3A_399 : memref<128xf32, #tpu.memory_space<vmem>>) dst(%dma_wait3A_404 : memref<100096xf32, #tpu.memory_space<vmem_shared>>)
        tpu.yield
      }) : () -> ()
      %run_scoped3A_383 = arith.constant 1 : i32
      "tpu.region"() ({
        %run_scoped3A_390 = tpu.sem_alloc : memref<!tpu.dma_semaphore, #tpu.memory_space<semaphore_mem>>
        %dma_start3A_391 = arith.constant 128 : i32
        %dma_start3A_392 = tpu.memref_slice %arg7[%dma_start3A_391] : memref<2048xf32, #tpu.memory_space<vmem>> -> memref<128xf32, #tpu.memory_space<vmem>>
        %dma_start3A_393 = arith.constant 128 : i32
        %dma_start3A_394 = tpu.memref_slice %arg6[%run_scoped3A_383, %dma_start3A_393] : memref<2x2048xi32, #tpu.memory_space<vmem>> -> memref<1x128xi32, #tpu.memory_space<vmem>>
        %dma_start3A_395 = tpu.memref_squeeze %dma_start3A_394 : memref<1x128xi32, #tpu.memory_space<vmem>> -> memref<128xi32, #tpu.memory_space<vmem>>
        %dma_start3A_396 = arith.constant 0 : i32
        %dma_start3A_397 = tpu.memref_slice %arg14[%dma_start3A_396] : memref<100096xf32, #tpu.memory_space<vmem_shared>> -> memref<100096xf32, #tpu.memory_space<vmem_shared>>
        tpu.enqueue_indirect_dma source(%dma_start3A_392 : memref<128xf32, #tpu.memory_space<vmem>>) target(%dma_start3A_397 : memref<100096xf32, #tpu.memory_space<vmem_shared>>) offsets(%dma_start3A_395 : memref<128xi32, #tpu.memory_space<vmem>>) semaphore(%run_scoped3A_390 : memref<!tpu.dma_semaphore, #tpu.memory_space<semaphore_mem>>) {add = true}
        %dma_wait3A_398 = arith.constant 128 : i32
        %dma_wait3A_399 = tpu.memref_slice %arg7[%dma_wait3A_398] : memref<2048xf32, #tpu.memory_space<vmem>> -> memref<128xf32, #tpu.memory_space<vmem>>
        %dma_wait3A_400 = arith.constant 128 : i32
        %dma_wait3A_401 = tpu.memref_slice %arg6[%run_scoped3A_383, %dma_wait3A_400] : memref<2x2048xi32, #tpu.memory_space<vmem>> -> memref<1x128xi32, #tpu.memory_space<vmem>>
        %dma_wait3A_402 = tpu.memref_squeeze %dma_wait3A_401 : memref<1x128xi32, #tpu.memory_space<vmem>> -> memref<128xi32, #tpu.memory_space<vmem>>
        %dma_wait3A_403 = arith.constant 0 : i32
        %dma_wait3A_404 = tpu.memref_slice %arg14[%dma_wait3A_403] : memref<100096xf32, #tpu.memory_space<vmem_shared>> -> memref<100096xf32, #tpu.memory_space<vmem_shared>>
        tpu.wait_indirect_dma semaphore(%run_scoped3A_390 : memref<!tpu.dma_semaphore, #tpu.memory_space<semaphore_mem>>) src(%dma_wait3A_399 : memref<128xf32, #tpu.memory_space<vmem>>) dst(%dma_wait3A_404 : memref<100096xf32, #tpu.memory_space<vmem_shared>>)
        tpu.yield
      }) : () -> ()
      %run_scoped3A_384 = arith.constant 1 : i32
      "tpu.region"() ({
        %run_scoped3A_390 = tpu.sem_alloc : memref<!tpu.dma_semaphore, #tpu.memory_space<semaphore_mem>>
        %dma_start3A_391 = arith.constant 256 : i32
        %dma_start3A_392 = tpu.memref_slice %arg7[%dma_start3A_391] : memref<2048xf32, #tpu.memory_space<vmem>> -> memref<128xf32, #tpu.memory_space<vmem>>
        %dma_start3A_393 = arith.constant 256 : i32
        %dma_start3A_394 = tpu.memref_slice %arg6[%run_scoped3A_384, %dma_start3A_393] : memref<2x2048xi32, #tpu.memory_space<vmem>> -> memref<1x128xi32, #tpu.memory_space<vmem>>
        %dma_start3A_395 = tpu.memref_squeeze %dma_start3A_394 : memref<1x128xi32, #tpu.memory_space<vmem>> -> memref<128xi32, #tpu.memory_space<vmem>>
        %dma_start3A_396 = arith.constant 0 : i32
        %dma_start3A_397 = tpu.memref_slice %arg14[%dma_start3A_396] : memref<100096xf32, #tpu.memory_space<vmem_shared>> -> memref<100096xf32, #tpu.memory_space<vmem_shared>>
        tpu.enqueue_indirect_dma source(%dma_start3A_392 : memref<128xf32, #tpu.memory_space<vmem>>) target(%dma_start3A_397 : memref<100096xf32, #tpu.memory_space<vmem_shared>>) offsets(%dma_start3A_395 : memref<128xi32, #tpu.memory_space<vmem>>) semaphore(%run_scoped3A_390 : memref<!tpu.dma_semaphore, #tpu.memory_space<semaphore_mem>>) {add = true}
        %dma_wait3A_398 = arith.constant 256 : i32
        %dma_wait3A_399 = tpu.memref_slice %arg7[%dma_wait3A_398] : memref<2048xf32, #tpu.memory_space<vmem>> -> memref<128xf32, #tpu.memory_space<vmem>>
        %dma_wait3A_400 = arith.constant 256 : i32
        %dma_wait3A_401 = tpu.memref_slice %arg6[%run_scoped3A_384, %dma_wait3A_400] : memref<2x2048xi32, #tpu.memory_space<vmem>> -> memref<1x128xi32, #tpu.memory_space<vmem>>
        %dma_wait3A_402 = tpu.memref_squeeze %dma_wait3A_401 : memref<1x128xi32, #tpu.memory_space<vmem>> -> memref<128xi32, #tpu.memory_space<vmem>>
        %dma_wait3A_403 = arith.constant 0 : i32
        %dma_wait3A_404 = tpu.memref_slice %arg14[%dma_wait3A_403] : memref<100096xf32, #tpu.memory_space<vmem_shared>> -> memref<100096xf32, #tpu.memory_space<vmem_shared>>
        tpu.wait_indirect_dma semaphore(%run_scoped3A_390 : memref<!tpu.dma_semaphore, #tpu.memory_space<semaphore_mem>>) src(%dma_wait3A_399 : memref<128xf32, #tpu.memory_space<vmem>>) dst(%dma_wait3A_404 : memref<100096xf32, #tpu.memory_space<vmem_shared>>)
        tpu.yield
      }) : () -> ()
      %run_scoped3A_385 = arith.constant 1 : i32
      "tpu.region"() ({
        %run_scoped3A_390 = tpu.sem_alloc : memref<!tpu.dma_semaphore, #tpu.memory_space<semaphore_mem>>
        %dma_start3A_391 = arith.constant 384 : i32
        %dma_start3A_392 = tpu.memref_slice %arg7[%dma_start3A_391] : memref<2048xf32, #tpu.memory_space<vmem>> -> memref<128xf32, #tpu.memory_space<vmem>>
        %dma_start3A_393 = arith.constant 384 : i32
        %dma_start3A_394 = tpu.memref_slice %arg6[%run_scoped3A_385, %dma_start3A_393] : memref<2x2048xi32, #tpu.memory_space<vmem>> -> memref<1x128xi32, #tpu.memory_space<vmem>>
        %dma_start3A_395 = tpu.memref_squeeze %dma_start3A_394 : memref<1x128xi32, #tpu.memory_space<vmem>> -> memref<128xi32, #tpu.memory_space<vmem>>
        %dma_start3A_396 = arith.constant 0 : i32
        %dma_start3A_397 = tpu.memref_slice %arg14[%dma_start3A_396] : memref<100096xf32, #tpu.memory_space<vmem_shared>> -> memref<100096xf32, #tpu.memory_space<vmem_shared>>
        tpu.enqueue_indirect_dma source(%dma_start3A_392 : memref<128xf32, #tpu.memory_space<vmem>>) target(%dma_start3A_397 : memref<100096xf32, #tpu.memory_space<vmem_shared>>) offsets(%dma_start3A_395 : memref<128xi32, #tpu.memory_space<vmem>>) semaphore(%run_scoped3A_390 : memref<!tpu.dma_semaphore, #tpu.memory_space<semaphore_mem>>) {add = true}
        %dma_wait3A_398 = arith.constant 384 : i32
        %dma_wait3A_399 = tpu.memref_slice %arg7[%dma_wait3A_398] : memref<2048xf32, #tpu.memory_space<vmem>> -> memref<128xf32, #tpu.memory_space<vmem>>
        %dma_wait3A_400 = arith.constant 384 : i32
        %dma_wait3A_401 = tpu.memref_slice %arg6[%run_scoped3A_385, %dma_wait3A_400] : memref<2x2048xi32, #tpu.memory_space<vmem>> -> memref<1x128xi32, #tpu.memory_space<vmem>>
        %dma_wait3A_402 = tpu.memref_squeeze %dma_wait3A_401 : memref<1x128xi32, #tpu.memory_space<vmem>> -> memref<128xi32, #tpu.memory_space<vmem>>
        %dma_wait3A_403 = arith.constant 0 : i32
        %dma_wait3A_404 = tpu.memref_slice %arg14[%dma_wait3A_403] : memref<100096xf32, #tpu.memory_space<vmem_shared>> -> memref<100096xf32, #tpu.memory_space<vmem_shared>>
        tpu.wait_indirect_dma semaphore(%run_scoped3A_390 : memref<!tpu.dma_semaphore, #tpu.memory_space<semaphore_mem>>) src(%dma_wait3A_399 : memref<128xf32, #tpu.memory_space<vmem>>) dst(%dma_wait3A_404 : memref<100096xf32, #tpu.memory_space<vmem_shared>>)
        tpu.yield
      }) : () -> ()
      %run_scoped3A_386 = arith.constant 1 : i32
      "tpu.region"() ({
        %run_scoped3A_390 = tpu.sem_alloc : memref<!tpu.dma_semaphore, #tpu.memory_space<semaphore_mem>>
        %dma_start3A_391 = arith.constant 512 : i32
        %dma_start3A_392 = tpu.memref_slice %arg7[%dma_start3A_391] : memref<2048xf32, #tpu.memory_space<vmem>> -> memref<128xf32, #tpu.memory_space<vmem>>
        %dma_start3A_393 = arith.constant 512 : i32
        %dma_start3A_394 = tpu.memref_slice %arg6[%run_scoped3A_386, %dma_start3A_393] : memref<2x2048xi32, #tpu.memory_space<vmem>> -> memref<1x128xi32, #tpu.memory_space<vmem>>
        %dma_start3A_395 = tpu.memref_squeeze %dma_start3A_394 : memref<1x128xi32, #tpu.memory_space<vmem>> -> memref<128xi32, #tpu.memory_space<vmem>>
        %dma_start3A_396 = arith.constant 0 : i32
        %dma_start3A_397 = tpu.memref_slice %arg14[%dma_start3A_396] : memref<100096xf32, #tpu.memory_space<vmem_shared>> -> memref<100096xf32, #tpu.memory_space<vmem_shared>>
        tpu.enqueue_indirect_dma source(%dma_start3A_392 : memref<128xf32, #tpu.memory_space<vmem>>) target(%dma_start3A_397 : memref<100096xf32, #tpu.memory_space<vmem_shared>>) offsets(%dma_start3A_395 : memref<128xi32, #tpu.memory_space<vmem>>) semaphore(%run_scoped3A_390 : memref<!tpu.dma_semaphore, #tpu.memory_space<semaphore_mem>>) {add = true}
        %dma_wait3A_398 = arith.constant 512 : i32
        %dma_wait3A_399 = tpu.memref_slice %arg7[%dma_wait3A_398] : memref<2048xf32, #tpu.memory_space<vmem>> -> memref<128xf32, #tpu.memory_space<vmem>>
        %dma_wait3A_400 = arith.constant 512 : i32
        %dma_wait3A_401 = tpu.memref_slice %arg6[%run_scoped3A_386, %dma_wait3A_400] : memref<2x2048xi32, #tpu.memory_space<vmem>> -> memref<1x128xi32, #tpu.memory_space<vmem>>
        %dma_wait3A_402 = tpu.memref_squeeze %dma_wait3A_401 : memref<1x128xi32, #tpu.memory_space<vmem>> -> memref<128xi32, #tpu.memory_space<vmem>>
        %dma_wait3A_403 = arith.constant 0 : i32
        %dma_wait3A_404 = tpu.memref_slice %arg14[%dma_wait3A_403] : memref<100096xf32, #tpu.memory_space<vmem_shared>> -> memref<100096xf32, #tpu.memory_space<vmem_shared>>
        tpu.wait_indirect_dma semaphore(%run_scoped3A_390 : memref<!tpu.dma_semaphore, #tpu.memory_space<semaphore_mem>>) src(%dma_wait3A_399 : memref<128xf32, #tpu.memory_space<vmem>>) dst(%dma_wait3A_404 : memref<100096xf32, #tpu.memory_space<vmem_shared>>)
        tpu.yield
      }) : () -> ()
      %run_scoped3A_387 = arith.constant 1 : i32
      "tpu.region"() ({
        %run_scoped3A_390 = tpu.sem_alloc : memref<!tpu.dma_semaphore, #tpu.memory_space<semaphore_mem>>
        %dma_start3A_391 = arith.constant 640 : i32
        %dma_start3A_392 = tpu.memref_slice %arg7[%dma_start3A_391] : memref<2048xf32, #tpu.memory_space<vmem>> -> memref<128xf32, #tpu.memory_space<vmem>>
        %dma_start3A_393 = arith.constant 640 : i32
        %dma_start3A_394 = tpu.memref_slice %arg6[%run_scoped3A_387, %dma_start3A_393] : memref<2x2048xi32, #tpu.memory_space<vmem>> -> memref<1x128xi32, #tpu.memory_space<vmem>>
        %dma_start3A_395 = tpu.memref_squeeze %dma_start3A_394 : memref<1x128xi32, #tpu.memory_space<vmem>> -> memref<128xi32, #tpu.memory_space<vmem>>
        %dma_start3A_396 = arith.constant 0 : i32
        %dma_start3A_397 = tpu.memref_slice %arg14[%dma_start3A_396] : memref<100096xf32, #tpu.memory_space<vmem_shared>> -> memref<100096xf32, #tpu.memory_space<vmem_shared>>
        tpu.enqueue_indirect_dma source(%dma_start3A_392 : memref<128xf32, #tpu.memory_space<vmem>>) target(%dma_start3A_397 : memref<100096xf32, #tpu.memory_space<vmem_shared>>) offsets(%dma_start3A_395 : memref<128xi32, #tpu.memory_space<vmem>>) semaphore(%run_scoped3A_390 : memref<!tpu.dma_semaphore, #tpu.memory_space<semaphore_mem>>) {add = true}
        %dma_wait3A_398 = arith.constant 640 : i32
        %dma_wait3A_399 = tpu.memref_slice %arg7[%dma_wait3A_398] : memref<2048xf32, #tpu.memory_space<vmem>> -> memref<128xf32, #tpu.memory_space<vmem>>
        %dma_wait3A_400 = arith.constant 640 : i32
        %dma_wait3A_401 = tpu.memref_slice %arg6[%run_scoped3A_387, %dma_wait3A_400] : memref<2x2048xi32, #tpu.memory_space<vmem>> -> memref<1x128xi32, #tpu.memory_space<vmem>>
        %dma_wait3A_402 = tpu.memref_squeeze %dma_wait3A_401 : memref<1x128xi32, #tpu.memory_space<vmem>> -> memref<128xi32, #tpu.memory_space<vmem>>
        %dma_wait3A_403 = arith.constant 0 : i32
        %dma_wait3A_404 = tpu.memref_slice %arg14[%dma_wait3A_403] : memref<100096xf32, #tpu.memory_space<vmem_shared>> -> memref<100096xf32, #tpu.memory_space<vmem_shared>>
        tpu.wait_indirect_dma semaphore(%run_scoped3A_390 : memref<!tpu.dma_semaphore, #tpu.memory_space<semaphore_mem>>) src(%dma_wait3A_399 : memref<128xf32, #tpu.memory_space<vmem>>) dst(%dma_wait3A_404 : memref<100096xf32, #tpu.memory_space<vmem_shared>>)
        tpu.yield
      }) : () -> ()
      %run_scoped3A_388 = arith.constant 1 : i32
      "tpu.region"() ({
        %run_scoped3A_390 = tpu.sem_alloc : memref<!tpu.dma_semaphore, #tpu.memory_space<semaphore_mem>>
        %dma_start3A_391 = arith.constant 768 : i32
        %dma_start3A_392 = tpu.memref_slice %arg7[%dma_start3A_391] : memref<2048xf32, #tpu.memory_space<vmem>> -> memref<128xf32, #tpu.memory_space<vmem>>
        %dma_start3A_393 = arith.constant 768 : i32
        %dma_start3A_394 = tpu.memref_slice %arg6[%run_scoped3A_388, %dma_start3A_393] : memref<2x2048xi32, #tpu.memory_space<vmem>> -> memref<1x128xi32, #tpu.memory_space<vmem>>
        %dma_start3A_395 = tpu.memref_squeeze %dma_start3A_394 : memref<1x128xi32, #tpu.memory_space<vmem>> -> memref<128xi32, #tpu.memory_space<vmem>>
        %dma_start3A_396 = arith.constant 0 : i32
        %dma_start3A_397 = tpu.memref_slice %arg14[%dma_start3A_396] : memref<100096xf32, #tpu.memory_space<vmem_shared>> -> memref<100096xf32, #tpu.memory_space<vmem_shared>>
        tpu.enqueue_indirect_dma source(%dma_start3A_392 : memref<128xf32, #tpu.memory_space<vmem>>) target(%dma_start3A_397 : memref<100096xf32, #tpu.memory_space<vmem_shared>>) offsets(%dma_start3A_395 : memref<128xi32, #tpu.memory_space<vmem>>) semaphore(%run_scoped3A_390 : memref<!tpu.dma_semaphore, #tpu.memory_space<semaphore_mem>>) {add = true}
        %dma_wait3A_398 = arith.constant 768 : i32
        %dma_wait3A_399 = tpu.memref_slice %arg7[%dma_wait3A_398] : memref<2048xf32, #tpu.memory_space<vmem>> -> memref<128xf32, #tpu.memory_space<vmem>>
        %dma_wait3A_400 = arith.constant 768 : i32
        %dma_wait3A_401 = tpu.memref_slice %arg6[%run_scoped3A_388, %dma_wait3A_400] : memref<2x2048xi32, #tpu.memory_space<vmem>> -> memref<1x128xi32, #tpu.memory_space<vmem>>
        %dma_wait3A_402 = tpu.memref_squeeze %dma_wait3A_401 : memref<1x128xi32, #tpu.memory_space<vmem>> -> memref<128xi32, #tpu.memory_space<vmem>>
        %dma_wait3A_403 = arith.constant 0 : i32
        %dma_wait3A_404 = tpu.memref_slice %arg14[%dma_wait3A_403] : memref<100096xf32, #tpu.memory_space<vmem_shared>> -> memref<100096xf32, #tpu.memory_space<vmem_shared>>
        tpu.wait_indirect_dma semaphore(%run_scoped3A_390 : memref<!tpu.dma_semaphore, #tpu.memory_space<semaphore_mem>>) src(%dma_wait3A_399 : memref<128xf32, #tpu.memory_space<vmem>>) dst(%dma_wait3A_404 : memref<100096xf32, #tpu.memory_space<vmem_shared>>)
        tpu.yield
      }) : () -> ()
      %run_scoped3A_389 = arith.constant 1 : i32
      "tpu.region"() ({
        %run_scoped3A_390 = tpu.sem_alloc : memref<!tpu.dma_semaphore, #tpu.memory_space<semaphore_mem>>
        %dma_start3A_391 = arith.constant 896 : i32
        %dma_start3A_392 = tpu.memref_slice %arg7[%dma_start3A_391] : memref<2048xf32, #tpu.memory_space<vmem>> -> memref<128xf32, #tpu.memory_space<vmem>>
        %dma_start3A_393 = arith.constant 896 : i32
        %dma_start3A_394 = tpu.memref_slice %arg6[%run_scoped3A_389, %dma_start3A_393] : memref<2x2048xi32, #tpu.memory_space<vmem>> -> memref<1x128xi32, #tpu.memory_space<vmem>>
        %dma_start3A_395 = tpu.memref_squeeze %dma_start3A_394 : memref<1x128xi32, #tpu.memory_space<vmem>> -> memref<128xi32, #tpu.memory_space<vmem>>
        %dma_start3A_396 = arith.constant 0 : i32
        %dma_start3A_397 = tpu.memref_slice %arg14[%dma_start3A_396] : memref<100096xf32, #tpu.memory_space<vmem_shared>> -> memref<100096xf32, #tpu.memory_space<vmem_shared>>
        tpu.enqueue_indirect_dma source(%dma_start3A_392 : memref<128xf32, #tpu.memory_space<vmem>>) target(%dma_start3A_397 : memref<100096xf32, #tpu.memory_space<vmem_shared>>) offsets(%dma_start3A_395 : memref<128xi32, #tpu.memory_space<vmem>>) semaphore(%run_scoped3A_390 : memref<!tpu.dma_semaphore, #tpu.memory_space<semaphore_mem>>) {add = true}
        %dma_wait3A_398 = arith.constant 896 : i32
        %dma_wait3A_399 = tpu.memref_slice %arg7[%dma_wait3A_398] : memref<2048xf32, #tpu.memory_space<vmem>> -> memref<128xf32, #tpu.memory_space<vmem>>
        %dma_wait3A_400 = arith.constant 896 : i32
        %dma_wait3A_401 = tpu.memref_slice %arg6[%run_scoped3A_389, %dma_wait3A_400] : memref<2x2048xi32, #tpu.memory_space<vmem>> -> memref<1x128xi32, #tpu.memory_space<vmem>>
        %dma_wait3A_402 = tpu.memref_squeeze %dma_wait3A_401 : memref<1x128xi32, #tpu.memory_space<vmem>> -> memref<128xi32, #tpu.memory_space<vmem>>
        %dma_wait3A_403 = arith.constant 0 : i32
        %dma_wait3A_404 = tpu.memref_slice %arg14[%dma_wait3A_403] : memref<100096xf32, #tpu.memory_space<vmem_shared>> -> memref<100096xf32, #tpu.memory_space<vmem_shared>>
        tpu.wait_indirect_dma semaphore(%run_scoped3A_390 : memref<!tpu.dma_semaphore, #tpu.memory_space<semaphore_mem>>) src(%dma_wait3A_399 : memref<128xf32, #tpu.memory_space<vmem>>) dst(%dma_wait3A_404 : memref<100096xf32, #tpu.memory_space<vmem_shared>>)
        tpu.yield
      }) : () -> ()
    } else {
    }
    %barrier3A_325 = arith.constant 0 : index
    tpu.barrier barrier_id(%barrier3A_325)
    %mul3A_326 = arith.constant 6256 : i32
    %mul3A_327 = arith.muli %arg1, %mul3A_326 : i32
    %add3A_328 = arith.constant 0 : i32
    %add3A_329 = arith.addi %mul3A_327, %add3A_328 : i32
    "tpu.region"() ({
      %run_scoped3A_370 = tpu.sem_alloc : memref<!tpu.dma_semaphore, #tpu.memory_space<semaphore_mem>>
      %dma_start3A_371 = tpu.memref_slice %arg14[%add3A_329] : memref<100096xf32, #tpu.memory_space<vmem_shared>> -> memref<2048xf32, #tpu.memory_space<vmem_shared>>
      %dma_start3A_372 = tpu.memref_slice %arg14[%add3A_329] : memref<100096xf32, #tpu.memory_space<vmem_shared>> -> memref<2048xf32, #tpu.memory_space<vmem_shared>>
      tpu.enqueue_dma source(%dma_start3A_372 : memref<2048xf32, #tpu.memory_space<vmem_shared>>) target(%arg7 : memref<2048xf32, #tpu.memory_space<vmem>>) target_semaphore(%run_scoped3A_370 : memref<!tpu.dma_semaphore, #tpu.memory_space<semaphore_mem>>)
      %dma_wait3A_373 = tpu.memref_slice %arg14[%add3A_329] : memref<100096xf32, #tpu.memory_space<vmem_shared>> -> memref<2048xf32, #tpu.memory_space<vmem_shared>>
      %dma_wait3A_374 = tpu.memref_slice %arg14[%add3A_329] : memref<100096xf32, #tpu.memory_space<vmem_shared>> -> memref<2048xf32, #tpu.memory_space<vmem_shared>>
      tpu.wait_dma2 semaphore(%run_scoped3A_370 : memref<!tpu.dma_semaphore, #tpu.memory_space<semaphore_mem>>) src(%dma_wait3A_374 : memref<2048xf32, #tpu.memory_space<vmem_shared>>) dst(%arg7 : memref<2048xf32, #tpu.memory_space<vmem>>)
      tpu.yield
    }) : () -> ()
    %mul3A_330 = arith.constant 100096 : i32
    %mul3A_331 = arith.muli %arg0, %mul3A_330 : i32
    %mul3A_332 = arith.constant 6256 : i32
    %mul3A_333 = arith.muli %arg1, %mul3A_332 : i32
    %add3A_334 = arith.addi %mul3A_331, %mul3A_333 : i32
    %add3A_335 = arith.constant 0 : i32
    %add3A_336 = arith.addi %add3A_334, %add3A_335 : i32
    "tpu.region"() ({
      %run_scoped3A_370 = tpu.sem_alloc : memref<!tpu.dma_semaphore, #tpu.memory_space<semaphore_mem>>
      %dma_start3A_371 = tpu.memref_slice %arg4[%add3A_336] : memref<200192xf32, #tpu.memory_space<hbm>> -> memref<2048xf32, #tpu.memory_space<hbm>>
      %dma_start3A_372 = tpu.memref_slice %arg4[%add3A_336] : memref<200192xf32, #tpu.memory_space<hbm>> -> memref<2048xf32, #tpu.memory_space<hbm>>
      tpu.enqueue_dma source(%arg7 : memref<2048xf32, #tpu.memory_space<vmem>>) target(%dma_start3A_372 : memref<2048xf32, #tpu.memory_space<hbm>>) target_semaphore(%run_scoped3A_370 : memref<!tpu.dma_semaphore, #tpu.memory_space<semaphore_mem>>)
      %dma_wait3A_373 = tpu.memref_slice %arg4[%add3A_336] : memref<200192xf32, #tpu.memory_space<hbm>> -> memref<2048xf32, #tpu.memory_space<hbm>>
      %dma_wait3A_374 = tpu.memref_slice %arg4[%add3A_336] : memref<200192xf32, #tpu.memory_space<hbm>> -> memref<2048xf32, #tpu.memory_space<hbm>>
      tpu.wait_dma2 semaphore(%run_scoped3A_370 : memref<!tpu.dma_semaphore, #tpu.memory_space<semaphore_mem>>) src(%arg7 : memref<2048xf32, #tpu.memory_space<vmem>>) dst(%dma_wait3A_374 : memref<2048xf32, #tpu.memory_space<hbm>>)
      tpu.yield
    }) : () -> ()
    %mul3A_337 = arith.constant 6256 : i32
    %mul3A_338 = arith.muli %arg1, %mul3A_337 : i32
    %add3A_339 = arith.constant 2048 : i32
    %add3A_340 = arith.addi %mul3A_338, %add3A_339 : i32
    "tpu.region"() ({
      %run_scoped3A_370 = tpu.sem_alloc : memref<!tpu.dma_semaphore, #tpu.memory_space<semaphore_mem>>
      %dma_start3A_371 = tpu.memref_slice %arg14[%add3A_340] : memref<100096xf32, #tpu.memory_space<vmem_shared>> -> memref<2048xf32, #tpu.memory_space<vmem_shared>>
      %dma_start3A_372 = tpu.memref_slice %arg14[%add3A_340] : memref<100096xf32, #tpu.memory_space<vmem_shared>> -> memref<2048xf32, #tpu.memory_space<vmem_shared>>
      tpu.enqueue_dma source(%dma_start3A_372 : memref<2048xf32, #tpu.memory_space<vmem_shared>>) target(%arg7 : memref<2048xf32, #tpu.memory_space<vmem>>) target_semaphore(%run_scoped3A_370 : memref<!tpu.dma_semaphore, #tpu.memory_space<semaphore_mem>>)
      %dma_wait3A_373 = tpu.memref_slice %arg14[%add3A_340] : memref<100096xf32, #tpu.memory_space<vmem_shared>> -> memref<2048xf32, #tpu.memory_space<vmem_shared>>
      %dma_wait3A_374 = tpu.memref_slice %arg14[%add3A_340] : memref<100096xf32, #tpu.memory_space<vmem_shared>> -> memref<2048xf32, #tpu.memory_space<vmem_shared>>
      tpu.wait_dma2 semaphore(%run_scoped3A_370 : memref<!tpu.dma_semaphore, #tpu.memory_space<semaphore_mem>>) src(%dma_wait3A_374 : memref<2048xf32, #tpu.memory_space<vmem_shared>>) dst(%arg7 : memref<2048xf32, #tpu.memory_space<vmem>>)
      tpu.yield
    }) : () -> ()
    %mul3A_341 = arith.constant 100096 : i32
    %mul3A_342 = arith.muli %arg0, %mul3A_341 : i32
    %mul3A_343 = arith.constant 6256 : i32
    %mul3A_344 = arith.muli %arg1, %mul3A_343 : i32
    %add3A_345 = arith.addi %mul3A_342, %mul3A_344 : i32
    %add3A_346 = arith.constant 2048 : i32
    %add3A_347 = arith.addi %add3A_345, %add3A_346 : i32
    "tpu.region"() ({
      %run_scoped3A_370 = tpu.sem_alloc : memref<!tpu.dma_semaphore, #tpu.memory_space<semaphore_mem>>
      %dma_start3A_371 = tpu.memref_slice %arg4[%add3A_347] : memref<200192xf32, #tpu.memory_space<hbm>> -> memref<2048xf32, #tpu.memory_space<hbm>>
      %dma_start3A_372 = tpu.memref_slice %arg4[%add3A_347] : memref<200192xf32, #tpu.memory_space<hbm>> -> memref<2048xf32, #tpu.memory_space<hbm>>
      tpu.enqueue_dma source(%arg7 : memref<2048xf32, #tpu.memory_space<vmem>>) target(%dma_start3A_372 : memref<2048xf32, #tpu.memory_space<hbm>>) target_semaphore(%run_scoped3A_370 : memref<!tpu.dma_semaphore, #tpu.memory_space<semaphore_mem>>)
      %dma_wait3A_373 = tpu.memref_slice %arg4[%add3A_347] : memref<200192xf32, #tpu.memory_space<hbm>> -> memref<2048xf32, #tpu.memory_space<hbm>>
      %dma_wait3A_374 = tpu.memref_slice %arg4[%add3A_347] : memref<200192xf32, #tpu.memory_space<hbm>> -> memref<2048xf32, #tpu.memory_space<hbm>>
      tpu.wait_dma2 semaphore(%run_scoped3A_370 : memref<!tpu.dma_semaphore, #tpu.memory_space<semaphore_mem>>) src(%arg7 : memref<2048xf32, #tpu.memory_space<vmem>>) dst(%dma_wait3A_374 : memref<2048xf32, #tpu.memory_space<hbm>>)
      tpu.yield
    }) : () -> ()
    %mul3A_348 = arith.constant 6256 : i32
    %mul3A_349 = arith.muli %arg1, %mul3A_348 : i32
    %add3A_350 = arith.constant 4096 : i32
    %add3A_351 = arith.addi %mul3A_349, %add3A_350 : i32
    "tpu.region"() ({
      %run_scoped3A_370 = tpu.sem_alloc : memref<!tpu.dma_semaphore, #tpu.memory_space<semaphore_mem>>
      %dma_start3A_371 = tpu.memref_slice %arg14[%add3A_351] : memref<100096xf32, #tpu.memory_space<vmem_shared>> -> memref<2048xf32, #tpu.memory_space<vmem_shared>>
      %dma_start3A_372 = tpu.memref_slice %arg14[%add3A_351] : memref<100096xf32, #tpu.memory_space<vmem_shared>> -> memref<2048xf32, #tpu.memory_space<vmem_shared>>
      tpu.enqueue_dma source(%dma_start3A_372 : memref<2048xf32, #tpu.memory_space<vmem_shared>>) target(%arg7 : memref<2048xf32, #tpu.memory_space<vmem>>) target_semaphore(%run_scoped3A_370 : memref<!tpu.dma_semaphore, #tpu.memory_space<semaphore_mem>>)
      %dma_wait3A_373 = tpu.memref_slice %arg14[%add3A_351] : memref<100096xf32, #tpu.memory_space<vmem_shared>> -> memref<2048xf32, #tpu.memory_space<vmem_shared>>
      %dma_wait3A_374 = tpu.memref_slice %arg14[%add3A_351] : memref<100096xf32, #tpu.memory_space<vmem_shared>> -> memref<2048xf32, #tpu.memory_space<vmem_shared>>
      tpu.wait_dma2 semaphore(%run_scoped3A_370 : memref<!tpu.dma_semaphore, #tpu.memory_space<semaphore_mem>>) src(%dma_wait3A_374 : memref<2048xf32, #tpu.memory_space<vmem_shared>>) dst(%arg7 : memref<2048xf32, #tpu.memory_space<vmem>>)
      tpu.yield
    }) : () -> ()
    %mul3A_352 = arith.constant 100096 : i32
    %mul3A_353 = arith.muli %arg0, %mul3A_352 : i32
    %mul3A_354 = arith.constant 6256 : i32
    %mul3A_355 = arith.muli %arg1, %mul3A_354 : i32
    %add3A_356 = arith.addi %mul3A_353, %mul3A_355 : i32
    %add3A_357 = arith.constant 4096 : i32
    %add3A_358 = arith.addi %add3A_356, %add3A_357 : i32
    "tpu.region"() ({
      %run_scoped3A_370 = tpu.sem_alloc : memref<!tpu.dma_semaphore, #tpu.memory_space<semaphore_mem>>
      %dma_start3A_371 = tpu.memref_slice %arg4[%add3A_358] : memref<200192xf32, #tpu.memory_space<hbm>> -> memref<2048xf32, #tpu.memory_space<hbm>>
      %dma_start3A_372 = tpu.memref_slice %arg4[%add3A_358] : memref<200192xf32, #tpu.memory_space<hbm>> -> memref<2048xf32, #tpu.memory_space<hbm>>
      tpu.enqueue_dma source(%arg7 : memref<2048xf32, #tpu.memory_space<vmem>>) target(%dma_start3A_372 : memref<2048xf32, #tpu.memory_space<hbm>>) target_semaphore(%run_scoped3A_370 : memref<!tpu.dma_semaphore, #tpu.memory_space<semaphore_mem>>)
      %dma_wait3A_373 = tpu.memref_slice %arg4[%add3A_358] : memref<200192xf32, #tpu.memory_space<hbm>> -> memref<2048xf32, #tpu.memory_space<hbm>>
      %dma_wait3A_374 = tpu.memref_slice %arg4[%add3A_358] : memref<200192xf32, #tpu.memory_space<hbm>> -> memref<2048xf32, #tpu.memory_space<hbm>>
      tpu.wait_dma2 semaphore(%run_scoped3A_370 : memref<!tpu.dma_semaphore, #tpu.memory_space<semaphore_mem>>) src(%arg7 : memref<2048xf32, #tpu.memory_space<vmem>>) dst(%dma_wait3A_374 : memref<2048xf32, #tpu.memory_space<hbm>>)
      tpu.yield
    }) : () -> ()
    %mul3A_359 = arith.constant 6256 : i32
    %mul3A_360 = arith.muli %arg1, %mul3A_359 : i32
    %add3A_361 = arith.constant 6144 : i32
    %add3A_362 = arith.addi %mul3A_360, %add3A_361 : i32
    "tpu.region"() ({
      %run_scoped3A_370 = tpu.sem_alloc : memref<!tpu.dma_semaphore, #tpu.memory_space<semaphore_mem>>
      %dma_start3A_371 = arith.constant 0 : i32
      %dma_start3A_372 = tpu.memref_slice %arg7[%dma_start3A_371] : memref<2048xf32, #tpu.memory_space<vmem>> -> memref<112xf32, #tpu.memory_space<vmem>>
      %dma_start3A_373 = tpu.memref_slice %arg14[%add3A_362] : memref<100096xf32, #tpu.memory_space<vmem_shared>> -> memref<112xf32, #tpu.memory_space<vmem_shared>>
      %dma_start3A_374 = arith.constant 0 : i32
      %dma_start3A_375 = tpu.memref_slice %arg7[%dma_start3A_374] : memref<2048xf32, #tpu.memory_space<vmem>> -> memref<112xf32, #tpu.memory_space<vmem>>
      %dma_start3A_376 = tpu.memref_slice %arg14[%add3A_362] : memref<100096xf32, #tpu.memory_space<vmem_shared>> -> memref<112xf32, #tpu.memory_space<vmem_shared>>
      tpu.enqueue_dma source(%dma_start3A_376 : memref<112xf32, #tpu.memory_space<vmem_shared>>) target(%dma_start3A_375 : memref<112xf32, #tpu.memory_space<vmem>>) target_semaphore(%run_scoped3A_370 : memref<!tpu.dma_semaphore, #tpu.memory_space<semaphore_mem>>)
      %dma_wait3A_377 = arith.constant 0 : i32
      %dma_wait3A_378 = tpu.memref_slice %arg7[%dma_wait3A_377] : memref<2048xf32, #tpu.memory_space<vmem>> -> memref<112xf32, #tpu.memory_space<vmem>>
      %dma_wait3A_379 = tpu.memref_slice %arg14[%add3A_362] : memref<100096xf32, #tpu.memory_space<vmem_shared>> -> memref<112xf32, #tpu.memory_space<vmem_shared>>
      %dma_wait3A_380 = arith.constant 0 : i32
      %dma_wait3A_381 = tpu.memref_slice %arg7[%dma_wait3A_380] : memref<2048xf32, #tpu.memory_space<vmem>> -> memref<112xf32, #tpu.memory_space<vmem>>
      %dma_wait3A_382 = tpu.memref_slice %arg14[%add3A_362] : memref<100096xf32, #tpu.memory_space<vmem_shared>> -> memref<112xf32, #tpu.memory_space<vmem_shared>>
      tpu.wait_dma2 semaphore(%run_scoped3A_370 : memref<!tpu.dma_semaphore, #tpu.memory_space<semaphore_mem>>) src(%dma_wait3A_382 : memref<112xf32, #tpu.memory_space<vmem_shared>>) dst(%dma_wait3A_381 : memref<112xf32, #tpu.memory_space<vmem>>)
      tpu.yield
    }) : () -> ()
    %mul3A_363 = arith.constant 100096 : i32
    %mul3A_364 = arith.muli %arg0, %mul3A_363 : i32
    %mul3A_365 = arith.constant 6256 : i32
    %mul3A_366 = arith.muli %arg1, %mul3A_365 : i32
    %add3A_367 = arith.addi %mul3A_364, %mul3A_366 : i32
    %add3A_368 = arith.constant 6144 : i32
    %add3A_369 = arith.addi %add3A_367, %add3A_368 : i32
    "tpu.region"() ({
      %run_scoped3A_370 = tpu.sem_alloc : memref<!tpu.dma_semaphore, #tpu.memory_space<semaphore_mem>>
      %dma_start3A_371 = arith.constant 0 : i32
      %dma_start3A_372 = tpu.memref_slice %arg7[%dma_start3A_371] : memref<2048xf32, #tpu.memory_space<vmem>> -> memref<112xf32, #tpu.memory_space<vmem>>
      %dma_start3A_373 = tpu.memref_slice %arg4[%add3A_369] : memref<200192xf32, #tpu.memory_space<hbm>> -> memref<112xf32, #tpu.memory_space<hbm>>
      %dma_start3A_374 = tpu.memref_slice %arg4[%add3A_369] : memref<200192xf32, #tpu.memory_space<hbm>> -> memref<112xf32, #tpu.memory_space<hbm>>
      %dma_start3A_375 = arith.constant 0 : i32
      %dma_start3A_376 = tpu.memref_slice %arg7[%dma_start3A_375] : memref<2048xf32, #tpu.memory_space<vmem>> -> memref<112xf32, #tpu.memory_space<vmem>>
      tpu.enqueue_dma source(%dma_start3A_376 : memref<112xf32, #tpu.memory_space<vmem>>) target(%dma_start3A_374 : memref<112xf32, #tpu.memory_space<hbm>>) target_semaphore(%run_scoped3A_370 : memref<!tpu.dma_semaphore, #tpu.memory_space<semaphore_mem>>)
      %dma_wait3A_377 = arith.constant 0 : i32
      %dma_wait3A_378 = tpu.memref_slice %arg7[%dma_wait3A_377] : memref<2048xf32, #tpu.memory_space<vmem>> -> memref<112xf32, #tpu.memory_space<vmem>>
      %dma_wait3A_379 = tpu.memref_slice %arg4[%add3A_369] : memref<200192xf32, #tpu.memory_space<hbm>> -> memref<112xf32, #tpu.memory_space<hbm>>
      %dma_wait3A_380 = tpu.memref_slice %arg4[%add3A_369] : memref<200192xf32, #tpu.memory_space<hbm>> -> memref<112xf32, #tpu.memory_space<hbm>>
      %dma_wait3A_381 = arith.constant 0 : i32
      %dma_wait3A_382 = tpu.memref_slice %arg7[%dma_wait3A_381] : memref<2048xf32, #tpu.memory_space<vmem>> -> memref<112xf32, #tpu.memory_space<vmem>>
      tpu.wait_dma2 semaphore(%run_scoped3A_370 : memref<!tpu.dma_semaphore, #tpu.memory_space<semaphore_mem>>) src(%dma_wait3A_382 : memref<112xf32, #tpu.memory_space<vmem>>) dst(%dma_wait3A_380 : memref<112xf32, #tpu.memory_space<hbm>>)
      tpu.yield
    }) : () -> ()
    return
  }
}

module attributes {stable_mosaic.version = 14 : i64} {
  func.func @_vol_body(%arg0: i32, %arg1: memref<5888x16xf32, #tpu.memory_space<vmem>>, %arg2: memref<5888x1xf32, #tpu.memory_space<vmem>>) attributes {dimension_semantics = [#tpu.dimension_semantics<arbitrary>], iteration_bounds = array<i64: 17>, scalar_prefetch = 0 : i64, scratch_operands = 0 : i64, tpu.core_type = #tpu.core_type<tc>, window_params = [{transform_indices = @transform_0, window_bounds = array<i64: 5888, 16>}, {transform_indices = @transform_1, window_bounds = array<i64: 5888, 1>}]} {
    %get3A = arith.constant 0 : index
    %get3A_0 = arith.constant 7 : index
    %get3A_1 = vector.load %arg1[%get3A, %get3A_0] : memref<5888x16xf32, #tpu.memory_space<vmem>>, vector<5888x1xf32>
    %swap3A = arith.constant 0 : index
    %swap3A_2 = arith.constant 0 : index
    %swap3A_3 = vector.load %arg2[%swap3A, %swap3A_2] : memref<5888x1xf32, #tpu.memory_space<vmem>>, vector<5888x1xf32>
    tpu.vector_store %arg2[%swap3A, %swap3A_2], %get3A_1 {strides = array<i32>} : memref<5888x1xf32, #tpu.memory_space<vmem>>, vector<5888x1xf32>,
    return
  }
  func.func @transform_0(%arg0: i32) -> (i32, i32) {
    %c0_i32 = arith.constant 0 : i32
    %c0_i32_0 = arith.constant 0 : i32
    return %arg0, %c0_i32 : i32, i32
  }
  func.func @transform_1(%arg0: i32) -> (i32, i32) {
    %c0_i32 = arith.constant 0 : i32
    %c0_i32_0 = arith.constant 0 : i32
    return %arg0, %c0_i32 : i32, i32
  }
}

module attributes {stable_mosaic.version = 14 : i64} {
  func.func @_finish_body(%arg0: i32, %arg1: memref<2x5888xf32, #tpu.memory_space<vmem>>, %arg2: memref<5888x1xf32, #tpu.memory_space<vmem>>, %arg3: memref<1x1xf32, #tpu.memory_space<vmem>>, %arg4: memref<2x1xf32, #tpu.memory_space<vmem>>) attributes {dimension_semantics = [#tpu.dimension_semantics<arbitrary>], iteration_bounds = array<i64: 17>, scalar_prefetch = 0 : i64, scratch_operands = 1 : i64, tpu.core_type = #tpu.core_type<tc>, window_params = [{transform_indices = @transform_0, window_bounds = array<i64: 2, 5888>}, {transform_indices = @transform_1, window_bounds = array<i64: 5888, 1>}, {pipeline_mode = #tpu.pipeline_mode<synchronous>, transform_indices = @transform_2, window_bounds = array<i64: 1, 1>}]} {
    %get3A = arith.constant 0 : index
    %get3A_0 = arith.constant 0 : index
    %get3A_1 = vector.load %arg1[%get3A, %get3A_0] : memref<2x5888xf32, #tpu.memory_space<vmem>>, vector<1x5888xf32>
    %get3A_2 = arith.constant 1 : index
    %get3A_3 = arith.constant 0 : index
    %get3A_4 = vector.load %arg1[%get3A_2, %get3A_3] : memref<2x5888xf32, #tpu.memory_space<vmem>>, vector<1x5888xf32>
    %add3A = arith.addf %get3A_1, %get3A_4 : vector<1x5888xf32>
    %mul3A = arith.mulf %add3A, %add3A : vector<1x5888xf32>
    %get3A_5 = arith.constant 0 : index
    %get3A_6 = arith.constant 0 : index
    %get3A_7 = vector.load %arg2[%get3A_5, %get3A_6] : memref<5888x1xf32, #tpu.memory_space<vmem>>, vector<5888x1xf32>
    %dot_general3A = arith.constant dense<0.000000e+00> : vector<1x1xf32>
    %dot_general3A_8 = tpu.matmul %mul3A, %get3A_7, %dot_general3A {dimension_numbers = #tpu.dot_dimension_numbers<[1], [0], [0], [1], [0, 0, 1, 1], [], []>, transpose_lhs_hint = false} : vector<1x5888xf32>, vector<5888x1xf32>, vector<1x1xf32> -> vector<1x1xf32>
    %slice3A = vector.extract_strided_slice %get3A_7 {offsets = [5792, 0], sizes = [96, 1], strides = [1, 1]} : vector<5888x1xf32> to vector<96x1xf32>
    %reduce_sum3A = vector.shape_cast %slice3A : vector<96x1xf32> to vector<1x96x1xf32>
    %reduce_sum3A_9 = arith.constant dense<0.000000e+00> : vector<1xf32>
    %reduce_sum3A_10 = vector.multi_reduction <add>, %reduce_sum3A, %reduce_sum3A_9 [1, 2] : vector<1x96x1xf32> to vector<1xf32>
    %reduce_sum3A_11 = vector.shape_cast %reduce_sum3A_10 : vector<1xf32> to vector<1x1x1xf32>
    %reduce_sum3A_12 = vector.extract %reduce_sum3A_11[0, 0, 0] : f32 from vector<1x1x1xf32>
    %broadcast_in_dim3A = vector.broadcast %reduce_sum3A_12 : f32 to vector<1x1xf32>
    %reduce_sum3A_13 = vector.shape_cast %get3A_7 : vector<5888x1xf32> to vector<1x5888x1xf32>
    %reduce_sum3A_14 = arith.constant dense<0.000000e+00> : vector<1xf32>
    %reduce_sum3A_15 = vector.multi_reduction <add>, %reduce_sum3A_13, %reduce_sum3A_14 [1, 2] : vector<1x5888x1xf32> to vector<1xf32>
    %reduce_sum3A_16 = vector.shape_cast %reduce_sum3A_15 : vector<1xf32> to vector<1x1x1xf32>
    %reduce_sum3A_17 = vector.extract %reduce_sum3A_16[0, 0, 0] : f32 from vector<1x1x1xf32>
    %broadcast_in_dim3A_18 = vector.broadcast %reduce_sum3A_17 : f32 to vector<1x1xf32>
    %eq3A = arith.constant 16 : i32
    %eq3A_19 = arith.cmpi eq, %arg0, %eq3A : i32
    %jit3A = arith.constant 0.000000e+00 : f32
    %broadcast_in_dim3A_20 = vector.broadcast %jit3A : f32 to vector<1x1xf32>
    %select_n3A = arith.select %eq3A_19, %broadcast_in_dim3A, %broadcast_in_dim3A_20 : vector<1x1xf32>
    %sub3A = arith.subf %broadcast_in_dim3A_18, %select_n3A : vector<1x1xf32>
    %eq3A_21 = arith.constant 0 : i32
    %eq3A_22 = arith.cmpi eq, %arg0, %eq3A_21 : i32
    %convert_element_type3A = arith.extui %eq3A_22 : i1 to i32
    %cond3A = arith.constant 0 : i32
    %cond3A_23 = arith.cmpi ne, %convert_element_type3A, %cond3A : i32
    scf.if %cond3A_23 {
      %broadcast_in_dim3A_35 = arith.constant 0.000000e+00 : f32
      %broadcast_in_dim3A_36 = vector.broadcast %broadcast_in_dim3A_35 : f32 to vector<2x1xf32>
      %swap3A_37 = arith.constant 0 : index
      %swap3A_38 = arith.constant 0 : index
      %swap3A_39 = vector.load %arg4[%swap3A_37, %swap3A_38] : memref<2x1xf32, #tpu.memory_space<vmem>>, vector<2x1xf32>
      tpu.vector_store %arg4[%swap3A_37, %swap3A_38], %broadcast_in_dim3A_36 {strides = array<i32>} : memref<2x1xf32, #tpu.memory_space<vmem>>, vector<2x1xf32>,
    } else {
    }
    %get3A_24 = arith.constant 0 : index
    %get3A_25 = arith.constant 0 : index
    %get3A_26 = vector.load %arg4[%get3A_24, %get3A_25] : memref<2x1xf32, #tpu.memory_space<vmem>>, vector<2x1xf32>
    %concatenate3A = tpu.concatenate %dot_general3A_8, %sub3A in 0 : vector<1x1xf32>, vector<1x1xf32> -> vector<2x1xf32>
    %add3A_27 = arith.addf %get3A_26, %concatenate3A : vector<2x1xf32>
    %swap3A = arith.constant 0 : index
    %swap3A_28 = arith.constant 0 : index
    %swap3A_29 = vector.load %arg4[%swap3A, %swap3A_28] : memref<2x1xf32, #tpu.memory_space<vmem>>, vector<2x1xf32>
    tpu.vector_store %arg4[%swap3A, %swap3A_28], %add3A_27 {strides = array<i32>} : memref<2x1xf32, #tpu.memory_space<vmem>>, vector<2x1xf32>,
    %eq3A_30 = arith.constant 16 : i32
    %eq3A_31 = arith.cmpi eq, %arg0, %eq3A_30 : i32
    %convert_element_type3A_32 = arith.extui %eq3A_31 : i1 to i32
    %cond3A_33 = arith.constant 0 : i32
    %cond3A_34 = arith.cmpi ne, %convert_element_type3A_32, %cond3A_33 : i32
    scf.if %cond3A_34 {
      %get3A_35 = arith.constant 0 : index
      %get3A_36 = arith.constant 0 : index
      %get3A_37 = vector.load %arg4[%get3A_35, %get3A_36] : memref<2x1xf32, #tpu.memory_space<vmem>>, vector<1x1xf32>
      %get3A_38 = arith.constant 1 : index
      %get3A_39 = arith.constant 0 : index
      %get3A_40 = vector.load %arg4[%get3A_38, %get3A_39] : memref<2x1xf32, #tpu.memory_space<vmem>>, vector<1x1xf32>
      %add3A_41 = arith.constant 1.000000e-01 : f32
      %add3A_42 = vector.broadcast %add3A_41 : f32 to vector<1x1xf32>
      %add3A_43 = arith.addf %get3A_40, %add3A_42 : vector<1x1xf32>
      %div3A = arith.divf %get3A_37, %add3A_43 : vector<1x1xf32>
      %swap3A_44 = arith.constant 0 : index
      %swap3A_45 = arith.constant 0 : index
      %swap3A_46 = vector.load %arg3[%swap3A_44, %swap3A_45] : memref<1x1xf32, #tpu.memory_space<vmem>>, vector<1x1xf32>
      tpu.vector_store %arg3[%swap3A_44, %swap3A_45], %div3A {strides = array<i32>} : memref<1x1xf32, #tpu.memory_space<vmem>>, vector<1x1xf32>,
    } else {
    }
    return
  }
  func.func @transform_0(%arg0: i32) -> (i32, i32) {
    %c0_i32 = arith.constant 0 : i32
    %c0_i32_0 = arith.constant 0 : i32
    return %c0_i32, %arg0 : i32, i32
  }
  func.func @transform_1(%arg0: i32) -> (i32, i32) {
    %c0_i32 = arith.constant 0 : i32
    %c0_i32_0 = arith.constant 0 : i32
    return %arg0, %c0_i32 : i32, i32
  }
  func.func @transform_2(%arg0: i32) -> (i32, i32) {
    %c0_i32 = arith.constant 0 : i32
    %c0_i32_0 = arith.constant 0 : i32
    %c0_i32_1 = arith.constant 0 : i32
    return %c0_i32, %c0_i32_0 : i32, i32
  }
}

</mosaic_0001>

<sc_bundles>
// kernel: kernel.5.cloned.1.call-start
scs
__scs_entry_jumppad:
0x0: {  	(pc) =	sbr.rel $0x88, $3  }
0x1: {  	(tag) =	ssettag $0x0;
	lr =	simm.s32 $0x1  }
0x2: {  	[smem:$0x3F9E] =	sst lr;
	_ =	strace $0xD0000000  }
0x3: {  	_ = 	snop  }
0x4: {  	_ = 	snop  }
0x5: {  	_ = 	snop  }
0x6: {  	_ = 	snop  }
0x7: {  	_ = 	snop  }
__scs_overlays_trampoline_lowered:
0x8: {  	[smem:$0x3FAD] =	sst s0  }
0x9: {  	[smem:$0x3FAE] =	sst s1  }
0xa: {  	[smem:$0x3FAF] =	sst s2  }
0xb: {  	[smem:$0x3FB0] =	sst s3  }
0xc: {  	[smem:$0x3FB1] =	sst s4  }
0xd: {  	[smem:$0x3FB2] =	sst s5  }
0xe: {  	[smem:$0x3FB3] =	sst s6  }
0xf: {  	[smem:$0x3FB4] =	sst s7  }
0x10: {  	[smem:$0x3FB5] =	sst s8  }
0x11: {  	[smem:$0x3FB6] =	sst s9;
	s0 =	simm.s32 @!p0 $0x0  }
0x12: {  	s1 =	sld [smem:$0x3F9C];
	s0 =	simm.s32 @p0 $0x1  }
0x13: {  	[smem:$0x3FB7] =	sst s0;
	s0 =	simm.s32 @!p1 $0x0  }
0x14: {  	s2 =	sld [smem:$0x3F9B];
	s0 =	simm.s32 @p1 $0x1  }
0x15: {  	[smem:$0x3FB8] =	sst s0;
	s0 =	simm.s32 @!p2 $0x0  }
0x16: {  	s3 =	sld [smem:$0x3FDB];
	s0 =	simm.s32 @p2 $0x1  }
0x17: {  	s4 =	simm.s32 $0x1BF5;
	[smem:$0x3FBA] =	sst s0  }
0x18: {  	s0 =	sld [smem:$0x3F9D];
	_ =	swait.ge [sflag:s4], $0x0  }
0x19: {  	s7 =	sld [smem:$0x3F9E]  }
0x1a: {  	s8 =	sadd.s32 $0xFFFFE003, lr  }
0x1b: {  	s9 =	sadd.s32 $0xFFFFFEF7, lr;
	s5 =	simm.s32 $0xFFFFFFFF;
	p2 =	slt.u32 s8, $0xFFFFF086  }
0x1c: {  	p1 =	slt.u32 s9, $0xF7A;
	s5 =	simm.s32 @!p2 $0x0  }
0x1d: {  	s5 =	simm.s32 @p1 $0x1;
	p0 =	seq.s32 s7, s2  }
0x1e: {  	s7 =	smul.u32 @!p0 $0xF7A, s2;
	p2 =	seq.s32 @!p0 s5, $0x0  }
0x1f: {  	s9 =	smul.u32 $0xF7A, s1;
	s8 =	simm.s32 @!p0 $0x1BF5;
	p2 =	por !p2, p0  }
0x20: {  	[sflag:s8] =	ssyncset.s32 @!p0 $0xFFFFF086;
	s6 =	sadd.s32 @!p0 s3, s7;
	s7 =	simm.s32 @!p0 $0x108  }
0x21: {  	s3 =	sadd.s32 s3, s9;
	s6 =	sadd.s32 @!p0 $0x88, s6;
	s7 =	simm.s32 @p2 $0x1082  }
0x22: {  	[simem:s7], [sflag:s8] =	dma.local @!p0 [hbm:s6], $0xF7A  }
0x23: {  	s9 =	sor.u32 $0xD0000000, s2;
	s6 =	simm.s32 $0x108;
	_ =	swait.ge @!p0 [sflag:s8], $0x0  }
0x24: {  	s3 =	sadd.s32 $0x88, s3;
	s6 =	simm.s32 @!p1 $0x1082;
	[sflag:s4] =	ssyncset.s32 $0xFFFFF086  }
0x25: {  	[simem:s6], [sflag:s4] =	dma.local [hbm:s3], $0xF7A  }
0x26: {  	[smem:$0x3F9E] =	sst s1;
	(tag) =	ssettag s2;
	_ =	strace s9  }
0x27: {  	s1 =	sld [smem:$0x3FAE]  }
0x28: {  	s2 =	sld [smem:$0x3FAF]  }
0x29: {  	s4 =	sld [smem:$0x3FB1]  }
0x2a: {  	p0 =	seq.s32 s5, $0x0;
	s5 =	sld [smem:$0x3FB2]  }
0x2b: {  	s6 =	sld [smem:$0x3FB3]  }
0x2c: {  	s7 =	sld [smem:$0x3FB4]  }
0x2d: {  	s3 =	simm.s32 $0x108;
	s8 =	sld [smem:$0x3FB5]  }
0x2e: {  	s3 =	simm.s32 @!p0 $0x1082;
	s9 =	sld [smem:$0x3FB6]  }
0x2f: {  	lr =	sadd.s32 s0, s3;
	s0 =	sld [smem:$0x3FAD]  }
0x30: {  	s3 =	sld [smem:$0x3FB0]  }
0x31: {  	[smem:$0x3FB9] =	sst s10  }
0x32: {  	s10 =	sld [smem:$0x3FB7];
	_ =	sdelay $0x3  }
0x33: {  	p0 =	seq.s32 s10, $0x1;
	s10 =	sld [smem:$0x3FB9];
	_ =	sdelay $0x3  }
0x34: {  	[smem:$0x3FB9] =	sst s10  }
0x35: {  	s10 =	sld [smem:$0x3FB8];
	_ =	sdelay $0x3  }
0x36: {  	p1 =	seq.s32 s10, $0x1;
	s10 =	sld [smem:$0x3FB9];
	_ =	sdelay $0x3  }
0x37: {  	[smem:$0x3FB9] =	sst s10  }
0x38: {  	s10 =	sld [smem:$0x3FBA]  }
0x39: {  	_ = 	snop;
	(pc) =	sbr.ind lr, $3  }
0x3a: {  	_ = 	snop  }
0x3b: {  	_ = 	snop  }
0x3c: {  	p2 =	seq.s32 s10, $0x1;
	s10 =	sld [smem:$0x3FB9]  }
0x3d: {  	_ =	shalt  }
0x3e: {  	_ =	shalt  }
0x3f: {  	_ =	shalt  }
0x40: {  	_ =	shalt  }
0x41: {  	_ =	shalt  }
0x42: {  	_ =	shalt  }
0x43: {  	_ =	shalt  }
0x44: {  	_ =	shalt  }
0x45: {  	_ =	shalt  }
0x46: {  	_ =	shalt  }
0x47: {  	_ =	shalt  }
0x48: {  	_ =	shalt  }
0x49: {  	_ =	shalt  }
0x4a: {  	_ =	shalt  }
0x4b: {  	_ =	shalt  }
0x4c: {  	_ =	shalt  }
0x4d: {  	_ =	shalt  }
0x4e: {  	_ =	shalt  }
0x4f: {  	_ =	shalt  }
0x50: {  	_ =	shalt  }
0x51: {  	_ =	shalt  }
0x52: {  	_ =	shalt  }
0x53: {  	_ =	shalt  }
0x54: {  	_ =	shalt  }
0x55: {  	_ =	shalt  }
0x56: {  	_ =	shalt  }
0x57: {  	_ =	shalt  }
0x58: {  	_ =	shalt  }
0x59: {  	_ =	shalt  }
0x5a: {  	_ =	shalt  }
0x5b: {  	_ =	shalt  }
0x5c: {  	_ =	shalt  }
0x5d: {  	_ =	shalt  }
0x5e: {  	_ =	shalt  }
0x5f: {  	_ =	shalt  }
0x60: {  	_ =	shalt  }
0x61: {  	_ =	shalt  }
0x62: {  	_ =	shalt  }
0x63: {  	_ =	shalt  }
0x64: {  	_ =	shalt  }
0x65: {  	_ =	shalt  }
0x66: {  	_ =	shalt  }
0x67: {  	_ =	shalt  }
0x68: {  	_ =	shalt  }
0x69: {  	_ =	shalt  }
0x6a: {  	_ =	shalt  }
0x6b: {  	_ =	shalt  }
0x6c: {  	_ =	shalt  }
0x6d: {  	_ =	shalt  }
0x6e: {  	_ =	shalt  }
0x6f: {  	_ =	shalt  }
0x70: {  	_ =	shalt  }
0x71: {  	_ =	shalt  }
0x72: {  	_ =	shalt  }
0x73: {  	_ =	shalt  }
0x74: {  	_ =	shalt  }
0x75: {  	_ =	shalt  }
0x76: {  	_ =	shalt  }
0x77: {  	_ =	shalt  }
0x78: {  	_ =	shalt  }
0x79: {  	_ =	shalt  }
0x7a: {  	_ =	shalt  }
0x7b: {  	_ =	shalt  }
0x7c: {  	_ =	shalt  }
0x7d: {  	_ =	shalt  }
0x7e: {  	_ =	shalt  }
0x7f: {  	_ =	shalt  }
0x80: {  	_ =	shalt  }
0x81: {  	_ =	shalt  }
0x82: {  	_ =	shalt  }
0x83: {  	_ =	shalt  }
0x84: {  	_ =	shalt  }
0x85: {  	_ =	shalt  }
0x86: {  	_ =	shalt  }
0x87: {  	_ =	shalt  }
.Lfunc_end0:
.L_simem_size_0:
called_computation_lowered:
.L_overlay_start_0:
0x88: {  	s2 =	sld [smem:$0x3FD9]  }
0x89: {  	s3 =	sld [smem:$0x3FFE];
	_ =	sdelay $0x1  }
0x8a: {  	s1 =	srdreg.scid  }
0x8b: {  	s0 =	sand.u32 $0x1, s1  }
0x8c: {  	s17 =	sshll.u32 s0, $0xA;
	s2 =	sadd.s32 s3, s2  }
0x8d: {  	s2 =	sadd.s32 s2, s17  }
0x8e: {  	[smem:$0x3FC5] =	sst s2  }
0x8f: {  	_ = 	snop  }
0x90: {  	s2 =	sld [smem:$0x3FC8];
	(tm) =	ssettm $0x1  }
0x91: {  	s18 =	sld [smem:$0x3FFB];
	_ =	sdelay $0x3  }
0x92: {  	_ =	strace s18  }
0x93: {  	s3 =	sld [smem:$0x3FFC];
	_ =	sdelay $0x3  }
0x94: {  	_ =	strace s3  }
0x95: {  	s3 =	sld [smem:$0x3FFD];
	_ =	sdelay $0x3  }
0x96: {  	_ =	strace s3  }
0x97: {  	_ =	strace $0x8FFFFFFF  }
0x98: {  	s19 =	sld [smem:$0x3FDB];
	_ =	sdelay $0x1  }
0x99: {  	s4 =	simm.s32 $_scs_section_size  }
0x9a: {  	s5 =	simm.s32 $_size__tile_overlayer_lowered;
	s6 =	simm.s32 $_tile_overlayer_lowered  }
0x9b: {  	s22 =	simm.s32 $0x1BFF;
	s21 =	sshll.u32 s6, $0x1;
	s3 =	sadd.s32 s4, s19  }
0x9c: {  	s7 =	simm.s32 $0x0;
	s20 =	sshll.u32 s5, $0x1;
	s5 =	sadd.s32 s21, s3  }
0x9d: {  	[timem:s7], [sflag:s22] =	dma.local [hbm:s5], s20  }
0x9e: {  	_ =	swait.ge [sflag:s22], s20  }
0x9f: {  	s4 =	ssub.s32 $0x0, s20;
	[sflag:s22] =	ssyncset.done $0x0  }
0xa0: {  	[sflag:s22] =	ssyncadd.s32 s4;
	_ =	sdelay $0x1  }
0xa1: {  	s23 =	simm.s32 $0x1B8B  }
0xa2: {  	_ =	swait.ge [sflag:s23], $0x1  }
0xa3: {  	[sflag:s23] =	ssyncset.done $0x0  }
0xa4: {  	s25 =	simm.s32 $0x1B8E;
	s24 =	sld [smem:$0x3FFE];
	[sflag:s23] =	ssyncadd.s32 $0xFFFFFFFF  }
0xa5: {  	s26 =	simm.s32 $execute0_lowered;
	[smem:$0x3FD2] =	sst s25  }
0xa6: {  	s5 =	sshll.u32 s26, $0x1;
	_ =	strace $0x80000046;
	[dreg:$0x1] =	wrdreg $0xFFFFFFFF  }
0xa7: {  	s28 =	simm.s32 $_size_execute0_lowered;
	s3 =	sadd.s32 s3, s5;
	[dreg:$0x0] =	wrdreg $0x0  }
0xa8: {  	s5 =	sshll.u32 s28, $0x1;
	[dreg:$0x2] =	wrdreg s3  }
0xa9: {  	[dreg:$0x3] =	wrdreg s5  }
0xaa: {  	[dreg:$0x4] =	wrdreg $0xC0  }
0xab: {  	_ =	task [dreg:s7], $0x5FFFF  }
0xac: {  	[dreg:$0x1] =	wrdreg $0xFFFFFFFF  }
0xad: {  	[dreg:$0x0] =	wrdreg $0x60  }
0xae: {  	[dreg:$0x2] =	wrdreg s24  }
0xaf: {  	[dreg:$0x3] =	wrdreg s2  }
0xb0: {  	[dreg:$0x4] =	wrdreg $0x1E7000  }
0xb1: {  	[dreg:$0x5] =	wrdreg $0x9  }
0xb2: {  	_ =	task.clear_ibuf [dreg:s7], $0x6FFFF;
	_ =	strace $0x90000046  }
0xb3: {  	s29 =	simm.s32 $0x9;
	_ =	strace $0x80000048  }
0xb4: {  	_ =	swait.ge [sflag:s29], $0x1  }
0xb5: {  	[sflag:s29] =	ssyncadd.s32 $0xFFFFFFFF  }
0xb6: {  	_ =	strace $0x90000048  }
0xb7: {  	_ =	sfence  }
0xb8: {  	s30 =	sld [smem:$0x0];
	_ =	sdelay $0x2  }
0xb9: {  	s31 =	sshll.u32 s1, $0xD;
	s1 =	sshrl.u32 s1, $0x2  }
0xba: {  	s3 =	sand.u32 $0x4000, s31;
	s1 =	sadd.s32 s1, s30  }
0xbb: {  	s0 =	sor.u32 s3, s0;
	s1 =	sshll.u32 s1, $0x11  }
0xbc: {  	s0 =	sor.u32 s1, s0  }
0xbd: {  	s0 =	sadd.s32 $0x8F2B, s0  }
0xbe: {  	[sflag:s0] =	ssyncadd.remote.s32 $0x1  }
0xbf: {  	_ =	sfence.sel $0xFFFF  }
0xc0: {  	[dreg:$0x0] =	wrdreg $0xFFFFFFFF;
	(pc) =	sbr.abs _section_cstart, $3  }
0xc1: {  	[dreg:$0x1] =	wrdreg $0xFFFFFFFF  }
0xc2: {  	_ =	task.clear_ibuf [dreg:s7], $0x2FFFF;
	_ =	strace $0x9FFFFFFF  }
0xc3: {  	(tm) =	ssettm $0x7FFFFFFF  }
tec
execute0_lowered:
.L_overlay_start_1:
0x0: {  	(tag) =	ssettag $0x1  }
0x1: {  	s0 =	rddreg [dreg:$0x0]  }
0x2: {  	s2 =	rddreg [dreg:$0x1]  }
0x3: {  	s3 =	rddreg [dreg:$0x2]  }
0x4: {  	s1 =	srdreg.scid;
	s8 =	stileid.u32;
	s4 =	simm.s32 $0x0  }
0x5: {  	s28 =	simm.s32 $0x5;
	s30 =	simm.s32 $0x80;
	s10 =	simm.s32 $0x6  }
0x6: {  	s29 =	simm.s32 $0x2;
	s31 =	simm.s32 $0x0;
	s1 =	sand.u32 $0x1, s1  }
0x7: {  	s5 =	smul.u32 $0x1870, s8;
	[smem:$0x7FF] =	sst s4;
	s7 =	sadd.s32 $0x800, s0  }
0x8: {  	s6 =	smul.u32 $0x18700, s1;
	_ =	strace $0x80000047;
	s17 =	sshll.u32 s1, $0x4  }
0x9: {  	[dreg:$0x4] =	wrdreg s7;
	s1 =	ssub.s32 $0x2, s1;
	s7 =	sor.u32 s8, s17  }
0xa: {  	s18 =	sshrl.u32 s1, $0x1;
	s9 =	sadd.s32 s5, s3;
	s17 =	simm.s32 $0x3  }
0xb: {  	s6 =	sadd.s32 s5, s6;
	s19 =	smul.u32 $0x6000, s7;
	s1 =	ssub.s32 s1, s18  }
0xc: {  	s8 =	sadd.s32 $0x800, s9;
	s11 =	sadd.s32 $0x1000, s9;
	s20 =	smul.u32 $0x18000, s7  }
0xd: {  	s16 =	sadd.s32 $0x1800, s9;
	s21 =	sshll.u32 s7, $0x8;
	[dreg:$0x5] =	wrdreg s9  }
0xe: {  	p0 =	sgt.u32 s7, $0x14;
	s6 =	sshrl.u32 s6, $0x3;
	[dreg:$0x6] =	wrdreg s8  }
0xf: {  	s26 =	smax.u32 s1, $0x1;
	s1 =	simm.s32 $0x8;
	[dreg:$0x7] =	wrdreg s11  }
0x10: {  	[dreg:$0x9] =	wrdreg s16;
	s0 =	sadd.s32 s6, s0;
	s5 =	sadd.s32 s2, s19  }
0x11: {  	s12 =	sor.u32 $0x1000, s20;
	s13 =	sor.u32 $0x1800, s20;
	[dreg:$0x11] =	wrdreg s26  }
0x12: {  	s14 =	sor.u32 $0x2000, s20;
	[dreg:$0x8] =	wrdreg s5;
	s5 =	sadd.s32 $0x200, s5  }
0x13: {  	s15 =	sor.u32 $0x2800, s20;
	s23 =	sadd.s32 $0x3A00, s0;
	[dreg:$0xa] =	wrdreg s5  }
0x14: {  	s19 =	simm.s32 $0x7;
	s24 =	sadd.s32 $0x3B00, s0;
	[dreg:$0xd] =	wrdreg s23  }
0x15: {  	s20 =	simm.s32 $0x1;
	s25 =	sadd.s32 $0x3C00, s0;
	[dreg:$0xe] =	wrdreg s24  }
.Ltmp0:
0x16: {  	s0 =	sadd.s32 $0x3D00, s0;
	[dreg:$0xf] =	wrdreg s25;
	(pc) =	sbr.rel .LBB2_1-.Ltmp0, $4  }
0x17: {  	s5 =	sadd.s32 s21, s2;
	[dreg:$0x10] =	wrdreg s0;
	s23 =	simm.s32 $0x9  }
0x18: {  	s24 =	simm.s32 $0x19700;
	s21 =	simm.s32 $0x1DE80;
	s22 =	sadd.s32 $0xC0000, s5  }
0x19: {  	s25 =	simm.s32 $0x1E680;
	s5 =	sadd.s32 $0xC2000, s5;
	[dreg:$0xb] =	wrdreg s22  }
0x1a: {  	v0 =	vimm.f32 $0.0e+00;
	[dreg:$0xc] =	wrdreg s5;
	s22 =	simm.s32 $0x4;
	s5 =	simm.s32 $0x0  }
.LBB2_19:
0x1b: {  	[bflag:$0x0] =	sbarrier.arrive $0xFFFF  }
0x1c: {  	s9 =	rddreg [dreg:$0x5]  }
0x1d: {  	[tilespmem:s24], [sflag:$0x9] =	stream.linear.gather [spmem:s9], $0x800, $0x38;
	[tilespmem:$0x1FF70] =	vst v63  }
0x1e: {  	_ =	swait.ge [sflag:s23], $0x800  }
0x1f: {  	[sflag:s23] =	ssyncset.done $0x0  }
0x20: {  	s0 =	rddreg [dreg:$0xd];
	[sflag:s23] =	ssyncadd.s32 $0xFFFFF800  }
0x21: {  	[hbm4b:s0+s4] =	stream.linear.scatter [tilespmem:s24], [sflag:$0x9], $0x800, $0x38;
	[tilespmem:$0x1FF70] =	vst v63  }
0x22: {  	_ =	swait.ge [sflag:s23], $0x800  }
0x23: {  	[sflag:s23] =	ssyncset.done $0x0  }
0x24: {  	s8 =	rddreg [dreg:$0x6];
	[sflag:s23] =	ssyncadd.s32 $0xFFFFF800  }
0x25: {  	[tilespmem:s24], [sflag:$0x9] =	stream.linear.gather [spmem:s8], $0x800, $0x38;
	[tilespmem:$0x1FF70] =	vst v63  }
0x26: {  	_ =	swait.ge [sflag:s23], $0x800  }
0x27: {  	[sflag:s23] =	ssyncset.done $0x0  }
0x28: {  	s11 =	rddreg [dreg:$0xe];
	[sflag:s23] =	ssyncadd.s32 $0xFFFFF800  }
0x29: {  	[hbm4b:s11+s4] =	stream.linear.scatter [tilespmem:s24], [sflag:$0x9], $0x800, $0x38;
	[tilespmem:$0x1FF70] =	vst v63  }
0x2a: {  	_ =	swait.ge [sflag:s23], $0x800  }
0x2b: {  	[sflag:s23] =	ssyncset.done $0x0  }
0x2c: {  	s11 =	rddreg [dreg:$0x7];
	[sflag:s23] =	ssyncadd.s32 $0xFFFFF800  }
0x2d: {  	[tilespmem:s24], [sflag:$0x9] =	stream.linear.gather [spmem:s11], $0x800, $0x38;
	[tilespmem:$0x1FF70] =	vst v63  }
0x2e: {  	_ =	swait.ge [sflag:s23], $0x800  }
0x2f: {  	[sflag:s23] =	ssyncset.done $0x0  }
0x30: {  	s16 =	rddreg [dreg:$0xf];
	[sflag:s23] =	ssyncadd.s32 $0xFFFFF800  }
0x31: {  	[hbm4b:s16+s4] =	stream.linear.scatter [tilespmem:s24], [sflag:$0x9], $0x800, $0x38;
	[tilespmem:$0x1FF70] =	vst v63  }
0x32: {  	_ =	swait.ge [sflag:s23], $0x800  }
0x33: {  	[sflag:s23] =	ssyncset.done $0x0  }
0x34: {  	s16 =	rddreg [dreg:$0x9];
	[sflag:s23] =	ssyncadd.s32 $0xFFFFF800  }
0x35: {  	[tilespmem:s24], [sflag:$0x9] =	stream.linear.gather [spmem:s16], $0x70, $0x38;
	[tilespmem:$0x1FF70] =	vst v63  }
0x36: {  	_ =	swait.ge [sflag:s23], $0x70  }
0x37: {  	[sflag:s23] =	ssyncset.done $0x0  }
0x38: {  	s18 =	rddreg [dreg:$0x10];
	[sflag:s23] =	ssyncadd.s32 $0xFFFFFF90  }
0x39: {  	[hbm4b:s18+s4] =	stream.linear.scatter [tilespmem:s24], [sflag:$0x9], $0x70, $0x38;
	[tilespmem:$0x1FF70] =	vst v63  }
0x3a: {  	_ =	swait.ge [sflag:s23], $0x70  }
0x3b: {  	s5 =	sadd.s32 $0x1, s5;
	s26 =	rddreg [dreg:$0x11]  }
0x3c: {  	p1 =	sne.s32 s5, s26  }
.Ltmp1:
0x3d: {  	_ = 	snop;
	(pc) =	sbr.rel @!p1 .LBB2_20-.Ltmp1, $3  }
0x3e: {  	_ =	sdelay $0x1  }
0x3f: {  	[sflag:s23] =	ssyncset.done $0x0  }
0x40: {  	[sflag:s23] =	ssyncadd.s32 $0xFFFFFF90  }
.LBB2_1:
0x41: {  	[dreg:$0x12] =	wrdreg s5  }
0x42: {  	s0 =	rddreg [dreg:$0x4]  }
0x43: {  	[tilespmem:s4], [sflag:$0x9] =	stream.linear.gather [hbm4b:s0+s4], $0x18700, $0x38;
	[tilespmem:$0x1FF70] =	vst v63  }
0x44: {  	_ =	swait.ge [sflag:s23], $0x18700  }
0x45: {  	[sflag:s23] =	ssyncset.done $0x0  }
0x46: {  	s5 =	simm.s32 $0x40;
	s7 =	simm.s32 $0x0;
	[sflag:s23] =	ssyncadd.s32 $0xFFFE7900  }
.LBB2_2:
0x47: {  	p1 =	sne.s32 s5, $0x1FC0;
	[tilespmem:s7+$0x19700] =	vst v0;
	s7 =	smov.u32 s5;
	s5 =	sadd.s32 $0x40, s5  }
.Ltmp2:
0x48: {  	(pc) =	sbr.rel @p1 .LBB2_2-.Ltmp2, $2  }
0x49: {  	_ =	sdelay $0x2  }
0x4a: {  	s7 =	sshra.s32 s7, $0x2  }
0x4b: {  	[tilespmem:s7+$0x19700] =	vst v0  }
0x4c: {  	[spmem:s9] =	stream.linear.scatter [tilespmem:s24], [sflag:$0x9], $0x800, $0x38;
	[tilespmem:$0x1FF70] =	vst v63  }
0x4d: {  	_ =	swait.ge [sflag:s23], $0x800  }
0x4e: {  	[sflag:s23] =	ssyncset.done $0x0  }
0x4f: {  	[sflag:s23] =	ssyncadd.s32 $0xFFFFF800  }
0x50: {  	[spmem:s8] =	stream.linear.scatter [tilespmem:s24], [sflag:$0x9], $0x800, $0x38;
	[tilespmem:$0x1FF70] =	vst v63  }
0x51: {  	_ =	swait.ge [sflag:s23], $0x800  }
0x52: {  	[sflag:s23] =	ssyncset.done $0x0  }
0x53: {  	[sflag:s23] =	ssyncadd.s32 $0xFFFFF800  }
0x54: {  	[spmem:s11] =	stream.linear.scatter [tilespmem:s24], [sflag:$0x9], $0x800, $0x38;
	[tilespmem:$0x1FF70] =	vst v63  }
0x55: {  	_ =	swait.ge [sflag:s23], $0x800  }
0x56: {  	[sflag:s23] =	ssyncset.done $0x0  }
0x57: {  	[sflag:s23] =	ssyncadd.s32 $0xFFFFF800  }
0x58: {  	[spmem:s16] =	stream.linear.scatter [tilespmem:s24], [sflag:$0x9], $0x70, $0x38;
	[tilespmem:$0x1FF70] =	vst v63  }
0x59: {  	_ =	swait.ge [sflag:s23], $0x70  }
0x5a: {  	[sflag:s23] =	ssyncset.done $0x0  }
0x5b: {  	[sflag:s23] =	ssyncadd.s32 $0xFFFFFF90  }
0x5c: {  	[bflag:$0x0] =	sbarrier.arrive $0xFFFF  }
0x5d: {  	s5 =	simm.s32 $0x18700;
	s0 =	rddreg [dreg:$0x8]  }
0x5e: {  	[tilespmem:s5], [sflag:$0x5] =	stream.linear.gather [hbm4b:s0+s31], $0x1000, $0x38;
	[tilespmem:$0x1FF70] =	vst v63  }
0x5f: {  	s26 =	simm.s32 $0x19F00;
	s9 =	simm.s32 $0x0;
	s18 =	rddreg [dreg:$0xa]  }
0x60: {  	[tilespmem:s26], [sflag:$0x6] =	stream.linear.gather [hbm4b:s18+s31], $0x1000, $0x38;
	[tilespmem:$0x1FF70] =	vst v63  }
.LBB2_4:
0x61: {  	_ =	swait.ge [sflag:s28], $0x1000  }
0x62: {  	p1 =	seq.s32 s9, $0x0;
	[sflag:s28] =	ssyncset.done $0x0  }
0x63: {  	s7 =	simm.s32 @!p1 $0x3;
	[sflag:s28] =	ssyncadd.s32 $0xFFFFF000  }
0x64: {  	_ =	swait.ge @!p1 [sflag:s7], $0x80  }
0x65: {  	[sflag:s7] =	ssyncset.done @!p1 $0x0  }
0x66: {  	[sflag:s7] =	ssyncadd.s32 @!p1 $0xFFFFFF80  }
0x67: {  	_ =	swait.ge @!p1 [sflag:s7], $0x80  }
0x68: {  	[sflag:s7] =	ssyncset.done @!p1 $0x0  }
0x69: {  	[sflag:s7] =	ssyncadd.s32 @!p1 $0xFFFFFF80  }
0x6a: {  	_ =	swait.ge @!p1 [sflag:s7], $0x80  }
0x6b: {  	[sflag:s7] =	ssyncset.done @!p1 $0x0  }
0x6c: {  	[sflag:s7] =	ssyncadd.s32 @!p1 $0xFFFFFF80  }
0x6d: {  	_ =	swait.ge @!p1 [sflag:s7], $0x80  }
0x6e: {  	[sflag:s7] =	ssyncset.done @!p1 $0x0  }
0x6f: {  	[sflag:s7] =	ssyncadd.s32 @!p1 $0xFFFFFF80  }
0x70: {  	_ =	swait.ge @!p1 [sflag:s7], $0x80  }
0x71: {  	[sflag:s7] =	ssyncset.done @!p1 $0x0  }
0x72: {  	[sflag:s7] =	ssyncadd.s32 @!p1 $0xFFFFFF80  }
0x73: {  	_ =	swait.ge @!p1 [sflag:s7], $0x80  }
0x74: {  	[sflag:s7] =	ssyncset.done @!p1 $0x0  }
0x75: {  	[sflag:s7] =	ssyncadd.s32 @!p1 $0xFFFFFF80  }
0x76: {  	_ =	swait.ge @!p1 [sflag:s7], $0x80  }
0x77: {  	[sflag:s7] =	ssyncset.done @!p1 $0x0  }
0x78: {  	[sflag:s7] =	ssyncadd.s32 @!p1 $0xFFFFFF80  }
0x79: {  	_ =	swait.ge @!p1 [sflag:s7], $0x80  }
0x7a: {  	[sflag:s7] =	ssyncset.done @!p1 $0x0  }
0x7b: {  	[sflag:s7] =	ssyncadd.s32 @!p1 $0xFFFFFF80  }
0x7c: {  	_ =	swait.ge @!p1 [sflag:s7], $0x80  }
0x7d: {  	[sflag:s7] =	ssyncset.done @!p1 $0x0  }
0x7e: {  	[sflag:s7] =	ssyncadd.s32 @!p1 $0xFFFFFF80  }
0x7f: {  	_ =	swait.ge @!p1 [sflag:s7], $0x80  }
0x80: {  	[sflag:s7] =	ssyncset.done @!p1 $0x0  }
0x81: {  	[sflag:s7] =	ssyncadd.s32 @!p1 $0xFFFFFF80  }
0x82: {  	_ =	swait.ge @!p1 [sflag:s7], $0x80  }
0x83: {  	[sflag:s7] =	ssyncset.done @!p1 $0x0  }
0x84: {  	[sflag:s7] =	ssyncadd.s32 @!p1 $0xFFFFFF80  }
0x85: {  	_ =	swait.ge @!p1 [sflag:s7], $0x80  }
0x86: {  	[sflag:s7] =	ssyncset.done @!p1 $0x0  }
0x87: {  	[sflag:s7] =	ssyncadd.s32 @!p1 $0xFFFFFF80  }
0x88: {  	_ =	swait.ge @!p1 [sflag:s7], $0x80  }
0x89: {  	[sflag:s7] =	ssyncset.done @!p1 $0x0  }
0x8a: {  	[sflag:s7] =	ssyncadd.s32 @!p1 $0xFFFFFF80  }
0x8b: {  	_ =	swait.ge @!p1 [sflag:s7], $0x80  }
0x8c: {  	[sflag:s7] =	ssyncset.done @!p1 $0x0  }
0x8d: {  	[sflag:s7] =	ssyncadd.s32 @!p1 $0xFFFFFF80  }
0x8e: {  	_ =	swait.ge @!p1 [sflag:s7], $0x80  }
0x8f: {  	[sflag:s7] =	ssyncset.done @!p1 $0x0  }
0x90: {  	s5 =	sshll.u32 s9, $0xD;
	[sflag:s7] =	ssyncadd.s32 @!p1 $0xFFFFFF80  }
0x91: {  	s8 =	sadd.s32 s5, s12;
	_ =	swait.ge @!p1 [sflag:s7], $0x80  }
0x92: {  	s8 =	sshrl.u32 s8, $0x2;
	[sflag:s7] =	ssyncset.done @!p1 $0x0  }
0x93: {  	s0 =	simm.s32 $0x1B700;
	s26 =	sadd.s32 s2, s8;
	[sflag:s7] =	ssyncadd.s32 @!p1 $0xFFFFFF80  }
0x94: {  	[tilespmem:s0], [sflag:$0x7] =	stream.linear.gather [hbm4b:s26+s31], $0x1000, $0x38;
	[tilespmem:$0x1FF70] =	vst v63  }
0x95: {  	s8 =	simm.s32 $0x0;
	s7 =	simm.s32 $0x19700;
	s26 =	simm.s32 $0x0  }
.LBB2_5:
0x96: {  	s11 =	sand.u32 $0xF00, s26  }
0x97: {  	s0 =	sand.u32 $0x40, s8;
	s11 =	sadd.s32 $0x18700, s11  }
0x98: {  	s16 =	sor.u32 s0, s11  }
0x99: {  	v1 =	vld [tilespmem:s16+$0x80]  }
0x9a: {  	v2 =	vld [tilespmem:s16+$0x0];
	_ =	sdelay $0x6  }
0x9b: {  	v1 =	vld.idx.msk [tilespmem:v1+s4+$0x0], $0xffff  }
0x9c: {  	v2 =	vld.idx.msk [tilespmem:v2+s4+$0x0], $0xffff;
	_ =	sdelay $0x4  }
0x9d: {  	v1 =	vsub.f32 v1, v2  }
0x9e: {  	s16 =	sor.u32 $0x10, s0  }
0x9f: {  	s6 =	sor.u32 s16, s11;
	[tilespmem:s7+$0x0] =	vst v1  }
0xa0: {  	v1 =	vld [tilespmem:s6+$0x80]  }
0xa1: {  	v2 =	vld [tilespmem:s6+$0x0];
	_ =	sdelay $0x6  }
0xa2: {  	v1 =	vld.idx.msk [tilespmem:v1+s4+$0x0], $0xffff  }
0xa3: {  	v2 =	vld.idx.msk [tilespmem:v2+s4+$0x0], $0xffff;
	_ =	sdelay $0x3  }
0xa4: {  	s18 =	sand.u32 $0x780, s8  }
0xa5: {  	s6 =	sadd.s32 $0x19700, s18;
	v1 =	vsub.f32 v1, v2  }
0xa6: {  	s18 =	sor.u32 $0x20, s0;
	s16 =	sor.u32 s16, s6  }
0xa7: {  	[tilespmem:s16+$0x0] =	vst v1;
	s16 =	sor.u32 s18, s11  }
0xa8: {  	v1 =	vld [tilespmem:s16+$0x80]  }
0xa9: {  	v2 =	vld [tilespmem:s16+$0x0];
	_ =	sdelay $0x6  }
0xaa: {  	v1 =	vld.idx.msk [tilespmem:v1+s4+$0x0], $0xffff  }
0xab: {  	v2 =	vld.idx.msk [tilespmem:v2+s4+$0x0], $0xffff;
	_ =	sdelay $0x4  }
0xac: {  	v1 =	vsub.f32 v1, v2  }
0xad: {  	s0 =	sor.u32 $0x30, s0;
	s18 =	sor.u32 s18, s6  }
0xae: {  	s11 =	sor.u32 s0, s11;
	[tilespmem:s18+$0x0] =	vst v1  }
0xaf: {  	v1 =	vld [tilespmem:s11+$0x80]  }
0xb0: {  	v2 =	vld [tilespmem:s11+$0x0];
	_ =	sdelay $0x6  }
0xb1: {  	v1 =	vld.idx.msk [tilespmem:v1+s4+$0x0], $0xffff  }
0xb2: {  	v2 =	vld.idx.msk [tilespmem:v2+s4+$0x0], $0xffff;
	_ =	sdelay $0x1  }
0xb3: {  	p2 =	sne.s32 s8, $0x7C0  }
.Ltmp3:
0xb4: {  	_ = 	snop;
	(pc) =	sbr.rel @p2 .LBB2_5-.Ltmp3, $4  }
0xb5: {  	_ = 	snop  }
0xb6: {  	v1 =	vsub.f32 v1, v2  }
0xb7: {  	s0 =	sor.u32 s0, s6  }
0xb8: {  	s26 =	sadd.s32 $0x80, s26;
	s8 =	sadd.s32 $0x40, s8;
	s7 =	sadd.s32 $0x40, s7;
	[tilespmem:s0+$0x0] =	vst v1  }
0xb9: {  	s0 =	simm.s32 $0x18780  }
0xba: {  	[spmem:s3] =	stream.indirect.scatter.add.f32 [tilespmem:s24], [sflag:$0x1], $0x1, s0, s30, $0xb8;
	[tilespmem:$0x1FF70] =	vst v63  }
0xbb: {  	s26 =	simm.s32 $0x18880;
	s6 =	simm.s32 $0x19780  }
0xbc: {  	[spmem:s3] =	stream.indirect.scatter.add.f32 [tilespmem:s6], [sflag:$0x1], $0x1, s26, s30, $0xb8;
	[tilespmem:$0x1FF70] =	vst v63  }
0xbd: {  	s7 =	simm.s32 $0x18980;
	s8 =	simm.s32 $0x19800  }
0xbe: {  	[spmem:s3] =	stream.indirect.scatter.add.f32 [tilespmem:s8], [sflag:$0x1], $0x1, s7, s30, $0xb8;
	[tilespmem:$0x1FF70] =	vst v63  }
0xbf: {  	s11 =	simm.s32 $0x18A80;
	s16 =	simm.s32 $0x19880  }
0xc0: {  	[spmem:s3] =	stream.indirect.scatter.add.f32 [tilespmem:s16], [sflag:$0x1], $0x1, s11, s30, $0xb8;
	[tilespmem:$0x1FF70] =	vst v63  }
0xc1: {  	s18 =	simm.s32 $0x18B80;
	s26 =	simm.s32 $0x19900  }
0xc2: {  	[spmem:s3] =	stream.indirect.scatter.add.f32 [tilespmem:s26], [sflag:$0x1], $0x1, s18, s30, $0xb8;
	[tilespmem:$0x1FF70] =	vst v63  }
0xc3: {  	s7 =	simm.s32 $0x18C80;
	s8 =	simm.s32 $0x19980  }
0xc4: {  	[spmem:s3] =	stream.indirect.scatter.add.f32 [tilespmem:s8], [sflag:$0x1], $0x1, s7, s30, $0xb8;
	[tilespmem:$0x1FF70] =	vst v63  }
0xc5: {  	s11 =	simm.s32 $0x18D80;
	s16 =	simm.s32 $0x19A00  }
0xc6: {  	[spmem:s3] =	stream.indirect.scatter.add.f32 [tilespmem:s16], [sflag:$0x1], $0x1, s11, s30, $0xb8;
	[tilespmem:$0x1FF70] =	vst v63  }
0xc7: {  	s18 =	simm.s32 $0x18E80;
	s26 =	simm.s32 $0x19A80  }
0xc8: {  	[spmem:s3] =	stream.indirect.scatter.add.f32 [tilespmem:s26], [sflag:$0x1], $0x1, s18, s30, $0xb8;
	[tilespmem:$0x1FF70] =	vst v63  }
0xc9: {  	s7 =	simm.s32 $0x18F80;
	s8 =	simm.s32 $0x19B00  }
0xca: {  	[spmem:s3] =	stream.indirect.scatter.add.f32 [tilespmem:s8], [sflag:$0x1], $0x1, s7, s30, $0xb8;
	[tilespmem:$0x1FF70] =	vst v63  }
0xcb: {  	s11 =	simm.s32 $0x19080;
	s16 =	simm.s32 $0x19B80  }
0xcc: {  	[spmem:s3] =	stream.indirect.scatter.add.f32 [tilespmem:s16], [sflag:$0x1], $0x1, s11, s30, $0xb8;
	[tilespmem:$0x1FF70] =	vst v63  }
0xcd: {  	s18 =	simm.s32 $0x19180;
	s26 =	simm.s32 $0x19C00  }
0xce: {  	[spmem:s3] =	stream.indirect.scatter.add.f32 [tilespmem:s26], [sflag:$0x1], $0x1, s18, s30, $0xb8;
	[tilespmem:$0x1FF70] =	vst v63  }
0xcf: {  	s7 =	simm.s32 $0x19280;
	s8 =	simm.s32 $0x19C80  }
0xd0: {  	[spmem:s3] =	stream.indirect.scatter.add.f32 [tilespmem:s8], [sflag:$0x1], $0x1, s7, s30, $0xb8;
	[tilespmem:$0x1FF70] =	vst v63  }
0xd1: {  	s11 =	simm.s32 $0x19380;
	s16 =	simm.s32 $0x19D00  }
0xd2: {  	[spmem:s3] =	stream.indirect.scatter.add.f32 [tilespmem:s16], [sflag:$0x1], $0x1, s11, s30, $0xb8;
	[tilespmem:$0x1FF70] =	vst v63  }
0xd3: {  	s18 =	simm.s32 $0x19480;
	s26 =	simm.s32 $0x19D80  }
0xd4: {  	[spmem:s3] =	stream.indirect.scatter.add.f32 [tilespmem:s26], [sflag:$0x1], $0x1, s18, s30, $0xb8;
	[tilespmem:$0x1FF70] =	vst v63  }
0xd5: {  	s6 =	simm.s32 $0x19580;
	s7 =	simm.s32 $0x19E00  }
0xd6: {  	[spmem:s3] =	stream.indirect.scatter.add.f32 [tilespmem:s7], [sflag:$0x1], $0x1, s6, s30, $0xb8;
	[tilespmem:$0x1FF70] =	vst v63  }
0xd7: {  	s8 =	simm.s32 $0x19680;
	s11 =	simm.s32 $0x19E80  }
0xd8: {  	[spmem:s3] =	stream.indirect.scatter.add.f32 [tilespmem:s11], [sflag:$0x1], $0x1, s8, s30, $0xb8;
	[tilespmem:$0x1FF70] =	vst v63  }
0xd9: {  	_ =	swait.ge [sflag:s10], $0x1000  }
0xda: {  	[sflag:s10] =	ssyncset.done $0x0  }
0xdb: {  	s0 =	simm.s32 @!p1 $0x4;
	[sflag:s10] =	ssyncadd.s32 $0xFFFFF000  }
0xdc: {  	_ =	swait.ge @!p1 [sflag:s0], $0x80  }
0xdd: {  	[sflag:s0] =	ssyncset.done @!p1 $0x0  }
0xde: {  	[sflag:s0] =	ssyncadd.s32 @!p1 $0xFFFFFF80  }
0xdf: {  	_ =	swait.ge @!p1 [sflag:s0], $0x80  }
0xe0: {  	[sflag:s0] =	ssyncset.done @!p1 $0x0  }
0xe1: {  	[sflag:s0] =	ssyncadd.s32 @!p1 $0xFFFFFF80  }
0xe2: {  	_ =	swait.ge @!p1 [sflag:s0], $0x80  }
0xe3: {  	[sflag:s0] =	ssyncset.done @!p1 $0x0  }
0xe4: {  	[sflag:s0] =	ssyncadd.s32 @!p1 $0xFFFFFF80  }
0xe5: {  	_ =	swait.ge @!p1 [sflag:s0], $0x80  }
0xe6: {  	[sflag:s0] =	ssyncset.done @!p1 $0x0  }
0xe7: {  	[sflag:s0] =	ssyncadd.s32 @!p1 $0xFFFFFF80  }
0xe8: {  	_ =	swait.ge @!p1 [sflag:s0], $0x80  }
0xe9: {  	[sflag:s0] =	ssyncset.done @!p1 $0x0  }
0xea: {  	[sflag:s0] =	ssyncadd.s32 @!p1 $0xFFFFFF80  }
0xeb: {  	_ =	swait.ge @!p1 [sflag:s0], $0x80  }
0xec: {  	[sflag:s0] =	ssyncset.done @!p1 $0x0  }
0xed: {  	[sflag:s0] =	ssyncadd.s32 @!p1 $0xFFFFFF80  }
0xee: {  	_ =	swait.ge @!p1 [sflag:s0], $0x80  }
0xef: {  	[sflag:s0] =	ssyncset.done @!p1 $0x0  }
0xf0: {  	[sflag:s0] =	ssyncadd.s32 @!p1 $0xFFFFFF80  }
0xf1: {  	_ =	swait.ge @!p1 [sflag:s0], $0x80  }
0xf2: {  	[sflag:s0] =	ssyncset.done @!p1 $0x0  }
0xf3: {  	[sflag:s0] =	ssyncadd.s32 @!p1 $0xFFFFFF80  }
0xf4: {  	_ =	swait.ge @!p1 [sflag:s0], $0x80  }
0xf5: {  	[sflag:s0] =	ssyncset.done @!p1 $0x0  }
0xf6: {  	[sflag:s0] =	ssyncadd.s32 @!p1 $0xFFFFFF80  }
0xf7: {  	_ =	swait.ge @!p1 [sflag:s0], $0x80  }
0xf8: {  	[sflag:s0] =	ssyncset.done @!p1 $0x0  }
0xf9: {  	[sflag:s0] =	ssyncadd.s32 @!p1 $0xFFFFFF80  }
0xfa: {  	_ =	swait.ge @!p1 [sflag:s0], $0x80  }
0xfb: {  	[sflag:s0] =	ssyncset.done @!p1 $0x0  }
0xfc: {  	[sflag:s0] =	ssyncadd.s32 @!p1 $0xFFFFFF80  }
0xfd: {  	_ =	swait.ge @!p1 [sflag:s0], $0x80  }
0xfe: {  	[sflag:s0] =	ssyncset.done @!p1 $0x0  }
0xff: {  	[sflag:s0] =	ssyncadd.s32 @!p1 $0xFFFFFF80  }
0x100: {  	_ =	swait.ge @!p1 [sflag:s0], $0x80  }
0x101: {  	[sflag:s0] =	ssyncset.done @!p1 $0x0  }
0x102: {  	[sflag:s0] =	ssyncadd.s32 @!p1 $0xFFFFFF80  }
0x103: {  	_ =	swait.ge @!p1 [sflag:s0], $0x80  }
0x104: {  	[sflag:s0] =	ssyncset.done @!p1 $0x0  }
0x105: {  	[sflag:s0] =	ssyncadd.s32 @!p1 $0xFFFFFF80  }
0x106: {  	_ =	swait.ge @!p1 [sflag:s0], $0x80  }
0x107: {  	[sflag:s0] =	ssyncset.done @!p1 $0x0  }
0x108: {  	[sflag:s0] =	ssyncadd.s32 @!p1 $0xFFFFFF80  }
0x109: {  	s16 =	sadd.s32 s5, s13;
	_ =	swait.ge @!p1 [sflag:s0], $0x80  }
0x10a: {  	s26 =	simm.s32 $0x1CF00;
	s6 =	sshrl.u32 s16, $0x2;
	[sflag:s0] =	ssyncset.done @!p1 $0x0  }
0x10b: {  	s7 =	simm.s32 $0x0;
	s18 =	sadd.s32 s2, s6;
	[sflag:s0] =	ssyncadd.s32 @!p1 $0xFFFFFF80  }
0x10c: {  	[tilespmem:s26], [sflag:$0x8] =	stream.linear.gather [hbm4b:s18+s7], $0x1000, $0x38;
	[tilespmem:$0x1FF70] =	vst v63  }
0x10d: {  	s8 =	simm.s32 $0x0;
	s26 =	simm.s32 $0x1AF00  }
.LBB2_7:
0x10e: {  	s0 =	sand.u32 $0xF00, s7  }
0x10f: {  	s6 =	sand.u32 $0x40, s8;
	s0 =	sadd.s32 $0x19F00, s0  }
0x110: {  	s11 =	sor.u32 s6, s0  }
0x111: {  	v1 =	vld [tilespmem:s11+$0x80]  }
0x112: {  	v2 =	vld [tilespmem:s11+$0x0];
	_ =	sdelay $0x6  }
0x113: {  	v1 =	vld.idx.msk [tilespmem:v1+s4+$0x0], $0xffff  }
0x114: {  	v2 =	vld.idx.msk [tilespmem:v2+s4+$0x0], $0xffff;
	_ =	sdelay $0x4  }
0x115: {  	v1 =	vsub.f32 v1, v2  }
0x116: {  	s11 =	sor.u32 $0x10, s6  }
0x117: {  	s16 =	sor.u32 s11, s0;
	[tilespmem:s26+$0x0] =	vst v1  }
0x118: {  	v1 =	vld [tilespmem:s16+$0x80]  }
0x119: {  	v2 =	vld [tilespmem:s16+$0x0];
	_ =	sdelay $0x6  }
0x11a: {  	v1 =	vld.idx.msk [tilespmem:v1+s4+$0x0], $0xffff  }
0x11b: {  	v2 =	vld.idx.msk [tilespmem:v2+s4+$0x0], $0xffff;
	_ =	sdelay $0x3  }
0x11c: {  	s18 =	sand.u32 $0x780, s8  }
0x11d: {  	s16 =	sadd.s32 $0x1AF00, s18;
	v1 =	vsub.f32 v1, v2  }
0x11e: {  	s18 =	sor.u32 $0x20, s6;
	s11 =	sor.u32 s11, s16  }
0x11f: {  	[tilespmem:s11+$0x0] =	vst v1;
	s11 =	sor.u32 s18, s0  }
0x120: {  	v1 =	vld [tilespmem:s11+$0x80]  }
0x121: {  	v2 =	vld [tilespmem:s11+$0x0];
	_ =	sdelay $0x6  }
0x122: {  	v1 =	vld.idx.msk [tilespmem:v1+s4+$0x0], $0xffff  }
0x123: {  	v2 =	vld.idx.msk [tilespmem:v2+s4+$0x0], $0xffff;
	_ =	sdelay $0x4  }
0x124: {  	v1 =	vsub.f32 v1, v2  }
0x125: {  	s6 =	sor.u32 $0x30, s6;
	s18 =	sor.u32 s18, s16  }
0x126: {  	s0 =	sor.u32 s6, s0;
	[tilespmem:s18+$0x0] =	vst v1  }
0x127: {  	v1 =	vld [tilespmem:s0+$0x80]  }
0x128: {  	v2 =	vld [tilespmem:s0+$0x0];
	_ =	sdelay $0x6  }
0x129: {  	v1 =	vld.idx.msk [tilespmem:v1+s4+$0x0], $0xffff  }
0x12a: {  	v2 =	vld.idx.msk [tilespmem:v2+s4+$0x0], $0xffff;
	_ =	sdelay $0x1  }
0x12b: {  	p1 =	sne.s32 s8, $0x7C0  }
.Ltmp4:
0x12c: {  	_ = 	snop;
	(pc) =	sbr.rel @p1 .LBB2_7-.Ltmp4, $4  }
0x12d: {  	_ = 	snop  }
0x12e: {  	v1 =	vsub.f32 v1, v2  }
0x12f: {  	s18 =	sor.u32 s6, s16  }
0x130: {  	s7 =	sadd.s32 $0x80, s7;
	s8 =	sadd.s32 $0x40, s8;
	s26 =	sadd.s32 $0x40, s26;
	[tilespmem:s18+$0x0] =	vst v1  }
0x131: {  	s0 =	simm.s32 $0x19F80;
	s6 =	simm.s32 $0x1AF00  }
0x132: {  	[spmem:s3] =	stream.indirect.scatter.add.f32 [tilespmem:s6], [sflag:$0x2], $0x1, s0, s30, $0xb8;
	[tilespmem:$0x1FF70] =	vst v63  }
0x133: {  	s18 =	simm.s32 $0x1A080;
	s26 =	simm.s32 $0x1AF80  }
0x134: {  	[spmem:s3] =	stream.indirect.scatter.add.f32 [tilespmem:s26], [sflag:$0x2], $0x1, s18, s30, $0xb8;
	[tilespmem:$0x1FF70] =	vst v63  }
0x135: {  	s7 =	simm.s32 $0x1A180;
	s8 =	simm.s32 $0x1B000  }
0x136: {  	[spmem:s3] =	stream.indirect.scatter.add.f32 [tilespmem:s8], [sflag:$0x2], $0x1, s7, s30, $0xb8;
	[tilespmem:$0x1FF70] =	vst v63  }
0x137: {  	s11 =	simm.s32 $0x1A280;
	s16 =	simm.s32 $0x1B080  }
0x138: {  	[spmem:s3] =	stream.indirect.scatter.add.f32 [tilespmem:s16], [sflag:$0x2], $0x1, s11, s30, $0xb8;
	[tilespmem:$0x1FF70] =	vst v63  }
0x139: {  	s18 =	simm.s32 $0x1A380;
	s26 =	simm.s32 $0x1B100  }
0x13a: {  	[spmem:s3] =	stream.indirect.scatter.add.f32 [tilespmem:s26], [sflag:$0x2], $0x1, s18, s30, $0xb8;
	[tilespmem:$0x1FF70] =	vst v63  }
0x13b: {  	s7 =	simm.s32 $0x1A480;
	s8 =	simm.s32 $0x1B180  }
0x13c: {  	[spmem:s3] =	stream.indirect.scatter.add.f32 [tilespmem:s8], [sflag:$0x2], $0x1, s7, s30, $0xb8;
	[tilespmem:$0x1FF70] =	vst v63  }
0x13d: {  	s11 =	simm.s32 $0x1A580;
	s16 =	simm.s32 $0x1B200  }
0x13e: {  	[spmem:s3] =	stream.indirect.scatter.add.f32 [tilespmem:s16], [sflag:$0x2], $0x1, s11, s30, $0xb8;
	[tilespmem:$0x1FF70] =	vst v63  }
0x13f: {  	s18 =	simm.s32 $0x1A680;
	s26 =	simm.s32 $0x1B280  }
0x140: {  	[spmem:s3] =	stream.indirect.scatter.add.f32 [tilespmem:s26], [sflag:$0x2], $0x1, s18, s30, $0xb8;
	[tilespmem:$0x1FF70] =	vst v63  }
0x141: {  	s7 =	simm.s32 $0x1A780;
	s8 =	simm.s32 $0x1B300  }
0x142: {  	[spmem:s3] =	stream.indirect.scatter.add.f32 [tilespmem:s8], [sflag:$0x2], $0x1, s7, s30, $0xb8;
	[tilespmem:$0x1FF70] =	vst v63  }
0x143: {  	s11 =	simm.s32 $0x1A880;
	s16 =	simm.s32 $0x1B380  }
0x144: {  	[spmem:s3] =	stream.indirect.scatter.add.f32 [tilespmem:s16], [sflag:$0x2], $0x1, s11, s30, $0xb8;
	[tilespmem:$0x1FF70] =	vst v63  }
0x145: {  	s18 =	simm.s32 $0x1A980;
	s26 =	simm.s32 $0x1B400  }
0x146: {  	[spmem:s3] =	stream.indirect.scatter.add.f32 [tilespmem:s26], [sflag:$0x2], $0x1, s18, s30, $0xb8;
	[tilespmem:$0x1FF70] =	vst v63  }
0x147: {  	s7 =	simm.s32 $0x1AA80;
	s8 =	simm.s32 $0x1B480  }
0x148: {  	[spmem:s3] =	stream.indirect.scatter.add.f32 [tilespmem:s8], [sflag:$0x2], $0x1, s7, s30, $0xb8;
	[tilespmem:$0x1FF70] =	vst v63  }
0x149: {  	s11 =	simm.s32 $0x1AB80;
	s16 =	simm.s32 $0x1B500  }
0x14a: {  	[spmem:s3] =	stream.indirect.scatter.add.f32 [tilespmem:s16], [sflag:$0x2], $0x1, s11, s30, $0xb8;
	[tilespmem:$0x1FF70] =	vst v63  }
0x14b: {  	s18 =	simm.s32 $0x1AC80;
	s26 =	simm.s32 $0x1B580  }
0x14c: {  	[spmem:s3] =	stream.indirect.scatter.add.f32 [tilespmem:s26], [sflag:$0x2], $0x1, s18, s30, $0xb8;
	[tilespmem:$0x1FF70] =	vst v63  }
0x14d: {  	s7 =	simm.s32 $0x1AD80;
	s8 =	simm.s32 $0x1B600  }
0x14e: {  	[spmem:s3] =	stream.indirect.scatter.add.f32 [tilespmem:s8], [sflag:$0x2], $0x1, s7, s30, $0xb8;
	[tilespmem:$0x1FF70] =	vst v63  }
0x14f: {  	s11 =	simm.s32 $0x1AE80;
	s16 =	simm.s32 $0x1B680  }
0x150: {  	[spmem:s3] =	stream.indirect.scatter.add.f32 [tilespmem:s16], [sflag:$0x2], $0x1, s11, s30, $0xb8;
	[tilespmem:$0x1FF70] =	vst v63  }
0x151: {  	_ =	swait.ge [sflag:s19], $0x1000  }
0x152: {  	[sflag:s19] =	ssyncset.done $0x0  }
0x153: {  	[sflag:s19] =	ssyncadd.s32 $0xFFFFF000  }
0x154: {  	_ =	swait.ge [sflag:s20], $0x80  }
0x155: {  	[sflag:s20] =	ssyncset.done $0x0  }
0x156: {  	[sflag:s20] =	ssyncadd.s32 $0xFFFFFF80  }
0x157: {  	_ =	swait.ge [sflag:s20], $0x80  }
0x158: {  	[sflag:s20] =	ssyncset.done $0x0  }
0x159: {  	[sflag:s20] =	ssyncadd.s32 $0xFFFFFF80  }
0x15a: {  	_ =	swait.ge [sflag:s20], $0x80  }
0x15b: {  	[sflag:s20] =	ssyncset.done $0x0  }
0x15c: {  	[sflag:s20] =	ssyncadd.s32 $0xFFFFFF80  }
0x15d: {  	_ =	swait.ge [sflag:s20], $0x80  }
0x15e: {  	[sflag:s20] =	ssyncset.done $0x0  }
0x15f: {  	[sflag:s20] =	ssyncadd.s32 $0xFFFFFF80  }
0x160: {  	_ =	swait.ge [sflag:s20], $0x80  }
0x161: {  	[sflag:s20] =	ssyncset.done $0x0  }
0x162: {  	[sflag:s20] =	ssyncadd.s32 $0xFFFFFF80  }
0x163: {  	_ =	swait.ge [sflag:s20], $0x80  }
0x164: {  	[sflag:s20] =	ssyncset.done $0x0  }
0x165: {  	[sflag:s20] =	ssyncadd.s32 $0xFFFFFF80  }
0x166: {  	_ =	swait.ge [sflag:s20], $0x80  }
0x167: {  	[sflag:s20] =	ssyncset.done $0x0  }
0x168: {  	[sflag:s20] =	ssyncadd.s32 $0xFFFFFF80  }
0x169: {  	_ =	swait.ge [sflag:s20], $0x80  }
0x16a: {  	[sflag:s20] =	ssyncset.done $0x0  }
0x16b: {  	[sflag:s20] =	ssyncadd.s32 $0xFFFFFF80  }
0x16c: {  	_ =	swait.ge [sflag:s20], $0x80  }
0x16d: {  	[sflag:s20] =	ssyncset.done $0x0  }
0x16e: {  	[sflag:s20] =	ssyncadd.s32 $0xFFFFFF80  }
0x16f: {  	_ =	swait.ge [sflag:s20], $0x80  }
0x170: {  	[sflag:s20] =	ssyncset.done $0x0  }
0x171: {  	[sflag:s20] =	ssyncadd.s32 $0xFFFFFF80  }
0x172: {  	_ =	swait.ge [sflag:s20], $0x80  }
0x173: {  	[sflag:s20] =	ssyncset.done $0x0  }
0x174: {  	[sflag:s20] =	ssyncadd.s32 $0xFFFFFF80  }
0x175: {  	_ =	swait.ge [sflag:s20], $0x80  }
0x176: {  	[sflag:s20] =	ssyncset.done $0x0  }
0x177: {  	[sflag:s20] =	ssyncadd.s32 $0xFFFFFF80  }
0x178: {  	_ =	swait.ge [sflag:s20], $0x80  }
0x179: {  	[sflag:s20] =	ssyncset.done $0x0  }
0x17a: {  	[sflag:s20] =	ssyncadd.s32 $0xFFFFFF80  }
0x17b: {  	_ =	swait.ge [sflag:s20], $0x80  }
0x17c: {  	[sflag:s20] =	ssyncset.done $0x0  }
0x17d: {  	[sflag:s20] =	ssyncadd.s32 $0xFFFFFF80  }
0x17e: {  	_ =	swait.ge [sflag:s20], $0x80  }
0x17f: {  	[sflag:s20] =	ssyncset.done $0x0  }
0x180: {  	[sflag:s20] =	ssyncadd.s32 $0xFFFFFF80  }
0x181: {  	s18 =	sadd.s32 s5, s14;
	_ =	swait.ge [sflag:s20], $0x80  }
0x182: {  	s26 =	simm.s32 $0x18700;
	s0 =	sshrl.u32 s18, $0x2;
	[sflag:s20] =	ssyncset.done $0x0  }
0x183: {  	s0 =	sadd.s32 s2, s0;
	s7 =	simm.s32 $0x0;
	[sflag:s20] =	ssyncadd.s32 $0xFFFFFF80  }
0x184: {  	[tilespmem:s26], [sflag:$0x5] =	stream.linear.gather [hbm4b:s0+s7], $0x1000, $0x38;
	[tilespmem:$0x1FF70] =	vst v63  }
0x185: {  	s8 =	simm.s32 $0x0;
	s26 =	simm.s32 $0x1C700  }
.LBB2_9:
0x186: {  	s0 =	sand.u32 $0xF00, s7  }
0x187: {  	s6 =	sand.u32 $0x40, s8;
	s0 =	sadd.s32 $0x1B700, s0  }
0x188: {  	s11 =	sor.u32 s6, s0  }
0x189: {  	v1 =	vld [tilespmem:s11+$0x80]  }
0x18a: {  	v2 =	vld [tilespmem:s11+$0x0];
	_ =	sdelay $0x6  }
0x18b: {  	v1 =	vld.idx.msk [tilespmem:v1+s4+$0x0], $0xffff  }
0x18c: {  	v2 =	vld.idx.msk [tilespmem:v2+s4+$0x0], $0xffff;
	_ =	sdelay $0x4  }
0x18d: {  	v1 =	vsub.f32 v1, v2  }
0x18e: {  	s11 =	sor.u32 $0x10, s6  }
0x18f: {  	s16 =	sor.u32 s11, s0;
	[tilespmem:s26+$0x0] =	vst v1  }
0x190: {  	v1 =	vld [tilespmem:s16+$0x80]  }
0x191: {  	v2 =	vld [tilespmem:s16+$0x0];
	_ =	sdelay $0x6  }
0x192: {  	v1 =	vld.idx.msk [tilespmem:v1+s4+$0x0], $0xffff  }
0x193: {  	v2 =	vld.idx.msk [tilespmem:v2+s4+$0x0], $0xffff;
	_ =	sdelay $0x3  }
0x194: {  	s18 =	sand.u32 $0x780, s8  }
0x195: {  	s16 =	sadd.s32 $0x1C700, s18;
	v1 =	vsub.f32 v1, v2  }
0x196: {  	s18 =	sor.u32 $0x20, s6;
	s11 =	sor.u32 s11, s16  }
0x197: {  	[tilespmem:s11+$0x0] =	vst v1;
	s11 =	sor.u32 s18, s0  }
0x198: {  	v1 =	vld [tilespmem:s11+$0x80]  }
0x199: {  	v2 =	vld [tilespmem:s11+$0x0];
	_ =	sdelay $0x6  }
0x19a: {  	v1 =	vld.idx.msk [tilespmem:v1+s4+$0x0], $0xffff  }
0x19b: {  	v2 =	vld.idx.msk [tilespmem:v2+s4+$0x0], $0xffff;
	_ =	sdelay $0x4  }
0x19c: {  	v1 =	vsub.f32 v1, v2  }
0x19d: {  	s6 =	sor.u32 $0x30, s6;
	s18 =	sor.u32 s18, s16  }
0x19e: {  	s0 =	sor.u32 s6, s0;
	[tilespmem:s18+$0x0] =	vst v1  }
0x19f: {  	v1 =	vld [tilespmem:s0+$0x80]  }
0x1a0: {  	v2 =	vld [tilespmem:s0+$0x0];
	_ =	sdelay $0x6  }
0x1a1: {  	v1 =	vld.idx.msk [tilespmem:v1+s4+$0x0], $0xffff  }
0x1a2: {  	v2 =	vld.idx.msk [tilespmem:v2+s4+$0x0], $0xffff;
	_ =	sdelay $0x1  }
0x1a3: {  	p1 =	sne.s32 s8, $0x7C0  }
.Ltmp5:
0x1a4: {  	_ = 	snop;
	(pc) =	sbr.rel @p1 .LBB2_9-.Ltmp5, $4  }
0x1a5: {  	_ = 	snop  }
0x1a6: {  	v1 =	vsub.f32 v1, v2  }
0x1a7: {  	s18 =	sor.u32 s6, s16  }
0x1a8: {  	s7 =	sadd.s32 $0x80, s7;
	s8 =	sadd.s32 $0x40, s8;
	s26 =	sadd.s32 $0x40, s26;
	[tilespmem:s18+$0x0] =	vst v1  }
0x1a9: {  	s0 =	simm.s32 $0x1B780;
	s6 =	simm.s32 $0x1C700  }
0x1aa: {  	[spmem:s3] =	stream.indirect.scatter.add.f32 [tilespmem:s6], [sflag:$0x3], $0x1, s0, s30, $0xb8;
	[tilespmem:$0x1FF70] =	vst v63  }
0x1ab: {  	s18 =	simm.s32 $0x1B880;
	s26 =	simm.s32 $0x1C780  }
0x1ac: {  	[spmem:s3] =	stream.indirect.scatter.add.f32 [tilespmem:s26], [sflag:$0x3], $0x1, s18, s30, $0xb8;
	[tilespmem:$0x1FF70] =	vst v63  }
0x1ad: {  	s7 =	simm.s32 $0x1B980;
	s8 =	simm.s32 $0x1C800  }
0x1ae: {  	[spmem:s3] =	stream.indirect.scatter.add.f32 [tilespmem:s8], [sflag:$0x3], $0x1, s7, s30, $0xb8;
	[tilespmem:$0x1FF70] =	vst v63  }
0x1af: {  	s11 =	simm.s32 $0x1BA80;
	s16 =	simm.s32 $0x1C880  }
0x1b0: {  	[spmem:s3] =	stream.indirect.scatter.add.f32 [tilespmem:s16], [sflag:$0x3], $0x1, s11, s30, $0xb8;
	[tilespmem:$0x1FF70] =	vst v63  }
0x1b1: {  	s18 =	simm.s32 $0x1BB80;
	s26 =	simm.s32 $0x1C900  }
0x1b2: {  	[spmem:s3] =	stream.indirect.scatter.add.f32 [tilespmem:s26], [sflag:$0x3], $0x1, s18, s30, $0xb8;
	[tilespmem:$0x1FF70] =	vst v63  }
0x1b3: {  	s7 =	simm.s32 $0x1BC80;
	s8 =	simm.s32 $0x1C980  }
0x1b4: {  	[spmem:s3] =	stream.indirect.scatter.add.f32 [tilespmem:s8], [sflag:$0x3], $0x1, s7, s30, $0xb8;
	[tilespmem:$0x1FF70] =	vst v63  }
0x1b5: {  	s11 =	simm.s32 $0x1BD80;
	s16 =	simm.s32 $0x1CA00  }
0x1b6: {  	[spmem:s3] =	stream.indirect.scatter.add.f32 [tilespmem:s16], [sflag:$0x3], $0x1, s11, s30, $0xb8;
	[tilespmem:$0x1FF70] =	vst v63  }
0x1b7: {  	s18 =	simm.s32 $0x1BE80;
	s26 =	simm.s32 $0x1CA80  }
0x1b8: {  	[spmem:s3] =	stream.indirect.scatter.add.f32 [tilespmem:s26], [sflag:$0x3], $0x1, s18, s30, $0xb8;
	[tilespmem:$0x1FF70] =	vst v63  }
0x1b9: {  	s7 =	simm.s32 $0x1BF80;
	s8 =	simm.s32 $0x1CB00  }
0x1ba: {  	[spmem:s3] =	stream.indirect.scatter.add.f32 [tilespmem:s8], [sflag:$0x3], $0x1, s7, s30, $0xb8;
	[tilespmem:$0x1FF70] =	vst v63  }
0x1bb: {  	s11 =	simm.s32 $0x1C080;
	s16 =	simm.s32 $0x1CB80  }
0x1bc: {  	[spmem:s3] =	stream.indirect.scatter.add.f32 [tilespmem:s16], [sflag:$0x3], $0x1, s11, s30, $0xb8;
	[tilespmem:$0x1FF70] =	vst v63  }
0x1bd: {  	s18 =	simm.s32 $0x1C180;
	s26 =	simm.s32 $0x1CC00  }
0x1be: {  	[spmem:s3] =	stream.indirect.scatter.add.f32 [tilespmem:s26], [sflag:$0x3], $0x1, s18, s30, $0xb8;
	[tilespmem:$0x1FF70] =	vst v63  }
0x1bf: {  	s7 =	simm.s32 $0x1C280;
	s8 =	simm.s32 $0x1CC80  }
0x1c0: {  	[spmem:s3] =	stream.indirect.scatter.add.f32 [tilespmem:s8], [sflag:$0x3], $0x1, s7, s30, $0xb8;
	[tilespmem:$0x1FF70] =	vst v63  }
0x1c1: {  	s11 =	simm.s32 $0x1C380;
	s16 =	simm.s32 $0x1CD00  }
0x1c2: {  	[spmem:s3] =	stream.indirect.scatter.add.f32 [tilespmem:s16], [sflag:$0x3], $0x1, s11, s30, $0xb8;
	[tilespmem:$0x1FF70] =	vst v63  }
0x1c3: {  	s18 =	simm.s32 $0x1C480;
	s26 =	simm.s32 $0x1CD80  }
0x1c4: {  	[spmem:s3] =	stream.indirect.scatter.add.f32 [tilespmem:s26], [sflag:$0x3], $0x1, s18, s30, $0xb8;
	[tilespmem:$0x1FF70] =	vst v63  }
0x1c5: {  	s7 =	simm.s32 $0x1C580;
	s8 =	simm.s32 $0x1CE00  }
0x1c6: {  	[spmem:s3] =	stream.indirect.scatter.add.f32 [tilespmem:s8], [sflag:$0x3], $0x1, s7, s30, $0xb8;
	[tilespmem:$0x1FF70] =	vst v63  }
0x1c7: {  	s11 =	simm.s32 $0x1C680;
	s16 =	simm.s32 $0x1CE80  }
0x1c8: {  	[spmem:s3] =	stream.indirect.scatter.add.f32 [tilespmem:s16], [sflag:$0x3], $0x1, s11, s30, $0xb8;
	[tilespmem:$0x1FF70] =	vst v63  }
0x1c9: {  	_ =	swait.ge [sflag:s1], $0x1000  }
0x1ca: {  	[sflag:s1] =	ssyncset.done $0x0  }
0x1cb: {  	[sflag:s1] =	ssyncadd.s32 $0xFFFFF000  }
0x1cc: {  	_ =	swait.ge [sflag:s29], $0x80  }
0x1cd: {  	[sflag:s29] =	ssyncset.done $0x0  }
0x1ce: {  	[sflag:s29] =	ssyncadd.s32 $0xFFFFFF80  }
0x1cf: {  	_ =	swait.ge [sflag:s29], $0x80  }
0x1d0: {  	[sflag:s29] =	ssyncset.done $0x0  }
0x1d1: {  	[sflag:s29] =	ssyncadd.s32 $0xFFFFFF80  }
0x1d2: {  	_ =	swait.ge [sflag:s29], $0x80  }
0x1d3: {  	[sflag:s29] =	ssyncset.done $0x0  }
0x1d4: {  	[sflag:s29] =	ssyncadd.s32 $0xFFFFFF80  }
0x1d5: {  	_ =	swait.ge [sflag:s29], $0x80  }
0x1d6: {  	[sflag:s29] =	ssyncset.done $0x0  }
0x1d7: {  	[sflag:s29] =	ssyncadd.s32 $0xFFFFFF80  }
0x1d8: {  	_ =	swait.ge [sflag:s29], $0x80  }
0x1d9: {  	[sflag:s29] =	ssyncset.done $0x0  }
0x1da: {  	[sflag:s29] =	ssyncadd.s32 $0xFFFFFF80  }
0x1db: {  	_ =	swait.ge [sflag:s29], $0x80  }
0x1dc: {  	[sflag:s29] =	ssyncset.done $0x0  }
0x1dd: {  	[sflag:s29] =	ssyncadd.s32 $0xFFFFFF80  }
0x1de: {  	_ =	swait.ge [sflag:s29], $0x80  }
0x1df: {  	[sflag:s29] =	ssyncset.done $0x0  }
0x1e0: {  	[sflag:s29] =	ssyncadd.s32 $0xFFFFFF80  }
0x1e1: {  	_ =	swait.ge [sflag:s29], $0x80  }
0x1e2: {  	[sflag:s29] =	ssyncset.done $0x0  }
0x1e3: {  	[sflag:s29] =	ssyncadd.s32 $0xFFFFFF80  }
0x1e4: {  	_ =	swait.ge [sflag:s29], $0x80  }
0x1e5: {  	[sflag:s29] =	ssyncset.done $0x0  }
0x1e6: {  	[sflag:s29] =	ssyncadd.s32 $0xFFFFFF80  }
0x1e7: {  	_ =	swait.ge [sflag:s29], $0x80  }
0x1e8: {  	[sflag:s29] =	ssyncset.done $0x0  }
0x1e9: {  	[sflag:s29] =	ssyncadd.s32 $0xFFFFFF80  }
0x1ea: {  	_ =	swait.ge [sflag:s29], $0x80  }
0x1eb: {  	[sflag:s29] =	ssyncset.done $0x0  }
0x1ec: {  	[sflag:s29] =	ssyncadd.s32 $0xFFFFFF80  }
0x1ed: {  	_ =	swait.ge [sflag:s29], $0x80  }
0x1ee: {  	[sflag:s29] =	ssyncset.done $0x0  }
0x1ef: {  	[sflag:s29] =	ssyncadd.s32 $0xFFFFFF80  }
0x1f0: {  	_ =	swait.ge [sflag:s29], $0x80  }
0x1f1: {  	[sflag:s29] =	ssyncset.done $0x0  }
0x1f2: {  	[sflag:s29] =	ssyncadd.s32 $0xFFFFFF80  }
0x1f3: {  	_ =	swait.ge [sflag:s29], $0x80  }
0x1f4: {  	[sflag:s29] =	ssyncset.done $0x0  }
0x1f5: {  	[sflag:s29] =	ssyncadd.s32 $0xFFFFFF80  }
0x1f6: {  	_ =	swait.ge [sflag:s29], $0x80  }
0x1f7: {  	[sflag:s29] =	ssyncset.done $0x0  }
0x1f8: {  	s18 =	sadd.s32 s5, s15;
	[sflag:s29] =	ssyncadd.s32 $0xFFFFFF80  }
0x1f9: {  	s5 =	simm.s32 $0x0;
	s0 =	sshrl.u32 s18, $0x2;
	_ =	swait.ge [sflag:s29], $0x80  }
0x1fa: {  	s26 =	simm.s32 $0x19F00;
	s0 =	sadd.s32 s2, s0;
	[sflag:s29] =	ssyncset.done $0x0  }
0x1fb: {  	s7 =	simm.s32 $0x1DF00;
	s8 =	simm.s32 $0x0;
	[sflag:s29] =	ssyncadd.s32 $0xFFFFFF80  }
0x1fc: {  	[tilespmem:s26], [sflag:$0x6] =	stream.linear.gather [hbm4b:s0+s5], $0x1000, $0x38;
	[tilespmem:$0x1FF70] =	vst v63  }
.LBB2_11:
0x1fd: {  	s0 =	sand.u32 $0xF00, s5  }
0x1fe: {  	s6 =	sand.u32 $0x40, s8;
	s0 =	sadd.s32 $0x1CF00, s0  }
0x1ff: {  	s11 =	sor.u32 s6, s0  }
0x200: {  	v1 =	vld [tilespmem:s11+$0x80]  }
0x201: {  	v2 =	vld [tilespmem:s11+$0x0];
	_ =	sdelay $0x6  }
0x202: {  	v1 =	vld.idx.msk [tilespmem:v1+s4+$0x0], $0xffff  }
0x203: {  	v2 =	vld.idx.msk [tilespmem:v2+s4+$0x0], $0xffff;
	_ =	sdelay $0x4  }
0x204: {  	v1 =	vsub.f32 v1, v2  }
0x205: {  	s26 =	sor.u32 $0x10, s6  }
0x206: {  	s16 =	sor.u32 s26, s0;
	[tilespmem:s7+$0x0] =	vst v1  }
0x207: {  	v1 =	vld [tilespmem:s16+$0x80]  }
0x208: {  	v2 =	vld [tilespmem:s16+$0x0];
	_ =	sdelay $0x6  }
0x209: {  	v1 =	vld.idx.msk [tilespmem:v1+s4+$0x0], $0xffff  }
0x20a: {  	v2 =	vld.idx.msk [tilespmem:v2+s4+$0x0], $0xffff;
	_ =	sdelay $0x3  }
0x20b: {  	s18 =	sand.u32 $0x780, s8  }
0x20c: {  	s16 =	sadd.s32 $0x1DF00, s18;
	v1 =	vsub.f32 v1, v2  }
0x20d: {  	s18 =	sor.u32 $0x20, s6;
	s11 =	sor.u32 s26, s16  }
0x20e: {  	s26 =	sor.u32 s18, s0;
	[tilespmem:s11+$0x0] =	vst v1  }
0x20f: {  	v1 =	vld [tilespmem:s26+$0x80]  }
0x210: {  	v2 =	vld [tilespmem:s26+$0x0];
	_ =	sdelay $0x6  }
0x211: {  	v1 =	vld.idx.msk [tilespmem:v1+s4+$0x0], $0xffff  }
0x212: {  	v2 =	vld.idx.msk [tilespmem:v2+s4+$0x0], $0xffff;
	_ =	sdelay $0x4  }
0x213: {  	v1 =	vsub.f32 v1, v2  }
0x214: {  	s6 =	sor.u32 $0x30, s6;
	s18 =	sor.u32 s18, s16  }
0x215: {  	s0 =	sor.u32 s6, s0;
	[tilespmem:s18+$0x0] =	vst v1  }
0x216: {  	v1 =	vld [tilespmem:s0+$0x80]  }
0x217: {  	v2 =	vld [tilespmem:s0+$0x0];
	_ =	sdelay $0x6  }
0x218: {  	v1 =	vld.idx.msk [tilespmem:v1+s4+$0x0], $0xffff  }
0x219: {  	v2 =	vld.idx.msk [tilespmem:v2+s4+$0x0], $0xffff;
	_ =	sdelay $0x1  }
0x21a: {  	p1 =	sne.s32 s8, $0x7C0  }
.Ltmp6:
0x21b: {  	_ = 	snop;
	(pc) =	sbr.rel @p1 .LBB2_11-.Ltmp6, $4  }
0x21c: {  	_ = 	snop  }
0x21d: {  	v1 =	vsub.f32 v1, v2  }
0x21e: {  	s26 =	sor.u32 s6, s16  }
0x21f: {  	s5 =	sadd.s32 $0x80, s5;
	s8 =	sadd.s32 $0x40, s8;
	s7 =	sadd.s32 $0x40, s7;
	[tilespmem:s26+$0x0] =	vst v1  }
0x220: {  	s0 =	simm.s32 $0x1CF80;
	s5 =	simm.s32 $0x1DF00  }
0x221: {  	[spmem:s3] =	stream.indirect.scatter.add.f32 [tilespmem:s5], [sflag:$0x4], $0x1, s0, s30, $0xb8;
	[tilespmem:$0x1FF70] =	vst v63  }
0x222: {  	s11 =	simm.s32 $0x1D080;
	s16 =	simm.s32 $0x1DF80  }
0x223: {  	[spmem:s3] =	stream.indirect.scatter.add.f32 [tilespmem:s16], [sflag:$0x4], $0x1, s11, s30, $0xb8;
	[tilespmem:$0x1FF70] =	vst v63  }
0x224: {  	s18 =	simm.s32 $0x1D180;
	s26 =	simm.s32 $0x1E000  }
0x225: {  	[spmem:s3] =	stream.indirect.scatter.add.f32 [tilespmem:s26], [sflag:$0x4], $0x1, s18, s30, $0xb8;
	[tilespmem:$0x1FF70] =	vst v63  }
0x226: {  	s6 =	simm.s32 $0x1E080;
	s5 =	simm.s32 $0x1D280  }
0x227: {  	[spmem:s3] =	stream.indirect.scatter.add.f32 [tilespmem:s6], [sflag:$0x4], $0x1, s5, s30, $0xb8;
	[tilespmem:$0x1FF70] =	vst v63  }
0x228: {  	s7 =	simm.s32 $0x1D380;
	s8 =	simm.s32 $0x1E100  }
0x229: {  	[spmem:s3] =	stream.indirect.scatter.add.f32 [tilespmem:s8], [sflag:$0x4], $0x1, s7, s30, $0xb8;
	[tilespmem:$0x1FF70] =	vst v63  }
0x22a: {  	s11 =	simm.s32 $0x1D480;
	s16 =	simm.s32 $0x1E180  }
0x22b: {  	[spmem:s3] =	stream.indirect.scatter.add.f32 [tilespmem:s16], [sflag:$0x4], $0x1, s11, s30, $0xb8;
	[tilespmem:$0x1FF70] =	vst v63  }
0x22c: {  	s18 =	simm.s32 $0x1D580;
	s26 =	simm.s32 $0x1E200  }
0x22d: {  	[spmem:s3] =	stream.indirect.scatter.add.f32 [tilespmem:s26], [sflag:$0x4], $0x1, s18, s30, $0xb8;
	[tilespmem:$0x1FF70] =	vst v63  }
0x22e: {  	s5 =	simm.s32 $0x1D680;
	s6 =	simm.s32 $0x1E280  }
0x22f: {  	[spmem:s3] =	stream.indirect.scatter.add.f32 [tilespmem:s6], [sflag:$0x4], $0x1, s5, s30, $0xb8;
	[tilespmem:$0x1FF70] =	vst v63  }
0x230: {  	s7 =	simm.s32 $0x1D780;
	s8 =	simm.s32 $0x1E300  }
0x231: {  	[spmem:s3] =	stream.indirect.scatter.add.f32 [tilespmem:s8], [sflag:$0x4], $0x1, s7, s30, $0xb8;
	[tilespmem:$0x1FF70] =	vst v63  }
0x232: {  	s11 =	simm.s32 $0x1D880;
	s16 =	simm.s32 $0x1E380  }
0x233: {  	[spmem:s3] =	stream.indirect.scatter.add.f32 [tilespmem:s16], [sflag:$0x4], $0x1, s11, s30, $0xb8;
	[tilespmem:$0x1FF70] =	vst v63  }
0x234: {  	s18 =	simm.s32 $0x1D980;
	s26 =	simm.s32 $0x1E400  }
0x235: {  	[spmem:s3] =	stream.indirect.scatter.add.f32 [tilespmem:s26], [sflag:$0x4], $0x1, s18, s30, $0xb8;
	[tilespmem:$0x1FF70] =	vst v63  }
0x236: {  	s5 =	simm.s32 $0x1DA80;
	s6 =	simm.s32 $0x1E480  }
0x237: {  	[spmem:s3] =	stream.indirect.scatter.add.f32 [tilespmem:s6], [sflag:$0x4], $0x1, s5, s30, $0xb8;
	[tilespmem:$0x1FF70] =	vst v63  }
0x238: {  	s9 =	sadd.s32 $0x1, s9;
	s7 =	simm.s32 $0x1DB80;
	s8 =	simm.s32 $0x1E500  }
0x239: {  	[spmem:s3] =	stream.indirect.scatter.add.f32 [tilespmem:s8], [sflag:$0x4], $0x1, s7, s30, $0xb8;
	[tilespmem:$0x1FF70] =	vst v63  }
0x23a: {  	p1 =	sne.s32 s9, $0xC;
	s11 =	simm.s32 $0x1DC80;
	s16 =	simm.s32 $0x1E580  }
0x23b: {  	[spmem:s3] =	stream.indirect.scatter.add.f32 [tilespmem:s16], [sflag:$0x4], $0x1, s11, s30, $0xb8;
	[tilespmem:$0x1FF70] =	vst v63  }
.Ltmp7:
0x23c: {  	_ = 	snop;
	(pc) =	sbr.rel @p1 .LBB2_4-.Ltmp7, $4  }
0x23d: {  	s18 =	simm.s32 $0x1DD80;
	s26 =	simm.s32 $0x1E600  }
0x23e: {  	[spmem:s3] =	stream.indirect.scatter.add.f32 [tilespmem:s26], [sflag:$0x4], $0x1, s18, s30, $0xb8;
	[tilespmem:$0x1FF70] =	vst v63  }
0x23f: {  	_ = 	snop  }
0x240: {  	[spmem:s3] =	stream.indirect.scatter.add.f32 [tilespmem:s25], [sflag:$0x4], $0x1, s21, s30, $0xb8;
	[tilespmem:$0x1FF70] =	vst v63  }
0x241: {  	_ =	swait.ge [sflag:s28], $0x1000  }
0x242: {  	[sflag:s28] =	ssyncset.done $0x0  }
0x243: {  	[sflag:s28] =	ssyncadd.s32 $0xFFFFF000  }
0x244: {  	_ =	swait.ge [sflag:s10], $0x1000  }
0x245: {  	[sflag:s10] =	ssyncset.done $0x0  }
0x246: {  	[sflag:s10] =	ssyncadd.s32 $0xFFFFF000  }
0x247: {  	_ =	swait.ge [sflag:s17], $0x80  }
0x248: {  	[sflag:s17] =	ssyncset.done $0x0  }
0x249: {  	[sflag:s17] =	ssyncadd.s32 $0xFFFFFF80  }
0x24a: {  	_ =	swait.ge [sflag:s17], $0x80  }
0x24b: {  	[sflag:s17] =	ssyncset.done $0x0  }
0x24c: {  	[sflag:s17] =	ssyncadd.s32 $0xFFFFFF80  }
0x24d: {  	_ =	swait.ge [sflag:s17], $0x80  }
0x24e: {  	[sflag:s17] =	ssyncset.done $0x0  }
0x24f: {  	[sflag:s17] =	ssyncadd.s32 $0xFFFFFF80  }
0x250: {  	_ =	swait.ge [sflag:s17], $0x80  }
0x251: {  	[sflag:s17] =	ssyncset.done $0x0  }
0x252: {  	[sflag:s17] =	ssyncadd.s32 $0xFFFFFF80  }
0x253: {  	_ =	swait.ge [sflag:s17], $0x80  }
0x254: {  	[sflag:s17] =	ssyncset.done $0x0  }
0x255: {  	[sflag:s17] =	ssyncadd.s32 $0xFFFFFF80  }
0x256: {  	_ =	swait.ge [sflag:s17], $0x80  }
0x257: {  	[sflag:s17] =	ssyncset.done $0x0  }
0x258: {  	[sflag:s17] =	ssyncadd.s32 $0xFFFFFF80  }
0x259: {  	_ =	swait.ge [sflag:s17], $0x80  }
0x25a: {  	[sflag:s17] =	ssyncset.done $0x0  }
0x25b: {  	[sflag:s17] =	ssyncadd.s32 $0xFFFFFF80  }
0x25c: {  	_ =	swait.ge [sflag:s17], $0x80  }
0x25d: {  	[sflag:s17] =	ssyncset.done $0x0  }
0x25e: {  	[sflag:s17] =	ssyncadd.s32 $0xFFFFFF80  }
0x25f: {  	_ =	swait.ge [sflag:s17], $0x80  }
0x260: {  	[sflag:s17] =	ssyncset.done $0x0  }
0x261: {  	[sflag:s17] =	ssyncadd.s32 $0xFFFFFF80  }
0x262: {  	_ =	swait.ge [sflag:s17], $0x80  }
0x263: {  	[sflag:s17] =	ssyncset.done $0x0  }
0x264: {  	[sflag:s17] =	ssyncadd.s32 $0xFFFFFF80  }
0x265: {  	_ =	swait.ge [sflag:s17], $0x80  }
0x266: {  	[sflag:s17] =	ssyncset.done $0x0  }
0x267: {  	[sflag:s17] =	ssyncadd.s32 $0xFFFFFF80  }
0x268: {  	_ =	swait.ge [sflag:s17], $0x80  }
0x269: {  	[sflag:s17] =	ssyncset.done $0x0  }
0x26a: {  	[sflag:s17] =	ssyncadd.s32 $0xFFFFFF80  }
0x26b: {  	_ =	swait.ge [sflag:s17], $0x80  }
0x26c: {  	[sflag:s17] =	ssyncset.done $0x0  }
0x26d: {  	[sflag:s17] =	ssyncadd.s32 $0xFFFFFF80  }
0x26e: {  	_ =	swait.ge [sflag:s17], $0x80  }
0x26f: {  	[sflag:s17] =	ssyncset.done $0x0  }
0x270: {  	[sflag:s17] =	ssyncadd.s32 $0xFFFFFF80  }
0x271: {  	_ =	swait.ge [sflag:s17], $0x80  }
0x272: {  	[sflag:s17] =	ssyncset.done $0x0  }
0x273: {  	[sflag:s17] =	ssyncadd.s32 $0xFFFFFF80  }
0x274: {  	_ =	swait.ge [sflag:s17], $0x80  }
0x275: {  	[sflag:s17] =	ssyncset.done $0x0  }
0x276: {  	[sflag:s17] =	ssyncadd.s32 $0xFFFFFF80  }
0x277: {  	_ =	swait.ge [sflag:s22], $0x80  }
0x278: {  	[sflag:s22] =	ssyncset.done $0x0  }
0x279: {  	[sflag:s22] =	ssyncadd.s32 $0xFFFFFF80  }
0x27a: {  	_ =	swait.ge [sflag:s22], $0x80  }
0x27b: {  	[sflag:s22] =	ssyncset.done $0x0  }
0x27c: {  	[sflag:s22] =	ssyncadd.s32 $0xFFFFFF80  }
0x27d: {  	_ =	swait.ge [sflag:s22], $0x80  }
0x27e: {  	[sflag:s22] =	ssyncset.done $0x0  }
0x27f: {  	[sflag:s22] =	ssyncadd.s32 $0xFFFFFF80  }
0x280: {  	_ =	swait.ge [sflag:s22], $0x80  }
0x281: {  	[sflag:s22] =	ssyncset.done $0x0  }
0x282: {  	[sflag:s22] =	ssyncadd.s32 $0xFFFFFF80  }
0x283: {  	_ =	swait.ge [sflag:s22], $0x80  }
0x284: {  	[sflag:s22] =	ssyncset.done $0x0  }
0x285: {  	[sflag:s22] =	ssyncadd.s32 $0xFFFFFF80  }
0x286: {  	_ =	swait.ge [sflag:s22], $0x80  }
0x287: {  	[sflag:s22] =	ssyncset.done $0x0  }
0x288: {  	[sflag:s22] =	ssyncadd.s32 $0xFFFFFF80  }
0x289: {  	_ =	swait.ge [sflag:s22], $0x80  }
0x28a: {  	[sflag:s22] =	ssyncset.done $0x0  }
0x28b: {  	[sflag:s22] =	ssyncadd.s32 $0xFFFFFF80  }
0x28c: {  	_ =	swait.ge [sflag:s22], $0x80  }
0x28d: {  	[sflag:s22] =	ssyncset.done $0x0  }
0x28e: {  	[sflag:s22] =	ssyncadd.s32 $0xFFFFFF80  }
0x28f: {  	_ =	swait.ge [sflag:s22], $0x80  }
0x290: {  	[sflag:s22] =	ssyncset.done $0x0  }
0x291: {  	[sflag:s22] =	ssyncadd.s32 $0xFFFFFF80  }
0x292: {  	_ =	swait.ge [sflag:s22], $0x80  }
0x293: {  	[sflag:s22] =	ssyncset.done $0x0  }
0x294: {  	[sflag:s22] =	ssyncadd.s32 $0xFFFFFF80  }
0x295: {  	_ =	swait.ge [sflag:s22], $0x80  }
0x296: {  	[sflag:s22] =	ssyncset.done $0x0  }
0x297: {  	[sflag:s22] =	ssyncadd.s32 $0xFFFFFF80  }
0x298: {  	_ =	swait.ge [sflag:s22], $0x80  }
0x299: {  	[sflag:s22] =	ssyncset.done $0x0  }
0x29a: {  	[sflag:s22] =	ssyncadd.s32 $0xFFFFFF80  }
0x29b: {  	_ =	swait.ge [sflag:s22], $0x80  }
0x29c: {  	[sflag:s22] =	ssyncset.done $0x0  }
0x29d: {  	[sflag:s22] =	ssyncadd.s32 $0xFFFFFF80  }
0x29e: {  	_ =	swait.ge [sflag:s22], $0x80  }
0x29f: {  	[sflag:s22] =	ssyncset.done $0x0  }
0x2a0: {  	[sflag:s22] =	ssyncadd.s32 $0xFFFFFF80  }
0x2a1: {  	_ =	swait.ge [sflag:s22], $0x80  }
0x2a2: {  	[sflag:s22] =	ssyncset.done $0x0  }
0x2a3: {  	[sflag:s22] =	ssyncadd.s32 $0xFFFFFF80  }
0x2a4: {  	_ =	swait.ge [sflag:s22], $0x80  }
0x2a5: {  	s5 =	simm.s32 $0x0;
	[sflag:s22] =	ssyncset.done $0x0  }
0x2a6: {  	s6 =	simm.s32 $0x18700;
	s0 =	rddreg [dreg:$0xb];
	[sflag:s22] =	ssyncadd.s32 $0xFFFFFF80  }
0x2a7: {  	[tilespmem:s6], [sflag:$0x9] =	stream.linear.gather [hbm4b:s0+s5], $0x800, $0x38;
	[tilespmem:$0x1FF70] =	vst v63  }
0x2a8: {  	_ =	swait.ge [sflag:s23], $0x800  }
0x2a9: {  	[sflag:s23] =	ssyncset.done $0x0  }
0x2aa: {  	s7 =	simm.s32 $0x19700;
	s8 =	simm.s32 $0x0;
	[sflag:s23] =	ssyncadd.s32 $0xFFFFF800  }
.LBB2_14:
0x2ab: {  	s0 =	sand.u32 $0x700, s5  }
0x2ac: {  	s6 =	sand.u32 $0x40, s8;
	s0 =	sadd.s32 $0x18700, s0  }
0x2ad: {  	s9 =	sor.u32 s6, s0  }
0x2ae: {  	v1 =	vld [tilespmem:s9+$0x80]  }
0x2af: {  	v2 =	vld [tilespmem:s9+$0x0];
	_ =	sdelay $0x6  }
0x2b0: {  	v1 =	vld.idx.msk [tilespmem:v1+s4+$0x0], $0xffff  }
0x2b1: {  	v2 =	vld.idx.msk [tilespmem:v2+s4+$0x0], $0xffff;
	_ =	sdelay $0x4  }
0x2b2: {  	v1 =	vsub.f32 v1, v2  }
0x2b3: {  	s16 =	sor.u32 $0x10, s6  }
0x2b4: {  	s11 =	sor.u32 s16, s0;
	[tilespmem:s7+$0x0] =	vst v1  }
0x2b5: {  	v1 =	vld [tilespmem:s11+$0x80]  }
0x2b6: {  	v2 =	vld [tilespmem:s11+$0x0];
	_ =	sdelay $0x6  }
0x2b7: {  	v1 =	vld.idx.msk [tilespmem:v1+s4+$0x0], $0xffff  }
0x2b8: {  	v2 =	vld.idx.msk [tilespmem:v2+s4+$0x0], $0xffff;
	_ =	sdelay $0x3  }
0x2b9: {  	s18 =	sand.u32 $0x380, s8  }
0x2ba: {  	s11 =	sadd.s32 $0x19700, s18;
	v1 =	vsub.f32 v1, v2  }
0x2bb: {  	s9 =	sor.u32 s16, s11;
	s16 =	sor.u32 $0x20, s6  }
0x2bc: {  	s26 =	sor.u32 s16, s0;
	[tilespmem:s9+$0x0] =	vst v1  }
0x2bd: {  	v1 =	vld [tilespmem:s26+$0x80]  }
0x2be: {  	v2 =	vld [tilespmem:s26+$0x0];
	_ =	sdelay $0x6  }
0x2bf: {  	v1 =	vld.idx.msk [tilespmem:v1+s4+$0x0], $0xffff  }
0x2c0: {  	v2 =	vld.idx.msk [tilespmem:v2+s4+$0x0], $0xffff;
	_ =	sdelay $0x4  }
0x2c1: {  	v1 =	vsub.f32 v1, v2  }
0x2c2: {  	s6 =	sor.u32 $0x30, s6;
	s18 =	sor.u32 s16, s11  }
0x2c3: {  	s0 =	sor.u32 s6, s0;
	[tilespmem:s18+$0x0] =	vst v1  }
0x2c4: {  	v1 =	vld [tilespmem:s0+$0x80]  }
0x2c5: {  	v2 =	vld [tilespmem:s0+$0x0];
	_ =	sdelay $0x6  }
0x2c6: {  	v1 =	vld.idx.msk [tilespmem:v1+s4+$0x0], $0xffff  }
0x2c7: {  	v2 =	vld.idx.msk [tilespmem:v2+s4+$0x0], $0xffff;
	_ =	sdelay $0x1  }
0x2c8: {  	p1 =	sne.s32 s8, $0x3C0  }
.Ltmp8:
0x2c9: {  	_ = 	snop;
	(pc) =	sbr.rel @p1 .LBB2_14-.Ltmp8, $4  }
0x2ca: {  	_ = 	snop  }
0x2cb: {  	v1 =	vsub.f32 v1, v2  }
0x2cc: {  	s26 =	sor.u32 s6, s11  }
0x2cd: {  	s5 =	sadd.s32 $0x80, s5;
	s8 =	sadd.s32 $0x40, s8;
	s7 =	sadd.s32 $0x40, s7;
	[tilespmem:s26+$0x0] =	vst v1  }
0x2ce: {  	s0 =	simm.s32 $0x18780  }
0x2cf: {  	[spmem:s3] =	stream.indirect.scatter.add.f32 [tilespmem:s24], [sflag:$0x9], $0x1, s0, s30, $0xb8;
	[tilespmem:$0x1FF70] =	vst v63  }
0x2d0: {  	_ =	swait.ge [sflag:s23], $0x80  }
0x2d1: {  	[sflag:s23] =	ssyncset.done $0x0  }
0x2d2: {  	s9 =	simm.s32 $0x18880;
	s5 =	simm.s32 $0x19780;
	[sflag:s23] =	ssyncadd.s32 $0xFFFFFF80  }
0x2d3: {  	[spmem:s3] =	stream.indirect.scatter.add.f32 [tilespmem:s5], [sflag:$0x9], $0x1, s9, s30, $0xb8;
	[tilespmem:$0x1FF70] =	vst v63  }
0x2d4: {  	_ =	swait.ge [sflag:s23], $0x80  }
0x2d5: {  	[sflag:s23] =	ssyncset.done $0x0  }
0x2d6: {  	s11 =	simm.s32 $0x18980;
	s16 =	simm.s32 $0x19800;
	[sflag:s23] =	ssyncadd.s32 $0xFFFFFF80  }
0x2d7: {  	[spmem:s3] =	stream.indirect.scatter.add.f32 [tilespmem:s16], [sflag:$0x9], $0x1, s11, s30, $0xb8;
	[tilespmem:$0x1FF70] =	vst v63  }
0x2d8: {  	_ =	swait.ge [sflag:s23], $0x80  }
0x2d9: {  	[sflag:s23] =	ssyncset.done $0x0  }
0x2da: {  	s18 =	simm.s32 $0x18A80;
	s26 =	simm.s32 $0x19880;
	[sflag:s23] =	ssyncadd.s32 $0xFFFFFF80  }
0x2db: {  	[spmem:s3] =	stream.indirect.scatter.add.f32 [tilespmem:s26], [sflag:$0x9], $0x1, s18, s30, $0xb8;
	[tilespmem:$0x1FF70] =	vst v63  }
0x2dc: {  	_ =	swait.ge [sflag:s23], $0x80  }
0x2dd: {  	[sflag:s23] =	ssyncset.done $0x0  }
0x2de: {  	s6 =	simm.s32 $0x18B80;
	s7 =	simm.s32 $0x19900;
	[sflag:s23] =	ssyncadd.s32 $0xFFFFFF80  }
0x2df: {  	[spmem:s3] =	stream.indirect.scatter.add.f32 [tilespmem:s7], [sflag:$0x9], $0x1, s6, s30, $0xb8;
	[tilespmem:$0x1FF70] =	vst v63  }
0x2e0: {  	_ =	swait.ge [sflag:s23], $0x80  }
0x2e1: {  	[sflag:s23] =	ssyncset.done $0x0  }
0x2e2: {  	s8 =	simm.s32 $0x18C80;
	s9 =	simm.s32 $0x19980;
	[sflag:s23] =	ssyncadd.s32 $0xFFFFFF80  }
0x2e3: {  	[spmem:s3] =	stream.indirect.scatter.add.f32 [tilespmem:s9], [sflag:$0x9], $0x1, s8, s30, $0xb8;
	[tilespmem:$0x1FF70] =	vst v63  }
0x2e4: {  	_ =	swait.ge [sflag:s23], $0x80  }
0x2e5: {  	[sflag:s23] =	ssyncset.done $0x0  }
0x2e6: {  	s11 =	simm.s32 $0x18D80;
	s16 =	simm.s32 $0x19A00;
	[sflag:s23] =	ssyncadd.s32 $0xFFFFFF80  }
0x2e7: {  	[spmem:s3] =	stream.indirect.scatter.add.f32 [tilespmem:s16], [sflag:$0x9], $0x1, s11, s30, $0xb8;
	[tilespmem:$0x1FF70] =	vst v63  }
0x2e8: {  	_ =	swait.ge [sflag:s23], $0x80  }
0x2e9: {  	s18 =	simm.s32 $0x18E80;
	[sflag:s23] =	ssyncset.done $0x0  }
.Ltmp9:
0x2ea: {  	s26 =	simm.s32 $0x19A80;
	[sflag:s23] =	ssyncadd.s32 $0xFFFFFF80;
	(pc) =	sbr.rel @p0 .LBB2_19-.Ltmp9, $4  }
0x2eb: {  	[spmem:s3] =	stream.indirect.scatter.add.f32 [tilespmem:s26], [sflag:$0x9], $0x1, s18, s30, $0xb8;
	[tilespmem:$0x1FF70] =	vst v63  }
0x2ec: {  	_ =	swait.ge [sflag:s23], $0x80  }
0x2ed: {  	[sflag:s23] =	ssyncset.done $0x0  }
0x2ee: {  	s5 =	rddreg [dreg:$0x12];
	[sflag:s23] =	ssyncadd.s32 $0xFFFFFF80  }
0x2ef: {  	s5 =	simm.s32 $0x0;
	s0 =	rddreg [dreg:$0xc];
	s6 =	simm.s32 $0x18700  }
0x2f0: {  	[tilespmem:s6], [sflag:$0x9] =	stream.linear.gather [hbm4b:s0+s5], $0x800, $0x38;
	[tilespmem:$0x1FF70] =	vst v63  }
0x2f1: {  	_ =	swait.ge [sflag:s23], $0x800  }
0x2f2: {  	[sflag:s23] =	ssyncset.done $0x0  }
0x2f3: {  	s7 =	simm.s32 $0x19700;
	s8 =	simm.s32 $0x0;
	[sflag:s23] =	ssyncadd.s32 $0xFFFFF800  }
.LBB2_17:
0x2f4: {  	s0 =	sand.u32 $0x700, s5  }
0x2f5: {  	s6 =	sand.u32 $0x40, s8;
	s0 =	sadd.s32 $0x18700, s0  }
0x2f6: {  	s9 =	sor.u32 s6, s0  }
0x2f7: {  	v1 =	vld [tilespmem:s9+$0x80]  }
0x2f8: {  	v2 =	vld [tilespmem:s9+$0x0];
	_ =	sdelay $0x6  }
0x2f9: {  	v1 =	vld.idx.msk [tilespmem:v1+s4+$0x0], $0xffff  }
0x2fa: {  	v2 =	vld.idx.msk [tilespmem:v2+s4+$0x0], $0xffff;
	_ =	sdelay $0x4  }
0x2fb: {  	v1 =	vsub.f32 v1, v2  }
0x2fc: {  	s16 =	sor.u32 $0x10, s6  }
0x2fd: {  	s11 =	sor.u32 s16, s0;
	[tilespmem:s7+$0x0] =	vst v1  }
0x2fe: {  	v1 =	vld [tilespmem:s11+$0x80]  }
0x2ff: {  	v2 =	vld [tilespmem:s11+$0x0];
	_ =	sdelay $0x6  }
0x300: {  	v1 =	vld.idx.msk [tilespmem:v1+s4+$0x0], $0xffff  }
0x301: {  	v2 =	vld.idx.msk [tilespmem:v2+s4+$0x0], $0xffff;
	_ =	sdelay $0x3  }
0x302: {  	s18 =	sand.u32 $0x380, s8  }
0x303: {  	s11 =	sadd.s32 $0x19700, s18;
	v1 =	vsub.f32 v1, v2  }
0x304: {  	s9 =	sor.u32 s16, s11;
	s16 =	sor.u32 $0x20, s6  }
0x305: {  	s26 =	sor.u32 s16, s0;
	[tilespmem:s9+$0x0] =	vst v1  }
0x306: {  	v1 =	vld [tilespmem:s26+$0x80]  }
0x307: {  	v2 =	vld [tilespmem:s26+$0x0];
	_ =	sdelay $0x6  }
0x308: {  	v1 =	vld.idx.msk [tilespmem:v1+s4+$0x0], $0xffff  }
0x309: {  	v2 =	vld.idx.msk [tilespmem:v2+s4+$0x0], $0xffff;
	_ =	sdelay $0x4  }
0x30a: {  	v1 =	vsub.f32 v1, v2  }
0x30b: {  	s6 =	sor.u32 $0x30, s6;
	s18 =	sor.u32 s16, s11  }
0x30c: {  	s0 =	sor.u32 s6, s0;
	[tilespmem:s18+$0x0] =	vst v1  }
0x30d: {  	v1 =	vld [tilespmem:s0+$0x80]  }
0x30e: {  	v2 =	vld [tilespmem:s0+$0x0];
	_ =	sdelay $0x6  }
0x30f: {  	v1 =	vld.idx.msk [tilespmem:v1+s4+$0x0], $0xffff  }
0x310: {  	v2 =	vld.idx.msk [tilespmem:v2+s4+$0x0], $0xffff;
	_ =	sdelay $0x1  }
0x311: {  	p1 =	sne.s32 s8, $0x3C0  }
.Ltmp10:
0x312: {  	_ = 	snop;
	(pc) =	sbr.rel @p1 .LBB2_17-.Ltmp10, $4  }
0x313: {  	_ = 	snop  }
0x314: {  	v1 =	vsub.f32 v1, v2  }
0x315: {  	s26 =	sor.u32 s6, s11  }
0x316: {  	s5 =	sadd.s32 $0x80, s5;
	s8 =	sadd.s32 $0x40, s8;
	s7 =	sadd.s32 $0x40, s7;
	[tilespmem:s26+$0x0] =	vst v1  }
0x317: {  	s0 =	simm.s32 $0x18780  }
0x318: {  	[spmem:s3] =	stream.indirect.scatter.add.f32 [tilespmem:s24], [sflag:$0x9], $0x1, s0, s30, $0xb8;
	[tilespmem:$0x1FF70] =	vst v63  }
0x319: {  	_ =	swait.ge [sflag:s23], $0x80  }
0x31a: {  	[sflag:s23] =	ssyncset.done $0x0  }
0x31b: {  	s9 =	simm.s32 $0x18880;
	s5 =	simm.s32 $0x19780;
	[sflag:s23] =	ssyncadd.s32 $0xFFFFFF80  }
0x31c: {  	[spmem:s3] =	stream.indirect.scatter.add.f32 [tilespmem:s5], [sflag:$0x9], $0x1, s9, s30, $0xb8;
	[tilespmem:$0x1FF70] =	vst v63  }
0x31d: {  	_ =	swait.ge [sflag:s23], $0x80  }
0x31e: {  	[sflag:s23] =	ssyncset.done $0x0  }
0x31f: {  	s11 =	simm.s32 $0x18980;
	s16 =	simm.s32 $0x19800;
	[sflag:s23] =	ssyncadd.s32 $0xFFFFFF80  }
0x320: {  	[spmem:s3] =	stream.indirect.scatter.add.f32 [tilespmem:s16], [sflag:$0x9], $0x1, s11, s30, $0xb8;
	[tilespmem:$0x1FF70] =	vst v63  }
0x321: {  	_ =	swait.ge [sflag:s23], $0x80  }
0x322: {  	[sflag:s23] =	ssyncset.done $0x0  }
0x323: {  	s18 =	simm.s32 $0x18A80;
	s26 =	simm.s32 $0x19880;
	[sflag:s23] =	ssyncadd.s32 $0xFFFFFF80  }
0x324: {  	[spmem:s3] =	stream.indirect.scatter.add.f32 [tilespmem:s26], [sflag:$0x9], $0x1, s18, s30, $0xb8;
	[tilespmem:$0x1FF70] =	vst v63  }
0x325: {  	_ =	swait.ge [sflag:s23], $0x80  }
0x326: {  	[sflag:s23] =	ssyncset.done $0x0  }
0x327: {  	s6 =	simm.s32 $0x18B80;
	s7 =	simm.s32 $0x19900;
	[sflag:s23] =	ssyncadd.s32 $0xFFFFFF80  }
0x328: {  	[spmem:s3] =	stream.indirect.scatter.add.f32 [tilespmem:s7], [sflag:$0x9], $0x1, s6, s30, $0xb8;
	[tilespmem:$0x1FF70] =	vst v63  }
0x329: {  	_ =	swait.ge [sflag:s23], $0x80  }
0x32a: {  	[sflag:s23] =	ssyncset.done $0x0  }
0x32b: {  	s8 =	simm.s32 $0x18C80;
	s9 =	simm.s32 $0x19980;
	[sflag:s23] =	ssyncadd.s32 $0xFFFFFF80  }
0x32c: {  	[spmem:s3] =	stream.indirect.scatter.add.f32 [tilespmem:s9], [sflag:$0x9], $0x1, s8, s30, $0xb8;
	[tilespmem:$0x1FF70] =	vst v63  }
0x32d: {  	_ =	swait.ge [sflag:s23], $0x80  }
0x32e: {  	[sflag:s23] =	ssyncset.done $0x0  }
0x32f: {  	s11 =	simm.s32 $0x18D80;
	s16 =	simm.s32 $0x19A00;
	[sflag:s23] =	ssyncadd.s32 $0xFFFFFF80  }
0x330: {  	[spmem:s3] =	stream.indirect.scatter.add.f32 [tilespmem:s16], [sflag:$0x9], $0x1, s11, s30, $0xb8;
	[tilespmem:$0x1FF70] =	vst v63  }
0x331: {  	_ =	swait.ge [sflag:s23], $0x80  }
0x332: {  	s18 =	simm.s32 $0x18E80;
	[sflag:s23] =	ssyncset.done $0x0  }
.Ltmp11:
0x333: {  	s26 =	simm.s32 $0x19A80;
	[sflag:s23] =	ssyncadd.s32 $0xFFFFFF80;
	(pc) =	sbr.rel .LBB2_19-.Ltmp11, $4  }
0x334: {  	[spmem:s3] =	stream.indirect.scatter.add.f32 [tilespmem:s26], [sflag:$0x9], $0x1, s18, s30, $0xb8;
	[tilespmem:$0x1FF70] =	vst v63  }
0x335: {  	_ =	swait.ge [sflag:s23], $0x80  }
0x336: {  	[sflag:s23] =	ssyncset.done $0x0  }
0x337: {  	s5 =	rddreg [dreg:$0x12];
	[sflag:s23] =	ssyncadd.s32 $0xFFFFFF80  }
.LBB2_20:
0x338: {  	_ =	sfence.sel $0x180000  }
0x339: {  	[bflag:$0x0] =	sbarrier.arrive $0xFFFF  }
0x33a: {  	_ =	strace $0x90000047  }
0x33b: {  	s0 =	stileid.u32;
	[bflag:$0x2] =	sbarrier.arrive $0xFFFF  }
0x33c: {  	p0 =	sne.s32 s0, $0x0;
	s0 =	rddreg [dreg:$0x3]  }
0x33d: {  	s0 =	sadd.s32 @!p0 $0x100000, s0  }
0x33e: {  	[sflag:s0] =	ssyncadd.tile.s32 @!p0 $0x1;
	_ =	shalt  }
.Lfunc_end2:
_tile_overlayer_lowered:
.L_overlay_start_2:
0x33f: {  	(tag) =	ssettag $0x2  }
0x340: {  	s0 =	rddreg [dreg:$0x0];
	s2 =	stileid.u32  }
0x341: {  	s1 =	rddreg [dreg:$0x1];
	p0 =	sne.s32 s2, $0x0  }
0x342: {  	s3 =	rddreg [dreg:$0x2];
	[bflag:$0x3] =	sbarrier.arrive $0xFFFF;
	s2 =	simm.s32 @!p0 $0x1C09  }
0x343: {  	[timem:s3], [sflag:s2] =	dma.local @!p0 [hbm:s0], s1  }
0x344: {  	s0 =	simm.s32 @!p0 $0x9  }
0x345: {  	_ =	swait.ge @!p0 [sflag:s0], s1  }
0x346: {  	s1 =	ssub.s32 @!p0 $0x0, s1;
	[sflag:s0] =	ssyncset.done @!p0 $0x0  }
0x347: {  	[sflag:s0] =	ssyncadd.s32 @!p0 s1  }
0x348: {  	[bflag:$0x3] =	sbarrier.arrive $0xFFFF  }
0x349: {  	_ =	shalt  }

</sc_bundles>
